<compile_context>
chip_gen: v7x
topology: tpu7x:2x2x1
jax: 0.10.2.dev20260603
libtpu: 0.0.44.dev20260713+nightly
codegen_flags: <defaults>
</compile_context>

<pallas_src>
import functools
import math

import jax
import jax.numpy as jnp
from jax import lax
from jax.experimental import pallas as pl
from jax.experimental.pallas import tpu as pltpu
from jax.experimental.pallas import tpu_sc as plsc

D_MODEL = 64
SCALE = math.sqrt(D_MODEL)
LANES = 128

_info = plsc.get_sparse_core_info()
_NC, _NS, _L = _info.num_cores, _info.num_subcores, _info.num_lanes
_NW = _NC * _NS


def _make_gather(V: int, J: int, I: int, D: int):
    assert I == _NW * LANES
    mesh = plsc.VectorSubcoreMesh(core_axis_name="c", subcore_axis_name="s")

    @functools.partial(
        pl.kernel,
        mesh=mesh,
        out_type=jax.ShapeDtypeStruct((J, D, I), jnp.float32),
        scratch_types=[
            pltpu.VMEM((J, LANES), jnp.int32),
            [pltpu.VMEM((LANES, LANES), jnp.float32) for _ in range(4)],
            [pltpu.VMEM((D, LANES), jnp.float32) for _ in range(2)],
            [pltpu.SemaphoreType.DMA for _ in range(4)],
            [pltpu.SemaphoreType.DMA for _ in range(2)],
        ],
        compiler_params=pltpu.CompilerParams(
            use_tc_tiling_on_sc=True, needs_layout_passes=False),
    )
    def gather_scale(table_hbm, xt_hbm, out_hbm, idx_v, gbufs, obufs, gsems, osems):
        wid = lax.axis_index("s") * _NC + lax.axis_index("c")
        i0 = wid * LANES
        pltpu.sync_copy(xt_hbm.at[:, pl.ds(i0, LANES)], idx_v)

        def issue_gather(j, b):
            pltpu.async_copy(table_hbm.at[idx_v.at[j]], gbufs[b], gsems[b])

        def wait_gather(b):
            pltpu.make_async_copy(
                table_hbm.at[pl.ds(0, LANES)], gbufs[b], gsems[b]).wait()

        def issue_owrite(j, b):
            pltpu.async_copy(
                obufs[b], out_hbm.at[j, :, pl.ds(i0, LANES)], osems[b])

        def wait_owrite(b):
            pltpu.make_async_copy(
                obufs[b], out_hbm.at[0, :, pl.ds(0, LANES)], osems[b]).wait()

        issue_gather(0, 0)
        issue_gather(1, 1)
        lane = lax.iota(jnp.int32, _L)
        rows_sb = [sb * _L + lane for sb in range(LANES // _L)]

        def j_body(jj, _):
            for b in range(4):
                j = 4 * jj + b
                ob = b % 2
                wait_gather(b)

                @pl.when(j + 2 < J)
                def _():
                    issue_gather(j + 2, (b + 2) % 4)

                @pl.when(j >= 2)
                def _():
                    wait_owrite(ob)

                @plsc.parallel_loop(0, D, unroll=16)
                def d_body(d):
                    dcol = jnp.full((_L,), d, jnp.int32)
                    for sb in range(LANES // _L):
                        v = plsc.load_gather(gbufs[b], [rows_sb[sb], dcol])
                        obufs[ob][d, pl.ds(sb * _L, _L)] = v * SCALE

                issue_owrite(j, ob)

            return 0

        lax.fori_loop(0, J // 4, j_body, 0)
        wait_owrite(0)
        wait_owrite(1)

    return gather_scale


def kernel(x, emb_weight):
    S0, S1 = x.shape
    V, D = emb_weight.shape
    table_p = jnp.pad(emb_weight, ((0, 0), (0, LANES - D)))
    xt = jnp.transpose(jnp.asarray(x, jnp.int32))
    out_t = _make_gather(V, S1, S0, D)(table_p, xt)
    return jnp.transpose(out_t, (2, 0, 1))

# --- scband reference (transcript-rebuilt; emitter-appended) ---
"""Pipeline reference for scband-embeddings-18227841204745 (READ-ONLY COPY).

The authoritative reference and input builder live on the scoring server;
editing this copy changes nothing except your own understanding.
"""

import jax, jax.numpy as jnp
import numpy as np
import math

D_MODEL = 64
VOCAB = 1000000

def setup_inputs(seed: int = 0) -> dict:
    key = jax.random.key(seed)
    k1, k2 = jax.random.split(key)
    x = jax.random.randint(k1, (4096, 200), 0, VOCAB, dtype=jnp.int64) if jax.config.jax_enable_x64 else jax.random.randint(k1, (4096, 200), 0, VOCAB, dtype=jnp.int32)
    emb_weight = jax.random.normal(k2, (VOCAB, D_MODEL), dtype=jnp.float32)
    return {"x": x, "emb_weight": emb_weight}

def reference(x, emb_weight):
    # nn.Embedding lookup followed by scale by sqrt(d_model)
    out = jnp.take(emb_weight, x, axis=0)
    return out * math.sqrt(D_MODEL)

if __name__ == "__main__":
    import jax
    _d = setup_inputs()
    print(jax.jit(kernel)(*tuple(_d.values())))

</pallas_src>

<mosaic_0001>
#map = affine_map<(d0, d1) -> (0, 0)>
#map1 = affine_map<(d0, d1) -> (0, 0, 0)>
module attributes {stable_mosaic.version = 14 : i64} {
  func.func @gather_scale(%arg0: i32, %arg1: i32, %arg2: memref<1000000x128xf32, #tpu.memory_space<hbm>>, %arg3: memref<200x4096xi32, #tpu.memory_space<hbm>>, %arg4: memref<200x64x4096xf32, #tpu.memory_space<hbm>>, %arg5: memref<200x128xi32, #tpu.memory_space<vmem>>, %arg6: memref<128x128xf32, #tpu.memory_space<vmem>>, %arg7: memref<128x128xf32, #tpu.memory_space<vmem>>, %arg8: memref<128x128xf32, #tpu.memory_space<vmem>>, %arg9: memref<128x128xf32, #tpu.memory_space<vmem>>, %arg10: memref<64x128xf32, #tpu.memory_space<vmem>>, %arg11: memref<64x128xf32, #tpu.memory_space<vmem>>, %arg12: memref<!tpu.dma_semaphore, #tpu.memory_space<semaphore_mem>>, %arg13: memref<!tpu.dma_semaphore, #tpu.memory_space<semaphore_mem>>, %arg14: memref<!tpu.dma_semaphore, #tpu.memory_space<semaphore_mem>>, %arg15: memref<!tpu.dma_semaphore, #tpu.memory_space<semaphore_mem>>, %arg16: memref<!tpu.dma_semaphore, #tpu.memory_space<semaphore_mem>>, %arg17: memref<!tpu.dma_semaphore, #tpu.memory_space<semaphore_mem>>) attributes {dimension_semantics = [#tpu.dimension_semantics<core_parallel>, #tpu.dimension_semantics<subcore_parallel>], iteration_bounds = array<i64: 2, 16>, scalar_prefetch = 0 : i64, scratch_operands = 13 : i64, tpu.core_type = #tpu.core_type<sc_vector_subcore>, window_params = [{transform_indices = #map}, {transform_indices = #map}, {transform_indices = #map1}]} {
    %mul3A = arith.constant 2 : i32
    %mul3A_0 = arith.muli %arg1, %mul3A : i32
    %add3A = arith.addi %mul3A_0, %arg0 : i32
    %mul3A_1 = arith.constant 128 : i32
    %mul3A_2 = arith.muli %add3A, %mul3A_1 : i32
    "tpu.region"() ({
      %run_scoped3A = tpu.sem_alloc : memref<!tpu.dma_semaphore, #tpu.memory_space<semaphore_mem>>
      %dma_start3A_63 = arith.constant 0 : i32
      %dma_start3A_64 = tpu.memref_slice %arg3[%dma_start3A_63, %mul3A_2] : memref<200x4096xi32, #tpu.memory_space<hbm>> -> memref<200x128xi32, #tpu.memory_space<hbm>>
      %dma_start3A_65 = arith.constant 0 : i32
      %dma_start3A_66 = tpu.memref_slice %arg3[%dma_start3A_65, %mul3A_2] : memref<200x4096xi32, #tpu.memory_space<hbm>> -> memref<200x128xi32, #tpu.memory_space<hbm>>
      tpu.enqueue_dma source(%dma_start3A_66 : memref<200x128xi32, #tpu.memory_space<hbm>>) target(%arg5 : memref<200x128xi32, #tpu.memory_space<vmem>>) target_semaphore(%run_scoped3A : memref<!tpu.dma_semaphore, #tpu.memory_space<semaphore_mem>>)
      %dma_wait3A_67 = arith.constant 0 : i32
      %dma_wait3A_68 = tpu.memref_slice %arg3[%dma_wait3A_67, %mul3A_2] : memref<200x4096xi32, #tpu.memory_space<hbm>> -> memref<200x128xi32, #tpu.memory_space<hbm>>
      %dma_wait3A_69 = arith.constant 0 : i32
      %dma_wait3A_70 = tpu.memref_slice %arg3[%dma_wait3A_69, %mul3A_2] : memref<200x4096xi32, #tpu.memory_space<hbm>> -> memref<200x128xi32, #tpu.memory_space<hbm>>
      tpu.wait_dma2 semaphore(%run_scoped3A : memref<!tpu.dma_semaphore, #tpu.memory_space<semaphore_mem>>) src(%dma_wait3A_70 : memref<200x128xi32, #tpu.memory_space<hbm>>) dst(%arg5 : memref<200x128xi32, #tpu.memory_space<vmem>>)
      tpu.yield
    }) : () -> ()
    %dma_start3A = arith.constant 0 : i32
    %dma_start3A_3 = arith.constant 0 : i32
    %dma_start3A_4 = tpu.memref_slice %arg5[%dma_start3A, %dma_start3A_3] : memref<200x128xi32, #tpu.memory_space<vmem>> -> memref<1x128xi32, #tpu.memory_space<vmem>>
    %dma_start3A_5 = tpu.memref_squeeze %dma_start3A_4 : memref<1x128xi32, #tpu.memory_space<vmem>> -> memref<128xi32, #tpu.memory_space<vmem>>
    %dma_start3A_6 = arith.constant 0 : i32
    %dma_start3A_7 = arith.constant 0 : i32
    %dma_start3A_8 = tpu.memref_slice %arg2[%dma_start3A_6, %dma_start3A_7] : memref<1000000x128xf32, #tpu.memory_space<hbm>> -> memref<1000000x128xf32, #tpu.memory_space<hbm>>
    tpu.enqueue_indirect_dma source(%dma_start3A_8 : memref<1000000x128xf32, #tpu.memory_space<hbm>>) target(%arg6 : memref<128x128xf32, #tpu.memory_space<vmem>>) offsets(%dma_start3A_5 : memref<128xi32, #tpu.memory_space<vmem>>) semaphore(%arg12 : memref<!tpu.dma_semaphore, #tpu.memory_space<semaphore_mem>>)
    %dma_start3A_9 = arith.constant 1 : i32
    %dma_start3A_10 = arith.constant 0 : i32
    %dma_start3A_11 = tpu.memref_slice %arg5[%dma_start3A_9, %dma_start3A_10] : memref<200x128xi32, #tpu.memory_space<vmem>> -> memref<1x128xi32, #tpu.memory_space<vmem>>
    %dma_start3A_12 = tpu.memref_squeeze %dma_start3A_11 : memref<1x128xi32, #tpu.memory_space<vmem>> -> memref<128xi32, #tpu.memory_space<vmem>>
    %dma_start3A_13 = arith.constant 0 : i32
    %dma_start3A_14 = arith.constant 0 : i32
    %dma_start3A_15 = tpu.memref_slice %arg2[%dma_start3A_13, %dma_start3A_14] : memref<1000000x128xf32, #tpu.memory_space<hbm>> -> memref<1000000x128xf32, #tpu.memory_space<hbm>>
    tpu.enqueue_indirect_dma source(%dma_start3A_15 : memref<1000000x128xf32, #tpu.memory_space<hbm>>) target(%arg7 : memref<128x128xf32, #tpu.memory_space<vmem>>) offsets(%dma_start3A_12 : memref<128xi32, #tpu.memory_space<vmem>>) semaphore(%arg13 : memref<!tpu.dma_semaphore, #tpu.memory_space<semaphore_mem>>)
    %iota3A = tpu.iota {dimensions = array<i32: 0>} : vector<16xi32>
    %add3A_16 = arith.constant 0 : i32
    %add3A_17 = vector.broadcast %add3A_16 : i32 to vector<16xi32>
    %add3A_18 = arith.addi %add3A_17, %iota3A : vector<16xi32>
    %add3A_19 = arith.constant 16 : i32
    %add3A_20 = vector.broadcast %add3A_19 : i32 to vector<16xi32>
    %add3A_21 = arith.addi %add3A_20, %iota3A : vector<16xi32>
    %add3A_22 = arith.constant 32 : i32
    %add3A_23 = vector.broadcast %add3A_22 : i32 to vector<16xi32>
    %add3A_24 = arith.addi %add3A_23, %iota3A : vector<16xi32>
    %add3A_25 = arith.constant 48 : i32
    %add3A_26 = vector.broadcast %add3A_25 : i32 to vector<16xi32>
    %add3A_27 = arith.addi %add3A_26, %iota3A : vector<16xi32>
    %add3A_28 = arith.constant 64 : i32
    %add3A_29 = vector.broadcast %add3A_28 : i32 to vector<16xi32>
    %add3A_30 = arith.addi %add3A_29, %iota3A : vector<16xi32>
    %add3A_31 = arith.constant 80 : i32
    %add3A_32 = vector.broadcast %add3A_31 : i32 to vector<16xi32>
    %add3A_33 = arith.addi %add3A_32, %iota3A : vector<16xi32>
    %add3A_34 = arith.constant 96 : i32
    %add3A_35 = vector.broadcast %add3A_34 : i32 to vector<16xi32>
    %add3A_36 = arith.addi %add3A_35, %iota3A : vector<16xi32>
    %add3A_37 = arith.constant 112 : i32
    %add3A_38 = vector.broadcast %add3A_37 : i32 to vector<16xi32>
    %add3A_39 = arith.addi %add3A_38, %iota3A : vector<16xi32>
    %scan3A = arith.constant 0 : i32
    %scan3A_40 = arith.constant 0 : i32
    %scan3A_41 = arith.constant 50 : i32
    %scan3A_42 = arith.addi %scan3A_40, %scan3A_41 : i32
    %scan3A_43 = arith.constant 1 : i32
    %scan3A_44 = scf.for %scan3A_63 = %scan3A_40 to %scan3A_42 step %scan3A_43 iter_args(%scan3A_64 = %scan3A) -> (i32)  : i32 {
      %mul3A_65 = arith.constant 4 : i32
      %mul3A_66 = arith.muli %mul3A_65, %scan3A_63 : i32
      %add3A_67 = arith.constant 0 : i32
      %add3A_68 = arith.addi %mul3A_66, %add3A_67 : i32
      %dma_wait3A_69 = arith.constant 0 : i32
      %dma_wait3A_70 = arith.constant 0 : i32
      %dma_wait3A_71 = tpu.memref_slice %arg2[%dma_wait3A_69, %dma_wait3A_70] : memref<1000000x128xf32, #tpu.memory_space<hbm>> -> memref<128x128xf32, #tpu.memory_space<hbm>>
      %dma_wait3A_72 = arith.constant 0 : i32
      %dma_wait3A_73 = arith.constant 0 : i32
      %dma_wait3A_74 = tpu.memref_slice %arg2[%dma_wait3A_72, %dma_wait3A_73] : memref<1000000x128xf32, #tpu.memory_space<hbm>> -> memref<128x128xf32, #tpu.memory_space<hbm>>
      tpu.wait_dma2 semaphore(%arg12 : memref<!tpu.dma_semaphore, #tpu.memory_space<semaphore_mem>>) src(%dma_wait3A_74 : memref<128x128xf32, #tpu.memory_space<hbm>>) dst(%arg6 : memref<128x128xf32, #tpu.memory_space<vmem>>)
      %add3A_75 = arith.constant 2 : i32
      %add3A_76 = arith.addi %add3A_68, %add3A_75 : i32
      %lt3A = arith.constant 200 : i32
      %lt3A_77 = arith.cmpi slt, %add3A_76, %lt3A : i32
      %convert_element_type3A = arith.extui %lt3A_77 : i1 to i32
      %cond3A = arith.constant 0 : i32
      %cond3A_78 = arith.cmpi ne, %convert_element_type3A, %cond3A : i32
      scf.if %cond3A_78 {
        %add3A_185 = arith.constant 2 : i32
        %add3A_186 = arith.addi %add3A_68, %add3A_185 : i32
        %dma_start3A_187 = arith.constant 0 : i32
        %dma_start3A_188 = tpu.memref_slice %arg5[%add3A_186, %dma_start3A_187] : memref<200x128xi32, #tpu.memory_space<vmem>> -> memref<1x128xi32, #tpu.memory_space<vmem>>
        %dma_start3A_189 = tpu.memref_squeeze %dma_start3A_188 : memref<1x128xi32, #tpu.memory_space<vmem>> -> memref<128xi32, #tpu.memory_space<vmem>>
        %dma_start3A_190 = arith.constant 0 : i32
        %dma_start3A_191 = arith.constant 0 : i32
        %dma_start3A_192 = tpu.memref_slice %arg2[%dma_start3A_190, %dma_start3A_191] : memref<1000000x128xf32, #tpu.memory_space<hbm>> -> memref<1000000x128xf32, #tpu.memory_space<hbm>>
        tpu.enqueue_indirect_dma source(%dma_start3A_192 : memref<1000000x128xf32, #tpu.memory_space<hbm>>) target(%arg8 : memref<128x128xf32, #tpu.memory_space<vmem>>) offsets(%dma_start3A_189 : memref<128xi32, #tpu.memory_space<vmem>>) semaphore(%arg14 : memref<!tpu.dma_semaphore, #tpu.memory_space<semaphore_mem>>)
      } else {
      }
      %ge3A = arith.constant 2 : i32
      %ge3A_79 = arith.cmpi sge, %add3A_68, %ge3A : i32
      %convert_element_type3A_80 = arith.extui %ge3A_79 : i1 to i32
      %cond3A_81 = arith.constant 0 : i32
      %cond3A_82 = arith.cmpi ne, %convert_element_type3A_80, %cond3A_81 : i32
      scf.if %cond3A_82 {
        %dma_wait3A_185 = arith.constant 0 : i32
        %dma_wait3A_186 = arith.constant 0 : i32
        %dma_wait3A_187 = arith.constant 0 : i32
        %dma_wait3A_188 = tpu.memref_slice %arg4[%dma_wait3A_185, %dma_wait3A_186, %dma_wait3A_187] : memref<200x64x4096xf32, #tpu.memory_space<hbm>> -> memref<1x64x128xf32, #tpu.memory_space<hbm>>
        %dma_wait3A_189 = tpu.memref_squeeze %dma_wait3A_188 : memref<1x64x128xf32, #tpu.memory_space<hbm>> -> memref<64x128xf32, #tpu.memory_space<hbm>>
        %dma_wait3A_190 = arith.constant 0 : i32
        %dma_wait3A_191 = arith.constant 0 : i32
        %dma_wait3A_192 = tpu.memref_slice %arg4[%dma_wait3A_185, %dma_wait3A_190, %dma_wait3A_191] : memref<200x64x4096xf32, #tpu.memory_space<hbm>> -> memref<1x64x128xf32, #tpu.memory_space<hbm>>
        %dma_wait3A_193 = tpu.memref_squeeze %dma_wait3A_192 : memref<1x64x128xf32, #tpu.memory_space<hbm>> -> memref<64x128xf32, #tpu.memory_space<hbm>>
        tpu.wait_dma2 semaphore(%arg16 : memref<!tpu.dma_semaphore, #tpu.memory_space<semaphore_mem>>) src(%arg10 : memref<64x128xf32, #tpu.memory_space<vmem>>) dst(%dma_wait3A_193 : memref<64x128xf32, #tpu.memory_space<hbm>>)
      } else {
      }
      %parallel_loop3A = arith.constant 0 : i32
      %parallel_loop3A_83 = arith.constant 64 : i32
      %parallel_loop3A_84 = arith.constant 1 : i32
      scf.for %parallel_loop3A_185 = %parallel_loop3A to %parallel_loop3A_83 step %parallel_loop3A_84  : i32 {
        %parallel_loop3A_186 = vector.broadcast %parallel_loop3A_185 : i32 to vector<16xi32>
        %parallel_loop3A_187 = tpu.vector_load_idx %arg6[%add3A_18, %parallel_loop3A_186] : memref<128x128xf32, #tpu.memory_space<vmem>>[vector<16xi32>, vector<16xi32>], vector<16xf32>,
        %parallel_loop3A_188 = arith.constant 8.000000e+00 : f32
        %parallel_loop3A_189 = vector.broadcast %parallel_loop3A_188 : f32 to vector<16xf32>
        %parallel_loop3A_190 = arith.mulf %parallel_loop3A_187, %parallel_loop3A_189 : vector<16xf32>
        %parallel_loop3A_191 = arith.index_cast %parallel_loop3A_185 : i32 to index
        %parallel_loop3A_192 = arith.constant 0 : index
        %parallel_loop3A_193 = tpu.vector_load %arg10[%parallel_loop3A_191, %parallel_loop3A_192] {strides = array<i32>} : memref<64x128xf32, #tpu.memory_space<vmem>>, vector<16xf32>,
        tpu.vector_store %arg10[%parallel_loop3A_191, %parallel_loop3A_192], %parallel_loop3A_190 {strides = array<i32>} : memref<64x128xf32, #tpu.memory_space<vmem>>, vector<16xf32>,
        %parallel_loop3A_194 = tpu.vector_load_idx %arg6[%add3A_21, %parallel_loop3A_186] : memref<128x128xf32, #tpu.memory_space<vmem>>[vector<16xi32>, vector<16xi32>], vector<16xf32>,
        %parallel_loop3A_195 = arith.constant 8.000000e+00 : f32
        %parallel_loop3A_196 = vector.broadcast %parallel_loop3A_195 : f32 to vector<16xf32>
        %parallel_loop3A_197 = arith.mulf %parallel_loop3A_194, %parallel_loop3A_196 : vector<16xf32>
        %parallel_loop3A_198 = arith.index_cast %parallel_loop3A_185 : i32 to index
        %parallel_loop3A_199 = arith.constant 16 : index
        %parallel_loop3A_200 = tpu.vector_load %arg10[%parallel_loop3A_198, %parallel_loop3A_199] {strides = array<i32>} : memref<64x128xf32, #tpu.memory_space<vmem>>, vector<16xf32>,
        tpu.vector_store %arg10[%parallel_loop3A_198, %parallel_loop3A_199], %parallel_loop3A_197 {strides = array<i32>} : memref<64x128xf32, #tpu.memory_space<vmem>>, vector<16xf32>,
        %parallel_loop3A_201 = tpu.vector_load_idx %arg6[%add3A_24, %parallel_loop3A_186] : memref<128x128xf32, #tpu.memory_space<vmem>>[vector<16xi32>, vector<16xi32>], vector<16xf32>,
        %parallel_loop3A_202 = arith.constant 8.000000e+00 : f32
        %parallel_loop3A_203 = vector.broadcast %parallel_loop3A_202 : f32 to vector<16xf32>
        %parallel_loop3A_204 = arith.mulf %parallel_loop3A_201, %parallel_loop3A_203 : vector<16xf32>
        %parallel_loop3A_205 = arith.index_cast %parallel_loop3A_185 : i32 to index
        %parallel_loop3A_206 = arith.constant 32 : index
        %parallel_loop3A_207 = tpu.vector_load %arg10[%parallel_loop3A_205, %parallel_loop3A_206] {strides = array<i32>} : memref<64x128xf32, #tpu.memory_space<vmem>>, vector<16xf32>,
        tpu.vector_store %arg10[%parallel_loop3A_205, %parallel_loop3A_206], %parallel_loop3A_204 {strides = array<i32>} : memref<64x128xf32, #tpu.memory_space<vmem>>, vector<16xf32>,
        %parallel_loop3A_208 = tpu.vector_load_idx %arg6[%add3A_27, %parallel_loop3A_186] : memref<128x128xf32, #tpu.memory_space<vmem>>[vector<16xi32>, vector<16xi32>], vector<16xf32>,
        %parallel_loop3A_209 = arith.constant 8.000000e+00 : f32
        %parallel_loop3A_210 = vector.broadcast %parallel_loop3A_209 : f32 to vector<16xf32>
        %parallel_loop3A_211 = arith.mulf %parallel_loop3A_208, %parallel_loop3A_210 : vector<16xf32>
        %parallel_loop3A_212 = arith.index_cast %parallel_loop3A_185 : i32 to index
        %parallel_loop3A_213 = arith.constant 48 : index
        %parallel_loop3A_214 = tpu.vector_load %arg10[%parallel_loop3A_212, %parallel_loop3A_213] {strides = array<i32>} : memref<64x128xf32, #tpu.memory_space<vmem>>, vector<16xf32>,
        tpu.vector_store %arg10[%parallel_loop3A_212, %parallel_loop3A_213], %parallel_loop3A_211 {strides = array<i32>} : memref<64x128xf32, #tpu.memory_space<vmem>>, vector<16xf32>,
        %parallel_loop3A_215 = tpu.vector_load_idx %arg6[%add3A_30, %parallel_loop3A_186] : memref<128x128xf32, #tpu.memory_space<vmem>>[vector<16xi32>, vector<16xi32>], vector<16xf32>,
        %parallel_loop3A_216 = arith.constant 8.000000e+00 : f32
        %parallel_loop3A_217 = vector.broadcast %parallel_loop3A_216 : f32 to vector<16xf32>
        %parallel_loop3A_218 = arith.mulf %parallel_loop3A_215, %parallel_loop3A_217 : vector<16xf32>
        %parallel_loop3A_219 = arith.index_cast %parallel_loop3A_185 : i32 to index
        %parallel_loop3A_220 = arith.constant 64 : index
        %parallel_loop3A_221 = tpu.vector_load %arg10[%parallel_loop3A_219, %parallel_loop3A_220] {strides = array<i32>} : memref<64x128xf32, #tpu.memory_space<vmem>>, vector<16xf32>,
        tpu.vector_store %arg10[%parallel_loop3A_219, %parallel_loop3A_220], %parallel_loop3A_218 {strides = array<i32>} : memref<64x128xf32, #tpu.memory_space<vmem>>, vector<16xf32>,
        %parallel_loop3A_222 = tpu.vector_load_idx %arg6[%add3A_33, %parallel_loop3A_186] : memref<128x128xf32, #tpu.memory_space<vmem>>[vector<16xi32>, vector<16xi32>], vector<16xf32>,
        %parallel_loop3A_223 = arith.constant 8.000000e+00 : f32
        %parallel_loop3A_224 = vector.broadcast %parallel_loop3A_223 : f32 to vector<16xf32>
        %parallel_loop3A_225 = arith.mulf %parallel_loop3A_222, %parallel_loop3A_224 : vector<16xf32>
        %parallel_loop3A_226 = arith.index_cast %parallel_loop3A_185 : i32 to index
        %parallel_loop3A_227 = arith.constant 80 : index
        %parallel_loop3A_228 = tpu.vector_load %arg10[%parallel_loop3A_226, %parallel_loop3A_227] {strides = array<i32>} : memref<64x128xf32, #tpu.memory_space<vmem>>, vector<16xf32>,
        tpu.vector_store %arg10[%parallel_loop3A_226, %parallel_loop3A_227], %parallel_loop3A_225 {strides = array<i32>} : memref<64x128xf32, #tpu.memory_space<vmem>>, vector<16xf32>,
        %parallel_loop3A_229 = tpu.vector_load_idx %arg6[%add3A_36, %parallel_loop3A_186] : memref<128x128xf32, #tpu.memory_space<vmem>>[vector<16xi32>, vector<16xi32>], vector<16xf32>,
        %parallel_loop3A_230 = arith.constant 8.000000e+00 : f32
        %parallel_loop3A_231 = vector.broadcast %parallel_loop3A_230 : f32 to vector<16xf32>
        %parallel_loop3A_232 = arith.mulf %parallel_loop3A_229, %parallel_loop3A_231 : vector<16xf32>
        %parallel_loop3A_233 = arith.index_cast %parallel_loop3A_185 : i32 to index
        %parallel_loop3A_234 = arith.constant 96 : index
        %parallel_loop3A_235 = tpu.vector_load %arg10[%parallel_loop3A_233, %parallel_loop3A_234] {strides = array<i32>} : memref<64x128xf32, #tpu.memory_space<vmem>>, vector<16xf32>,
        tpu.vector_store %arg10[%parallel_loop3A_233, %parallel_loop3A_234], %parallel_loop3A_232 {strides = array<i32>} : memref<64x128xf32, #tpu.memory_space<vmem>>, vector<16xf32>,
        %parallel_loop3A_236 = tpu.vector_load_idx %arg6[%add3A_39, %parallel_loop3A_186] : memref<128x128xf32, #tpu.memory_space<vmem>>[vector<16xi32>, vector<16xi32>], vector<16xf32>,
        %parallel_loop3A_237 = arith.constant 8.000000e+00 : f32
        %parallel_loop3A_238 = vector.broadcast %parallel_loop3A_237 : f32 to vector<16xf32>
        %parallel_loop3A_239 = arith.mulf %parallel_loop3A_236, %parallel_loop3A_238 : vector<16xf32>
        %parallel_loop3A_240 = arith.index_cast %parallel_loop3A_185 : i32 to index
        %parallel_loop3A_241 = arith.constant 112 : index
        %parallel_loop3A_242 = tpu.vector_load %arg10[%parallel_loop3A_240, %parallel_loop3A_241] {strides = array<i32>} : memref<64x128xf32, #tpu.memory_space<vmem>>, vector<16xf32>,
        tpu.vector_store %arg10[%parallel_loop3A_240, %parallel_loop3A_241], %parallel_loop3A_239 {strides = array<i32>} : memref<64x128xf32, #tpu.memory_space<vmem>>, vector<16xf32>,
      } {sc.loop_unroll_factor = 16 : i64, sc.parallel_access}
      %dma_start3A_85 = arith.constant 0 : i32
      %dma_start3A_86 = tpu.memref_slice %arg4[%add3A_68, %dma_start3A_85, %mul3A_2] : memref<200x64x4096xf32, #tpu.memory_space<hbm>> -> memref<1x64x128xf32, #tpu.memory_space<hbm>>
      %dma_start3A_87 = tpu.memref_squeeze %dma_start3A_86 : memref<1x64x128xf32, #tpu.memory_space<hbm>> -> memref<64x128xf32, #tpu.memory_space<hbm>>
      %dma_start3A_88 = arith.constant 0 : i32
      %dma_start3A_89 = tpu.memref_slice %arg4[%add3A_68, %dma_start3A_88, %mul3A_2] : memref<200x64x4096xf32, #tpu.memory_space<hbm>> -> memref<1x64x128xf32, #tpu.memory_space<hbm>>
      %dma_start3A_90 = tpu.memref_squeeze %dma_start3A_89 : memref<1x64x128xf32, #tpu.memory_space<hbm>> -> memref<64x128xf32, #tpu.memory_space<hbm>>
      tpu.enqueue_dma source(%arg10 : memref<64x128xf32, #tpu.memory_space<vmem>>) target(%dma_start3A_90 : memref<64x128xf32, #tpu.memory_space<hbm>>) target_semaphore(%arg16 : memref<!tpu.dma_semaphore, #tpu.memory_space<semaphore_mem>>)
      %mul3A_91 = arith.constant 4 : i32
      %mul3A_92 = arith.muli %mul3A_91, %scan3A_63 : i32
      %add3A_93 = arith.constant 1 : i32
      %add3A_94 = arith.addi %mul3A_92, %add3A_93 : i32
      %dma_wait3A_95 = arith.constant 0 : i32
      %dma_wait3A_96 = arith.constant 0 : i32
      %dma_wait3A_97 = tpu.memref_slice %arg2[%dma_wait3A_95, %dma_wait3A_96] : memref<1000000x128xf32, #tpu.memory_space<hbm>> -> memref<128x128xf32, #tpu.memory_space<hbm>>
      %dma_wait3A_98 = arith.constant 0 : i32
      %dma_wait3A_99 = arith.constant 0 : i32
      %dma_wait3A_100 = tpu.memref_slice %arg2[%dma_wait3A_98, %dma_wait3A_99] : memref<1000000x128xf32, #tpu.memory_space<hbm>> -> memref<128x128xf32, #tpu.memory_space<hbm>>
      tpu.wait_dma2 semaphore(%arg13 : memref<!tpu.dma_semaphore, #tpu.memory_space<semaphore_mem>>) src(%dma_wait3A_100 : memref<128x128xf32, #tpu.memory_space<hbm>>) dst(%arg7 : memref<128x128xf32, #tpu.memory_space<vmem>>)
      %add3A_101 = arith.constant 2 : i32
      %add3A_102 = arith.addi %add3A_94, %add3A_101 : i32
      %lt3A_103 = arith.constant 200 : i32
      %lt3A_104 = arith.cmpi slt, %add3A_102, %lt3A_103 : i32
      %convert_element_type3A_105 = arith.extui %lt3A_104 : i1 to i32
      %cond3A_106 = arith.constant 0 : i32
      %cond3A_107 = arith.cmpi ne, %convert_element_type3A_105, %cond3A_106 : i32
      scf.if %cond3A_107 {
        %add3A_185 = arith.constant 2 : i32
        %add3A_186 = arith.addi %add3A_94, %add3A_185 : i32
        %dma_start3A_187 = arith.constant 0 : i32
        %dma_start3A_188 = tpu.memref_slice %arg5[%add3A_186, %dma_start3A_187] : memref<200x128xi32, #tpu.memory_space<vmem>> -> memref<1x128xi32, #tpu.memory_space<vmem>>
        %dma_start3A_189 = tpu.memref_squeeze %dma_start3A_188 : memref<1x128xi32, #tpu.memory_space<vmem>> -> memref<128xi32, #tpu.memory_space<vmem>>
        %dma_start3A_190 = arith.constant 0 : i32
        %dma_start3A_191 = arith.constant 0 : i32
        %dma_start3A_192 = tpu.memref_slice %arg2[%dma_start3A_190, %dma_start3A_191] : memref<1000000x128xf32, #tpu.memory_space<hbm>> -> memref<1000000x128xf32, #tpu.memory_space<hbm>>
        tpu.enqueue_indirect_dma source(%dma_start3A_192 : memref<1000000x128xf32, #tpu.memory_space<hbm>>) target(%arg9 : memref<128x128xf32, #tpu.memory_space<vmem>>) offsets(%dma_start3A_189 : memref<128xi32, #tpu.memory_space<vmem>>) semaphore(%arg15 : memref<!tpu.dma_semaphore, #tpu.memory_space<semaphore_mem>>)
      } else {
      }
      %ge3A_108 = arith.constant 2 : i32
      %ge3A_109 = arith.cmpi sge, %add3A_94, %ge3A_108 : i32
      %convert_element_type3A_110 = arith.extui %ge3A_109 : i1 to i32
      %cond3A_111 = arith.constant 0 : i32
      %cond3A_112 = arith.cmpi ne, %convert_element_type3A_110, %cond3A_111 : i32
      scf.if %cond3A_112 {
        %dma_wait3A_185 = arith.constant 0 : i32
        %dma_wait3A_186 = arith.constant 0 : i32
        %dma_wait3A_187 = arith.constant 0 : i32
        %dma_wait3A_188 = tpu.memref_slice %arg4[%dma_wait3A_185, %dma_wait3A_186, %dma_wait3A_187] : memref<200x64x4096xf32, #tpu.memory_space<hbm>> -> memref<1x64x128xf32, #tpu.memory_space<hbm>>
        %dma_wait3A_189 = tpu.memref_squeeze %dma_wait3A_188 : memref<1x64x128xf32, #tpu.memory_space<hbm>> -> memref<64x128xf32, #tpu.memory_space<hbm>>
        %dma_wait3A_190 = arith.constant 0 : i32
        %dma_wait3A_191 = arith.constant 0 : i32
        %dma_wait3A_192 = tpu.memref_slice %arg4[%dma_wait3A_185, %dma_wait3A_190, %dma_wait3A_191] : memref<200x64x4096xf32, #tpu.memory_space<hbm>> -> memref<1x64x128xf32, #tpu.memory_space<hbm>>
        %dma_wait3A_193 = tpu.memref_squeeze %dma_wait3A_192 : memref<1x64x128xf32, #tpu.memory_space<hbm>> -> memref<64x128xf32, #tpu.memory_space<hbm>>
        tpu.wait_dma2 semaphore(%arg17 : memref<!tpu.dma_semaphore, #tpu.memory_space<semaphore_mem>>) src(%arg11 : memref<64x128xf32, #tpu.memory_space<vmem>>) dst(%dma_wait3A_193 : memref<64x128xf32, #tpu.memory_space<hbm>>)
      } else {
      }
      %parallel_loop3A_113 = arith.constant 0 : i32
      %parallel_loop3A_114 = arith.constant 64 : i32
      %parallel_loop3A_115 = arith.constant 1 : i32
      scf.for %parallel_loop3A_185 = %parallel_loop3A_113 to %parallel_loop3A_114 step %parallel_loop3A_115  : i32 {
        %parallel_loop3A_186 = vector.broadcast %parallel_loop3A_185 : i32 to vector<16xi32>
        %parallel_loop3A_187 = tpu.vector_load_idx %arg7[%add3A_18, %parallel_loop3A_186] : memref<128x128xf32, #tpu.memory_space<vmem>>[vector<16xi32>, vector<16xi32>], vector<16xf32>,
        %parallel_loop3A_188 = arith.constant 8.000000e+00 : f32
        %parallel_loop3A_189 = vector.broadcast %parallel_loop3A_188 : f32 to vector<16xf32>
        %parallel_loop3A_190 = arith.mulf %parallel_loop3A_187, %parallel_loop3A_189 : vector<16xf32>
        %parallel_loop3A_191 = arith.index_cast %parallel_loop3A_185 : i32 to index
        %parallel_loop3A_192 = arith.constant 0 : index
        %parallel_loop3A_193 = tpu.vector_load %arg11[%parallel_loop3A_191, %parallel_loop3A_192] {strides = array<i32>} : memref<64x128xf32, #tpu.memory_space<vmem>>, vector<16xf32>,
        tpu.vector_store %arg11[%parallel_loop3A_191, %parallel_loop3A_192], %parallel_loop3A_190 {strides = array<i32>} : memref<64x128xf32, #tpu.memory_space<vmem>>, vector<16xf32>,
        %parallel_loop3A_194 = tpu.vector_load_idx %arg7[%add3A_21, %parallel_loop3A_186] : memref<128x128xf32, #tpu.memory_space<vmem>>[vector<16xi32>, vector<16xi32>], vector<16xf32>,
        %parallel_loop3A_195 = arith.constant 8.000000e+00 : f32
        %parallel_loop3A_196 = vector.broadcast %parallel_loop3A_195 : f32 to vector<16xf32>
        %parallel_loop3A_197 = arith.mulf %parallel_loop3A_194, %parallel_loop3A_196 : vector<16xf32>
        %parallel_loop3A_198 = arith.index_cast %parallel_loop3A_185 : i32 to index
        %parallel_loop3A_199 = arith.constant 16 : index
        %parallel_loop3A_200 = tpu.vector_load %arg11[%parallel_loop3A_198, %parallel_loop3A_199] {strides = array<i32>} : memref<64x128xf32, #tpu.memory_space<vmem>>, vector<16xf32>,
        tpu.vector_store %arg11[%parallel_loop3A_198, %parallel_loop3A_199], %parallel_loop3A_197 {strides = array<i32>} : memref<64x128xf32, #tpu.memory_space<vmem>>, vector<16xf32>,
        %parallel_loop3A_201 = tpu.vector_load_idx %arg7[%add3A_24, %parallel_loop3A_186] : memref<128x128xf32, #tpu.memory_space<vmem>>[vector<16xi32>, vector<16xi32>], vector<16xf32>,
        %parallel_loop3A_202 = arith.constant 8.000000e+00 : f32
        %parallel_loop3A_203 = vector.broadcast %parallel_loop3A_202 : f32 to vector<16xf32>
        %parallel_loop3A_204 = arith.mulf %parallel_loop3A_201, %parallel_loop3A_203 : vector<16xf32>
        %parallel_loop3A_205 = arith.index_cast %parallel_loop3A_185 : i32 to index
        %parallel_loop3A_206 = arith.constant 32 : index
        %parallel_loop3A_207 = tpu.vector_load %arg11[%parallel_loop3A_205, %parallel_loop3A_206] {strides = array<i32>} : memref<64x128xf32, #tpu.memory_space<vmem>>, vector<16xf32>,
        tpu.vector_store %arg11[%parallel_loop3A_205, %parallel_loop3A_206], %parallel_loop3A_204 {strides = array<i32>} : memref<64x128xf32, #tpu.memory_space<vmem>>, vector<16xf32>,
        %parallel_loop3A_208 = tpu.vector_load_idx %arg7[%add3A_27, %parallel_loop3A_186] : memref<128x128xf32, #tpu.memory_space<vmem>>[vector<16xi32>, vector<16xi32>], vector<16xf32>,
        %parallel_loop3A_209 = arith.constant 8.000000e+00 : f32
        %parallel_loop3A_210 = vector.broadcast %parallel_loop3A_209 : f32 to vector<16xf32>
        %parallel_loop3A_211 = arith.mulf %parallel_loop3A_208, %parallel_loop3A_210 : vector<16xf32>
        %parallel_loop3A_212 = arith.index_cast %parallel_loop3A_185 : i32 to index
        %parallel_loop3A_213 = arith.constant 48 : index
        %parallel_loop3A_214 = tpu.vector_load %arg11[%parallel_loop3A_212, %parallel_loop3A_213] {strides = array<i32>} : memref<64x128xf32, #tpu.memory_space<vmem>>, vector<16xf32>,
        tpu.vector_store %arg11[%parallel_loop3A_212, %parallel_loop3A_213], %parallel_loop3A_211 {strides = array<i32>} : memref<64x128xf32, #tpu.memory_space<vmem>>, vector<16xf32>,
        %parallel_loop3A_215 = tpu.vector_load_idx %arg7[%add3A_30, %parallel_loop3A_186] : memref<128x128xf32, #tpu.memory_space<vmem>>[vector<16xi32>, vector<16xi32>], vector<16xf32>,
        %parallel_loop3A_216 = arith.constant 8.000000e+00 : f32
        %parallel_loop3A_217 = vector.broadcast %parallel_loop3A_216 : f32 to vector<16xf32>
        %parallel_loop3A_218 = arith.mulf %parallel_loop3A_215, %parallel_loop3A_217 : vector<16xf32>
        %parallel_loop3A_219 = arith.index_cast %parallel_loop3A_185 : i32 to index
        %parallel_loop3A_220 = arith.constant 64 : index
        %parallel_loop3A_221 = tpu.vector_load %arg11[%parallel_loop3A_219, %parallel_loop3A_220] {strides = array<i32>} : memref<64x128xf32, #tpu.memory_space<vmem>>, vector<16xf32>,
        tpu.vector_store %arg11[%parallel_loop3A_219, %parallel_loop3A_220], %parallel_loop3A_218 {strides = array<i32>} : memref<64x128xf32, #tpu.memory_space<vmem>>, vector<16xf32>,
        %parallel_loop3A_222 = tpu.vector_load_idx %arg7[%add3A_33, %parallel_loop3A_186] : memref<128x128xf32, #tpu.memory_space<vmem>>[vector<16xi32>, vector<16xi32>], vector<16xf32>,
        %parallel_loop3A_223 = arith.constant 8.000000e+00 : f32
        %parallel_loop3A_224 = vector.broadcast %parallel_loop3A_223 : f32 to vector<16xf32>
        %parallel_loop3A_225 = arith.mulf %parallel_loop3A_222, %parallel_loop3A_224 : vector<16xf32>
        %parallel_loop3A_226 = arith.index_cast %parallel_loop3A_185 : i32 to index
        %parallel_loop3A_227 = arith.constant 80 : index
        %parallel_loop3A_228 = tpu.vector_load %arg11[%parallel_loop3A_226, %parallel_loop3A_227] {strides = array<i32>} : memref<64x128xf32, #tpu.memory_space<vmem>>, vector<16xf32>,
        tpu.vector_store %arg11[%parallel_loop3A_226, %parallel_loop3A_227], %parallel_loop3A_225 {strides = array<i32>} : memref<64x128xf32, #tpu.memory_space<vmem>>, vector<16xf32>,
        %parallel_loop3A_229 = tpu.vector_load_idx %arg7[%add3A_36, %parallel_loop3A_186] : memref<128x128xf32, #tpu.memory_space<vmem>>[vector<16xi32>, vector<16xi32>], vector<16xf32>,
        %parallel_loop3A_230 = arith.constant 8.000000e+00 : f32
        %parallel_loop3A_231 = vector.broadcast %parallel_loop3A_230 : f32 to vector<16xf32>
        %parallel_loop3A_232 = arith.mulf %parallel_loop3A_229, %parallel_loop3A_231 : vector<16xf32>
        %parallel_loop3A_233 = arith.index_cast %parallel_loop3A_185 : i32 to index
        %parallel_loop3A_234 = arith.constant 96 : index
        %parallel_loop3A_235 = tpu.vector_load %arg11[%parallel_loop3A_233, %parallel_loop3A_234] {strides = array<i32>} : memref<64x128xf32, #tpu.memory_space<vmem>>, vector<16xf32>,
        tpu.vector_store %arg11[%parallel_loop3A_233, %parallel_loop3A_234], %parallel_loop3A_232 {strides = array<i32>} : memref<64x128xf32, #tpu.memory_space<vmem>>, vector<16xf32>,
        %parallel_loop3A_236 = tpu.vector_load_idx %arg7[%add3A_39, %parallel_loop3A_186] : memref<128x128xf32, #tpu.memory_space<vmem>>[vector<16xi32>, vector<16xi32>], vector<16xf32>,
        %parallel_loop3A_237 = arith.constant 8.000000e+00 : f32
        %parallel_loop3A_238 = vector.broadcast %parallel_loop3A_237 : f32 to vector<16xf32>
        %parallel_loop3A_239 = arith.mulf %parallel_loop3A_236, %parallel_loop3A_238 : vector<16xf32>
        %parallel_loop3A_240 = arith.index_cast %parallel_loop3A_185 : i32 to index
        %parallel_loop3A_241 = arith.constant 112 : index
        %parallel_loop3A_242 = tpu.vector_load %arg11[%parallel_loop3A_240, %parallel_loop3A_241] {strides = array<i32>} : memref<64x128xf32, #tpu.memory_space<vmem>>, vector<16xf32>,
        tpu.vector_store %arg11[%parallel_loop3A_240, %parallel_loop3A_241], %parallel_loop3A_239 {strides = array<i32>} : memref<64x128xf32, #tpu.memory_space<vmem>>, vector<16xf32>,
      } {sc.loop_unroll_factor = 16 : i64, sc.parallel_access}
      %dma_start3A_116 = arith.constant 0 : i32
      %dma_start3A_117 = tpu.memref_slice %arg4[%add3A_94, %dma_start3A_116, %mul3A_2] : memref<200x64x4096xf32, #tpu.memory_space<hbm>> -> memref<1x64x128xf32, #tpu.memory_space<hbm>>
      %dma_start3A_118 = tpu.memref_squeeze %dma_start3A_117 : memref<1x64x128xf32, #tpu.memory_space<hbm>> -> memref<64x128xf32, #tpu.memory_space<hbm>>
      %dma_start3A_119 = arith.constant 0 : i32
      %dma_start3A_120 = tpu.memref_slice %arg4[%add3A_94, %dma_start3A_119, %mul3A_2] : memref<200x64x4096xf32, #tpu.memory_space<hbm>> -> memref<1x64x128xf32, #tpu.memory_space<hbm>>
      %dma_start3A_121 = tpu.memref_squeeze %dma_start3A_120 : memref<1x64x128xf32, #tpu.memory_space<hbm>> -> memref<64x128xf32, #tpu.memory_space<hbm>>
      tpu.enqueue_dma source(%arg11 : memref<64x128xf32, #tpu.memory_space<vmem>>) target(%dma_start3A_121 : memref<64x128xf32, #tpu.memory_space<hbm>>) target_semaphore(%arg17 : memref<!tpu.dma_semaphore, #tpu.memory_space<semaphore_mem>>)
      %mul3A_122 = arith.constant 4 : i32
      %mul3A_123 = arith.muli %mul3A_122, %scan3A_63 : i32
      %add3A_124 = arith.constant 2 : i32
      %add3A_125 = arith.addi %mul3A_123, %add3A_124 : i32
      %dma_wait3A_126 = arith.constant 0 : i32
      %dma_wait3A_127 = arith.constant 0 : i32
      %dma_wait3A_128 = tpu.memref_slice %arg2[%dma_wait3A_126, %dma_wait3A_127] : memref<1000000x128xf32, #tpu.memory_space<hbm>> -> memref<128x128xf32, #tpu.memory_space<hbm>>
      %dma_wait3A_129 = arith.constant 0 : i32
      %dma_wait3A_130 = arith.constant 0 : i32
      %dma_wait3A_131 = tpu.memref_slice %arg2[%dma_wait3A_129, %dma_wait3A_130] : memref<1000000x128xf32, #tpu.memory_space<hbm>> -> memref<128x128xf32, #tpu.memory_space<hbm>>
      tpu.wait_dma2 semaphore(%arg14 : memref<!tpu.dma_semaphore, #tpu.memory_space<semaphore_mem>>) src(%dma_wait3A_131 : memref<128x128xf32, #tpu.memory_space<hbm>>) dst(%arg8 : memref<128x128xf32, #tpu.memory_space<vmem>>)
      %add3A_132 = arith.constant 2 : i32
      %add3A_133 = arith.addi %add3A_125, %add3A_132 : i32
      %lt3A_134 = arith.constant 200 : i32
      %lt3A_135 = arith.cmpi slt, %add3A_133, %lt3A_134 : i32
      %convert_element_type3A_136 = arith.extui %lt3A_135 : i1 to i32
      %cond3A_137 = arith.constant 0 : i32
      %cond3A_138 = arith.cmpi ne, %convert_element_type3A_136, %cond3A_137 : i32
      scf.if %cond3A_138 {
        %add3A_185 = arith.constant 2 : i32
        %add3A_186 = arith.addi %add3A_125, %add3A_185 : i32
        %dma_start3A_187 = arith.constant 0 : i32
        %dma_start3A_188 = tpu.memref_slice %arg5[%add3A_186, %dma_start3A_187] : memref<200x128xi32, #tpu.memory_space<vmem>> -> memref<1x128xi32, #tpu.memory_space<vmem>>
        %dma_start3A_189 = tpu.memref_squeeze %dma_start3A_188 : memref<1x128xi32, #tpu.memory_space<vmem>> -> memref<128xi32, #tpu.memory_space<vmem>>
        %dma_start3A_190 = arith.constant 0 : i32
        %dma_start3A_191 = arith.constant 0 : i32
        %dma_start3A_192 = tpu.memref_slice %arg2[%dma_start3A_190, %dma_start3A_191] : memref<1000000x128xf32, #tpu.memory_space<hbm>> -> memref<1000000x128xf32, #tpu.memory_space<hbm>>
        tpu.enqueue_indirect_dma source(%dma_start3A_192 : memref<1000000x128xf32, #tpu.memory_space<hbm>>) target(%arg6 : memref<128x128xf32, #tpu.memory_space<vmem>>) offsets(%dma_start3A_189 : memref<128xi32, #tpu.memory_space<vmem>>) semaphore(%arg12 : memref<!tpu.dma_semaphore, #tpu.memory_space<semaphore_mem>>)
      } else {
      }
      %ge3A_139 = arith.constant 2 : i32
      %ge3A_140 = arith.cmpi sge, %add3A_125, %ge3A_139 : i32
      %convert_element_type3A_141 = arith.extui %ge3A_140 : i1 to i32
      %cond3A_142 = arith.constant 0 : i32
      %cond3A_143 = arith.cmpi ne, %convert_element_type3A_141, %cond3A_142 : i32
      scf.if %cond3A_143 {
        %dma_wait3A_185 = arith.constant 0 : i32
        %dma_wait3A_186 = arith.constant 0 : i32
        %dma_wait3A_187 = arith.constant 0 : i32
        %dma_wait3A_188 = tpu.memref_slice %arg4[%dma_wait3A_185, %dma_wait3A_186, %dma_wait3A_187] : memref<200x64x4096xf32, #tpu.memory_space<hbm>> -> memref<1x64x128xf32, #tpu.memory_space<hbm>>
        %dma_wait3A_189 = tpu.memref_squeeze %dma_wait3A_188 : memref<1x64x128xf32, #tpu.memory_space<hbm>> -> memref<64x128xf32, #tpu.memory_space<hbm>>
        %dma_wait3A_190 = arith.constant 0 : i32
        %dma_wait3A_191 = arith.constant 0 : i32
        %dma_wait3A_192 = tpu.memref_slice %arg4[%dma_wait3A_185, %dma_wait3A_190, %dma_wait3A_191] : memref<200x64x4096xf32, #tpu.memory_space<hbm>> -> memref<1x64x128xf32, #tpu.memory_space<hbm>>
        %dma_wait3A_193 = tpu.memref_squeeze %dma_wait3A_192 : memref<1x64x128xf32, #tpu.memory_space<hbm>> -> memref<64x128xf32, #tpu.memory_space<hbm>>
        tpu.wait_dma2 semaphore(%arg16 : memref<!tpu.dma_semaphore, #tpu.memory_space<semaphore_mem>>) src(%arg10 : memref<64x128xf32, #tpu.memory_space<vmem>>) dst(%dma_wait3A_193 : memref<64x128xf32, #tpu.memory_space<hbm>>)
      } else {
      }
      %parallel_loop3A_144 = arith.constant 0 : i32
      %parallel_loop3A_145 = arith.constant 64 : i32
      %parallel_loop3A_146 = arith.constant 1 : i32
      scf.for %parallel_loop3A_185 = %parallel_loop3A_144 to %parallel_loop3A_145 step %parallel_loop3A_146  : i32 {
        %parallel_loop3A_186 = vector.broadcast %parallel_loop3A_185 : i32 to vector<16xi32>
        %parallel_loop3A_187 = tpu.vector_load_idx %arg8[%add3A_18, %parallel_loop3A_186] : memref<128x128xf32, #tpu.memory_space<vmem>>[vector<16xi32>, vector<16xi32>], vector<16xf32>,
        %parallel_loop3A_188 = arith.constant 8.000000e+00 : f32
        %parallel_loop3A_189 = vector.broadcast %parallel_loop3A_188 : f32 to vector<16xf32>
        %parallel_loop3A_190 = arith.mulf %parallel_loop3A_187, %parallel_loop3A_189 : vector<16xf32>
        %parallel_loop3A_191 = arith.index_cast %parallel_loop3A_185 : i32 to index
        %parallel_loop3A_192 = arith.constant 0 : index
        %parallel_loop3A_193 = tpu.vector_load %arg10[%parallel_loop3A_191, %parallel_loop3A_192] {strides = array<i32>} : memref<64x128xf32, #tpu.memory_space<vmem>>, vector<16xf32>,
        tpu.vector_store %arg10[%parallel_loop3A_191, %parallel_loop3A_192], %parallel_loop3A_190 {strides = array<i32>} : memref<64x128xf32, #tpu.memory_space<vmem>>, vector<16xf32>,
        %parallel_loop3A_194 = tpu.vector_load_idx %arg8[%add3A_21, %parallel_loop3A_186] : memref<128x128xf32, #tpu.memory_space<vmem>>[vector<16xi32>, vector<16xi32>], vector<16xf32>,
        %parallel_loop3A_195 = arith.constant 8.000000e+00 : f32
        %parallel_loop3A_196 = vector.broadcast %parallel_loop3A_195 : f32 to vector<16xf32>
        %parallel_loop3A_197 = arith.mulf %parallel_loop3A_194, %parallel_loop3A_196 : vector<16xf32>
        %parallel_loop3A_198 = arith.index_cast %parallel_loop3A_185 : i32 to index
        %parallel_loop3A_199 = arith.constant 16 : index
        %parallel_loop3A_200 = tpu.vector_load %arg10[%parallel_loop3A_198, %parallel_loop3A_199] {strides = array<i32>} : memref<64x128xf32, #tpu.memory_space<vmem>>, vector<16xf32>,
        tpu.vector_store %arg10[%parallel_loop3A_198, %parallel_loop3A_199], %parallel_loop3A_197 {strides = array<i32>} : memref<64x128xf32, #tpu.memory_space<vmem>>, vector<16xf32>,
        %parallel_loop3A_201 = tpu.vector_load_idx %arg8[%add3A_24, %parallel_loop3A_186] : memref<128x128xf32, #tpu.memory_space<vmem>>[vector<16xi32>, vector<16xi32>], vector<16xf32>,
        %parallel_loop3A_202 = arith.constant 8.000000e+00 : f32
        %parallel_loop3A_203 = vector.broadcast %parallel_loop3A_202 : f32 to vector<16xf32>
        %parallel_loop3A_204 = arith.mulf %parallel_loop3A_201, %parallel_loop3A_203 : vector<16xf32>
        %parallel_loop3A_205 = arith.index_cast %parallel_loop3A_185 : i32 to index
        %parallel_loop3A_206 = arith.constant 32 : index
        %parallel_loop3A_207 = tpu.vector_load %arg10[%parallel_loop3A_205, %parallel_loop3A_206] {strides = array<i32>} : memref<64x128xf32, #tpu.memory_space<vmem>>, vector<16xf32>,
        tpu.vector_store %arg10[%parallel_loop3A_205, %parallel_loop3A_206], %parallel_loop3A_204 {strides = array<i32>} : memref<64x128xf32, #tpu.memory_space<vmem>>, vector<16xf32>,
        %parallel_loop3A_208 = tpu.vector_load_idx %arg8[%add3A_27, %parallel_loop3A_186] : memref<128x128xf32, #tpu.memory_space<vmem>>[vector<16xi32>, vector<16xi32>], vector<16xf32>,
        %parallel_loop3A_209 = arith.constant 8.000000e+00 : f32
        %parallel_loop3A_210 = vector.broadcast %parallel_loop3A_209 : f32 to vector<16xf32>
        %parallel_loop3A_211 = arith.mulf %parallel_loop3A_208, %parallel_loop3A_210 : vector<16xf32>
        %parallel_loop3A_212 = arith.index_cast %parallel_loop3A_185 : i32 to index
        %parallel_loop3A_213 = arith.constant 48 : index
        %parallel_loop3A_214 = tpu.vector_load %arg10[%parallel_loop3A_212, %parallel_loop3A_213] {strides = array<i32>} : memref<64x128xf32, #tpu.memory_space<vmem>>, vector<16xf32>,
        tpu.vector_store %arg10[%parallel_loop3A_212, %parallel_loop3A_213], %parallel_loop3A_211 {strides = array<i32>} : memref<64x128xf32, #tpu.memory_space<vmem>>, vector<16xf32>,
        %parallel_loop3A_215 = tpu.vector_load_idx %arg8[%add3A_30, %parallel_loop3A_186] : memref<128x128xf32, #tpu.memory_space<vmem>>[vector<16xi32>, vector<16xi32>], vector<16xf32>,
        %parallel_loop3A_216 = arith.constant 8.000000e+00 : f32
        %parallel_loop3A_217 = vector.broadcast %parallel_loop3A_216 : f32 to vector<16xf32>
        %parallel_loop3A_218 = arith.mulf %parallel_loop3A_215, %parallel_loop3A_217 : vector<16xf32>
        %parallel_loop3A_219 = arith.index_cast %parallel_loop3A_185 : i32 to index
        %parallel_loop3A_220 = arith.constant 64 : index
        %parallel_loop3A_221 = tpu.vector_load %arg10[%parallel_loop3A_219, %parallel_loop3A_220] {strides = array<i32>} : memref<64x128xf32, #tpu.memory_space<vmem>>, vector<16xf32>,
        tpu.vector_store %arg10[%parallel_loop3A_219, %parallel_loop3A_220], %parallel_loop3A_218 {strides = array<i32>} : memref<64x128xf32, #tpu.memory_space<vmem>>, vector<16xf32>,
        %parallel_loop3A_222 = tpu.vector_load_idx %arg8[%add3A_33, %parallel_loop3A_186] : memref<128x128xf32, #tpu.memory_space<vmem>>[vector<16xi32>, vector<16xi32>], vector<16xf32>,
        %parallel_loop3A_223 = arith.constant 8.000000e+00 : f32
        %parallel_loop3A_224 = vector.broadcast %parallel_loop3A_223 : f32 to vector<16xf32>
        %parallel_loop3A_225 = arith.mulf %parallel_loop3A_222, %parallel_loop3A_224 : vector<16xf32>
        %parallel_loop3A_226 = arith.index_cast %parallel_loop3A_185 : i32 to index
        %parallel_loop3A_227 = arith.constant 80 : index
        %parallel_loop3A_228 = tpu.vector_load %arg10[%parallel_loop3A_226, %parallel_loop3A_227] {strides = array<i32>} : memref<64x128xf32, #tpu.memory_space<vmem>>, vector<16xf32>,
        tpu.vector_store %arg10[%parallel_loop3A_226, %parallel_loop3A_227], %parallel_loop3A_225 {strides = array<i32>} : memref<64x128xf32, #tpu.memory_space<vmem>>, vector<16xf32>,
        %parallel_loop3A_229 = tpu.vector_load_idx %arg8[%add3A_36, %parallel_loop3A_186] : memref<128x128xf32, #tpu.memory_space<vmem>>[vector<16xi32>, vector<16xi32>], vector<16xf32>,
        %parallel_loop3A_230 = arith.constant 8.000000e+00 : f32
        %parallel_loop3A_231 = vector.broadcast %parallel_loop3A_230 : f32 to vector<16xf32>
        %parallel_loop3A_232 = arith.mulf %parallel_loop3A_229, %parallel_loop3A_231 : vector<16xf32>
        %parallel_loop3A_233 = arith.index_cast %parallel_loop3A_185 : i32 to index
        %parallel_loop3A_234 = arith.constant 96 : index
        %parallel_loop3A_235 = tpu.vector_load %arg10[%parallel_loop3A_233, %parallel_loop3A_234] {strides = array<i32>} : memref<64x128xf32, #tpu.memory_space<vmem>>, vector<16xf32>,
        tpu.vector_store %arg10[%parallel_loop3A_233, %parallel_loop3A_234], %parallel_loop3A_232 {strides = array<i32>} : memref<64x128xf32, #tpu.memory_space<vmem>>, vector<16xf32>,
        %parallel_loop3A_236 = tpu.vector_load_idx %arg8[%add3A_39, %parallel_loop3A_186] : memref<128x128xf32, #tpu.memory_space<vmem>>[vector<16xi32>, vector<16xi32>], vector<16xf32>,
        %parallel_loop3A_237 = arith.constant 8.000000e+00 : f32
        %parallel_loop3A_238 = vector.broadcast %parallel_loop3A_237 : f32 to vector<16xf32>
        %parallel_loop3A_239 = arith.mulf %parallel_loop3A_236, %parallel_loop3A_238 : vector<16xf32>
        %parallel_loop3A_240 = arith.index_cast %parallel_loop3A_185 : i32 to index
        %parallel_loop3A_241 = arith.constant 112 : index
        %parallel_loop3A_242 = tpu.vector_load %arg10[%parallel_loop3A_240, %parallel_loop3A_241] {strides = array<i32>} : memref<64x128xf32, #tpu.memory_space<vmem>>, vector<16xf32>,
        tpu.vector_store %arg10[%parallel_loop3A_240, %parallel_loop3A_241], %parallel_loop3A_239 {strides = array<i32>} : memref<64x128xf32, #tpu.memory_space<vmem>>, vector<16xf32>,
      } {sc.loop_unroll_factor = 16 : i64, sc.parallel_access}
      %dma_start3A_147 = arith.constant 0 : i32
      %dma_start3A_148 = tpu.memref_slice %arg4[%add3A_125, %dma_start3A_147, %mul3A_2] : memref<200x64x4096xf32, #tpu.memory_space<hbm>> -> memref<1x64x128xf32, #tpu.memory_space<hbm>>
      %dma_start3A_149 = tpu.memref_squeeze %dma_start3A_148 : memref<1x64x128xf32, #tpu.memory_space<hbm>> -> memref<64x128xf32, #tpu.memory_space<hbm>>
      %dma_start3A_150 = arith.constant 0 : i32
      %dma_start3A_151 = tpu.memref_slice %arg4[%add3A_125, %dma_start3A_150, %mul3A_2] : memref<200x64x4096xf32, #tpu.memory_space<hbm>> -> memref<1x64x128xf32, #tpu.memory_space<hbm>>
      %dma_start3A_152 = tpu.memref_squeeze %dma_start3A_151 : memref<1x64x128xf32, #tpu.memory_space<hbm>> -> memref<64x128xf32, #tpu.memory_space<hbm>>
      tpu.enqueue_dma source(%arg10 : memref<64x128xf32, #tpu.memory_space<vmem>>) target(%dma_start3A_152 : memref<64x128xf32, #tpu.memory_space<hbm>>) target_semaphore(%arg16 : memref<!tpu.dma_semaphore, #tpu.memory_space<semaphore_mem>>)
      %mul3A_153 = arith.constant 4 : i32
      %mul3A_154 = arith.muli %mul3A_153, %scan3A_63 : i32
      %add3A_155 = arith.constant 3 : i32
      %add3A_156 = arith.addi %mul3A_154, %add3A_155 : i32
      %dma_wait3A_157 = arith.constant 0 : i32
      %dma_wait3A_158 = arith.constant 0 : i32
      %dma_wait3A_159 = tpu.memref_slice %arg2[%dma_wait3A_157, %dma_wait3A_158] : memref<1000000x128xf32, #tpu.memory_space<hbm>> -> memref<128x128xf32, #tpu.memory_space<hbm>>
      %dma_wait3A_160 = arith.constant 0 : i32
      %dma_wait3A_161 = arith.constant 0 : i32
      %dma_wait3A_162 = tpu.memref_slice %arg2[%dma_wait3A_160, %dma_wait3A_161] : memref<1000000x128xf32, #tpu.memory_space<hbm>> -> memref<128x128xf32, #tpu.memory_space<hbm>>
      tpu.wait_dma2 semaphore(%arg15 : memref<!tpu.dma_semaphore, #tpu.memory_space<semaphore_mem>>) src(%dma_wait3A_162 : memref<128x128xf32, #tpu.memory_space<hbm>>) dst(%arg9 : memref<128x128xf32, #tpu.memory_space<vmem>>)
      %add3A_163 = arith.constant 2 : i32
      %add3A_164 = arith.addi %add3A_156, %add3A_163 : i32
      %lt3A_165 = arith.constant 200 : i32
      %lt3A_166 = arith.cmpi slt, %add3A_164, %lt3A_165 : i32
      %convert_element_type3A_167 = arith.extui %lt3A_166 : i1 to i32
      %cond3A_168 = arith.constant 0 : i32
      %cond3A_169 = arith.cmpi ne, %convert_element_type3A_167, %cond3A_168 : i32
      scf.if %cond3A_169 {
        %add3A_185 = arith.constant 2 : i32
        %add3A_186 = arith.addi %add3A_156, %add3A_185 : i32
        %dma_start3A_187 = arith.constant 0 : i32
        %dma_start3A_188 = tpu.memref_slice %arg5[%add3A_186, %dma_start3A_187] : memref<200x128xi32, #tpu.memory_space<vmem>> -> memref<1x128xi32, #tpu.memory_space<vmem>>
        %dma_start3A_189 = tpu.memref_squeeze %dma_start3A_188 : memref<1x128xi32, #tpu.memory_space<vmem>> -> memref<128xi32, #tpu.memory_space<vmem>>
        %dma_start3A_190 = arith.constant 0 : i32
        %dma_start3A_191 = arith.constant 0 : i32
        %dma_start3A_192 = tpu.memref_slice %arg2[%dma_start3A_190, %dma_start3A_191] : memref<1000000x128xf32, #tpu.memory_space<hbm>> -> memref<1000000x128xf32, #tpu.memory_space<hbm>>
        tpu.enqueue_indirect_dma source(%dma_start3A_192 : memref<1000000x128xf32, #tpu.memory_space<hbm>>) target(%arg7 : memref<128x128xf32, #tpu.memory_space<vmem>>) offsets(%dma_start3A_189 : memref<128xi32, #tpu.memory_space<vmem>>) semaphore(%arg13 : memref<!tpu.dma_semaphore, #tpu.memory_space<semaphore_mem>>)
      } else {
      }
      %ge3A_170 = arith.constant 2 : i32
      %ge3A_171 = arith.cmpi sge, %add3A_156, %ge3A_170 : i32
      %convert_element_type3A_172 = arith.extui %ge3A_171 : i1 to i32
      %cond3A_173 = arith.constant 0 : i32
      %cond3A_174 = arith.cmpi ne, %convert_element_type3A_172, %cond3A_173 : i32
      scf.if %cond3A_174 {
        %dma_wait3A_185 = arith.constant 0 : i32
        %dma_wait3A_186 = arith.constant 0 : i32
        %dma_wait3A_187 = arith.constant 0 : i32
        %dma_wait3A_188 = tpu.memref_slice %arg4[%dma_wait3A_185, %dma_wait3A_186, %dma_wait3A_187] : memref<200x64x4096xf32, #tpu.memory_space<hbm>> -> memref<1x64x128xf32, #tpu.memory_space<hbm>>
        %dma_wait3A_189 = tpu.memref_squeeze %dma_wait3A_188 : memref<1x64x128xf32, #tpu.memory_space<hbm>> -> memref<64x128xf32, #tpu.memory_space<hbm>>
        %dma_wait3A_190 = arith.constant 0 : i32
        %dma_wait3A_191 = arith.constant 0 : i32
        %dma_wait3A_192 = tpu.memref_slice %arg4[%dma_wait3A_185, %dma_wait3A_190, %dma_wait3A_191] : memref<200x64x4096xf32, #tpu.memory_space<hbm>> -> memref<1x64x128xf32, #tpu.memory_space<hbm>>
        %dma_wait3A_193 = tpu.memref_squeeze %dma_wait3A_192 : memref<1x64x128xf32, #tpu.memory_space<hbm>> -> memref<64x128xf32, #tpu.memory_space<hbm>>
        tpu.wait_dma2 semaphore(%arg17 : memref<!tpu.dma_semaphore, #tpu.memory_space<semaphore_mem>>) src(%arg11 : memref<64x128xf32, #tpu.memory_space<vmem>>) dst(%dma_wait3A_193 : memref<64x128xf32, #tpu.memory_space<hbm>>)
      } else {
      }
      %parallel_loop3A_175 = arith.constant 0 : i32
      %parallel_loop3A_176 = arith.constant 64 : i32
      %parallel_loop3A_177 = arith.constant 1 : i32
      scf.for %parallel_loop3A_185 = %parallel_loop3A_175 to %parallel_loop3A_176 step %parallel_loop3A_177  : i32 {
        %parallel_loop3A_186 = vector.broadcast %parallel_loop3A_185 : i32 to vector<16xi32>
        %parallel_loop3A_187 = tpu.vector_load_idx %arg9[%add3A_18, %parallel_loop3A_186] : memref<128x128xf32, #tpu.memory_space<vmem>>[vector<16xi32>, vector<16xi32>], vector<16xf32>,
        %parallel_loop3A_188 = arith.constant 8.000000e+00 : f32
        %parallel_loop3A_189 = vector.broadcast %parallel_loop3A_188 : f32 to vector<16xf32>
        %parallel_loop3A_190 = arith.mulf %parallel_loop3A_187, %parallel_loop3A_189 : vector<16xf32>
        %parallel_loop3A_191 = arith.index_cast %parallel_loop3A_185 : i32 to index
        %parallel_loop3A_192 = arith.constant 0 : index
        %parallel_loop3A_193 = tpu.vector_load %arg11[%parallel_loop3A_191, %parallel_loop3A_192] {strides = array<i32>} : memref<64x128xf32, #tpu.memory_space<vmem>>, vector<16xf32>,
        tpu.vector_store %arg11[%parallel_loop3A_191, %parallel_loop3A_192], %parallel_loop3A_190 {strides = array<i32>} : memref<64x128xf32, #tpu.memory_space<vmem>>, vector<16xf32>,
        %parallel_loop3A_194 = tpu.vector_load_idx %arg9[%add3A_21, %parallel_loop3A_186] : memref<128x128xf32, #tpu.memory_space<vmem>>[vector<16xi32>, vector<16xi32>], vector<16xf32>,
        %parallel_loop3A_195 = arith.constant 8.000000e+00 : f32
        %parallel_loop3A_196 = vector.broadcast %parallel_loop3A_195 : f32 to vector<16xf32>
        %parallel_loop3A_197 = arith.mulf %parallel_loop3A_194, %parallel_loop3A_196 : vector<16xf32>
        %parallel_loop3A_198 = arith.index_cast %parallel_loop3A_185 : i32 to index
        %parallel_loop3A_199 = arith.constant 16 : index
        %parallel_loop3A_200 = tpu.vector_load %arg11[%parallel_loop3A_198, %parallel_loop3A_199] {strides = array<i32>} : memref<64x128xf32, #tpu.memory_space<vmem>>, vector<16xf32>,
        tpu.vector_store %arg11[%parallel_loop3A_198, %parallel_loop3A_199], %parallel_loop3A_197 {strides = array<i32>} : memref<64x128xf32, #tpu.memory_space<vmem>>, vector<16xf32>,
        %parallel_loop3A_201 = tpu.vector_load_idx %arg9[%add3A_24, %parallel_loop3A_186] : memref<128x128xf32, #tpu.memory_space<vmem>>[vector<16xi32>, vector<16xi32>], vector<16xf32>,
        %parallel_loop3A_202 = arith.constant 8.000000e+00 : f32
        %parallel_loop3A_203 = vector.broadcast %parallel_loop3A_202 : f32 to vector<16xf32>
        %parallel_loop3A_204 = arith.mulf %parallel_loop3A_201, %parallel_loop3A_203 : vector<16xf32>
        %parallel_loop3A_205 = arith.index_cast %parallel_loop3A_185 : i32 to index
        %parallel_loop3A_206 = arith.constant 32 : index
        %parallel_loop3A_207 = tpu.vector_load %arg11[%parallel_loop3A_205, %parallel_loop3A_206] {strides = array<i32>} : memref<64x128xf32, #tpu.memory_space<vmem>>, vector<16xf32>,
        tpu.vector_store %arg11[%parallel_loop3A_205, %parallel_loop3A_206], %parallel_loop3A_204 {strides = array<i32>} : memref<64x128xf32, #tpu.memory_space<vmem>>, vector<16xf32>,
        %parallel_loop3A_208 = tpu.vector_load_idx %arg9[%add3A_27, %parallel_loop3A_186] : memref<128x128xf32, #tpu.memory_space<vmem>>[vector<16xi32>, vector<16xi32>], vector<16xf32>,
        %parallel_loop3A_209 = arith.constant 8.000000e+00 : f32
        %parallel_loop3A_210 = vector.broadcast %parallel_loop3A_209 : f32 to vector<16xf32>
        %parallel_loop3A_211 = arith.mulf %parallel_loop3A_208, %parallel_loop3A_210 : vector<16xf32>
        %parallel_loop3A_212 = arith.index_cast %parallel_loop3A_185 : i32 to index
        %parallel_loop3A_213 = arith.constant 48 : index
        %parallel_loop3A_214 = tpu.vector_load %arg11[%parallel_loop3A_212, %parallel_loop3A_213] {strides = array<i32>} : memref<64x128xf32, #tpu.memory_space<vmem>>, vector<16xf32>,
        tpu.vector_store %arg11[%parallel_loop3A_212, %parallel_loop3A_213], %parallel_loop3A_211 {strides = array<i32>} : memref<64x128xf32, #tpu.memory_space<vmem>>, vector<16xf32>,
        %parallel_loop3A_215 = tpu.vector_load_idx %arg9[%add3A_30, %parallel_loop3A_186] : memref<128x128xf32, #tpu.memory_space<vmem>>[vector<16xi32>, vector<16xi32>], vector<16xf32>,
        %parallel_loop3A_216 = arith.constant 8.000000e+00 : f32
        %parallel_loop3A_217 = vector.broadcast %parallel_loop3A_216 : f32 to vector<16xf32>
        %parallel_loop3A_218 = arith.mulf %parallel_loop3A_215, %parallel_loop3A_217 : vector<16xf32>
        %parallel_loop3A_219 = arith.index_cast %parallel_loop3A_185 : i32 to index
        %parallel_loop3A_220 = arith.constant 64 : index
        %parallel_loop3A_221 = tpu.vector_load %arg11[%parallel_loop3A_219, %parallel_loop3A_220] {strides = array<i32>} : memref<64x128xf32, #tpu.memory_space<vmem>>, vector<16xf32>,
        tpu.vector_store %arg11[%parallel_loop3A_219, %parallel_loop3A_220], %parallel_loop3A_218 {strides = array<i32>} : memref<64x128xf32, #tpu.memory_space<vmem>>, vector<16xf32>,
        %parallel_loop3A_222 = tpu.vector_load_idx %arg9[%add3A_33, %parallel_loop3A_186] : memref<128x128xf32, #tpu.memory_space<vmem>>[vector<16xi32>, vector<16xi32>], vector<16xf32>,
        %parallel_loop3A_223 = arith.constant 8.000000e+00 : f32
        %parallel_loop3A_224 = vector.broadcast %parallel_loop3A_223 : f32 to vector<16xf32>
        %parallel_loop3A_225 = arith.mulf %parallel_loop3A_222, %parallel_loop3A_224 : vector<16xf32>
        %parallel_loop3A_226 = arith.index_cast %parallel_loop3A_185 : i32 to index
        %parallel_loop3A_227 = arith.constant 80 : index
        %parallel_loop3A_228 = tpu.vector_load %arg11[%parallel_loop3A_226, %parallel_loop3A_227] {strides = array<i32>} : memref<64x128xf32, #tpu.memory_space<vmem>>, vector<16xf32>,
        tpu.vector_store %arg11[%parallel_loop3A_226, %parallel_loop3A_227], %parallel_loop3A_225 {strides = array<i32>} : memref<64x128xf32, #tpu.memory_space<vmem>>, vector<16xf32>,
        %parallel_loop3A_229 = tpu.vector_load_idx %arg9[%add3A_36, %parallel_loop3A_186] : memref<128x128xf32, #tpu.memory_space<vmem>>[vector<16xi32>, vector<16xi32>], vector<16xf32>,
        %parallel_loop3A_230 = arith.constant 8.000000e+00 : f32
        %parallel_loop3A_231 = vector.broadcast %parallel_loop3A_230 : f32 to vector<16xf32>
        %parallel_loop3A_232 = arith.mulf %parallel_loop3A_229, %parallel_loop3A_231 : vector<16xf32>
        %parallel_loop3A_233 = arith.index_cast %parallel_loop3A_185 : i32 to index
        %parallel_loop3A_234 = arith.constant 96 : index
        %parallel_loop3A_235 = tpu.vector_load %arg11[%parallel_loop3A_233, %parallel_loop3A_234] {strides = array<i32>} : memref<64x128xf32, #tpu.memory_space<vmem>>, vector<16xf32>,
        tpu.vector_store %arg11[%parallel_loop3A_233, %parallel_loop3A_234], %parallel_loop3A_232 {strides = array<i32>} : memref<64x128xf32, #tpu.memory_space<vmem>>, vector<16xf32>,
        %parallel_loop3A_236 = tpu.vector_load_idx %arg9[%add3A_39, %parallel_loop3A_186] : memref<128x128xf32, #tpu.memory_space<vmem>>[vector<16xi32>, vector<16xi32>], vector<16xf32>,
        %parallel_loop3A_237 = arith.constant 8.000000e+00 : f32
        %parallel_loop3A_238 = vector.broadcast %parallel_loop3A_237 : f32 to vector<16xf32>
        %parallel_loop3A_239 = arith.mulf %parallel_loop3A_236, %parallel_loop3A_238 : vector<16xf32>
        %parallel_loop3A_240 = arith.index_cast %parallel_loop3A_185 : i32 to index
        %parallel_loop3A_241 = arith.constant 112 : index
        %parallel_loop3A_242 = tpu.vector_load %arg11[%parallel_loop3A_240, %parallel_loop3A_241] {strides = array<i32>} : memref<64x128xf32, #tpu.memory_space<vmem>>, vector<16xf32>,
        tpu.vector_store %arg11[%parallel_loop3A_240, %parallel_loop3A_241], %parallel_loop3A_239 {strides = array<i32>} : memref<64x128xf32, #tpu.memory_space<vmem>>, vector<16xf32>,
      } {sc.loop_unroll_factor = 16 : i64, sc.parallel_access}
      %dma_start3A_178 = arith.constant 0 : i32
      %dma_start3A_179 = tpu.memref_slice %arg4[%add3A_156, %dma_start3A_178, %mul3A_2] : memref<200x64x4096xf32, #tpu.memory_space<hbm>> -> memref<1x64x128xf32, #tpu.memory_space<hbm>>
      %dma_start3A_180 = tpu.memref_squeeze %dma_start3A_179 : memref<1x64x128xf32, #tpu.memory_space<hbm>> -> memref<64x128xf32, #tpu.memory_space<hbm>>
      %dma_start3A_181 = arith.constant 0 : i32
      %dma_start3A_182 = tpu.memref_slice %arg4[%add3A_156, %dma_start3A_181, %mul3A_2] : memref<200x64x4096xf32, #tpu.memory_space<hbm>> -> memref<1x64x128xf32, #tpu.memory_space<hbm>>
      %dma_start3A_183 = tpu.memref_squeeze %dma_start3A_182 : memref<1x64x128xf32, #tpu.memory_space<hbm>> -> memref<64x128xf32, #tpu.memory_space<hbm>>
      tpu.enqueue_dma source(%arg11 : memref<64x128xf32, #tpu.memory_space<vmem>>) target(%dma_start3A_183 : memref<64x128xf32, #tpu.memory_space<hbm>>) target_semaphore(%arg17 : memref<!tpu.dma_semaphore, #tpu.memory_space<semaphore_mem>>)
      %scan3A_184 = arith.constant 0 : i32
      scf.yield %scan3A_184 : i32
    }
    %scan3A_45 = arith.constant 50 : i32
    %dma_wait3A = arith.constant 0 : i32
    %dma_wait3A_46 = arith.constant 0 : i32
    %dma_wait3A_47 = arith.constant 0 : i32
    %dma_wait3A_48 = tpu.memref_slice %arg4[%dma_wait3A, %dma_wait3A_46, %dma_wait3A_47] : memref<200x64x4096xf32, #tpu.memory_space<hbm>> -> memref<1x64x128xf32, #tpu.memory_space<hbm>>
    %dma_wait3A_49 = tpu.memref_squeeze %dma_wait3A_48 : memref<1x64x128xf32, #tpu.memory_space<hbm>> -> memref<64x128xf32, #tpu.memory_space<hbm>>
    %dma_wait3A_50 = arith.constant 0 : i32
    %dma_wait3A_51 = arith.constant 0 : i32
    %dma_wait3A_52 = tpu.memref_slice %arg4[%dma_wait3A, %dma_wait3A_50, %dma_wait3A_51] : memref<200x64x4096xf32, #tpu.memory_space<hbm>> -> memref<1x64x128xf32, #tpu.memory_space<hbm>>
    %dma_wait3A_53 = tpu.memref_squeeze %dma_wait3A_52 : memref<1x64x128xf32, #tpu.memory_space<hbm>> -> memref<64x128xf32, #tpu.memory_space<hbm>>
    tpu.wait_dma2 semaphore(%arg16 : memref<!tpu.dma_semaphore, #tpu.memory_space<semaphore_mem>>) src(%arg10 : memref<64x128xf32, #tpu.memory_space<vmem>>) dst(%dma_wait3A_53 : memref<64x128xf32, #tpu.memory_space<hbm>>)
    %dma_wait3A_54 = arith.constant 0 : i32
    %dma_wait3A_55 = arith.constant 0 : i32
    %dma_wait3A_56 = arith.constant 0 : i32
    %dma_wait3A_57 = tpu.memref_slice %arg4[%dma_wait3A_54, %dma_wait3A_55, %dma_wait3A_56] : memref<200x64x4096xf32, #tpu.memory_space<hbm>> -> memref<1x64x128xf32, #tpu.memory_space<hbm>>
    %dma_wait3A_58 = tpu.memref_squeeze %dma_wait3A_57 : memref<1x64x128xf32, #tpu.memory_space<hbm>> -> memref<64x128xf32, #tpu.memory_space<hbm>>
    %dma_wait3A_59 = arith.constant 0 : i32
    %dma_wait3A_60 = arith.constant 0 : i32
    %dma_wait3A_61 = tpu.memref_slice %arg4[%dma_wait3A_54, %dma_wait3A_59, %dma_wait3A_60] : memref<200x64x4096xf32, #tpu.memory_space<hbm>> -> memref<1x64x128xf32, #tpu.memory_space<hbm>>
    %dma_wait3A_62 = tpu.memref_squeeze %dma_wait3A_61 : memref<1x64x128xf32, #tpu.memory_space<hbm>> -> memref<64x128xf32, #tpu.memory_space<hbm>>
    tpu.wait_dma2 semaphore(%arg17 : memref<!tpu.dma_semaphore, #tpu.memory_space<semaphore_mem>>) src(%arg11 : memref<64x128xf32, #tpu.memory_space<vmem>>) dst(%dma_wait3A_62 : memref<64x128xf32, #tpu.memory_space<hbm>>)
    return
  }
}

</mosaic_0001>

<sc_bundles>
// kernel: kernel.3.cloned.1.call-start
scs
__scs_entry_jumppad:
0x0: {  	(pc) =	sbr.rel $0x88, $3  }
0x1: {  	(tag) =	ssettag $0x0;
	lr =	simm.s32 $0x1  }
0x2: {  	[smem:$0x3F9F] =	sst lr;
	_ =	strace $0xD0000000  }
0x3: {  	_ = 	snop  }
0x4: {  	_ = 	snop  }
0x5: {  	_ = 	snop  }
0x6: {  	_ = 	snop  }
0x7: {  	_ = 	snop  }
__scs_overlays_trampoline_lowered:
0x8: {  	[smem:$0x3FAE] =	sst s0  }
0x9: {  	[smem:$0x3FAF] =	sst s1  }
0xa: {  	[smem:$0x3FB0] =	sst s2  }
0xb: {  	[smem:$0x3FB1] =	sst s3  }
0xc: {  	[smem:$0x3FB2] =	sst s4  }
0xd: {  	[smem:$0x3FB3] =	sst s5  }
0xe: {  	[smem:$0x3FB4] =	sst s6  }
0xf: {  	[smem:$0x3FB5] =	sst s7  }
0x10: {  	[smem:$0x3FB6] =	sst s8  }
0x11: {  	[smem:$0x3FB7] =	sst s9;
	s0 =	simm.s32 @!p0 $0x0  }
0x12: {  	s1 =	sld [smem:$0x3F9D];
	s0 =	simm.s32 @p0 $0x1  }
0x13: {  	[smem:$0x3FB8] =	sst s0;
	s0 =	simm.s32 @!p1 $0x0  }
0x14: {  	s2 =	sld [smem:$0x3F9C];
	s0 =	simm.s32 @p1 $0x1  }
0x15: {  	[smem:$0x3FB9] =	sst s0;
	s0 =	simm.s32 @!p2 $0x0  }
0x16: {  	s3 =	sld [smem:$0x3FDB];
	s0 =	simm.s32 @p2 $0x1  }
0x17: {  	s4 =	simm.s32 $0x1BF5;
	[smem:$0x3FBB] =	sst s0  }
0x18: {  	s0 =	sld [smem:$0x3F9E];
	_ =	swait.ge [sflag:s4], $0x0  }
0x19: {  	s7 =	sld [smem:$0x3F9F]  }
0x1a: {  	s8 =	sadd.s32 $0xFFFFE003, lr  }
0x1b: {  	s9 =	sadd.s32 $0xFFFFFEF7, lr;
	s5 =	simm.s32 $0xFFFFFFFF;
	p2 =	slt.u32 s8, $0xFFFFF086  }
0x1c: {  	p1 =	slt.u32 s9, $0xF7A;
	s5 =	simm.s32 @!p2 $0x0  }
0x1d: {  	s5 =	simm.s32 @p1 $0x1;
	p0 =	seq.s32 s7, s2  }
0x1e: {  	s7 =	smul.u32 @!p0 $0xF7A, s2;
	p2 =	seq.s32 @!p0 s5, $0x0  }
0x1f: {  	s9 =	smul.u32 $0xF7A, s1;
	s8 =	simm.s32 @!p0 $0x1BF5;
	p2 =	por !p2, p0  }
0x20: {  	[sflag:s8] =	ssyncset.s32 @!p0 $0xFFFFF086;
	s6 =	sadd.s32 @!p0 s3, s7;
	s7 =	simm.s32 @!p0 $0x108  }
0x21: {  	s3 =	sadd.s32 s3, s9;
	s6 =	sadd.s32 @!p0 $0x88, s6;
	s7 =	simm.s32 @p2 $0x1082  }
0x22: {  	[simem:s7], [sflag:s8] =	dma.local @!p0 [hbm:s6], $0xF7A  }
0x23: {  	s9 =	sor.u32 $0xD0000000, s2;
	s6 =	simm.s32 $0x108;
	_ =	swait.ge @!p0 [sflag:s8], $0x0  }
0x24: {  	s3 =	sadd.s32 $0x88, s3;
	s6 =	simm.s32 @!p1 $0x1082;
	[sflag:s4] =	ssyncset.s32 $0xFFFFF086  }
0x25: {  	[simem:s6], [sflag:s4] =	dma.local [hbm:s3], $0xF7A  }
0x26: {  	[smem:$0x3F9F] =	sst s1;
	(tag) =	ssettag s2;
	_ =	strace s9  }
0x27: {  	s1 =	sld [smem:$0x3FAF]  }
0x28: {  	s2 =	sld [smem:$0x3FB0]  }
0x29: {  	s4 =	sld [smem:$0x3FB2]  }
0x2a: {  	p0 =	seq.s32 s5, $0x0;
	s5 =	sld [smem:$0x3FB3]  }
0x2b: {  	s6 =	sld [smem:$0x3FB4]  }
0x2c: {  	s7 =	sld [smem:$0x3FB5]  }
0x2d: {  	s3 =	simm.s32 $0x108;
	s8 =	sld [smem:$0x3FB6]  }
0x2e: {  	s3 =	simm.s32 @!p0 $0x1082;
	s9 =	sld [smem:$0x3FB7]  }
0x2f: {  	lr =	sadd.s32 s0, s3;
	s0 =	sld [smem:$0x3FAE]  }
0x30: {  	s3 =	sld [smem:$0x3FB1]  }
0x31: {  	[smem:$0x3FBA] =	sst s10  }
0x32: {  	s10 =	sld [smem:$0x3FB8];
	_ =	sdelay $0x3  }
0x33: {  	p0 =	seq.s32 s10, $0x1;
	s10 =	sld [smem:$0x3FBA];
	_ =	sdelay $0x3  }
0x34: {  	[smem:$0x3FBA] =	sst s10  }
0x35: {  	s10 =	sld [smem:$0x3FB9];
	_ =	sdelay $0x3  }
0x36: {  	p1 =	seq.s32 s10, $0x1;
	s10 =	sld [smem:$0x3FBA];
	_ =	sdelay $0x3  }
0x37: {  	[smem:$0x3FBA] =	sst s10  }
0x38: {  	s10 =	sld [smem:$0x3FBB]  }
0x39: {  	_ = 	snop;
	(pc) =	sbr.ind lr, $3  }
0x3a: {  	_ = 	snop  }
0x3b: {  	_ = 	snop  }
0x3c: {  	p2 =	seq.s32 s10, $0x1;
	s10 =	sld [smem:$0x3FBA]  }
0x3d: {  	_ =	shalt  }
0x3e: {  	_ =	shalt  }
0x3f: {  	_ =	shalt  }
0x40: {  	_ =	shalt  }
0x41: {  	_ =	shalt  }
0x42: {  	_ =	shalt  }
0x43: {  	_ =	shalt  }
0x44: {  	_ =	shalt  }
0x45: {  	_ =	shalt  }
0x46: {  	_ =	shalt  }
0x47: {  	_ =	shalt  }
0x48: {  	_ =	shalt  }
0x49: {  	_ =	shalt  }
0x4a: {  	_ =	shalt  }
0x4b: {  	_ =	shalt  }
0x4c: {  	_ =	shalt  }
0x4d: {  	_ =	shalt  }
0x4e: {  	_ =	shalt  }
0x4f: {  	_ =	shalt  }
0x50: {  	_ =	shalt  }
0x51: {  	_ =	shalt  }
0x52: {  	_ =	shalt  }
0x53: {  	_ =	shalt  }
0x54: {  	_ =	shalt  }
0x55: {  	_ =	shalt  }
0x56: {  	_ =	shalt  }
0x57: {  	_ =	shalt  }
0x58: {  	_ =	shalt  }
0x59: {  	_ =	shalt  }
0x5a: {  	_ =	shalt  }
0x5b: {  	_ =	shalt  }
0x5c: {  	_ =	shalt  }
0x5d: {  	_ =	shalt  }
0x5e: {  	_ =	shalt  }
0x5f: {  	_ =	shalt  }
0x60: {  	_ =	shalt  }
0x61: {  	_ =	shalt  }
0x62: {  	_ =	shalt  }
0x63: {  	_ =	shalt  }
0x64: {  	_ =	shalt  }
0x65: {  	_ =	shalt  }
0x66: {  	_ =	shalt  }
0x67: {  	_ =	shalt  }
0x68: {  	_ =	shalt  }
0x69: {  	_ =	shalt  }
0x6a: {  	_ =	shalt  }
0x6b: {  	_ =	shalt  }
0x6c: {  	_ =	shalt  }
0x6d: {  	_ =	shalt  }
0x6e: {  	_ =	shalt  }
0x6f: {  	_ =	shalt  }
0x70: {  	_ =	shalt  }
0x71: {  	_ =	shalt  }
0x72: {  	_ =	shalt  }
0x73: {  	_ =	shalt  }
0x74: {  	_ =	shalt  }
0x75: {  	_ =	shalt  }
0x76: {  	_ =	shalt  }
0x77: {  	_ =	shalt  }
0x78: {  	_ =	shalt  }
0x79: {  	_ =	shalt  }
0x7a: {  	_ =	shalt  }
0x7b: {  	_ =	shalt  }
0x7c: {  	_ =	shalt  }
0x7d: {  	_ =	shalt  }
0x7e: {  	_ =	shalt  }
0x7f: {  	_ =	shalt  }
0x80: {  	_ =	shalt  }
0x81: {  	_ =	shalt  }
0x82: {  	_ =	shalt  }
0x83: {  	_ =	shalt  }
0x84: {  	_ =	shalt  }
0x85: {  	_ =	shalt  }
0x86: {  	_ =	shalt  }
0x87: {  	_ =	shalt  }
.Lfunc_end0:
.L_simem_size_0:
called_computation_lowered:
.L_overlay_start_0:
0x88: {  	s2 =	sld [smem:$0x3FD9]  }
0x89: {  	s3 =	sld [smem:$0x3FFE];
	_ =	sdelay $0x1  }
0x8a: {  	s1 =	srdreg.scid  }
0x8b: {  	s0 =	sand.u32 $0x1, s1  }
0x8c: {  	s17 =	sshll.u32 s0, $0xA;
	s2 =	sadd.s32 s3, s2  }
0x8d: {  	s2 =	sadd.s32 s2, s17  }
0x8e: {  	[smem:$0x3FC6] =	sst s2  }
0x8f: {  	_ = 	snop  }
0x90: {  	s2 =	sld [smem:$0x3FC9]  }
0x91: {  	s18 =	sld [smem:$0x3FD0];
	(tm) =	ssettm $0x1  }
0x92: {  	s4 =	sld [smem:$0x3FFB];
	_ =	sdelay $0x3  }
0x93: {  	_ =	strace s4  }
0x94: {  	s4 =	sld [smem:$0x3FFC];
	_ =	sdelay $0x3  }
0x95: {  	_ =	strace s4  }
0x96: {  	s4 =	sld [smem:$0x3FFD];
	_ =	sdelay $0x3  }
0x97: {  	_ =	strace s4  }
0x98: {  	_ =	strace $0x8FFFFFFF  }
0x99: {  	s19 =	sld [smem:$0x3FDB];
	_ =	sdelay $0x1  }
0x9a: {  	s5 =	simm.s32 $_scs_section_size  }
0x9b: {  	s6 =	simm.s32 $_size__tile_overlayer_lowered;
	s7 =	simm.s32 $_tile_overlayer_lowered  }
0x9c: {  	s22 =	simm.s32 $0x1BFF;
	s21 =	sshll.u32 s7, $0x1;
	s4 =	sadd.s32 s5, s19  }
0x9d: {  	s8 =	simm.s32 $0x0;
	s20 =	sshll.u32 s6, $0x1;
	s6 =	sadd.s32 s21, s4  }
0x9e: {  	[timem:s8], [sflag:s22] =	dma.local [hbm:s6], s20  }
0x9f: {  	_ =	swait.ge [sflag:s22], s20  }
0xa0: {  	s5 =	ssub.s32 $0x0, s20;
	[sflag:s22] =	ssyncset.done $0x0  }
0xa1: {  	[sflag:s22] =	ssyncadd.s32 s5;
	_ =	sdelay $0x1  }
0xa2: {  	s23 =	simm.s32 $0x1B8B  }
0xa3: {  	_ =	swait.ge [sflag:s23], $0x1  }
0xa4: {  	[sflag:s23] =	ssyncset.done $0x0  }
0xa5: {  	s25 =	simm.s32 $0x1B8E;
	s24 =	sld [smem:$0x3FFE];
	[sflag:s23] =	ssyncadd.s32 $0xFFFFFFFF  }
0xa6: {  	s26 =	simm.s32 $execute0_lowered;
	[smem:$0x3FD2] =	sst s25  }
0xa7: {  	s6 =	sshll.u32 s26, $0x1;
	_ =	strace $0x80000046;
	[dreg:$0x1] =	wrdreg $0xFFFFFFFF  }
0xa8: {  	s28 =	simm.s32 $_size_execute0_lowered;
	s4 =	sadd.s32 s4, s6;
	[dreg:$0x0] =	wrdreg $0x0  }
0xa9: {  	s6 =	sshll.u32 s28, $0x1;
	[dreg:$0x2] =	wrdreg s4  }
0xaa: {  	[dreg:$0x3] =	wrdreg s6  }
0xab: {  	[dreg:$0x4] =	wrdreg $0xC0  }
0xac: {  	_ =	task [dreg:s8], $0x5FFFF  }
0xad: {  	[dreg:$0x1] =	wrdreg $0xFFFFFFFF  }
0xae: {  	[dreg:$0x0] =	wrdreg $0x60  }
0xaf: {  	[dreg:$0x2] =	wrdreg s24  }
0xb0: {  	[dreg:$0x3] =	wrdreg s2  }
0xb1: {  	[dreg:$0x4] =	wrdreg s18  }
0xb2: {  	[dreg:$0x5] =	wrdreg $0x9  }
0xb3: {  	_ =	task.clear_ibuf [dreg:s8], $0x6FFFF;
	_ =	strace $0x90000046  }
0xb4: {  	s29 =	simm.s32 $0x9;
	_ =	strace $0x80000048  }
0xb5: {  	_ =	swait.ge [sflag:s29], $0x1  }
0xb6: {  	[sflag:s29] =	ssyncadd.s32 $0xFFFFFFFF  }
0xb7: {  	_ =	strace $0x90000048  }
0xb8: {  	_ =	sfence  }
0xb9: {  	s30 =	sld [smem:$0x0];
	_ =	sdelay $0x2  }
0xba: {  	s31 =	sshll.u32 s1, $0xD;
	s1 =	sshrl.u32 s1, $0x2  }
0xbb: {  	s3 =	sand.u32 $0x4000, s31;
	s1 =	sadd.s32 s1, s30  }
0xbc: {  	s0 =	sor.u32 s3, s0;
	s1 =	sshll.u32 s1, $0x11  }
0xbd: {  	s0 =	sor.u32 s1, s0  }
0xbe: {  	s0 =	sadd.s32 $0x8F2B, s0  }
0xbf: {  	[sflag:s0] =	ssyncadd.remote.s32 $0x1  }
0xc0: {  	_ =	sfence.sel $0xFFFF  }
0xc1: {  	[dreg:$0x0] =	wrdreg $0xFFFFFFFF;
	(pc) =	sbr.abs _section_cstart, $3  }
0xc2: {  	[dreg:$0x1] =	wrdreg $0xFFFFFFFF  }
0xc3: {  	_ =	task.clear_ibuf [dreg:s8], $0x2FFFF;
	_ =	strace $0x9FFFFFFF  }
0xc4: {  	(tm) =	ssettm $0x7FFFFFFF  }
0xc5: {  	_ =	shalt  }
tec
execute0_lowered:
.L_overlay_start_1:
0x0: {  	(tag) =	ssettag $0x1  }
0x1: {  	s0 =	rddreg [dreg:$0x0]  }
0x2: {  	s1 =	rddreg [dreg:$0x1]  }
0x3: {  	s2 =	rddreg [dreg:$0x2];
	s4 =	srdreg.scid  }
0x4: {  	s3 =	simm.s32 $0x0;
	s5 =	stileid.u32;
	s9 =	simm.s32 $0x400  }
0x5: {  	s10 =	simm.s32 $0x8000;
	s11 =	simm.s32 $0x7;
	s12 =	simm.s32 $0x80  }
0x6: {  	s13 =	simm.s32 $0x6400;
	s14 =	simm.s32 $0xA400;
	s15 =	simm.s32 $0x1  }
0x7: {  	s16 =	simm.s32 $0xE400;
	s17 =	simm.s32 $0x16400;
	s18 =	simm.s32 $0x2  }
0x8: {  	s19 =	simm.s32 $0x12400;
	s20 =	simm.s32 $0x18400;
	s21 =	simm.s32 $0x3  }
0x9: {  	v0 =	vlaneseq.u32;
	s22 =	simm.s32 $0x5;
	s23 =	simm.s32 $0x4;
	s24 =	simm.s32 $0x6  }
0xa: {  	s25 =	simm.s32 $0x0;
	s4 =	sand.u32 $0x1, s4;
	[smem:$0x7FF] =	sst s3;
	v0 =	vmul.u32 $0x80, v0  }
0xb: {  	s5 =	sshll.u32 s5, $0xB;
	s6 =	sshll.u32 s4, $0xA;
	s7 =	ssub.s32 $0x2, s4  }
0xc: {  	_ =	strace $0x80000047;
	s4 =	sor.u32 s6, s5;
	s31 =	sshrl.u32 s7, $0x1;
	v1 =	vor.u32 $0x800, v0  }
0xd: {  	s5 =	sadd.s32 $0xF42800, s0;
	v2 =	vor.u32 $0x1000, v0;
	v3 =	vor.u32 $0x1800, v0;
	v4 =	vor.u32 $0x2000, v0;
	s6 =	sshrl.u32 s4, $0x3;
	s0 =	ssub.s32 s7, s31  }
0xe: {  	v5 =	vor.u32 $0x2800, v0;
	v6 =	vor.u32 $0x3000, v0;
	v7 =	vor.u32 $0x3800, v0;
	s7 =	sadd.s32 $0x8000, s2;
	s6 =	sadd.s32 s1, s6;
	s8 =	smax.u32 s0, $0x1  }
.LBB2_1:
0xf: {  	[tilespmem:s3], [sflag:$0x7] =	stream.strided.gather [hbm4b:s6+s9], $0x6400, s10, s9, $0x38;
	[tilespmem:$0x1A400] =	vst v63  }
0x10: {  	_ =	swait.ge [sflag:s11], $0x6400  }
0x11: {  	[sflag:s11] =	ssyncset.done $0x0  }
0x12: {  	[sflag:s11] =	ssyncadd.s32 $0xFFFF9C00  }
0x13: {  	[tilespmem:s13], [sflag:$0x1] =	stream.indirect.gather [hbm4b:s5+s12], $0x80, s3, s12, $0xb8;
	[tilespmem:$0x1A400] =	vst v63  }
0x14: {  	s26 =	simm.s32 $0x0  }
0x15: {  	[tilespmem:s14], [sflag:$0x2] =	stream.indirect.gather [hbm4b:s5+s12], $0x80, s12, s12, $0xb8;
	[tilespmem:$0x1A400] =	vst v63  }
.LBB2_2:
0x16: {  	s0 =	simm.s32 $0x0;
	s1 =	simm.s32 $0x2;
	s28 =	simm.s32 $0x3  }
0x17: {  	s30 =	simm.s32 $0x9;
	v8 =	vmov s0;
	v9 =	vmov s1;
	v10 =	vmov s28;
	s1 =	simm.s32 $0x5  }
0x18: {  	_ =	swait.ge [sflag:s15], $0x4000;
	s29 =	sshll.u32 s26, $0x2;
	s28 =	simm.s32 $0x6;
	v19 =	vmov s30;
	v8 =	vand.u32 $0x70, v8;
	v12 =	vmov s1  }
0x19: {  	[sflag:s15] =	ssyncset.done $0x0;
	s0 =	simm.s32 $0x1;
	v14 =	vmov s28;
	s1 =	simm.s32 $0x8;
	v9 =	vand.u32 $0x72, v9;
	v13 =	vbroadcast v8, $0x0  }
0x1a: {  	s28 =	sor.u32 $0x2, s29;
	v8 =	vmov s0;
	s0 =	simm.s32 $0x4;
	v17 =	vmov s1;
	s1 =	simm.s32 $0xB;
	v23 =	vbroadcast v9, $0x0  }
0x1b: {  	[sflag:s15] =	ssyncadd.s32 $0xFFFFC000;
	s30 =	sshll.u32 s28, $0x7;
	v9 =	vand.u32 $0x75, v12;
	v11 =	vmov s0;
	s0 =	simm.s32 $0x7;
	v26 =	vmov s1  }
0x1c: {  	s1 =	simm.s32 $0xD;
	s30 =	sand.u32 $0x3FFFFF00, s30;
	v8 =	vand.u32 $0x71, v8;
	v16 =	vbroadcast v9, $0x0;
	v15 =	vmov s0;
	s0 =	simm.s32 $0xA  }
0x1d: {  	v20 =	vor.u32 v0, v13;
	v28 =	vmov s1;
	[tilespmem:s16], [sflag:$0x3] =	stream.indirect.gather [hbm4b:s5+s12], $0x80, s30, s12, $0xb8;
	v24 =	vbroadcast v8, $0x0;
	[tilespmem:$0x1A400] =	vst v63  }
0x1e: {  	p0 =	seq.s32 s26, $0x0;
	v8 =	vand.u32 $0x73, v10;
	v10 =	vand.u32 $0x74, v11;
	v25 =	vmov s0;
	s0 =	simm.s32 $0xC  }
0x1f: {  	s1 =	simm.s32 $0xE;
	v21 =	vbroadcast v8, $0x0;
	v27 =	vmov s0;
	s0 =	simm.s32 @!p0 $0x5;
	v11 =	vor.u32 v0, v24  }
0x20: {  	v29 =	vmov s1;
	v18 =	vbroadcast v10, $0x0;
	v10 =	vor.u32 v0, v23;
	s1 =	simm.s32 $0xF;
	_ =	swait.ge @!p0 [sflag:s0], $0x2000  }
0x21: {  	v8 =	vand.u32 $0x76, v14;
	v14 =	vmov s1;
	v12 =	vor.u32 v0, v21;
	[sflag:s0] =	ssyncset.done @!p0 $0x0  }
0x22: {  	v9 =	vbroadcast v8, $0x0;
	v30 =	vor.u32 v0, v18;
	v8 =	vand.u32 $0x7F, v14;
	[sflag:s0] =	ssyncadd.s32 @!p0 $0xFFFFE000  }
0x23: {  	v14 =	vand.u32 $0x77, v15;
	v15 =	vor.u32 v0, v16;
	v8 =	vbroadcast v8, $0x0;
	v31 =	vld.idx.msk [tilespmem:v20+s13+$0x0], $0xffff  }
0x24: {  	v17 =	vand.u32 $0x78, v17;
	v22 =	vbroadcast v14, $0x0;
	v32 =	vld.idx.msk [tilespmem:v11+s13+$0x0], $0xffff;
	v11 =	vor.u32 v0, v9  }
0x25: {  	v14 =	vand.u32 $0x79, v19;
	v19 =	vbroadcast v17, $0x0;
	v33 =	vld.idx.msk [tilespmem:v10+s13+$0x0], $0xffff;
	v34 =	vor.u32 v0, v8  }
0x26: {  	v10 =	vand.u32 $0x7A, v25;
	v20 =	vbroadcast v14, $0x0;
	v25 =	vld.idx.msk [tilespmem:v12+s13+$0x0], $0xffff;
	v12 =	vor.u32 v0, v22  }
0x27: {  	v14 =	vand.u32 $0x7B, v26;
	v17 =	vbroadcast v10, $0x0;
	v26 =	vld.idx.msk [tilespmem:v30+s13+$0x0], $0xffff;
	v30 =	vor.u32 v0, v19  }
0x28: {  	v10 =	vand.u32 $0x7C, v27;
	v14 =	vbroadcast v14, $0x0;
	v15 =	vld.idx.msk [tilespmem:v15+s13+$0x0], $0xffff;
	v27 =	vor.u32 v0, v20  }
0x29: {  	v28 =	vand.u32 $0x7D, v28;
	v10 =	vbroadcast v10, $0x0;
	v36 =	vor.u32 v0, v17;
	v35 =	vld.idx.msk [tilespmem:v11+s13+$0x0], $0xffff  }
0x2a: {  	v37 =	vor.u32 v0, v14;
	v11 =	vbroadcast v28, $0x0;
	v28 =	vand.u32 $0x7E, v29;
	v29 =	vld.idx.msk [tilespmem:v34+s13+$0x0], $0xffff  }
0x2b: {  	v42 =	vor.u32 v1, v23;
	v53 =	vld.idx.msk [tilespmem:v12+s13+$0x0], $0xffff  }
0x2c: {  	v38 =	vor.u32 v0, v10;
	v12 =	vbroadcast v28, $0x0;
	v28 =	vld.idx.msk [tilespmem:v30+s13+$0x0], $0xffff  }
0x2d: {  	v41 =	vor.u32 v1, v24;
	v33 =	vmul.f32 $8.000000000e+00, v33;
	v27 =	vld.idx.msk [tilespmem:v27+s13+$0x0], $0xffff  }
0x2e: {  	s30 =	simm.s32 $0x16800;
	v43 =	vor.u32 v1, v21;
	v36 =	vld.idx.msk [tilespmem:v36+s13+$0x0], $0xffff  }
0x2f: {  	v44 =	vor.u32 v1, v18;
	v32 =	vmul.f32 $8.000000000e+00, v32;
	[tilespmem:s30+$0xFFFFFD00] =	vst v33;
	v37 =	vld.idx.msk [tilespmem:v37+s13+$0x0], $0xffff  }
0x30: {  	v25 =	vmul.f32 $8.000000000e+00, v25;
	v30 =	vor.u32 v0, v11;
	v57 =	vld.idx.msk [tilespmem:v42+s13+$0x0], $0xffff  }
0x31: {  	v26 =	vmul.f32 $8.000000000e+00, v26;
	[tilespmem:s30+$0xFFFFFC80] =	vst v32;
	v39 =	vor.u32 v0, v12;
	v38 =	vld.idx.msk [tilespmem:v38+s13+$0x0], $0xffff  }
0x32: {  	v40 =	vor.u32 v1, v8;
	v31 =	vmul.f32 $8.000000000e+00, v31;
	v55 =	vld.idx.msk [tilespmem:v41+s13+$0x0], $0xffff;
	[tilespmem:s30+$0xFFFFFD80] =	vst v25  }
0x33: {  	v56 =	vor.u32 v1, v9;
	v15 =	vmul.f32 $8.000000000e+00, v15;
	[tilespmem:s30+$0xFFFFFE00] =	vst v26;
	v58 =	vld.idx.msk [tilespmem:v43+s13+$0x0], $0xffff  }
0x34: {  	v49 =	vor.u32 v1, v13;
	[tilespmem:s30+$0xFFFFFC00] =	vst v31;
	v60 =	vld.idx.msk [tilespmem:v44+s13+$0x0], $0xffff;
	v29 =	vmul.f32 $8.000000000e+00, v29  }
0x35: {  	v25 =	vor.u32 v1, v22;
	[tilespmem:s30+$0xFFFFFE80] =	vst v15;
	v26 =	vmul.f32 $8.000000000e+00, v35;
	v30 =	vld.idx.msk [tilespmem:v30+s13+$0x0], $0xffff  }
0x36: {  	v59 =	vor.u32 v1, v19;
	v15 =	vmul.f32 $8.000000000e+00, v53;
	[tilespmem:s30+$0x380] =	vst v29;
	v39 =	vld.idx.msk [tilespmem:v39+s13+$0x0], $0xffff  }
0x37: {  	v52 =	vor.u32 v2, v23;
	[tilespmem:s30+$0xFFFFFF00] =	vst v26;
	v26 =	vmul.f32 $8.000000000e+00, v28;
	v54 =	vld.idx.msk [tilespmem:v40+s13+$0x0], $0xffff  }
0x38: {  	v62 =	vor.u32 v1, v10;
	v36 =	vmul.f32 $8.000000000e+00, v36;
	v33 =	vld.idx.msk [tilespmem:v56+s13+$0x0], $0xffff;
	[tilespmem:s30+$0xFFFFFF80] =	vst v15  }
0x39: {  	v29 =	vor.u32 v1, v16;
	v53 =	vmul.f32 $8.000000000e+00, v57;
	v47 =	vmul.f32 $8.000000000e+00, v38;
	v38 =	vld.idx.msk [tilespmem:v49+s13+$0x0], $0xffff;
	[tilespmem:s30+$0x0] =	vst v26  }
0x3a: {  	v28 =	vor.u32 v1, v20;
	v25 =	vld.idx.msk [tilespmem:v25+s13+$0x0], $0xffff;
	[tilespmem:s30+$0x100] =	vst v36  }
0x3b: {  	v31 =	vor.u32 v2, v21;
	v40 =	vmul.f32 $8.000000000e+00, v55;
	[tilespmem:s30+$0xFFFFFD10] =	vst v53;
	v35 =	vld.idx.msk [tilespmem:v59+s13+$0x0], $0xffff  }
0x3c: {  	v15 =	vor.u32 v1, v17;
	v26 =	vmul.f32 $8.000000000e+00, v27;
	[tilespmem:s30+$0x200] =	vst v47;
	v59 =	vld.idx.msk [tilespmem:v52+s13+$0x0], $0xffff  }
0x3d: {  	v27 =	vor.u32 v1, v14;
	v55 =	vmul.f32 $8.000000000e+00, v58;
	[tilespmem:s30+$0xFFFFFC90] =	vst v40;
	v51 =	vld.idx.msk [tilespmem:v62+s13+$0x0], $0xffff  }
0x3e: {  	v61 =	vor.u32 v2, v8;
	v57 =	vmul.f32 $8.000000000e+00, v60;
	[tilespmem:s30+$0x80] =	vst v26;
	v29 =	vld.idx.msk [tilespmem:v29+s13+$0x0], $0xffff  }
0x3f: {  	v63 =	vor.u32 v1, v11;
	v26 =	vmul.f32 $8.000000000e+00, v37;
	[tilespmem:s30+$0xFFFFFD90] =	vst v55;
	v28 =	vld.idx.msk [tilespmem:v28+s13+$0x0], $0xffff  }
0x40: {  	v48 =	vor.u32 v1, v12;
	[tilespmem:s30+$0xFFFFFE10] =	vst v57;
	v31 =	vld.idx.msk [tilespmem:v31+s13+$0x0], $0xffff;
	v32 =	vmul.f32 $8.000000000e+00, v54  }
0x41: {  	v58 =	vor.u32 v2, v9;
	v15 =	vld.idx.msk [tilespmem:v15+s13+$0x0], $0xffff;
	[tilespmem:s30+$0x180] =	vst v26;
	v26 =	vmul.f32 $8.000000000e+00, v30  }
0x42: {  	v60 =	vor.u32 v2, v22;
	v50 =	vmul.f32 $8.000000000e+00, v39;
	v27 =	vld.idx.msk [tilespmem:v27+s13+$0x0], $0xffff;
	[tilespmem:s30+$0x390] =	vst v32  }
0x43: {  	v30 =	vor.u32 v2, v24;
	v33 =	vmul.f32 $8.000000000e+00, v33;
	[tilespmem:s30+$0x280] =	vst v26;
	v34 =	vld.idx.msk [tilespmem:v61+s13+$0x0], $0xffff  }
0x44: {  	v54 =	vor.u32 v2, v18;
	v25 =	vmul.f32 $8.000000000e+00, v25;
	[tilespmem:s30+$0x300] =	vst v50;
	v32 =	vld.idx.msk [tilespmem:v63+s13+$0x0], $0xffff  }
0x45: {  	v56 =	vor.u32 v2, v16;
	v35 =	vmul.f32 $8.000000000e+00, v35;
	[tilespmem:s30+$0xFFFFFF10] =	vst v33;
	v36 =	vld.idx.msk [tilespmem:v48+s13+$0x0], $0xffff  }
0x46: {  	v37 =	vld.idx.msk [tilespmem:v58+s13+$0x0], $0xffff;
	[tilespmem:s30+$0xFFFFFF90] =	vst v25;
	v25 =	vor.u32 v2, v17;
	v29 =	vmul.f32 $8.000000000e+00, v29  }
0x47: {  	v63 =	vor.u32 v2, v14;
	v28 =	vmul.f32 $8.000000000e+00, v28;
	v41 =	vld.idx.msk [tilespmem:v60+s13+$0x0], $0xffff;
	[tilespmem:s30+$0x10] =	vst v35  }
0x48: {  	v61 =	vor.u32 v2, v19;
	v30 =	vld.idx.msk [tilespmem:v30+s13+$0x0], $0xffff;
	v15 =	vmul.f32 $8.000000000e+00, v15;
	[tilespmem:s30+$0xFFFFFE90] =	vst v29  }
0x49: {  	v26 =	vor.u32 v3, v8;
	v40 =	vld.idx.msk [tilespmem:v54+s13+$0x0], $0xffff;
	[tilespmem:s30+$0x90] =	vst v28;
	v27 =	vmul.f32 $8.000000000e+00, v27  }
0x4a: {  	v31 =	vmul.f32 $8.000000000e+00, v31;
	v29 =	vor.u32 v2, v20;
	v42 =	vld.idx.msk [tilespmem:v56+s13+$0x0], $0xffff;
	[tilespmem:s30+$0x110] =	vst v15  }
0x4b: {  	v48 =	vor.u32 v2, v11;
	v34 =	vmul.f32 $8.000000000e+00, v34;
	v25 =	vld.idx.msk [tilespmem:v25+s13+$0x0], $0xffff;
	[tilespmem:s30+$0x190] =	vst v27  }
0x4c: {  	v53 =	vor.u32 v3, v9;
	[tilespmem:s30+$0xFFFFFDA0] =	vst v31;
	v32 =	vmul.f32 $8.000000000e+00, v32;
	v35 =	vld.idx.msk [tilespmem:v63+s13+$0x0], $0xffff  }
0x4d: {  	v15 =	vor.u32 v2, v12;
	v27 =	vmul.f32 $8.000000000e+00, v36;
	[tilespmem:s30+$0x3A0] =	vst v34;
	v34 =	vld.idx.msk [tilespmem:v61+s13+$0x0], $0xffff  }
0x4e: {  	v31 =	vor.u32 v3, v22;
	v37 =	vmul.f32 $8.000000000e+00, v37;
	[tilespmem:s30+$0x290] =	vst v32;
	v26 =	vld.idx.msk [tilespmem:v26+s13+$0x0], $0xffff  }
0x4f: {  	v50 =	vor.u32 v3, v24;
	v41 =	vmul.f32 $8.000000000e+00, v41;
	[tilespmem:s30+$0x310] =	vst v27;
	v29 =	vld.idx.msk [tilespmem:v29+s13+$0x0], $0xffff  }
0x50: {  	v52 =	vor.u32 v3, v16;
	v30 =	vmul.f32 $8.000000000e+00, v30;
	[tilespmem:s30+$0xFFFFFF20] =	vst v37;
	v32 =	vld.idx.msk [tilespmem:v48+s13+$0x0], $0xffff  }
0x51: {  	v43 =	vmul.f32 $8.000000000e+00, v59;
	v58 =	vor.u32 v3, v17;
	v59 =	vld.idx.msk [tilespmem:v53+s13+$0x0], $0xffff;
	[tilespmem:s30+$0xFFFFFFA0] =	vst v41  }
0x52: {  	v15 =	vld.idx.msk [tilespmem:v15+s13+$0x0], $0xffff;
	[tilespmem:s30+$0xFFFFFCA0] =	vst v30;
	v30 =	vor.u32 v3, v18;
	v54 =	vmul.f32 $8.000000000e+00, v42  }
0x53: {  	v62 =	vor.u32 v4, v8;
	[tilespmem:s30+$0xFFFFFD20] =	vst v43;
	v31 =	vld.idx.msk [tilespmem:v31+s13+$0x0], $0xffff;
	v25 =	vmul.f32 $8.000000000e+00, v25  }
0x54: {  	v40 =	vmul.f32 $8.000000000e+00, v40;
	v61 =	vor.u32 v3, v14;
	v36 =	vld.idx.msk [tilespmem:v50+s13+$0x0], $0xffff;
	[tilespmem:s30+$0xFFFFFEA0] =	vst v54  }
0x55: {  	v55 =	vor.u32 v3, v19;
	v57 =	vld.idx.msk [tilespmem:v52+s13+$0x0], $0xffff;
	[tilespmem:s30+$0x120] =	vst v25;
	v26 =	vmul.f32 $8.000000000e+00, v26  }
0x56: {  	v28 =	vor.u32 v2, v10;
	[tilespmem:s30+$0xFFFFFE20] =	vst v40;
	v35 =	vmul.f32 $8.000000000e+00, v35;
	v37 =	vld.idx.msk [tilespmem:v58+s13+$0x0], $0xffff  }
0x57: {  	v50 =	vor.u32 v4, v22;
	v34 =	vmul.f32 $8.000000000e+00, v34;
	v30 =	vld.idx.msk [tilespmem:v30+s13+$0x0], $0xffff;
	[tilespmem:s30+$0x3B0] =	vst v26  }
0x58: {  	v49 =	vor.u32 v2, v13;
	[tilespmem:s30+$0x1A0] =	vst v35;
	v26 =	vmul.f32 $8.000000000e+00, v51;
	v33 =	vld.idx.msk [tilespmem:v62+s13+$0x0], $0xffff  }
0x59: {  	[tilespmem:s30+$0x20] =	vst v34;
	v34 =	vld.idx.msk [tilespmem:v61+s13+$0x0], $0xffff;
	v31 =	vmul.f32 $8.000000000e+00, v31;
	v51 =	vor.u32 v3, v23  }
0x5a: {  	v56 =	vor.u32 v3, v20;
	v40 =	vld.idx.msk [tilespmem:v55+s13+$0x0], $0xffff;
	[tilespmem:s30+$0x210] =	vst v26;
	v26 =	vmul.f32 $8.000000000e+00, v38  }
0x5b: {  	v27 =	vor.u32 v5, v8;
	v29 =	vmul.f32 $8.000000000e+00, v29;
	[tilespmem:s30+$0xFFFFFFB0] =	vst v31;
	v28 =	vld.idx.msk [tilespmem:v28+s13+$0x0], $0xffff  }
0x5c: {  	v31 =	vor.u32 v4, v14;
	v42 =	vld.idx.msk [tilespmem:v50+s13+$0x0], $0xffff;
	[tilespmem:s30+$0xFFFFFC10] =	vst v26;
	v30 =	vmul.f32 $8.000000000e+00, v30  }
0x5d: {  	[tilespmem:s30+$0xA0] =	vst v29;
	v26 =	vor.u32 v3, v21;
	v39 =	vld.idx.msk [tilespmem:v49+s13+$0x0], $0xffff;
	v33 =	vmul.f32 $8.000000000e+00, v33  }
0x5e: {  	v29 =	vor.u32 v3, v10;
	v34 =	vmul.f32 $8.000000000e+00, v34;
	v38 =	vld.idx.msk [tilespmem:v51+s13+$0x0], $0xffff;
	[tilespmem:s30+$0xFFFFFE30] =	vst v30  }
0x5f: {  	v15 =	vmul.f32 $8.000000000e+00, v15;
	v30 =	vor.u32 v4, v19;
	[tilespmem:s30+$0x3C0] =	vst v33;
	v33 =	vld.idx.msk [tilespmem:v56+s13+$0x0], $0xffff  }
0x60: {  	v62 =	vor.u32 v3, v12;
	[tilespmem:s30+$0x1B0] =	vst v34;
	v28 =	vmul.f32 $8.000000000e+00, v28;
	v27 =	vld.idx.msk [tilespmem:v27+s13+$0x0], $0xffff  }
0x61: {  	v47 =	vor.u32 v4, v23;
	[tilespmem:s30+$0x320] =	vst v15;
	v40 =	vmul.f32 $8.000000000e+00, v40;
	v31 =	vld.idx.msk [tilespmem:v31+s13+$0x0], $0xffff  }
0x62: {  	v63 =	vor.u32 v3, v13;
	v26 =	vld.idx.msk [tilespmem:v26+s13+$0x0], $0xffff;
	[tilespmem:s30+$0x220] =	vst v28;
	v28 =	vmul.f32 $8.000000000e+00, v39  }
0x63: {  	v54 =	vor.u32 v4, v20;
	[tilespmem:s30+$0x30] =	vst v40;
	v15 =	vmul.f32 $8.000000000e+00, v38;
	v29 =	vld.idx.msk [tilespmem:v29+s13+$0x0], $0xffff  }
0x64: {  	v60 =	vor.u32 v6, v8;
	v30 =	vld.idx.msk [tilespmem:v30+s13+$0x0], $0xffff;
	[tilespmem:s30+$0xFFFFFC20] =	vst v28;
	v33 =	vmul.f32 $8.000000000e+00, v33  }
0x65: {  	v28 =	vld.idx.msk [tilespmem:v62+s13+$0x0], $0xffff;
	[tilespmem:s30+$0xFFFFFD30] =	vst v15;
	v15 =	vor.u32 v4, v16;
	v27 =	vmul.f32 $8.000000000e+00, v27  }
0x66: {  	v48 =	vor.u32 v4, v21;
	v49 =	vmul.f32 $8.000000000e+00, v57;
	v39 =	vld.idx.msk [tilespmem:v47+s13+$0x0], $0xffff;
	[tilespmem:s30+$0xB0] =	vst v33  }
0x67: {  	v25 =	vor.u32 v3, v11;
	v51 =	vmul.f32 $8.000000000e+00, v59;
	[tilespmem:s30+$0x3D0] =	vst v27;
	v27 =	vmul.f32 $8.000000000e+00, v32;
	v32 =	vld.idx.msk [tilespmem:v63+s13+$0x0], $0xffff  }
0x68: {  	v58 =	vor.u32 v4, v10;
	[tilespmem:s30+$0xFFFFFEB0] =	vst v49;
	v26 =	vmul.f32 $8.000000000e+00, v26;
	v59 =	vld.idx.msk [tilespmem:v54+s13+$0x0], $0xffff  }
0x69: {  	v46 =	vor.u32 v4, v24;
	[tilespmem:s30+$0xFFFFFF30] =	vst v51;
	v45 =	vld.idx.msk [tilespmem:v60+s13+$0x0], $0xffff  }
0x6a: {  	[tilespmem:s30+$0xFFFFFDB0] =	vst v26;
	v26 =	vor.u32 v4, v9;
	v29 =	vmul.f32 $8.000000000e+00, v29;
	v55 =	vld.idx.msk [tilespmem:v15+s13+$0x0], $0xffff  }
0x6b: {  	v63 =	vor.u32 v4, v12;
	[tilespmem:s30+$0x2A0] =	vst v27;
	v27 =	vmul.f32 $8.000000000e+00, v36;
	v36 =	vld.idx.msk [tilespmem:v48+s13+$0x0], $0xffff  }
0x6c: {  	v42 =	vmul.f32 $8.000000000e+00, v42;
	v15 =	vor.u32 v4, v17;
	[tilespmem:s30+$0x230] =	vst v29;
	v25 =	vld.idx.msk [tilespmem:v25+s13+$0x0], $0xffff  }
0x6d: {  	v28 =	vmul.f32 $8.000000000e+00, v28;
	v48 =	vor.u32 v5, v23;
	v33 =	vld.idx.msk [tilespmem:v58+s13+$0x0], $0xffff;
	[tilespmem:s30+$0xFFFFFCB0] =	vst v27  }
0x6e: {  	v8 =	vor.u32 v7, v8;
	v56 =	vmul.f32 $8.000000000e+00, v37;
	[tilespmem:s30+$0xFFFFFFC0] =	vst v42;
	v38 =	vld.idx.msk [tilespmem:v46+s13+$0x0], $0xffff  }
0x6f: {  	[tilespmem:s30+$0x330] =	vst v28;
	v28 =	vmul.f32 $8.000000000e+00, v39;
	v27 =	vor.u32 v4, v18;
	v26 =	vld.idx.msk [tilespmem:v26+s13+$0x0], $0xffff  }
0x70: {  	v49 =	vor.u32 v5, v21;
	[tilespmem:s30+$0x130] =	vst v56;
	v34 =	vld.idx.msk [tilespmem:v63+s13+$0x0], $0xffff;
	v35 =	vmul.f32 $8.000000000e+00, v45  }
0x71: {  	v30 =	vmul.f32 $8.000000000e+00, v30;
	v60 =	vor.u32 v4, v11;
	[tilespmem:s30+$0xFFFFFD40] =	vst v28;
	v62 =	vld.idx.msk [tilespmem:v15+s13+$0x0], $0xffff  }
0x72: {  	v29 =	vmul.f32 $8.000000000e+00, v32;
	v45 =	vor.u32 v4, v13;
	v36 =	vmul.f32 $8.000000000e+00, v36;
	v32 =	vld.idx.msk [tilespmem:v48+s13+$0x0], $0xffff;
	[tilespmem:s30+$0x3E0] =	vst v35  }
0x73: {  	s1 =	simm.s32 $0x10;
	[tilespmem:s30+$0x40] =	vst v30;
	v51 =	vmul.f32 $8.000000000e+00, v55;
	v55 =	vor.u32 v5, v14;
	v25 =	vmul.f32 $8.000000000e+00, v25;
	v53 =	vld.idx.msk [tilespmem:v8+s13+$0x0], $0xffff  }
0x74: {  	v52 =	vmov s1;
	v31 =	vmul.f32 $8.000000000e+00, v31;
	v30 =	vor.u32 v5, v10;
	v27 =	vld.idx.msk [tilespmem:v27+s13+$0x0], $0xffff;
	[tilespmem:s30+$0xFFFFFDC0] =	vst v36  }
0x75: {  	v47 =	vor.u32 v5, v24;
	v8 =	vand.u32 $0x70, v52;
	[tilespmem:s30+$0x2B0] =	vst v25;
	v25 =	vmul.f32 $8.000000000e+00, v38;
	v38 =	vld.idx.msk [tilespmem:v49+s13+$0x0], $0xffff  }
0x76: {  	v28 =	vor.u32 v5, v9;
	[tilespmem:s30+$0xFFFFFC30] =	vst v29;
	v33 =	vmul.f32 $8.000000000e+00, v33;
	v8 =	vbroadcast v8, $0x0;
	v35 =	vld.idx.msk [tilespmem:v60+s13+$0x0], $0xffff  }
0x77: {  	[tilespmem:s30+$0x1C0] =	vst v31;
	v52 =	vor.u32 v5, v22;
	v50 =	vld.idx.msk [tilespmem:v45+s13+$0x0], $0xffff  }
0x78: {  	v26 =	vmul.f32 $8.000000000e+00, v26;
	[tilespmem:s30+$0x240] =	vst v33;
	v42 =	vld.idx.msk [tilespmem:v55+s13+$0x0], $0xffff;
	v57 =	vor.u32 v0, v8  }
0x79: {  	v29 =	vor.u32 v5, v18;
	v30 =	vld.idx.msk [tilespmem:v30+s13+$0x0], $0xffff;
	[tilespmem:s30+$0xFFFFFCC0] =	vst v25  }
0x7a: {  	s1 =	simm.s32 $0x11;
	v40 =	vmul.f32 $8.000000000e+00, v59;
	v25 =	vor.u32 v5, v16;
	[tilespmem:s30+$0xFFFFFF40] =	vst v26;
	v37 =	vld.idx.msk [tilespmem:v47+s13+$0x0], $0xffff  }
0x7b: {  	v44 =	vmov s1;
	v26 =	vor.u32 v5, v17;
	v28 =	vld.idx.msk [tilespmem:v28+s13+$0x0], $0xffff;
	v27 =	vmul.f32 $8.000000000e+00, v27  }
0x7c: {  	v44 =	vand.u32 $0x71, v44;
	[tilespmem:s30+$0xC0] =	vst v40;
	v47 =	vor.u32 v6, v23;
	v36 =	vld.idx.msk [tilespmem:v52+s13+$0x0], $0xffff  }
0x7d: {  	v56 =	vor.u32 v5, v11;
	v48 =	vor.u32 v6, v21;
	v54 =	vmul.f32 $8.000000000e+00, v62;
	[tilespmem:s30+$0xFFFFFE40] =	vst v27;
	v15 =	vld.idx.msk [tilespmem:v57+s13+$0x0], $0xffff  }
0x7e: {  	[tilespmem:s30+$0xFFFFFEC0] =	vst v51;
	v32 =	vmul.f32 $8.000000000e+00, v32;
	v61 =	vmul.f32 $8.000000000e+00, v53;
	v53 =	vor.u32 v5, v20;
	v29 =	vld.idx.msk [tilespmem:v29+s13+$0x0], $0xffff  }
0x7f: {  	s1 =	simm.s32 $0x12;
	v58 =	vor.u32 v5, v13;
	v46 =	vor.u32 v6, v24;
	[tilespmem:s30+$0x140] =	vst v54;
	v38 =	vmul.f32 $8.000000000e+00, v38;
	v25 =	vld.idx.msk [tilespmem:v25+s13+$0x0], $0xffff  }
0x80: {  	v31 =	vmov s1;
	v59 =	vor.u32 v6, v18;
	v63 =	vor.u32 v6, v14;
	[tilespmem:s30+$0xFFFFFD50] =	vst v32;
	v26 =	vld.idx.msk [tilespmem:v26+s13+$0x0], $0xffff  }
0x81: {  	v24 =	vor.u32 v7, v24;
	v27 =	vor.u32 v5, v19;
	v35 =	vmul.f32 $8.000000000e+00, v35;
	[tilespmem:s30+$0xFFFFFDD0] =	vst v38;
	v47 =	vld.idx.msk [tilespmem:v47+s13+$0x0], $0xffff  }
0x82: {  	v14 =	vor.u32 v7, v14;
	v21 =	vor.u32 v7, v21;
	[tilespmem:s30+$0x3F0] =	vst v61;
	v39 =	vmul.f32 $8.000000000e+00, v50;
	v48 =	vld.idx.msk [tilespmem:v48+s13+$0x0], $0xffff  }
0x83: {  	s1 =	simm.s32 $0x13;
	v18 =	vor.u32 v7, v18;
	v34 =	vmul.f32 $8.000000000e+00, v34;
	v61 =	vor.u32 v6, v9;
	[tilespmem:s30+$0x2C0] =	vst v35;
	v41 =	vld.idx.msk [tilespmem:v53+s13+$0x0], $0xffff  }
0x84: {  	v33 =	vmov s1;
	v60 =	vor.u32 v6, v16;
	v37 =	vmul.f32 $8.000000000e+00, v37;
	[tilespmem:s30+$0xFFFFFC40] =	vst v39;
	v40 =	vld.idx.msk [tilespmem:v56+s13+$0x0], $0xffff  }
0x85: {  	v62 =	vor.u32 v6, v22;
	[tilespmem:s30+$0x340] =	vst v34;
	v57 =	vor.u32 v5, v12;
	v28 =	vmul.f32 $8.000000000e+00, v28;
	v45 =	vld.idx.msk [tilespmem:v58+s13+$0x0], $0xffff  }
0x86: {  	v33 =	vand.u32 $0x73, v33;
	v16 =	vor.u32 v7, v16;
	v42 =	vmul.f32 $8.000000000e+00, v42;
	[tilespmem:s30+$0xFFFFFCD0] =	vst v37;
	v27 =	vld.idx.msk [tilespmem:v27+s13+$0x0], $0xffff  }
0x87: {  	v54 =	vor.u32 v6, v20;
	v23 =	vor.u32 v7, v23;
	v36 =	vmul.f32 $8.000000000e+00, v36;
	[tilespmem:s30+$0xFFFFFF50] =	vst v28;
	v46 =	vld.idx.msk [tilespmem:v46+s13+$0x0], $0xffff  }
0x88: {  	s1 =	simm.s32 $0x14;
	v20 =	vor.u32 v7, v20;
	v30 =	vmul.f32 $8.000000000e+00, v30;
	[tilespmem:s30+$0x1D0] =	vst v42;
	v32 =	vld.idx.msk [tilespmem:v61+s13+$0x0], $0xffff;
	v29 =	vmul.f32 $8.000000000e+00, v29  }
0x89: {  	v35 =	vmov s1;
	s1 =	simm.s32 $0x15;
	v28 =	vor.u32 v6, v17;
	[tilespmem:s30+$0xFFFFFFD0] =	vst v36;
	v36 =	vld.idx.msk [tilespmem:v63+s13+$0x0], $0xffff;
	v25 =	vmul.f32 $8.000000000e+00, v25  }
0x8a: {  	v9 =	vor.u32 v7, v9;
	v34 =	vmov s1;
	v43 =	vld.idx.msk [tilespmem:v57+s13+$0x0], $0xffff;
	v26 =	vmul.f32 $8.000000000e+00, v26;
	[tilespmem:s30+$0xFFFFFE50] =	vst v29  }
0x8b: {  	s1 =	simm.s32 $0x16;
	v58 =	vand.u32 $0x72, v31;
	v31 =	vor.u32 v6, v13;
	v38 =	vld.idx.msk [tilespmem:v62+s13+$0x0], $0xffff;
	v47 =	vmul.f32 $8.000000000e+00, v47;
	[tilespmem:s30+$0xFFFFFED0] =	vst v25  }
0x8c: {  	v35 =	vand.u32 $0x74, v35;
	v49 =	vmov s1;
	s1 =	simm.s32 $0x17;
	v41 =	vmul.f32 $8.000000000e+00, v41;
	[tilespmem:s30+$0x150] =	vst v26;
	v39 =	vld.idx.msk [tilespmem:v59+s13+$0x0], $0xffff  }
0x8d: {  	v50 =	vmov s1;
	s1 =	simm.s32 $0x18;
	v29 =	vor.u32 v6, v19;
	v45 =	vmul.f32 $8.000000000e+00, v45;
	v37 =	vld.idx.msk [tilespmem:v60+s13+$0x0], $0xffff;
	[tilespmem:s30+$0xFFFFFD60] =	vst v47  }
0x8e: {  	v49 =	vand.u32 $0x76, v49;
	v51 =	vmov s1;
	s1 =	simm.s32 $0x19;
	v28 =	vld.idx.msk [tilespmem:v28+s13+$0x0], $0xffff;
	v27 =	vmul.f32 $8.000000000e+00, v27;
	[tilespmem:s30+$0xD0] =	vst v41  }
0x8f: {  	v52 =	vmov s1;
	s1 =	simm.s32 $0x1A;
	v48 =	vmul.f32 $8.000000000e+00, v48;
	v60 =	vor.u32 v6, v11;
	[tilespmem:s30+$0xFFFFFC50] =	vst v45;
	v47 =	vld.idx.msk [tilespmem:v23+s13+$0x0], $0xffff  }
0x90: {  	v53 =	vmov s1;
	v46 =	vmul.f32 $8.000000000e+00, v46;
	v54 =	vld.idx.msk [tilespmem:v54+s13+$0x0], $0xffff;
	[tilespmem:s30+$0x50] =	vst v27;
	v27 =	vor.u32 v6, v10  }
0x91: {  	[tilespmem:s30+$0x250] =	vst v30;
	s1 =	simm.s32 $0x1B;
	v40 =	vmul.f32 $8.000000000e+00, v40;
	v26 =	vor.u32 v6, v12;
	v19 =	vor.u32 v7, v19;
	v63 =	vld.idx.msk [tilespmem:v31+s13+$0x0], $0xffff  }
0x92: {  	v55 =	vmov s1;
	s1 =	simm.s32 $0x1C;
	v59 =	vand.u32 $0x75, v34;
	v30 =	vand.u32 $0x7A, v53;
	[tilespmem:s30+$0xFFFFFCE0] =	vst v46;
	v29 =	vld.idx.msk [tilespmem:v29+s13+$0x0], $0xffff  }
0x93: {  	v56 =	vmov s1;
	s1 =	simm.s32 $0x1D;
	v42 =	vmul.f32 $8.000000000e+00, v32;
	[tilespmem:s30+$0x2D0] =	vst v40;
	v36 =	vmul.f32 $8.000000000e+00, v36;
	v24 =	vld.idx.msk [tilespmem:v24+s13+$0x0], $0xffff  }
0x94: {  	v23 =	vor.u32 v7, v22;
	v43 =	vmul.f32 $8.000000000e+00, v43;
	v57 =	vmov s1;
	s1 =	simm.s32 $0x1E;
	v62 =	vld.idx.msk [tilespmem:v60+s13+$0x0], $0xffff  }
0x95: {  	v32 =	vand.u32 $0x7B, v55;
	v34 =	vmul.f32 $8.000000000e+00, v38;
	v25 =	vmov s1;
	[tilespmem:s30+$0x1E0] =	vst v36;
	v61 =	vld.idx.msk [tilespmem:v27+s13+$0x0], $0xffff  }
0x96: {  	v31 =	vand.u32 $0x7D, v57;
	[tilespmem:s30+$0x350] =	vst v43;
	v36 =	vld.idx.msk [tilespmem:v14+s13+$0x0], $0xffff;
	v14 =	vbroadcast v49, $0x0;
	v39 =	vmul.f32 $8.000000000e+00, v39  }
0x97: {  	[tilespmem:s30+$0xFFFFFDE0] =	vst v48;
	v37 =	vmul.f32 $8.000000000e+00, v37;
	v41 =	vld.idx.msk [tilespmem:v26+s13+$0x0], $0xffff;
	v26 =	vand.u32 $0x77, v50;
	v46 =	vmul.f32 $8.000000000e+00, v28  }
0x98: {  	v48 =	vld.idx.msk [tilespmem:v21+s13+$0x0], $0xffff;
	[tilespmem:s30+$0xFFFFFF60] =	vst v42;
	v28 =	vand.u32 $0x79, v52;
	v45 =	vmul.f32 $8.000000000e+00, v54;
	v21 =	vmul.f32 $8.000000000e+00, v63  }
0x99: {  	[tilespmem:s30+$0xFFFFFE60] =	vst v39;
	v63 =	vld.idx.msk [tilespmem:v9+s13+$0x0], $0xffff;
	v9 =	vbroadcast v44, $0x0;
	v39 =	vor.u32 v7, v13;
	v40 =	vmul.f32 $8.000000000e+00, v29  }
0x9a: {  	[tilespmem:s30+$0xFFFFFEE0] =	vst v37;
	v60 =	vld.idx.msk [tilespmem:v18+s13+$0x0], $0xffff;
	v50 =	vmul.f32 $8.000000000e+00, v61;
	v61 =	vmul.f32 $8.000000000e+00, v62;
	v62 =	vor.u32 v7, v17  }
0x9b: {  	[tilespmem:s30+$0xFFFFFFE0] =	vst v34;
	v13 =	vbroadcast v59, $0x0;
	v37 =	vld.idx.msk [tilespmem:v16+s13+$0x0], $0xffff;
	v17 =	vmul.f32 $8.000000000e+00, v24;
	v24 =	vor.u32 v7, v10  }
0x9c: {  	v23 =	vld.idx.msk [tilespmem:v23+s13+$0x0], $0xffff;
	v27 =	vand.u32 $0x78, v51;
	v22 =	vmul.f32 $8.000000000e+00, v41;
	v41 =	vor.u32 v7, v11;
	[tilespmem:s30+$0x60] =	vst v40  }
0x9d: {  	v18 =	vmul.f32 $8.000000000e+00, v47;
	v16 =	vmul.f32 $8.000000000e+00, v48;
	[tilespmem:s30+$0xE0] =	vst v45;
	v40 =	vor.u32 v7, v12;
	v19 =	vld.idx.msk [tilespmem:v19+s13+$0x0], $0xffff  }
0x9e: {  	[tilespmem:s30+$0x160] =	vst v46;
	v29 =	vand.u32 $0x7C, v56;
	v11 =	vbroadcast v33, $0x0;
	v33 =	vld.idx.msk [tilespmem:v20+s13+$0x0], $0xffff;
	v10 =	vbroadcast v58, $0x0  }
0x9f: {  	v42 =	vor.u32 v0, v9;
	v12 =	vbroadcast v35, $0x0;
	v20 =	vmul.f32 $8.000000000e+00, v60;
	[tilespmem:s30+$0x260] =	vst v50;
	v34 =	vld.idx.msk [tilespmem:v62+s13+$0x0], $0xffff  }
0xa0: {  	s31 =	simm.s32 $0x20;
	s0 =	simm.s32 $0x1F;
	v35 =	vmul.f32 $8.000000000e+00, v37;
	v37 =	vmul.f32 $8.000000000e+00, v63;
	v43 =	vor.u32 v0, v10;
	[tilespmem:s30+$0x2E0] =	vst v61;
	v38 =	vld.idx.msk [tilespmem:v24+s13+$0x0], $0xffff  }
.LBB2_3:
0xa1: {  	p1 =	slt.u32 s31, $0x30;
	v44 =	vor.u32 v0, v11;
	v24 =	vmov s0;
	v45 =	vmul.f32 $8.000000000e+00, v23;
	v41 =	vld.idx.msk [tilespmem:v41+s13+$0x0], $0xffff;
	[tilespmem:s30+$0x360] =	vst v22  }
0xa2: {  	v23 =	vor.u32 v0, v12;
	v46 =	vmul.f32 $8.000000000e+00, v19;
	v22 =	vand.u32 $0x7F, v24;
	[tilespmem:s30+$0xFFFFFC60] =	vst v21;
	v19 =	vld.idx.msk [tilespmem:v40+s13+$0x0], $0xffff  }
0xa3: {  	v40 =	vor.u32 v0, v13;
	v33 =	vmul.f32 $8.000000000e+00, v33;
	v24 =	vbroadcast v22, $0x0;
	v39 =	vld.idx.msk [tilespmem:v39+s13+$0x0], $0xffff;
	[tilespmem:s30+$0xFFFFFCF0] =	vst v17  }
0xa4: {  	v47 =	vor.u32 v0, v14;
	v21 =	vbroadcast v26, $0x0;
	v26 =	vmul.f32 $8.000000000e+00, v34;
	v42 =	vld.idx.msk [tilespmem:v42+s13+$0x0], $0xffff;
	[tilespmem:s30+$0xFFFFFD70] =	vst v18  }
0xa5: {  	v17 =	vbroadcast v27, $0x0;
	v36 =	vmul.f32 $8.000000000e+00, v36;
	v34 =	vld.idx.msk [tilespmem:v43+s13+$0x0], $0xffff;
	v27 =	vor.u32 v0, v24;
	[tilespmem:s30+$0xFFFFFDF0] =	vst v16  }
0xa6: {  	v22 =	vbroadcast v28, $0x0;
	v28 =	vmul.f32 $8.000000000e+00, v38;
	v43 =	vld.idx.msk [tilespmem:v44+s13+$0x0], $0xffff;
	v44 =	vor.u32 v0, v21;
	[tilespmem:s30+$0xFFFFFE70] =	vst v20  }
0xa7: {  	v48 =	vor.u32 v0, v17;
	v38 =	vld.idx.msk [tilespmem:v23+s13+$0x0], $0xffff;
	v23 =	vbroadcast v30, $0x0;
	[tilespmem:s30+$0xFFFFFEF0] =	vst v35;
	v30 =	vmul.f32 $8.000000000e+00, v41  }
0xa8: {  	v18 =	vbroadcast v32, $0x0;
	v32 =	vmul.f32 $8.000000000e+00, v19;
	v35 =	vld.idx.msk [tilespmem:v40+s13+$0x0], $0xffff;
	v40 =	vor.u32 v0, v22;
	[tilespmem:s30+$0xFFFFFF70] =	vst v37  }
0xa9: {  	v19 =	vbroadcast v29, $0x0;
	v29 =	vmul.f32 $8.000000000e+00, v39;
	v37 =	vld.idx.msk [tilespmem:v47+s13+$0x0], $0xffff;
	v41 =	vor.u32 v0, v23;
	[tilespmem:s30+$0xFFFFFFF0] =	vst v45  }
0xaa: {  	v16 =	vbroadcast v31, $0x0;
	v20 =	vand.u32 $0x7E, v25;
	v39 =	vor.u32 v0, v18;
	v25 =	vld.idx.msk [tilespmem:v27+s13+$0x0], $0xffff;
	[tilespmem:s30+$0x70] =	vst v46  }
0xab: {  	v20 =	vbroadcast v20, $0x0;
	v31 =	vor.u32 v0, v19;
	v27 =	vld.idx.msk [tilespmem:v44+s13+$0x0], $0xffff;
	[tilespmem:s30+$0xF0] =	vst v33  }
0xac: {  	v44 =	vor.u32 v0, v16;
	v33 =	vld.idx.msk [tilespmem:v48+s13+$0x0], $0xffff;
	[tilespmem:s30+$0x170] =	vst v26  }
0xad: {  	v26 =	vld.idx.msk [tilespmem:v40+s13+$0x0], $0xffff;
	v40 =	vor.u32 v0, v20;
	[tilespmem:s30+$0x1F0] =	vst v36  }
0xae: {  	v36 =	vld.idx.msk [tilespmem:v41+s13+$0x0], $0xffff;
	v41 =	vor.u32 v1, v24;
	[tilespmem:s30+$0x270] =	vst v28  }
0xaf: {  	v28 =	vor.u32 v1, v9;
	v39 =	vld.idx.msk [tilespmem:v39+s13+$0x0], $0xffff;
	[tilespmem:s30+$0x2F0] =	vst v30  }
0xb0: {  	v30 =	vor.u32 v1, v10;
	v25 =	vmul.f32 $8.000000000e+00, v25;
	v31 =	vld.idx.msk [tilespmem:v31+s13+$0x0], $0xffff;
	[tilespmem:s30+$0x370] =	vst v32  }
0xb1: {  	v32 =	vmul.f32 $8.000000000e+00, v42;
	v42 =	vor.u32 v1, v11;
	v44 =	vld.idx.msk [tilespmem:v44+s13+$0x0], $0xffff;
	[tilespmem:s30+$0xFFFFFC70] =	vst v29;
	s30 =	sadd.s32 $0x800, s30  }
0xb2: {  	v29 =	vmul.f32 $8.000000000e+00, v34;
	v34 =	vor.u32 v1, v12;
	v40 =	vld.idx.msk [tilespmem:v40+s13+$0x0], $0xffff;
	[tilespmem:s30+$0x380] =	vst v25  }
0xb3: {  	v25 =	vmul.f32 $8.000000000e+00, v43;
	[tilespmem:s30+$0xFFFFFC80] =	vst v32;
	v32 =	vor.u32 v1, v13;
	v41 =	vld.idx.msk [tilespmem:v41+s13+$0x0], $0xffff  }
0xb4: {  	v28 =	vld.idx.msk [tilespmem:v28+s13+$0x0], $0xffff;
	[tilespmem:s30+$0xFFFFFD00] =	vst v29;
	v29 =	vmul.f32 $8.000000000e+00, v38;
	v38 =	vor.u32 v1, v14  }
0xb5: {  	v30 =	vld.idx.msk [tilespmem:v30+s13+$0x0], $0xffff;
	[tilespmem:s30+$0xFFFFFD80] =	vst v25;
	v25 =	vmul.f32 $8.000000000e+00, v35;
	v35 =	vor.u32 v1, v21  }
0xb6: {  	v42 =	vld.idx.msk [tilespmem:v42+s13+$0x0], $0xffff;
	[tilespmem:s30+$0xFFFFFE00] =	vst v29;
	v29 =	vmul.f32 $8.000000000e+00, v37;
	v37 =	vor.u32 v1, v17  }
0xb7: {  	v34 =	vld.idx.msk [tilespmem:v34+s13+$0x0], $0xffff;
	[tilespmem:s30+$0xFFFFFE80] =	vst v25;
	v25 =	vmul.f32 $8.000000000e+00, v27;
	v27 =	vor.u32 v2, v24  }
0xb8: {  	v32 =	vld.idx.msk [tilespmem:v32+s13+$0x0], $0xffff;
	[tilespmem:s30+$0xFFFFFF00] =	vst v29;
	v29 =	vmul.f32 $8.000000000e+00, v33;
	v33 =	vor.u32 v1, v22  }
0xb9: {  	v41 =	vmul.f32 $8.000000000e+00, v41;
	v38 =	vld.idx.msk [tilespmem:v38+s13+$0x0], $0xffff;
	[tilespmem:s30+$0xFFFFFF80] =	vst v25;
	v25 =	vor.u32 v1, v23  }
0xba: {  	v26 =	vmul.f32 $8.000000000e+00, v26;
	v28 =	vmul.f32 $8.000000000e+00, v28;
	v35 =	vld.idx.msk [tilespmem:v35+s13+$0x0], $0xffff;
	[tilespmem:s30+$0x0] =	vst v29;
	v29 =	vor.u32 v1, v18  }
0xbb: {  	v43 =	vor.u32 v1, v19;
	v36 =	vmul.f32 $8.000000000e+00, v36;
	v30 =	vmul.f32 $8.000000000e+00, v30;
	v37 =	vld.idx.msk [tilespmem:v37+s13+$0x0], $0xffff;
	[tilespmem:s30+$0x390] =	vst v41  }
0xbc: {  	v41 =	vmul.f32 $8.000000000e+00, v42;
	[tilespmem:s30+$0x80] =	vst v26;
	v26 =	vmul.f32 $8.000000000e+00, v39;
	v39 =	vor.u32 v1, v16;
	v27 =	vld.idx.msk [tilespmem:v27+s13+$0x0], $0xffff  }
0xbd: {  	v31 =	vmul.f32 $8.000000000e+00, v31;
	v34 =	vmul.f32 $8.000000000e+00, v34;
	v33 =	vld.idx.msk [tilespmem:v33+s13+$0x0], $0xffff;
	[tilespmem:s30+$0x100] =	vst v36;
	v36 =	vor.u32 v1, v20  }
0xbe: {  	v42 =	vor.u32 v1, v8;
	v32 =	vmul.f32 $8.000000000e+00, v32;
	v25 =	vld.idx.msk [tilespmem:v25+s13+$0x0], $0xffff;
	[tilespmem:s30+$0x180] =	vst v26;
	v26 =	vmul.f32 $8.000000000e+00, v44  }
0xbf: {  	v44 =	vor.u32 v2, v9;
	v38 =	vmul.f32 $8.000000000e+00, v38;
	v29 =	vld.idx.msk [tilespmem:v29+s13+$0x0], $0xffff;
	[tilespmem:s30+$0x200] =	vst v31;
	v31 =	vmul.f32 $8.000000000e+00, v40  }
0xc0: {  	v15 =	vmul.f32 $8.000000000e+00, v15;
	v35 =	vmul.f32 $8.000000000e+00, v35;
	v40 =	vld.idx.msk [tilespmem:v43+s13+$0x0], $0xffff;
	[tilespmem:s30+$0x280] =	vst v26;
	v26 =	vor.u32 v3, v24  }
0xc1: {  	v43 =	vor.u32 v2, v10;
	v37 =	vmul.f32 $8.000000000e+00, v37;
	v39 =	vld.idx.msk [tilespmem:v39+s13+$0x0], $0xffff;
	[tilespmem:s30+$0x300] =	vst v31  }
0xc2: {  	v27 =	vmul.f32 $8.000000000e+00, v27;
	[tilespmem:s30+$0xFFFFFC00] =	vst v15;
	v15 =	vor.u32 v2, v11;
	v31 =	vld.idx.msk [tilespmem:v36+s13+$0x0], $0xffff  }
0xc3: {  	v33 =	vmul.f32 $8.000000000e+00, v33;
	v36 =	vld.idx.msk [tilespmem:v42+s13+$0x0], $0xffff;
	[tilespmem:s30+$0xFFFFFC90] =	vst v28;
	v28 =	vor.u32 v2, v12  }
0xc4: {  	v25 =	vmul.f32 $8.000000000e+00, v25;
	v42 =	vld.idx.msk [tilespmem:v44+s13+$0x0], $0xffff;
	v44 =	vor.u32 v2, v13;
	[tilespmem:s30+$0x3A0] =	vst v27  }
0xc5: {  	v27 =	vor.u32 v2, v14;
	v29 =	vmul.f32 $8.000000000e+00, v29;
	[tilespmem:s30+$0xFFFFFD10] =	vst v30;
	v26 =	vld.idx.msk [tilespmem:v26+s13+$0x0], $0xffff  }
0xc6: {  	v40 =	vmul.f32 $8.000000000e+00, v40;
	v30 =	vld.idx.msk [tilespmem:v43+s13+$0x0], $0xffff;
	[tilespmem:s30+$0xFFFFFD90] =	vst v41;
	v41 =	vor.u32 v2, v21  }
0xc7: {  	v39 =	vmul.f32 $8.000000000e+00, v39;
	v15 =	vld.idx.msk [tilespmem:v15+s13+$0x0], $0xffff;
	[tilespmem:s30+$0xFFFFFE10] =	vst v34;
	v34 =	vor.u32 v2, v17  }
0xc8: {  	v31 =	vmul.f32 $8.000000000e+00, v31;
	v28 =	vld.idx.msk [tilespmem:v28+s13+$0x0], $0xffff;
	[tilespmem:s30+$0xFFFFFE90] =	vst v32;
	v32 =	vor.u32 v2, v22  }
0xc9: {  	v36 =	vmul.f32 $8.000000000e+00, v36;
	v43 =	vld.idx.msk [tilespmem:v44+s13+$0x0], $0xffff;
	[tilespmem:s30+$0xFFFFFF10] =	vst v38;
	v38 =	vor.u32 v4, v24  }
0xca: {  	v42 =	vmul.f32 $8.000000000e+00, v42;
	v27 =	vld.idx.msk [tilespmem:v27+s13+$0x0], $0xffff;
	[tilespmem:s30+$0xFFFFFF90] =	vst v35;
	v35 =	vor.u32 v2, v23  }
0xcb: {  	v26 =	vmul.f32 $8.000000000e+00, v26;
	v41 =	vld.idx.msk [tilespmem:v41+s13+$0x0], $0xffff;
	[tilespmem:s30+$0x10] =	vst v37;
	v37 =	vor.u32 v2, v18  }
0xcc: {  	v30 =	vmul.f32 $8.000000000e+00, v30;
	v34 =	vld.idx.msk [tilespmem:v34+s13+$0x0], $0xffff;
	[tilespmem:s30+$0x90] =	vst v33;
	v33 =	vor.u32 v2, v19  }
0xcd: {  	v44 =	vor.u32 v2, v16;
	v15 =	vmul.f32 $8.000000000e+00, v15;
	v32 =	vld.idx.msk [tilespmem:v32+s13+$0x0], $0xffff;
	[tilespmem:s30+$0x3B0] =	vst v26  }
0xce: {  	v26 =	vmul.f32 $8.000000000e+00, v28;
	[tilespmem:s30+$0x110] =	vst v25;
	v25 =	vor.u32 v2, v20;
	v28 =	vld.idx.msk [tilespmem:v38+s13+$0x0], $0xffff  }
0xcf: {  	v38 =	vor.u32 v2, v8;
	v43 =	vmul.f32 $8.000000000e+00, v43;
	v35 =	vld.idx.msk [tilespmem:v35+s13+$0x0], $0xffff;
	[tilespmem:s30+$0x190] =	vst v29  }
0xd0: {  	v29 =	vor.u32 v3, v9;
	v27 =	vmul.f32 $8.000000000e+00, v27;
	v37 =	vld.idx.msk [tilespmem:v37+s13+$0x0], $0xffff;
	[tilespmem:s30+$0x210] =	vst v40  }
0xd1: {  	v40 =	vor.u32 v3, v10;
	v41 =	vmul.f32 $8.000000000e+00, v41;
	v33 =	vld.idx.msk [tilespmem:v33+s13+$0x0], $0xffff;
	[tilespmem:s30+$0x290] =	vst v39  }
0xd2: {  	v34 =	vmul.f32 $8.000000000e+00, v34;
	v39 =	vld.idx.msk [tilespmem:v44+s13+$0x0], $0xffff;
	[tilespmem:s30+$0x310] =	vst v31;
	v31 =	vor.u32 v5, v24  }
0xd3: {  	v32 =	vmul.f32 $8.000000000e+00, v32;
	[tilespmem:s30+$0xFFFFFC10] =	vst v36;
	v36 =	vor.u32 v3, v11;
	v25 =	vld.idx.msk [tilespmem:v25+s13+$0x0], $0xffff  }
0xd4: {  	v28 =	vmul.f32 $8.000000000e+00, v28;
	v38 =	vld.idx.msk [tilespmem:v38+s13+$0x0], $0xffff;
	[tilespmem:s30+$0xFFFFFCA0] =	vst v42;
	v42 =	vor.u32 v3, v12  }
0xd5: {  	v35 =	vmul.f32 $8.000000000e+00, v35;
	v29 =	vld.idx.msk [tilespmem:v29+s13+$0x0], $0xffff;
	[tilespmem:s30+$0xFFFFFD20] =	vst v30;
	v30 =	vor.u32 v3, v13  }
0xd6: {  	v44 =	vor.u32 v3, v14;
	v37 =	vmul.f32 $8.000000000e+00, v37;
	v40 =	vld.idx.msk [tilespmem:v40+s13+$0x0], $0xffff;
	[tilespmem:s30+$0x3C0] =	vst v28  }
0xd7: {  	v28 =	vmul.f32 $8.000000000e+00, v33;
	[tilespmem:s30+$0xFFFFFDA0] =	vst v15;
	v15 =	vor.u32 v3, v21;
	v31 =	vld.idx.msk [tilespmem:v31+s13+$0x0], $0xffff  }
0xd8: {  	v33 =	vld.idx.msk [tilespmem:v36+s13+$0x0], $0xffff;
	[tilespmem:s30+$0xFFFFFE20] =	vst v26;
	v26 =	vor.u32 v3, v17;
	v36 =	vmul.f32 $8.000000000e+00, v39  }
0xd9: {  	v25 =	vmul.f32 $8.000000000e+00, v25;
	v39 =	vld.idx.msk [tilespmem:v42+s13+$0x0], $0xffff;
	[tilespmem:s30+$0xFFFFFEA0] =	vst v43;
	v42 =	vor.u32 v3, v22  }
0xda: {  	v38 =	vmul.f32 $8.000000000e+00, v38;
	v30 =	vld.idx.msk [tilespmem:v30+s13+$0x0], $0xffff;
	[tilespmem:s30+$0xFFFFFF20] =	vst v27;
	v27 =	vor.u32 v3, v23  }
0xdb: {  	v29 =	vmul.f32 $8.000000000e+00, v29;
	v43 =	vld.idx.msk [tilespmem:v44+s13+$0x0], $0xffff;
	[tilespmem:s30+$0xFFFFFFA0] =	vst v41;
	v41 =	vor.u32 v6, v24  }
0xdc: {  	v40 =	vmul.f32 $8.000000000e+00, v40;
	v15 =	vld.idx.msk [tilespmem:v15+s13+$0x0], $0xffff;
	[tilespmem:s30+$0x20] =	vst v34;
	v34 =	vor.u32 v3, v18  }
0xdd: {  	v31 =	vmul.f32 $8.000000000e+00, v31;
	v26 =	vld.idx.msk [tilespmem:v26+s13+$0x0], $0xffff;
	[tilespmem:s30+$0xA0] =	vst v32;
	v32 =	vor.u32 v3, v19  }
0xde: {  	v33 =	vmul.f32 $8.000000000e+00, v33;
	v42 =	vld.idx.msk [tilespmem:v42+s13+$0x0], $0xffff;
	[tilespmem:s30+$0x120] =	vst v35;
	v35 =	vor.u32 v3, v16  }
0xdf: {  	v44 =	vor.u32 v3, v20;
	v39 =	vmul.f32 $8.000000000e+00, v39;
	v27 =	vld.idx.msk [tilespmem:v27+s13+$0x0], $0xffff;
	[tilespmem:s30+$0x3D0] =	vst v31  }
0xe0: {  	v31 =	vor.u32 v3, v8;
	v30 =	vmul.f32 $8.000000000e+00, v30;
	[tilespmem:s30+$0x1A0] =	vst v37;
	v37 =	vld.idx.msk [tilespmem:v41+s13+$0x0], $0xffff  }
0xe1: {  	v41 =	vor.u32 v4, v9;
	v43 =	vmul.f32 $8.000000000e+00, v43;
	v34 =	vld.idx.msk [tilespmem:v34+s13+$0x0], $0xffff;
	[tilespmem:s30+$0x220] =	vst v28  }
0xe2: {  	v28 =	vor.u32 v4, v10;
	v15 =	vmul.f32 $8.000000000e+00, v15;
	v32 =	vld.idx.msk [tilespmem:v32+s13+$0x0], $0xffff;
	[tilespmem:s30+$0x2A0] =	vst v36  }
0xe3: {  	v36 =	vor.u32 v4, v11;
	v26 =	vmul.f32 $8.000000000e+00, v26;
	v35 =	vld.idx.msk [tilespmem:v35+s13+$0x0], $0xffff;
	[tilespmem:s30+$0x320] =	vst v25  }
0xe4: {  	v24 =	vor.u32 v7, v24;
	v25 =	vmul.f32 $8.000000000e+00, v42;
	[tilespmem:s30+$0xFFFFFC20] =	vst v38;
	v38 =	vld.idx.msk [tilespmem:v44+s13+$0x0], $0xffff  }
0xe5: {  	v27 =	vmul.f32 $8.000000000e+00, v27;
	v31 =	vld.idx.msk [tilespmem:v31+s13+$0x0], $0xffff;
	[tilespmem:s30+$0xFFFFFCB0] =	vst v29;
	v29 =	vor.u32 v4, v12  }
0xe6: {  	v37 =	vmul.f32 $8.000000000e+00, v37;
	v41 =	vld.idx.msk [tilespmem:v41+s13+$0x0], $0xffff;
	[tilespmem:s30+$0xFFFFFD30] =	vst v40;
	v40 =	vor.u32 v4, v13  }
0xe7: {  	v34 =	vmul.f32 $8.000000000e+00, v34;
	v28 =	vld.idx.msk [tilespmem:v28+s13+$0x0], $0xffff;
	[tilespmem:s30+$0xFFFFFDB0] =	vst v33;
	v33 =	vor.u32 v4, v14  }
0xe8: {  	v42 =	vor.u32 v4, v21;
	v32 =	vmul.f32 $8.000000000e+00, v32;
	v36 =	vld.idx.msk [tilespmem:v36+s13+$0x0], $0xffff;
	[tilespmem:s30+$0x3E0] =	vst v37  }
0xe9: {  	v37 =	vmov s31;
	v35 =	vmul.f32 $8.000000000e+00, v35;
	[tilespmem:s30+$0xFFFFFE30] =	vst v39;
	v39 =	vor.u32 v4, v17;
	v44 =	vld.idx.msk [tilespmem:v24+s13+$0x0], $0xffff  }
0xea: {  	v24 =	vand.u32 $0x70, v37;
	v37 =	vmul.f32 $8.000000000e+00, v38;
	v29 =	vld.idx.msk [tilespmem:v29+s13+$0x0], $0xffff;
	[tilespmem:s30+$0xFFFFFEB0] =	vst v30;
	v30 =	vor.u32 v4, v22  }
0xeb: {  	v24 =	vbroadcast v24, $0x0;
	v31 =	vmul.f32 $8.000000000e+00, v31;
	v38 =	vld.idx.msk [tilespmem:v40+s13+$0x0], $0xffff;
	[tilespmem:s30+$0xFFFFFF30] =	vst v43;
	v40 =	vor.u32 v4, v23  }
0xec: {  	v41 =	vmul.f32 $8.000000000e+00, v41;
	v33 =	vld.idx.msk [tilespmem:v33+s13+$0x0], $0xffff;
	[tilespmem:s30+$0xFFFFFFB0] =	vst v15;
	v15 =	vor.u32 v4, v18  }
0xed: {  	v43 =	vor.u32 v0, v24;
	v28 =	vmul.f32 $8.000000000e+00, v28;
	v42 =	vld.idx.msk [tilespmem:v42+s13+$0x0], $0xffff;
	[tilespmem:s30+$0x30] =	vst v26  }
0xee: {  	v26 =	vmul.f32 $8.000000000e+00, v36;
	v36 =	vld.idx.msk [tilespmem:v39+s13+$0x0], $0xffff;
	[tilespmem:s30+$0xB0] =	vst v25;
	v25 =	vor.u32 v4, v19  }
0xef: {  	v39 =	vmul.f32 $8.000000000e+00, v44;
	v30 =	vld.idx.msk [tilespmem:v30+s13+$0x0], $0xffff;
	[tilespmem:s30+$0x130] =	vst v27;
	v27 =	vor.u32 v4, v16  }
0xf0: {  	v29 =	vmul.f32 $8.000000000e+00, v29;
	v40 =	vld.idx.msk [tilespmem:v40+s13+$0x0], $0xffff;
	[tilespmem:s30+$0x1B0] =	vst v34;
	v34 =	vor.u32 v4, v20  }
0xf1: {  	v44 =	vor.u32 v4, v8;
	v38 =	vmul.f32 $8.000000000e+00, v38;
	v45 =	vld.idx.msk [tilespmem:v15+s13+$0x0], $0xffff;
	[tilespmem:s30+$0x3F0] =	vst v39  }
0xf2: {  	v39 =	vor.u32 v5, v9;
	v33 =	vmul.f32 $8.000000000e+00, v33;
	v15 =	vld.idx.msk [tilespmem:v43+s13+$0x0], $0xffff;
	[tilespmem:s30+$0x230] =	vst v32  }
0xf3: {  	v32 =	vor.u32 v5, v10;
	v42 =	vmul.f32 $8.000000000e+00, v42;
	v25 =	vld.idx.msk [tilespmem:v25+s13+$0x0], $0xffff;
	[tilespmem:s30+$0x2B0] =	vst v35  }
0xf4: {  	v35 =	vor.u32 v5, v11;
	v36 =	vmul.f32 $8.000000000e+00, v36;
	v27 =	vld.idx.msk [tilespmem:v27+s13+$0x0], $0xffff;
	[tilespmem:s30+$0x330] =	vst v37  }
0xf5: {  	v30 =	vmul.f32 $8.000000000e+00, v30;
	[tilespmem:s30+$0xFFFFFC30] =	vst v31;
	v31 =	vor.u32 v5, v12;
	v34 =	vld.idx.msk [tilespmem:v34+s13+$0x0], $0xffff  }
0xf6: {  	v40 =	vmul.f32 $8.000000000e+00, v40;
	v37 =	vld.idx.msk [tilespmem:v44+s13+$0x0], $0xffff;
	[tilespmem:s30+$0xFFFFFCC0] =	vst v41;
	v41 =	vor.u32 v5, v13  }
0xf7: {  	v43 =	vmul.f32 $8.000000000e+00, v45;
	v39 =	vld.idx.msk [tilespmem:v39+s13+$0x0], $0xffff;
	[tilespmem:s30+$0xFFFFFD40] =	vst v28;
	v28 =	vor.u32 v5, v14  }
0xf8: {  	v32 =	vld.idx.msk [tilespmem:v32+s13+$0x0], $0xffff;
	[tilespmem:s30+$0xFFFFFDC0] =	vst v26;
	v26 =	vor.u32 v5, v21  }
0xf9: {  	v25 =	vmul.f32 $8.000000000e+00, v25;
	v35 =	vld.idx.msk [tilespmem:v35+s13+$0x0], $0xffff;
	[tilespmem:s30+$0xFFFFFE40] =	vst v29;
	v29 =	vor.u32 v5, v17  }
0xfa: {  	v27 =	vmul.f32 $8.000000000e+00, v27;
	v31 =	vld.idx.msk [tilespmem:v31+s13+$0x0], $0xffff;
	[tilespmem:s30+$0xFFFFFEC0] =	vst v38;
	v38 =	vor.u32 v5, v22  }
0xfb: {  	v34 =	vmul.f32 $8.000000000e+00, v34;
	v41 =	vld.idx.msk [tilespmem:v41+s13+$0x0], $0xffff;
	[tilespmem:s30+$0xFFFFFF40] =	vst v33;
	v33 =	vor.u32 v5, v23  }
0xfc: {  	v37 =	vmul.f32 $8.000000000e+00, v37;
	v28 =	vld.idx.msk [tilespmem:v28+s13+$0x0], $0xffff;
	[tilespmem:s30+$0xFFFFFFC0] =	vst v42;
	v42 =	vor.u32 v5, v18  }
0xfd: {  	v39 =	vmul.f32 $8.000000000e+00, v39;
	v26 =	vld.idx.msk [tilespmem:v26+s13+$0x0], $0xffff;
	[tilespmem:s30+$0x40] =	vst v36;
	v36 =	vor.u32 v5, v19  }
0xfe: {  	v32 =	vmul.f32 $8.000000000e+00, v32;
	v29 =	vld.idx.msk [tilespmem:v29+s13+$0x0], $0xffff;
	[tilespmem:s30+$0xC0] =	vst v30;
	v30 =	vor.u32 v5, v16  }
0xff: {  	s0 =	sadd.s32 $0x1, s31;
	v35 =	vmul.f32 $8.000000000e+00, v35;
	v38 =	vld.idx.msk [tilespmem:v38+s13+$0x0], $0xffff;
	[tilespmem:s30+$0x140] =	vst v40;
	v40 =	vor.u32 v5, v20  }
0x100: {  	v44 =	vmov s0;
	s0 =	sadd.s32 $0x2, s31;
	v45 =	vor.u32 v5, v8;
	v31 =	vmul.f32 $8.000000000e+00, v31;
	v33 =	vld.idx.msk [tilespmem:v33+s13+$0x0], $0xffff;
	[tilespmem:s30+$0x1C0] =	vst v43  }
0x101: {  	v46 =	vor.u32 v6, v9;
	v43 =	vmov s0;
	s0 =	sadd.s32 $0x3, s31;
	v41 =	vmul.f32 $8.000000000e+00, v41;
	v42 =	vld.idx.msk [tilespmem:v42+s13+$0x0], $0xffff;
	[tilespmem:s30+$0x240] =	vst v25  }
0x102: {  	v47 =	vmov s0;
	s0 =	sadd.s32 $0x4, s31;
	v25 =	vor.u32 v6, v10;
	v28 =	vmul.f32 $8.000000000e+00, v28;
	v36 =	vld.idx.msk [tilespmem:v36+s13+$0x0], $0xffff;
	[tilespmem:s30+$0x2C0] =	vst v27  }
0x103: {  	v48 =	vor.u32 v6, v11;
	v27 =	vmov s0;
	s0 =	sadd.s32 $0x5, s31;
	v26 =	vmul.f32 $8.000000000e+00, v26;
	v30 =	vld.idx.msk [tilespmem:v30+s13+$0x0], $0xffff;
	[tilespmem:s30+$0x340] =	vst v34  }
0x104: {  	v34 =	vmov s0;
	s0 =	sadd.s32 $0x6, s31;
	v29 =	vmul.f32 $8.000000000e+00, v29;
	[tilespmem:s30+$0xFFFFFC40] =	vst v37;
	v37 =	vor.u32 v6, v12;
	v40 =	vld.idx.msk [tilespmem:v40+s13+$0x0], $0xffff  }
0x105: {  	v49 =	vmov s0;
	s0 =	sadd.s32 $0x7, s31;
	v38 =	vmul.f32 $8.000000000e+00, v38;
	v45 =	vld.idx.msk [tilespmem:v45+s13+$0x0], $0xffff;
	[tilespmem:s30+$0xFFFFFCD0] =	vst v39;
	v39 =	vor.u32 v6, v13  }
0x106: {  	v50 =	vmov s0;
	s0 =	sadd.s32 $0x8, s31;
	v33 =	vmul.f32 $8.000000000e+00, v33;
	v46 =	vld.idx.msk [tilespmem:v46+s13+$0x0], $0xffff;
	[tilespmem:s30+$0xFFFFFD50] =	vst v32;
	v32 =	vor.u32 v6, v14  }
0x107: {  	v51 =	vmov s0;
	s0 =	sadd.s32 $0x9, s31;
	v52 =	vld.idx.msk [tilespmem:v25+s13+$0x0], $0xffff;
	[tilespmem:s30+$0xFFFFFDD0] =	vst v35;
	v25 =	vor.u32 v6, v21;
	v35 =	vmul.f32 $8.000000000e+00, v42  }
0x108: {  	v42 =	vmov s0;
	s0 =	sadd.s32 $0xA, s31;
	v36 =	vmul.f32 $8.000000000e+00, v36;
	v48 =	vld.idx.msk [tilespmem:v48+s13+$0x0], $0xffff;
	[tilespmem:s30+$0xFFFFFE50] =	vst v31;
	v31 =	vor.u32 v6, v17  }
0x109: {  	v53 =	vmov s0;
	s0 =	sadd.s32 $0xB, s31;
	v30 =	vmul.f32 $8.000000000e+00, v30;
	v37 =	vld.idx.msk [tilespmem:v37+s13+$0x0], $0xffff;
	[tilespmem:s30+$0xFFFFFED0] =	vst v41;
	v41 =	vor.u32 v6, v22  }
0x10a: {  	v54 =	vmov s0;
	s0 =	sadd.s32 $0xC, s31;
	v40 =	vmul.f32 $8.000000000e+00, v40;
	v39 =	vld.idx.msk [tilespmem:v39+s13+$0x0], $0xffff;
	[tilespmem:s30+$0xFFFFFF50] =	vst v28;
	v28 =	vor.u32 v6, v23  }
0x10b: {  	v55 =	vmov s0;
	s0 =	sadd.s32 $0xD, s31;
	v45 =	vmul.f32 $8.000000000e+00, v45;
	v32 =	vld.idx.msk [tilespmem:v32+s13+$0x0], $0xffff;
	[tilespmem:s30+$0xFFFFFFD0] =	vst v26;
	v26 =	vor.u32 v6, v18  }
0x10c: {  	v56 =	vmov s0;
	s0 =	sadd.s32 $0xE, s31;
	v46 =	vmul.f32 $8.000000000e+00, v46;
	v57 =	vld.idx.msk [tilespmem:v25+s13+$0x0], $0xffff;
	[tilespmem:s30+$0x50] =	vst v29;
	v29 =	vor.u32 v6, v19  }
0x10d: {  	v25 =	vmov s0;
	v52 =	vmul.f32 $8.000000000e+00, v52;
	v31 =	vld.idx.msk [tilespmem:v31+s13+$0x0], $0xffff;
	[tilespmem:s30+$0xD0] =	vst v38;
	v38 =	vor.u32 v6, v16  }
0x10e: {  	v44 =	vand.u32 $0x71, v44;
	v48 =	vmul.f32 $8.000000000e+00, v48;
	v41 =	vld.idx.msk [tilespmem:v41+s13+$0x0], $0xffff;
	[tilespmem:s30+$0x150] =	vst v33;
	v33 =	vor.u32 v6, v20  }
0x10f: {  	v58 =	vor.u32 v6, v8;
	v43 =	vand.u32 $0x72, v43;
	v37 =	vmul.f32 $8.000000000e+00, v37;
	v28 =	vld.idx.msk [tilespmem:v28+s13+$0x0], $0xffff;
	[tilespmem:s30+$0x1D0] =	vst v35  }
0x110: {  	v9 =	vor.u32 v7, v9;
	v35 =	vand.u32 $0x73, v47;
	v39 =	vmul.f32 $8.000000000e+00, v39;
	v47 =	vld.idx.msk [tilespmem:v26+s13+$0x0], $0xffff;
	[tilespmem:s30+$0x250] =	vst v36  }
0x111: {  	v10 =	vor.u32 v7, v10;
	v36 =	vand.u32 $0x74, v27;
	v59 =	vmul.f32 $8.000000000e+00, v32;
	v29 =	vld.idx.msk [tilespmem:v29+s13+$0x0], $0xffff;
	[tilespmem:s30+$0x2D0] =	vst v30  }
0x112: {  	v11 =	vor.u32 v7, v11;
	v60 =	vand.u32 $0x75, v34;
	v34 =	vmul.f32 $8.000000000e+00, v57;
	v38 =	vld.idx.msk [tilespmem:v38+s13+$0x0], $0xffff;
	[tilespmem:s30+$0x350] =	vst v40  }
0x113: {  	v12 =	vor.u32 v7, v12;
	v49 =	vand.u32 $0x76, v49;
	v40 =	vmul.f32 $8.000000000e+00, v31;
	[tilespmem:s30+$0xFFFFFC50] =	vst v45;
	v31 =	vld.idx.msk [tilespmem:v33+s13+$0x0], $0xffff  }
0x114: {  	v13 =	vor.u32 v7, v13;
	v26 =	vand.u32 $0x77, v50;
	v41 =	vmul.f32 $8.000000000e+00, v41;
	v33 =	vld.idx.msk [tilespmem:v58+s13+$0x0], $0xffff;
	[tilespmem:s30+$0xFFFFFCE0] =	vst v46  }
0x115: {  	v27 =	vand.u32 $0x78, v51;
	v45 =	vld.idx.msk [tilespmem:v9+s13+$0x0], $0xffff;
	[tilespmem:s30+$0xFFFFFD60] =	vst v52;
	v9 =	vor.u32 v7, v14;
	v14 =	vmul.f32 $8.000000000e+00, v28  }
0x116: {  	v28 =	vand.u32 $0x79, v42;
	v46 =	vmul.f32 $8.000000000e+00, v47;
	v42 =	vld.idx.msk [tilespmem:v10+s13+$0x0], $0xffff;
	[tilespmem:s30+$0xFFFFFDE0] =	vst v48;
	v10 =	vor.u32 v7, v21  }
0x117: {  	v30 =	vand.u32 $0x7A, v53;
	v47 =	vld.idx.msk [tilespmem:v11+s13+$0x0], $0xffff;
	[tilespmem:s30+$0xFFFFFE60] =	vst v37;
	v11 =	vor.u32 v7, v17;
	v37 =	vmul.f32 $8.000000000e+00, v29  }
0x118: {  	v32 =	vand.u32 $0x7B, v54;
	v50 =	vmul.f32 $8.000000000e+00, v38;
	v48 =	vld.idx.msk [tilespmem:v12+s13+$0x0], $0xffff;
	[tilespmem:s30+$0xFFFFFEE0] =	vst v39;
	v12 =	vor.u32 v7, v22  }
0x119: {  	v29 =	vand.u32 $0x7C, v55;
	v22 =	vmul.f32 $8.000000000e+00, v31;
	v38 =	vld.idx.msk [tilespmem:v13+s13+$0x0], $0xffff;
	[tilespmem:s30+$0xFFFFFF60] =	vst v59;
	v13 =	vor.u32 v7, v23  }
0x11a: {  	v52 =	vor.u32 v7, v18;
	v31 =	vand.u32 $0x7D, v56;
	v21 =	vmul.f32 $8.000000000e+00, v33;
	v51 =	vld.idx.msk [tilespmem:v9+s13+$0x0], $0xffff;
	[tilespmem:s30+$0xFFFFFFE0] =	vst v34  }
0x11b: {  	v9 =	vbroadcast v44, $0x0;
	v17 =	vmul.f32 $8.000000000e+00, v45;
	v44 =	vor.u32 v7, v19;
	v23 =	vld.idx.msk [tilespmem:v10+s13+$0x0], $0xffff;
	[tilespmem:s30+$0x60] =	vst v40  }
.Ltmp0:
0x11c: {  	v10 =	vbroadcast v43, $0x0;
	v18 =	vmul.f32 $8.000000000e+00, v42;
	v19 =	vld.idx.msk [tilespmem:v11+s13+$0x0], $0xffff;
	[tilespmem:s30+$0xE0] =	vst v41;
	v41 =	vor.u32 v7, v16;
	(pc) =	sbr.rel @p1 .LBB2_3-.Ltmp0, $4  }
0x11d: {  	v40 =	vor.u32 v7, v20;
	v11 =	vbroadcast v35, $0x0;
	v16 =	vmul.f32 $8.000000000e+00, v47;
	v33 =	vld.idx.msk [tilespmem:v12+s13+$0x0], $0xffff;
	[tilespmem:s30+$0x160] =	vst v14  }
0x11e: {  	v39 =	vor.u32 v7, v8;
	v8 =	vmovc v24;
	v12 =	vbroadcast v36, $0x0;
	v20 =	vmul.f32 $8.000000000e+00, v48;
	v34 =	vld.idx.msk [tilespmem:v13+s13+$0x0], $0xffff;
	[tilespmem:s30+$0x1E0] =	vst v46  }
0x11f: {  	v42 =	vor.u32 v0, v9;
	v13 =	vbroadcast v60, $0x0;
	v35 =	vmul.f32 $8.000000000e+00, v38;
	v36 =	vld.idx.msk [tilespmem:v52+s13+$0x0], $0xffff;
	[tilespmem:s30+$0x260] =	vst v37  }
0x120: {  	s0 =	sadd.s32 $0xF, s31;
	s31 =	sadd.s32 $0x10, s31;
	v43 =	vor.u32 v0, v10;
	v14 =	vbroadcast v49, $0x0;
	v37 =	vmul.f32 $8.000000000e+00, v51;
	v38 =	vld.idx.msk [tilespmem:v44+s13+$0x0], $0xffff;
	[tilespmem:s30+$0x2E0] =	vst v50  }
0x121: {  	_ =	sdelay $0x3  }
0x122: {  	v44 =	vor.u32 v0, v11;
	v24 =	vmov s0;
	v41 =	vld.idx.msk [tilespmem:v41+s13+$0x0], $0xffff;
	[tilespmem:s30+$0x360] =	vst v22  }
0x123: {  	v22 =	vor.u32 v0, v12;
	[tilespmem:s30+$0xFFFFFC60] =	vst v21;
	v42 =	vld.idx.msk [tilespmem:v42+s13+$0x0], $0xffff;
	v24 =	vand.u32 $0x7F, v24  }
0x124: {  	v53 =	vor.u32 v0, v13;
	[tilespmem:s30+$0xFFFFFCF0] =	vst v17;
	v43 =	vld.idx.msk [tilespmem:v43+s13+$0x0], $0xffff;
	v24 =	vbroadcast v24, $0x0  }
0x125: {  	[tilespmem:s30+$0xFFFFFD70] =	vst v18;
	v21 =	vld.idx.msk [tilespmem:v40+s13+$0x0], $0xffff;
	v17 =	vor.u32 v0, v14  }
0x126: {  	[tilespmem:s30+$0xFFFFFDF0] =	vst v16;
	v39 =	vld.idx.msk [tilespmem:v39+s13+$0x0], $0xffff;
	v18 =	vor.u32 v0, v24  }
0x127: {  	[tilespmem:s30+$0xFFFFFE70] =	vst v20;
	v44 =	vld.idx.msk [tilespmem:v44+s13+$0x0], $0xffff  }
0x128: {  	v16 =	vmul.f32 $8.000000000e+00, v23;
	[tilespmem:s30+$0xFFFFFEF0] =	vst v35;
	v45 =	vld.idx.msk [tilespmem:v22+s13+$0x0], $0xffff  }
0x129: {  	v19 =	vmul.f32 $8.000000000e+00, v19;
	[tilespmem:s30+$0xFFFFFF70] =	vst v37;
	v54 =	vld.idx.msk [tilespmem:v53+s13+$0x0], $0xffff  }
0x12a: {  	[tilespmem:s30+$0xFFFFFFF0] =	vst v16;
	v16 =	vmul.f32 $8.000000000e+00, v33;
	v55 =	vld.idx.msk [tilespmem:v17+s13+$0x0], $0xffff  }
0x12b: {  	v20 =	vbroadcast v26, $0x0;
	v26 =	vmul.f32 $8.000000000e+00, v41;
	v22 =	vld.idx.msk [tilespmem:v18+s13+$0x0], $0xffff;
	[tilespmem:s30+$0x70] =	vst v19  }
0x12c: {  	v21 =	vmul.f32 $8.000000000e+00, v21;
	[tilespmem:s30+$0xF0] =	vst v16  }
0x12d: {  	v17 =	vbroadcast v27, $0x0;
	v18 =	vmul.f32 $8.000000000e+00, v34;
	[tilespmem:s30+$0x2F0] =	vst v26  }
0x12e: {  	v25 =	vand.u32 $0x7E, v25;
	v23 =	vor.u32 v0, v20;
	v19 =	vmul.f32 $8.000000000e+00, v36;
	[tilespmem:s30+$0x370] =	vst v21  }
0x12f: {  	v58 =	vmul.f32 $8.000000000e+00, v42;
	v27 =	vor.u32 v0, v17;
	v16 =	vmul.f32 $8.000000000e+00, v38;
	[tilespmem:s30+$0x170] =	vst v18  }
0x130: {  	s0 =	sadd.s32 $0x800, s30;
	v18 =	vbroadcast v28, $0x0;
	[tilespmem:s30+$0x1F0] =	vst v19;
	v19 =	vbroadcast v30, $0x0;
	v30 =	vor.u32 v1, v24  }
0x131: {  	v62 =	vor.u32 v1, v9;
	v21 =	vbroadcast v29, $0x0;
	[tilespmem:s0+$0xFFFFFC80] =	vst v58;
	v28 =	vmul.f32 $8.000000000e+00, v39  }
0x132: {  	[tilespmem:s30+$0x270] =	vst v16;
	v16 =	vbroadcast v32, $0x0;
	v26 =	vor.u32 v0, v18;
	v57 =	vmul.f32 $8.000000000e+00, v22  }
0x133: {  	v56 =	vor.u32 v0, v19;
	[tilespmem:s30+$0xFFFFFC70] =	vst v28;
	v28 =	vld.idx.msk [tilespmem:v23+s13+$0x0], $0xffff;
	v22 =	vbroadcast v31, $0x0;
	v31 =	vmul.f32 $8.000000000e+00, v43  }
0x134: {  	v29 =	vor.u32 v0, v16;
	v23 =	vbroadcast v25, $0x0;
	v25 =	vld.idx.msk [tilespmem:v27+s13+$0x0], $0xffff;
	v27 =	vmul.f32 $8.000000000e+00, v44;
	[tilespmem:s0+$0x380] =	vst v57  }
0x135: {  	v59 =	vor.u32 v0, v21;
	[tilespmem:s0+$0xFFFFFD00] =	vst v31;
	v31 =	vmul.f32 $8.000000000e+00, v45;
	v30 =	vld.idx.msk [tilespmem:v30+s13+$0x0], $0xffff  }
0x136: {  	v35 =	vld.idx.msk [tilespmem:v62+s13+$0x0], $0xffff;
	[tilespmem:s0+$0xFFFFFD80] =	vst v27;
	v27 =	vmul.f32 $8.000000000e+00, v54;
	v60 =	vor.u32 v0, v22  }
0x137: {  	v61 =	vor.u32 v0, v23;
	v26 =	vld.idx.msk [tilespmem:v26+s13+$0x0], $0xffff;
	[tilespmem:s0+$0xFFFFFE00] =	vst v31;
	v31 =	vmul.f32 $8.000000000e+00, v55  }
0x138: {  	v63 =	vor.u32 v2, v24;
	[tilespmem:s0+$0xFFFFFE80] =	vst v27;
	v32 =	vld.idx.msk [tilespmem:v56+s13+$0x0], $0xffff;
	v27 =	vmul.f32 $8.000000000e+00, v28  }
0x139: {  	v29 =	vld.idx.msk [tilespmem:v29+s13+$0x0], $0xffff;
	v25 =	vmul.f32 $8.000000000e+00, v25;
	[tilespmem:s0+$0xFFFFFF00] =	vst v31;
	v31 =	vor.u32 v1, v10  }
0x13a: {  	v40 =	vor.u32 v1, v20;
	v28 =	vld.idx.msk [tilespmem:v59+s13+$0x0], $0xffff;
	[tilespmem:s0+$0xFFFFFF80] =	vst v27;
	v27 =	vmul.f32 $8.000000000e+00, v30  }
0x13b: {  	v15 =	vmul.f32 $8.000000000e+00, v15;
	[tilespmem:s0+$0x0] =	vst v25;
	v34 =	vld.idx.msk [tilespmem:v60+s13+$0x0], $0xffff;
	v30 =	vor.u32 v1, v11  }
0x13c: {  	v36 =	vld.idx.msk [tilespmem:v61+s13+$0x0], $0xffff;
	v25 =	vmul.f32 $8.000000000e+00, v26;
	v26 =	vor.u32 v1, v12;
	[tilespmem:s0+$0x390] =	vst v27  }
0x13d: {  	[tilespmem:s0+$0xFFFFFC00] =	vst v15;
	v32 =	vmul.f32 $8.000000000e+00, v32;
	v27 =	vor.u32 v1, v13;
	v33 =	vld.idx.msk [tilespmem:v63+s13+$0x0], $0xffff  }
0x13e: {  	v42 =	vor.u32 v1, v18;
	[tilespmem:s0+$0x80] =	vst v25;
	v25 =	vmul.f32 $8.000000000e+00, v29;
	v31 =	vld.idx.msk [tilespmem:v31+s13+$0x0], $0xffff  }
0x13f: {  	v28 =	vmul.f32 $8.000000000e+00, v28;
	v29 =	vor.u32 v1, v14;
	[tilespmem:s0+$0x100] =	vst v32;
	v32 =	vld.idx.msk [tilespmem:v40+s13+$0x0], $0xffff  }
0x140: {  	v44 =	vor.u32 v1, v16;
	[tilespmem:s0+$0x180] =	vst v25;
	v25 =	vmul.f32 $8.000000000e+00, v34;
	v30 =	vld.idx.msk [tilespmem:v30+s13+$0x0], $0xffff  }
0x141: {  	v41 =	vor.u32 v1, v17;
	[tilespmem:s0+$0x200] =	vst v28;
	v28 =	vmul.f32 $8.000000000e+00, v36;
	v26 =	vld.idx.msk [tilespmem:v26+s13+$0x0], $0xffff  }
0x142: {  	v43 =	vor.u32 v3, v24;
	[tilespmem:s0+$0x280] =	vst v25;
	v25 =	vld.idx.msk [tilespmem:v27+s13+$0x0], $0xffff;
	v27 =	vmul.f32 $8.000000000e+00, v35  }
0x143: {  	v46 =	vor.u32 v2, v10;
	v36 =	vld.idx.msk [tilespmem:v42+s13+$0x0], $0xffff;
	[tilespmem:s0+$0x300] =	vst v28;
	v15 =	vmul.f32 $8.000000000e+00, v33  }
0x144: {  	v28 =	vld.idx.msk [tilespmem:v29+s13+$0x0], $0xffff;
	v29 =	vor.u32 v1, v19;
	v31 =	vmul.f32 $8.000000000e+00, v31;
	[tilespmem:s0+$0xFFFFFC90] =	vst v27  }
0x145: {  	v48 =	vor.u32 v2, v11;
	v33 =	vld.idx.msk [tilespmem:v44+s13+$0x0], $0xffff;
	v32 =	vmul.f32 $8.000000000e+00, v32;
	[tilespmem:s0+$0x3A0] =	vst v15  }
0x146: {  	v45 =	vor.u32 v1, v21;
	v27 =	vld.idx.msk [tilespmem:v41+s13+$0x0], $0xffff;
	v30 =	vmul.f32 $8.000000000e+00, v30;
	[tilespmem:s0+$0xFFFFFD10] =	vst v31  }
0x147: {  	v15 =	vor.u32 v1, v22;
	[tilespmem:s0+$0xFFFFFF90] =	vst v32;
	v26 =	vmul.f32 $8.000000000e+00, v26;
	v35 =	vld.idx.msk [tilespmem:v43+s13+$0x0], $0xffff  }
0x148: {  	v31 =	vor.u32 v1, v23;
	v34 =	vld.idx.msk [tilespmem:v46+s13+$0x0], $0xffff;
	v25 =	vmul.f32 $8.000000000e+00, v25;
	[tilespmem:s0+$0xFFFFFD90] =	vst v30  }
0x149: {  	v30 =	vor.u32 v1, v8;
	v29 =	vld.idx.msk [tilespmem:v29+s13+$0x0], $0xffff;
	v28 =	vmul.f32 $8.000000000e+00, v28;
	[tilespmem:s0+$0xFFFFFE10] =	vst v26  }
0x14a: {  	v50 =	vor.u32 v2, v17;
	v33 =	vmul.f32 $8.000000000e+00, v33;
	v32 =	vld.idx.msk [tilespmem:v48+s13+$0x0], $0xffff;
	[tilespmem:s0+$0xFFFFFE90] =	vst v25  }
0x14b: {  	v26 =	vor.u32 v2, v9;
	v25 =	vld.idx.msk [tilespmem:v45+s13+$0x0], $0xffff;
	v27 =	vmul.f32 $8.000000000e+00, v27;
	[tilespmem:s0+$0xFFFFFF10] =	vst v28  }
0x14c: {  	v47 =	vor.u32 v4, v24;
	v15 =	vld.idx.msk [tilespmem:v15+s13+$0x0], $0xffff;
	v28 =	vmul.f32 $8.000000000e+00, v36;
	[tilespmem:s0+$0x190] =	vst v33  }
0x14d: {  	v49 =	vor.u32 v2, v12;
	v31 =	vld.idx.msk [tilespmem:v31+s13+$0x0], $0xffff;
	[tilespmem:s0+$0x10] =	vst v27;
	v27 =	vmul.f32 $8.000000000e+00, v35  }
0x14e: {  	v56 =	vor.u32 v3, v11;
	v30 =	vld.idx.msk [tilespmem:v30+s13+$0x0], $0xffff;
	[tilespmem:s0+$0x90] =	vst v28;
	v29 =	vmul.f32 $8.000000000e+00, v29  }
0x14f: {  	v28 =	vor.u32 v2, v13;
	v33 =	vld.idx.msk [tilespmem:v50+s13+$0x0], $0xffff;
	[tilespmem:s0+$0x3B0] =	vst v27;
	v32 =	vmul.f32 $8.000000000e+00, v32  }
0x150: {  	v26 =	vld.idx.msk [tilespmem:v26+s13+$0x0], $0xffff;
	v27 =	vor.u32 v2, v14;
	v25 =	vmul.f32 $8.000000000e+00, v25;
	[tilespmem:s0+$0x110] =	vst v29  }
0x151: {  	v51 =	vor.u32 v2, v18;
	v36 =	vld.idx.msk [tilespmem:v47+s13+$0x0], $0xffff;
	v15 =	vmul.f32 $8.000000000e+00, v15;
	[tilespmem:s0+$0xFFFFFDA0] =	vst v32  }
0x152: {  	v29 =	vor.u32 v2, v20;
	v31 =	vmul.f32 $8.000000000e+00, v31;
	[tilespmem:s0+$0x210] =	vst v25;
	v25 =	vld.idx.msk [tilespmem:v49+s13+$0x0], $0xffff  }
0x153: {  	v53 =	vor.u32 v2, v21;
	v35 =	vld.idx.msk [tilespmem:v56+s13+$0x0], $0xffff;
	v30 =	vmul.f32 $8.000000000e+00, v30;
	[tilespmem:s0+$0x290] =	vst v15  }
0x154: {  	v15 =	vld.idx.msk [tilespmem:v28+s13+$0x0], $0xffff;
	v28 =	vor.u32 v2, v19;
	[tilespmem:s0+$0x310] =	vst v31;
	v31 =	vmul.f32 $8.000000000e+00, v34  }
0x155: {  	v52 =	vor.u32 v5, v24;
	v26 =	vmul.f32 $8.000000000e+00, v26;
	v27 =	vld.idx.msk [tilespmem:v27+s13+$0x0], $0xffff;
	[tilespmem:s0+$0xFFFFFC10] =	vst v30  }
0x156: {  	v33 =	vmul.f32 $8.000000000e+00, v33;
	v30 =	vor.u32 v2, v16;
	[tilespmem:s0+$0xFFFFFD20] =	vst v31;
	v31 =	vld.idx.msk [tilespmem:v51+s13+$0x0], $0xffff  }
0x157: {  	v55 =	vor.u32 v2, v8;
	v29 =	vld.idx.msk [tilespmem:v29+s13+$0x0], $0xffff;
	[tilespmem:s0+$0xFFFFFCA0] =	vst v26;
	v26 =	vmul.f32 $8.000000000e+00, v36  }
0x158: {  	v54 =	vor.u32 v2, v22;
	[tilespmem:s0+$0x20] =	vst v33;
	v36 =	vld.idx.msk [tilespmem:v53+s13+$0x0], $0xffff;
	v25 =	vmul.f32 $8.000000000e+00, v25  }
0x159: {  	v61 =	vmul.f32 $8.000000000e+00, v35;
	[tilespmem:s0+$0x3C0] =	vst v26;
	v26 =	vor.u32 v2, v23;
	v28 =	vld.idx.msk [tilespmem:v28+s13+$0x0], $0xffff  }
0x15a: {  	v57 =	vor.u32 v3, v12;
	v15 =	vmul.f32 $8.000000000e+00, v15;
	v34 =	vld.idx.msk [tilespmem:v52+s13+$0x0], $0xffff;
	[tilespmem:s0+$0xFFFFFE20] =	vst v25  }
0x15b: {  	v27 =	vmul.f32 $8.000000000e+00, v27;
	v25 =	vor.u32 v3, v9;
	[tilespmem:s0+$0xFFFFFDB0] =	vst v61;
	v30 =	vld.idx.msk [tilespmem:v30+s13+$0x0], $0xffff  }
0x15c: {  	v32 =	vld.idx.msk [tilespmem:v55+s13+$0x0], $0xffff;
	[tilespmem:s0+$0xFFFFFEA0] =	vst v15;
	v15 =	vor.u32 v3, v10;
	v29 =	vmul.f32 $8.000000000e+00, v29  }
0x15d: {  	v60 =	vor.u32 v3, v19;
	v31 =	vmul.f32 $8.000000000e+00, v31;
	[tilespmem:s0+$0xFFFFFF20] =	vst v27;
	v27 =	vld.idx.msk [tilespmem:v54+s13+$0x0], $0xffff  }
0x15e: {  	[tilespmem:s0+$0xFFFFFFA0] =	vst v29;
	v26 =	vld.idx.msk [tilespmem:v26+s13+$0x0], $0xffff;
	v28 =	vmul.f32 $8.000000000e+00, v28;
	v29 =	vor.u32 v6, v24  }
0x15f: {  	v58 =	vor.u32 v3, v13;
	v33 =	vld.idx.msk [tilespmem:v57+s13+$0x0], $0xffff;
	[tilespmem:s0+$0xA0] =	vst v31;
	v31 =	vmul.f32 $8.000000000e+00, v34  }
0x160: {  	v25 =	vld.idx.msk [tilespmem:v25+s13+$0x0], $0xffff;
	v30 =	vmul.f32 $8.000000000e+00, v30;
	[tilespmem:s0+$0x120] =	vst v28;
	v28 =	vor.u32 v3, v14  }
0x161: {  	v36 =	vmul.f32 $8.000000000e+00, v36;
	v15 =	vld.idx.msk [tilespmem:v15+s13+$0x0], $0xffff;
	[tilespmem:s0+$0x3D0] =	vst v31;
	v31 =	vor.u32 v3, v20  }
0x162: {  	v27 =	vmul.f32 $8.000000000e+00, v27;
	v63 =	vld.idx.msk [tilespmem:v60+s13+$0x0], $0xffff;
	[tilespmem:s0+$0x1A0] =	vst v30;
	v30 =	vor.u32 v3, v17  }
0x163: {  	v62 =	vor.u32 v3, v22;
	[tilespmem:s0+$0x220] =	vst v36;
	v26 =	vmul.f32 $8.000000000e+00, v26;
	v29 =	vld.idx.msk [tilespmem:v29+s13+$0x0], $0xffff  }
0x164: {  	v59 =	vor.u32 v3, v18;
	v32 =	vmul.f32 $8.000000000e+00, v32;
	[tilespmem:s0+$0x2A0] =	vst v27;
	v27 =	vld.idx.msk [tilespmem:v58+s13+$0x0], $0xffff  }
0x165: {  	v25 =	vmul.f32 $8.000000000e+00, v25;
	[tilespmem:s0+$0x320] =	vst v26;
	v26 =	vld.idx.msk [tilespmem:v28+s13+$0x0], $0xffff;
	v28 =	vor.u32 v3, v16  }
0x166: {  	[tilespmem:s0+$0xFFFFFC20] =	vst v32;
	v24 =	vor.u32 v7, v24;
	v15 =	vmul.f32 $8.000000000e+00, v15;
	v31 =	vld.idx.msk [tilespmem:v31+s13+$0x0], $0xffff  }
0x167: {  	v33 =	vmul.f32 $8.000000000e+00, v33;
	[tilespmem:s0+$0xFFFFFCB0] =	vst v25;
	v25 =	vld.idx.msk [tilespmem:v30+s13+$0x0], $0xffff;
	v30 =	vor.u32 v3, v21  }
0x168: {  	v36 =	vor.u32 v3, v23;
	v35 =	vld.idx.msk [tilespmem:v62+s13+$0x0], $0xffff;
	[tilespmem:s0+$0xFFFFFD30] =	vst v15;
	v15 =	vmul.f32 $8.000000000e+00, v29  }
0x169: {  	v39 =	vor.u32 v4, v14;
	[tilespmem:s0+$0xFFFFFE30] =	vst v33;
	v29 =	vld.idx.msk [tilespmem:v59+s13+$0x0], $0xffff;
	v27 =	vmul.f32 $8.000000000e+00, v27  }
0x16a: {  	[tilespmem:s0+$0x3E0] =	vst v15;
	v15 =	vor.u32 v3, v8;
	v26 =	vmul.f32 $8.000000000e+00, v26;
	v28 =	vld.idx.msk [tilespmem:v28+s13+$0x0], $0xffff  }
0x16b: {  	v37 =	vor.u32 v4, v9;
	[tilespmem:s0+$0xFFFFFEB0] =	vst v27;
	v31 =	vmul.f32 $8.000000000e+00, v31;
	v24 =	vld.idx.msk [tilespmem:v24+s13+$0x0], $0xffff  }
0x16c: {  	v32 =	vmul.f32 $8.000000000e+00, v63;
	v27 =	vor.u32 v4, v10;
	v30 =	vld.idx.msk [tilespmem:v30+s13+$0x0], $0xffff;
	[tilespmem:s0+$0xFFFFFF30] =	vst v26  }
0x16d: {  	v25 =	vmul.f32 $8.000000000e+00, v25;
	v26 =	vor.u32 v4, v11;
	[tilespmem:s0+$0xFFFFFFB0] =	vst v31;
	v31 =	vld.idx.msk [tilespmem:v36+s13+$0x0], $0xffff  }
0x16e: {  	v38 =	vor.u32 v4, v12;
	[tilespmem:s0+$0x130] =	vst v32;
	v29 =	vmul.f32 $8.000000000e+00, v29;
	v33 =	vld.idx.msk [tilespmem:v39+s13+$0x0], $0xffff  }
0x16f: {  	v35 =	vmul.f32 $8.000000000e+00, v35;
	[tilespmem:s0+$0x30] =	vst v25;
	v25 =	vor.u32 v4, v13;
	v15 =	vld.idx.msk [tilespmem:v15+s13+$0x0], $0xffff  }
0x170: {  	v40 =	vor.u32 v4, v20;
	v28 =	vmul.f32 $8.000000000e+00, v28;
	[tilespmem:s0+$0xB0] =	vst v29;
	v29 =	vld.idx.msk [tilespmem:v37+s13+$0x0], $0xffff  }
0x171: {  	v43 =	vor.u32 v4, v21;
	[tilespmem:s0+$0x2B0] =	vst v35;
	v27 =	vld.idx.msk [tilespmem:v27+s13+$0x0], $0xffff;
	v24 =	vmul.f32 $8.000000000e+00, v24  }
0x172: {  	v44 =	vor.u32 v4, v23;
	v30 =	vmul.f32 $8.000000000e+00, v30;
	[tilespmem:s0+$0x1B0] =	vst v28;
	v26 =	vld.idx.msk [tilespmem:v26+s13+$0x0], $0xffff  }
0x173: {  	v28 =	vor.u32 v4, v17;
	[tilespmem:s0+$0x3F0] =	vst v24;
	v24 =	vld.idx.msk [tilespmem:v38+s13+$0x0], $0xffff;
	v31 =	vmul.f32 $8.000000000e+00, v31  }
0x174: {  	v41 =	vor.u32 v4, v18;
	v33 =	vmul.f32 $8.000000000e+00, v33;
	[tilespmem:s0+$0x230] =	vst v30;
	v25 =	vld.idx.msk [tilespmem:v25+s13+$0x0], $0xffff  }
0x175: {  	v30 =	vor.u32 v4, v19;
	v15 =	vmul.f32 $8.000000000e+00, v15;
	[tilespmem:s0+$0x330] =	vst v31;
	v31 =	vld.idx.msk [tilespmem:v40+s13+$0x0], $0xffff  }
0x176: {  	v29 =	vmul.f32 $8.000000000e+00, v29;
	v32 =	vld.idx.msk [tilespmem:v43+s13+$0x0], $0xffff;
	[tilespmem:s0+$0xFFFFFF40] =	vst v33  }
0x177: {  	v42 =	vor.u32 v4, v16;
	v27 =	vmul.f32 $8.000000000e+00, v27;
	v34 =	vld.idx.msk [tilespmem:v44+s13+$0x0], $0xffff;
	[tilespmem:s0+$0xFFFFFC30] =	vst v15  }
0x178: {  	v15 =	vmul.f32 $8.000000000e+00, v26;
	v26 =	vld.idx.msk [tilespmem:v28+s13+$0x0], $0xffff;
	v28 =	vor.u32 v4, v22;
	[tilespmem:s0+$0xFFFFFCC0] =	vst v29  }
0x179: {  	v51 =	vor.u32 v5, v21;
	v29 =	vld.idx.msk [tilespmem:v41+s13+$0x0], $0xffff;
	[tilespmem:s0+$0xFFFFFD40] =	vst v27;
	v24 =	vmul.f32 $8.000000000e+00, v24  }
0x17a: {  	v27 =	vld.idx.msk [tilespmem:v30+s13+$0x0], $0xffff;
	v30 =	vor.u32 v4, v8;
	v25 =	vmul.f32 $8.000000000e+00, v25;
	[tilespmem:s0+$0xFFFFFDC0] =	vst v15  }
0x17b: {  	v45 =	vor.u32 v5, v9;
	[tilespmem:s0+$0xFFFFFE40] =	vst v24;
	v32 =	vmul.f32 $8.000000000e+00, v32  }
0x17c: {  	v15 =	vld.idx.msk [tilespmem:v42+s13+$0x0], $0xffff;
	v24 =	vor.u32 v5, v10;
	[tilespmem:s0+$0xFFFFFEC0] =	vst v25;
	v34 =	vmul.f32 $8.000000000e+00, v34  }
0x17d: {  	v31 =	vmul.f32 $8.000000000e+00, v31;
	v25 =	vor.u32 v5, v11;
	v28 =	vld.idx.msk [tilespmem:v28+s13+$0x0], $0xffff;
	[tilespmem:s0+$0x240] =	vst v32  }
0x17e: {  	v46 =	vor.u32 v5, v12;
	v26 =	vmul.f32 $8.000000000e+00, v26;
	[tilespmem:s0+$0x340] =	vst v34;
	v34 =	vld.idx.msk [tilespmem:v51+s13+$0x0], $0xffff  }
0x17f: {  	v49 =	vor.u32 v5, v19;
	v29 =	vmul.f32 $8.000000000e+00, v29;
	[tilespmem:s0+$0xFFFFFFC0] =	vst v31;
	v30 =	vld.idx.msk [tilespmem:v30+s13+$0x0], $0xffff  }
0x180: {  	v31 =	vor.u32 v5, v13;
	v27 =	vmul.f32 $8.000000000e+00, v27;
	[tilespmem:s0+$0x40] =	vst v26;
	v26 =	vld.idx.msk [tilespmem:v45+s13+$0x0], $0xffff  }
0x181: {  	v47 =	vor.u32 v5, v14;
	v15 =	vmul.f32 $8.000000000e+00, v15;
	[tilespmem:s0+$0xC0] =	vst v29;
	v24 =	vld.idx.msk [tilespmem:v24+s13+$0x0], $0xffff  }
0x182: {  	v29 =	vor.u32 v5, v20;
	[tilespmem:s0+$0x140] =	vst v27;
	v25 =	vld.idx.msk [tilespmem:v25+s13+$0x0], $0xffff;
	v28 =	vmul.f32 $8.000000000e+00, v28  }
0x183: {  	v27 =	vor.u32 v5, v17;
	[tilespmem:s0+$0x1C0] =	vst v15;
	v15 =	vld.idx.msk [tilespmem:v46+s13+$0x0], $0xffff;
	v34 =	vmul.f32 $8.000000000e+00, v34  }
0x184: {  	v48 =	vor.u32 v5, v18;
	v32 =	vld.idx.msk [tilespmem:v49+s13+$0x0], $0xffff;
	v30 =	vmul.f32 $8.000000000e+00, v30;
	[tilespmem:s0+$0x2C0] =	vst v28  }
0x185: {  	v52 =	vor.u32 v5, v23;
	v31 =	vld.idx.msk [tilespmem:v31+s13+$0x0], $0xffff;
	v26 =	vmul.f32 $8.000000000e+00, v26;
	[tilespmem:s0+$0x250] =	vst v34  }
0x186: {  	v50 =	vor.u32 v5, v16;
	v28 =	vld.idx.msk [tilespmem:v47+s13+$0x0], $0xffff;
	v24 =	vmul.f32 $8.000000000e+00, v24;
	[tilespmem:s0+$0xFFFFFC40] =	vst v30  }
0x187: {  	v55 =	vor.u32 v6, v19;
	v29 =	vld.idx.msk [tilespmem:v29+s13+$0x0], $0xffff;
	v25 =	vmul.f32 $8.000000000e+00, v25;
	[tilespmem:s0+$0xFFFFFCD0] =	vst v26  }
0x188: {  	v27 =	vld.idx.msk [tilespmem:v27+s13+$0x0], $0xffff;
	v30 =	vor.u32 v5, v22;
	v15 =	vmul.f32 $8.000000000e+00, v15;
	[tilespmem:s0+$0xFFFFFD50] =	vst v24  }
0x189: {  	v26 =	vld.idx.msk [tilespmem:v48+s13+$0x0], $0xffff;
	v24 =	vor.u32 v5, v8;
	v32 =	vmul.f32 $8.000000000e+00, v32;
	[tilespmem:s0+$0xFFFFFDD0] =	vst v25  }
0x18a: {  	v33 =	vld.idx.msk [tilespmem:v52+s13+$0x0], $0xffff;
	v31 =	vmul.f32 $8.000000000e+00, v31;
	v25 =	vor.u32 v6, v9;
	[tilespmem:s0+$0xFFFFFE50] =	vst v15  }
0x18b: {  	v35 =	vld.idx.msk [tilespmem:v50+s13+$0x0], $0xffff;
	v15 =	vor.u32 v6, v10;
	v28 =	vmul.f32 $8.000000000e+00, v28;
	[tilespmem:s0+$0x150] =	vst v32  }
0x18c: {  	v29 =	vmul.f32 $8.000000000e+00, v29;
	[tilespmem:s0+$0xFFFFFED0] =	vst v31;
	v31 =	vor.u32 v6, v11;
	v34 =	vld.idx.msk [tilespmem:v55+s13+$0x0], $0xffff  }
0x18d: {  	v30 =	vld.idx.msk [tilespmem:v30+s13+$0x0], $0xffff;
	v27 =	vmul.f32 $8.000000000e+00, v27;
	[tilespmem:s0+$0xFFFFFF50] =	vst v28;
	v28 =	vor.u32 v6, v12  }
0x18e: {  	v26 =	vmul.f32 $8.000000000e+00, v26;
	[tilespmem:s0+$0xFFFFFFD0] =	vst v29;
	v29 =	vor.u32 v6, v13;
	v24 =	vld.idx.msk [tilespmem:v24+s13+$0x0], $0xffff  }
0x18f: {  	[tilespmem:s0+$0x50] =	vst v27;
	v25 =	vld.idx.msk [tilespmem:v25+s13+$0x0], $0xffff;
	v27 =	vor.u32 v6, v14  }
0x190: {  	v33 =	vmul.f32 $8.000000000e+00, v33;
	[tilespmem:s0+$0xD0] =	vst v26;
	v15 =	vld.idx.msk [tilespmem:v15+s13+$0x0], $0xffff;
	v26 =	vor.u32 v6, v20  }
0x191: {  	v53 =	vor.u32 v6, v17;
	v35 =	vmul.f32 $8.000000000e+00, v35;
	v31 =	vld.idx.msk [tilespmem:v31+s13+$0x0], $0xffff  }
0x192: {  	v54 =	vor.u32 v6, v18;
	[tilespmem:s0+$0x350] =	vst v33;
	v30 =	vmul.f32 $8.000000000e+00, v30;
	v28 =	vld.idx.msk [tilespmem:v28+s13+$0x0], $0xffff  }
0x193: {  	v9 =	vor.u32 v7, v9;
	[tilespmem:s0+$0x1D0] =	vst v35;
	v29 =	vld.idx.msk [tilespmem:v29+s13+$0x0], $0xffff;
	v24 =	vmul.f32 $8.000000000e+00, v24  }
0x194: {  	v10 =	vor.u32 v7, v10;
	[tilespmem:s0+$0x2D0] =	vst v30;
	v27 =	vld.idx.msk [tilespmem:v27+s13+$0x0], $0xffff;
	v25 =	vmul.f32 $8.000000000e+00, v25  }
0x195: {  	v11 =	vor.u32 v7, v11;
	v26 =	vld.idx.msk [tilespmem:v26+s13+$0x0], $0xffff;
	v15 =	vmul.f32 $8.000000000e+00, v15;
	[tilespmem:s0+$0xFFFFFC50] =	vst v24  }
0x196: {  	v30 =	vor.u32 v6, v16;
	v24 =	vld.idx.msk [tilespmem:v53+s13+$0x0], $0xffff;
	v31 =	vmul.f32 $8.000000000e+00, v31;
	[tilespmem:s0+$0xFFFFFCE0] =	vst v25  }
0x197: {  	v56 =	vor.u32 v6, v21;
	v25 =	vld.idx.msk [tilespmem:v54+s13+$0x0], $0xffff;
	[tilespmem:s0+$0xFFFFFD60] =	vst v15;
	v28 =	vmul.f32 $8.000000000e+00, v28  }
0x198: {  	v57 =	vor.u32 v6, v22;
	v29 =	vmul.f32 $8.000000000e+00, v29;
	[tilespmem:s0+$0xFFFFFDE0] =	vst v31;
	v9 =	vld.idx.msk [tilespmem:v9+s13+$0x0], $0xffff  }
0x199: {  	v12 =	vor.u32 v7, v12;
	v10 =	vld.idx.msk [tilespmem:v10+s13+$0x0], $0xffff;
	v27 =	vmul.f32 $8.000000000e+00, v27;
	[tilespmem:s0+$0xFFFFFE60] =	vst v28  }
0x19a: {  	v13 =	vor.u32 v7, v13;
	v11 =	vld.idx.msk [tilespmem:v11+s13+$0x0], $0xffff;
	v26 =	vmul.f32 $8.000000000e+00, v26;
	[tilespmem:s0+$0xFFFFFEE0] =	vst v29  }
0x19b: {  	v15 =	vor.u32 v6, v8;
	v30 =	vld.idx.msk [tilespmem:v30+s13+$0x0], $0xffff;
	v24 =	vmul.f32 $8.000000000e+00, v24;
	[tilespmem:s0+$0xFFFFFF60] =	vst v27  }
0x19c: {  	v58 =	vor.u32 v6, v23;
	v28 =	vld.idx.msk [tilespmem:v56+s13+$0x0], $0xffff;
	v25 =	vmul.f32 $8.000000000e+00, v25;
	[tilespmem:s0+$0xFFFFFFE0] =	vst v26  }
0x19d: {  	v14 =	vor.u32 v7, v14;
	v29 =	vld.idx.msk [tilespmem:v57+s13+$0x0], $0xffff;
	v26 =	vmul.f32 $8.000000000e+00, v34;
	[tilespmem:s0+$0x60] =	vst v24  }
0x19e: {  	v20 =	vor.u32 v7, v20;
	v12 =	vld.idx.msk [tilespmem:v12+s13+$0x0], $0xffff;
	v9 =	vmul.f32 $8.000000000e+00, v9;
	[tilespmem:s0+$0xE0] =	vst v25  }
0x19f: {  	v18 =	vor.u32 v7, v18;
	v13 =	vld.idx.msk [tilespmem:v13+s13+$0x0], $0xffff;
	v10 =	vmul.f32 $8.000000000e+00, v10;
	[tilespmem:s0+$0x160] =	vst v26  }
0x1a0: {  	v19 =	vor.u32 v7, v19;
	v15 =	vld.idx.msk [tilespmem:v15+s13+$0x0], $0xffff;
	v11 =	vmul.f32 $8.000000000e+00, v11;
	[tilespmem:s0+$0xFFFFFCF0] =	vst v9  }
0x1a1: {  	v16 =	vor.u32 v7, v16;
	v27 =	vld.idx.msk [tilespmem:v58+s13+$0x0], $0xffff;
	v24 =	vmul.f32 $8.000000000e+00, v30;
	[tilespmem:s0+$0xFFFFFD70] =	vst v10  }
0x1a2: {  	v17 =	vor.u32 v7, v17;
	v14 =	vld.idx.msk [tilespmem:v14+s13+$0x0], $0xffff;
	v25 =	vmul.f32 $8.000000000e+00, v28;
	[tilespmem:s0+$0xFFFFFDF0] =	vst v11  }
0x1a3: {  	v21 =	vor.u32 v7, v21;
	v20 =	vld.idx.msk [tilespmem:v20+s13+$0x0], $0xffff;
	v26 =	vmul.f32 $8.000000000e+00, v29;
	[tilespmem:s0+$0x1E0] =	vst v24  }
0x1a4: {  	v9 =	vld.idx.msk [tilespmem:v18+s13+$0x0], $0xffff;
	v12 =	vmul.f32 $8.000000000e+00, v12;
	[tilespmem:s0+$0x260] =	vst v25  }
0x1a5: {  	v18 =	vor.u32 v7, v23;
	v10 =	vld.idx.msk [tilespmem:v19+s13+$0x0], $0xffff;
	v15 =	vmul.f32 $8.000000000e+00, v15;
	[tilespmem:s0+$0x2E0] =	vst v26  }
0x1a6: {  	v8 =	vor.u32 v7, v8;
	v13 =	vmul.f32 $8.000000000e+00, v13;
	v11 =	vld.idx.msk [tilespmem:v16+s13+$0x0], $0xffff;
	[tilespmem:s0+$0xFFFFFE70] =	vst v12  }
0x1a7: {  	v24 =	vmul.f32 $8.000000000e+00, v27;
	[tilespmem:s0+$0xFFFFFC60] =	vst v15;
	v15 =	vld.idx.msk [tilespmem:v17+s13+$0x0], $0xffff;
	v17 =	vor.u32 v7, v22  }
0x1a8: {  	v14 =	vmul.f32 $8.000000000e+00, v14;
	v12 =	vld.idx.msk [tilespmem:v21+s13+$0x0], $0xffff;
	[tilespmem:s0+$0xFFFFFEF0] =	vst v13  }
0x1a9: {  	v16 =	vmul.f32 $8.000000000e+00, v20;
	[tilespmem:s0+$0x360] =	vst v24  }
0x1aa: {  	[tilespmem:s0+$0xFFFFFF70] =	vst v14;
	v14 =	vld.idx.msk [tilespmem:v18+s13+$0x0], $0xffff;
	v9 =	vmul.f32 $8.000000000e+00, v9  }
0x1ab: {  	[tilespmem:s0+$0xFFFFFFF0] =	vst v16;
	v8 =	vld.idx.msk [tilespmem:v8+s13+$0x0], $0xffff;
	v10 =	vmul.f32 $8.000000000e+00, v10  }
0x1ac: {  	[tilespmem:s0+$0xF0] =	vst v9;
	v11 =	vmul.f32 $8.000000000e+00, v11;
	v13 =	vld.idx.msk [tilespmem:v17+s13+$0x0], $0xffff  }
0x1ad: {  	[tilespmem:s0+$0x170] =	vst v10;
	v9 =	vmul.f32 $8.000000000e+00, v12  }
0x1ae: {  	v15 =	vmul.f32 $8.000000000e+00, v15;
	[tilespmem:s0+$0x1F0] =	vst v11  }
0x1af: {  	v11 =	vmul.f32 $8.000000000e+00, v14;
	[tilespmem:s0+$0x270] =	vst v9  }
0x1b0: {  	s1 =	sshll.u32 s26, $0x14;
	s31 =	simm.s32 $0x0;
	v8 =	vmul.f32 $8.000000000e+00, v8;
	[tilespmem:s0+$0x70] =	vst v15  }
0x1b1: {  	s1 =	sor.u32 s4, s1;
	v9 =	vmov s31;
	s31 =	simm.s32 $0x5;
	[tilespmem:s0+$0x370] =	vst v11;
	v10 =	vmul.f32 $8.000000000e+00, v13  }
0x1b2: {  	s30 =	sshrl.u32 s1, $0x3;
	v14 =	vmov s31;
	s31 =	simm.s32 $0x8;
	[tilespmem:s0+$0xFFFFFC70] =	vst v8;
	v8 =	vand.u32 $0x70, v9  }
0x1b3: {  	s1 =	sadd.s32 s2, s30;
	v19 =	vmov s31;
	s31 =	simm.s32 $0xB;
	v13 =	vbroadcast v8, $0x0;
	[tilespmem:s0+$0x2F0] =	vst v10;
	s0 =	simm.s32 $0x1  }
0x1b4: {  	[hbm4b:s1+s9] =	stream.strided.scatter [tilespmem:s17], [sflag:$0x5], $0x2000, s10, s9, $0x38;
	[tilespmem:$0x1A400] =	vst v63  }
0x1b5: {  	v26 =	vmov s31;
	v8 =	vor.u32 v0, v13;
	s1 =	simm.s32 $0x2;
	v9 =	vmov s0;
	s0 =	simm.s32 $0x3  }
0x1b6: {  	v10 =	vmov s1;
	s1 =	simm.s32 $0x4;
	v11 =	vmov s0;
	s0 =	simm.s32 $0x6;
	v9 =	vand.u32 $0x71, v9  }
0x1b7: {  	s29 =	sor.u32 $0x3, s29;
	v12 =	vmov s1;
	s1 =	simm.s32 $0x7;
	v15 =	vmov s0;
	v10 =	vand.u32 $0x72, v10  }
0x1b8: {  	s31 =	sshll.u32 s29, $0x7;
	s0 =	simm.s32 $0x9;
	v24 =	vbroadcast v9, $0x0;
	v9 =	vand.u32 $0x73, v11;
	v17 =	vmov s1  }
0x1b9: {  	_ =	swait.ge [sflag:s18], $0x4000;
	s1 =	simm.s32 $0xA;
	v20 =	vmov s0;
	s0 =	simm.s32 $0xC;
	v11 =	vand.u32 $0x74, v12;
	v23 =	vbroadcast v10, $0x0  }
0x1ba: {  	[sflag:s18] =	ssyncset.done $0x0;
	v10 =	vand.u32 $0x75, v14;
	v25 =	vmov s1;
	s1 =	simm.s32 $0xD;
	v27 =	vmov s0;
	s0 =	simm.s32 $0xE  }
0x1bb: {  	[sflag:s18] =	ssyncadd.s32 $0xFFFFC000;
	v21 =	vbroadcast v9, $0x0;
	v28 =	vmov s1;
	s1 =	sand.u32 $0x3FFFFF80, s31;
	v29 =	vmov s0;
	s0 =	simm.s32 @!p0 $0x6  }
0x1bc: {  	v9 =	vand.u32 $0x76, v15;
	v12 =	vor.u32 v0, v24;
	v16 =	vbroadcast v10, $0x0;
	[tilespmem:s19], [sflag:$0x4] =	stream.indirect.gather [hbm4b:s5+s12], $0x80, s1, s12, $0xb8;
	[tilespmem:$0x1A400] =	vst v63  }
0x1bd: {  	v18 =	vbroadcast v11, $0x0;
	v9 =	vbroadcast v9, $0x0;
	v11 =	vor.u32 v0, v23;
	_ =	swait.ge @!p0 [sflag:s0], $0x2000  }
0x1be: {  	v17 =	vand.u32 $0x77, v17;
	v10 =	vor.u32 v0, v21;
	s1 =	simm.s32 $0xF;
	v31 =	vor.u32 v0, v16;
	[sflag:s0] =	ssyncset.done @!p0 $0x0  }
0x1bf: {  	v22 =	vbroadcast v17, $0x0;
	v17 =	vand.u32 $0x79, v20;
	v14 =	vmov s1;
	[sflag:s0] =	ssyncadd.s32 @!p0 $0xFFFFE000  }
0x1c0: {  	v15 =	vor.u32 v0, v18;
	v20 =	vbroadcast v17, $0x0;
	v14 =	vand.u32 $0x7F, v14;
	v30 =	vld.idx.msk [tilespmem:v8+s14+$0x0], $0xffff  }
0x1c1: {  	v8 =	vbroadcast v14, $0x0;
	v14 =	vand.u32 $0x78, v19;
	v59 =	vld.idx.msk [tilespmem:v12+s14+$0x0], $0xffff;
	v12 =	vor.u32 v0, v9  }
0x1c2: {  	v62 =	vor.u32 v0, v22;
	v60 =	vld.idx.msk [tilespmem:v11+s14+$0x0], $0xffff;
	v11 =	vand.u32 $0x7A, v25;
	v19 =	vbroadcast v14, $0x0  }
0x1c3: {  	v17 =	vbroadcast v11, $0x0;
	v11 =	vand.u32 $0x7C, v27;
	v27 =	vld.idx.msk [tilespmem:v31+s14+$0x0], $0xffff;
	v31 =	vor.u32 v0, v20  }
0x1c4: {  	v25 =	vld.idx.msk [tilespmem:v10+s14+$0x0], $0xffff;
	v10 =	vand.u32 $0x7B, v26;
	v61 =	vor.u32 v0, v8  }
0x1c5: {  	v15 =	vld.idx.msk [tilespmem:v15+s14+$0x0], $0xffff;
	v14 =	vbroadcast v10, $0x0;
	v26 =	vor.u32 v0, v19  }
0x1c6: {  	v45 =	vor.u32 v0, v17;
	v63 =	vld.idx.msk [tilespmem:v12+s14+$0x0], $0xffff  }
0x1c7: {  	v46 =	vor.u32 v0, v14;
	v12 =	vand.u32 $0x7E, v29;
	v29 =	vld.idx.msk [tilespmem:v62+s14+$0x0], $0xffff  }
0x1c8: {  	v51 =	vor.u32 v1, v24;
	v28 =	vand.u32 $0x7D, v28;
	v31 =	vld.idx.msk [tilespmem:v31+s14+$0x0], $0xffff  }
0x1c9: {  	v52 =	vor.u32 v1, v23;
	v10 =	vbroadcast v11, $0x0;
	v11 =	vbroadcast v28, $0x0;
	v28 =	vld.idx.msk [tilespmem:v61+s14+$0x0], $0xffff  }
0x1ca: {  	v53 =	vor.u32 v1, v21;
	v32 =	vmul.f32 $8.000000000e+00, v59;
	v26 =	vld.idx.msk [tilespmem:v26+s14+$0x0], $0xffff  }
0x1cb: {  	s31 =	simm.s32 $0x18800;
	v47 =	vor.u32 v0, v10;
	v33 =	vmul.f32 $8.000000000e+00, v60;
	v37 =	vld.idx.msk [tilespmem:v45+s14+$0x0], $0xffff  }
0x1cc: {  	v48 =	vor.u32 v0, v11;
	v25 =	vmul.f32 $8.000000000e+00, v25;
	v12 =	vbroadcast v12, $0x0;
	[tilespmem:s31+$0xFFFFFC80] =	vst v32;
	v38 =	vld.idx.msk [tilespmem:v46+s14+$0x0], $0xffff  }
0x1cd: {  	v54 =	vor.u32 v1, v18;
	v30 =	vmul.f32 $8.000000000e+00, v30;
	[tilespmem:s31+$0xFFFFFD00] =	vst v33;
	v56 =	vld.idx.msk [tilespmem:v51+s14+$0x0], $0xffff  }
0x1ce: {  	v15 =	vmul.f32 $8.000000000e+00, v15;
	[tilespmem:s31+$0xFFFFFD80] =	vst v25;
	v49 =	vor.u32 v0, v12;
	v58 =	vld.idx.msk [tilespmem:v52+s14+$0x0], $0xffff  }
0x1cf: {  	v57 =	vor.u32 v1, v9;
	v25 =	vmul.f32 $8.000000000e+00, v27;
	[tilespmem:s31+$0xFFFFFC00] =	vst v30;
	v59 =	vld.idx.msk [tilespmem:v53+s14+$0x0], $0xffff  }
0x1d0: {  	v27 =	vor.u32 v1, v22;
	[tilespmem:s31+$0xFFFFFE00] =	vst v15;
	v34 =	vld.idx.msk [tilespmem:v47+s14+$0x0], $0xffff;
	v15 =	vmul.f32 $8.000000000e+00, v63  }
0x1d1: {  	v50 =	vor.u32 v1, v8;
	v35 =	vld.idx.msk [tilespmem:v48+s14+$0x0], $0xffff;
	[tilespmem:s31+$0xFFFFFE80] =	vst v25;
	v25 =	vmul.f32 $8.000000000e+00, v29  }
0x1d2: {  	v60 =	vor.u32 v1, v19;
	v61 =	vld.idx.msk [tilespmem:v54+s14+$0x0], $0xffff;
	v28 =	vmul.f32 $8.000000000e+00, v28;
	[tilespmem:s31+$0xFFFFFF00] =	vst v15  }
0x1d3: {  	v53 =	vor.u32 v2, v23;
	[tilespmem:s31+$0xFFFFFF80] =	vst v25;
	v39 =	vld.idx.msk [tilespmem:v49+s14+$0x0], $0xffff;
	v15 =	vmul.f32 $8.000000000e+00, v26  }
0x1d4: {  	v30 =	vor.u32 v2, v21;
	v33 =	vld.idx.msk [tilespmem:v57+s14+$0x0], $0xffff;
	v37 =	vmul.f32 $8.000000000e+00, v37;
	[tilespmem:s31+$0x380] =	vst v28  }
0x1d5: {  	v25 =	vor.u32 v1, v17;
	v27 =	vld.idx.msk [tilespmem:v27+s14+$0x0], $0xffff;
	v54 =	vmul.f32 $8.000000000e+00, v58;
	[tilespmem:s31+$0x0] =	vst v15  }
0x1d6: {  	v62 =	vor.u32 v1, v10;
	v40 =	vmul.f32 $8.000000000e+00, v56;
	v56 =	vmul.f32 $8.000000000e+00, v59;
	v55 =	vld.idx.msk [tilespmem:v50+s14+$0x0], $0xffff;
	[tilespmem:s31+$0x100] =	vst v37  }
0x1d7: {  	v26 =	vor.u32 v1, v20;
	v34 =	vmul.f32 $8.000000000e+00, v34;
	[tilespmem:s31+$0xFFFFFD10] =	vst v54;
	v36 =	vld.idx.msk [tilespmem:v60+s14+$0x0], $0xffff  }
0x1d8: {  	v49 =	vor.u32 v1, v13;
	v15 =	vmul.f32 $8.000000000e+00, v31;
	[tilespmem:s31+$0xFFFFFD90] =	vst v56;
	v59 =	vld.idx.msk [tilespmem:v53+s14+$0x0], $0xffff  }
0x1d9: {  	v28 =	vor.u32 v1, v16;
	[tilespmem:s31+$0x200] =	vst v34;
	v30 =	vld.idx.msk [tilespmem:v30+s14+$0x0], $0xffff  }
0x1da: {  	v31 =	vor.u32 v1, v14;
	[tilespmem:s31+$0x80] =	vst v15;
	v15 =	vmul.f32 $8.000000000e+00, v38;
	v25 =	vld.idx.msk [tilespmem:v25+s14+$0x0], $0xffff  }
0x1db: {  	v50 =	vor.u32 v2, v24;
	[tilespmem:s31+$0xFFFFFC90] =	vst v40;
	v52 =	vld.idx.msk [tilespmem:v62+s14+$0x0], $0xffff;
	v51 =	vmul.f32 $8.000000000e+00, v39  }
0x1dc: {  	v48 =	vor.u32 v1, v12;
	v26 =	vld.idx.msk [tilespmem:v26+s14+$0x0], $0xffff;
	v33 =	vmul.f32 $8.000000000e+00, v33;
	[tilespmem:s31+$0x180] =	vst v15  }
0x1dd: {  	v60 =	vor.u32 v2, v22;
	v38 =	vld.idx.msk [tilespmem:v49+s14+$0x0], $0xffff;
	v27 =	vmul.f32 $8.000000000e+00, v27;
	[tilespmem:s31+$0x300] =	vst v51  }
0x1de: {  	v29 =	vor.u32 v2, v8;
	v28 =	vld.idx.msk [tilespmem:v28+s14+$0x0], $0xffff;
	v15 =	vmul.f32 $8.000000000e+00, v35;
	[tilespmem:s31+$0xFFFFFF10] =	vst v33  }
0x1df: {  	v58 =	vor.u32 v2, v9;
	v32 =	vmul.f32 $8.000000000e+00, v55;
	v31 =	vld.idx.msk [tilespmem:v31+s14+$0x0], $0xffff;
	[tilespmem:s31+$0xFFFFFF90] =	vst v27  }
0x1e0: {  	v63 =	vor.u32 v1, v11;
	v35 =	vld.idx.msk [tilespmem:v50+s14+$0x0], $0xffff;
	[tilespmem:s31+$0x280] =	vst v15;
	v36 =	vmul.f32 $8.000000000e+00, v36  }
0x1e1: {  	v27 =	vor.u32 v2, v17;
	v34 =	vld.idx.msk [tilespmem:v48+s14+$0x0], $0xffff;
	v30 =	vmul.f32 $8.000000000e+00, v30;
	[tilespmem:s31+$0x390] =	vst v32  }
0x1e2: {  	v57 =	vor.u32 v2, v16;
	v41 =	vld.idx.msk [tilespmem:v60+s14+$0x0], $0xffff;
	v25 =	vmul.f32 $8.000000000e+00, v25;
	[tilespmem:s31+$0x10] =	vst v36  }
0x1e3: {  	v62 =	vor.u32 v2, v14;
	v29 =	vld.idx.msk [tilespmem:v29+s14+$0x0], $0xffff;
	v26 =	vmul.f32 $8.000000000e+00, v26;
	[tilespmem:s31+$0xFFFFFDA0] =	vst v30  }
0x1e4: {  	v49 =	vor.u32 v3, v24;
	v37 =	vld.idx.msk [tilespmem:v58+s14+$0x0], $0xffff;
	v28 =	vmul.f32 $8.000000000e+00, v28;
	[tilespmem:s31+$0x110] =	vst v25  }
0x1e5: {  	v32 =	vld.idx.msk [tilespmem:v63+s14+$0x0], $0xffff;
	v30 =	vor.u32 v3, v22;
	[tilespmem:s31+$0x90] =	vst v26;
	v31 =	vmul.f32 $8.000000000e+00, v31  }
0x1e6: {  	v15 =	vor.u32 v3, v8;
	v27 =	vld.idx.msk [tilespmem:v27+s14+$0x0], $0xffff;
	v51 =	vmul.f32 $8.000000000e+00, v35;
	[tilespmem:s31+$0xFFFFFE90] =	vst v28  }
0x1e7: {  	v25 =	vor.u32 v2, v12;
	v41 =	vmul.f32 $8.000000000e+00, v41;
	v42 =	vld.idx.msk [tilespmem:v57+s14+$0x0], $0xffff;
	[tilespmem:s31+$0x190] =	vst v31  }
0x1e8: {  	v28 =	vor.u32 v2, v20;
	[tilespmem:s31+$0xFFFFFCA0] =	vst v51;
	v29 =	vmul.f32 $8.000000000e+00, v29;
	v36 =	vld.idx.msk [tilespmem:v62+s14+$0x0], $0xffff  }
0x1e9: {  	v55 =	vor.u32 v2, v18;
	v31 =	vmul.f32 $8.000000000e+00, v34;
	v34 =	vld.idx.msk [tilespmem:v49+s14+$0x0], $0xffff;
	[tilespmem:s31+$0xFFFFFFA0] =	vst v41  }
0x1ea: {  	v60 =	vor.u32 v3, v17;
	v30 =	vld.idx.msk [tilespmem:v30+s14+$0x0], $0xffff;
	[tilespmem:s31+$0x3A0] =	vst v29;
	v29 =	vmul.f32 $8.000000000e+00, v61  }
0x1eb: {  	v54 =	vor.u32 v3, v16;
	v37 =	vmul.f32 $8.000000000e+00, v37;
	[tilespmem:s31+$0x310] =	vst v31;
	v15 =	vld.idx.msk [tilespmem:v15+s14+$0x0], $0xffff  }
0x1ec: {  	v25 =	vld.idx.msk [tilespmem:v25+s14+$0x0], $0xffff;
	v27 =	vmul.f32 $8.000000000e+00, v27;
	[tilespmem:s31+$0xFFFFFE10] =	vst v29;
	v29 =	vor.u32 v2, v19  }
0x1ed: {  	v63 =	vor.u32 v2, v11;
	[tilespmem:s31+$0xFFFFFF20] =	vst v37;
	v28 =	vld.idx.msk [tilespmem:v28+s14+$0x0], $0xffff;
	v56 =	vmul.f32 $8.000000000e+00, v42  }
0x1ee: {  	v43 =	vmul.f32 $8.000000000e+00, v59;
	v61 =	vor.u32 v4, v8;
	[tilespmem:s31+$0x120] =	vst v27;
	v40 =	vld.idx.msk [tilespmem:v55+s14+$0x0], $0xffff  }
0x1ef: {  	v32 =	vmul.f32 $8.000000000e+00, v32;
	v55 =	vor.u32 v3, v9;
	v37 =	vld.idx.msk [tilespmem:v60+s14+$0x0], $0xffff;
	[tilespmem:s31+$0xFFFFFEA0] =	vst v56  }
0x1f0: {  	v50 =	vor.u32 v3, v23;
	[tilespmem:s31+$0xFFFFFD20] =	vst v43;
	v59 =	vld.idx.msk [tilespmem:v54+s14+$0x0], $0xffff;
	v15 =	vmul.f32 $8.000000000e+00, v15  }
0x1f1: {  	v26 =	vor.u32 v2, v10;
	[tilespmem:s31+$0x290] =	vst v32;
	v36 =	vmul.f32 $8.000000000e+00, v36;
	v29 =	vld.idx.msk [tilespmem:v29+s14+$0x0], $0xffff  }
0x1f2: {  	v53 =	vor.u32 v3, v18;
	v25 =	vmul.f32 $8.000000000e+00, v25;
	[tilespmem:s31+$0x3B0] =	vst v15;
	v15 =	vmul.f32 $8.000000000e+00, v52;
	v52 =	vld.idx.msk [tilespmem:v63+s14+$0x0], $0xffff  }
0x1f3: {  	v48 =	vor.u32 v2, v13;
	[tilespmem:s31+$0x1A0] =	vst v36;
	v33 =	vld.idx.msk [tilespmem:v61+s14+$0x0], $0xffff  }
0x1f4: {  	v57 =	vor.u32 v3, v19;
	[tilespmem:s31+$0x320] =	vst v25;
	v40 =	vmul.f32 $8.000000000e+00, v40;
	v61 =	vld.idx.msk [tilespmem:v55+s14+$0x0], $0xffff  }
0x1f5: {  	v58 =	vor.u32 v3, v20;
	[tilespmem:s31+$0x210] =	vst v15;
	v15 =	vmul.f32 $8.000000000e+00, v38;
	v38 =	vld.idx.msk [tilespmem:v50+s14+$0x0], $0xffff  }
0x1f6: {  	v31 =	vor.u32 v5, v8;
	[tilespmem:s31+$0xFFFFFE20] =	vst v40;
	v26 =	vld.idx.msk [tilespmem:v26+s14+$0x0], $0xffff;
	v29 =	vmul.f32 $8.000000000e+00, v29  }
0x1f7: {  	v28 =	vmul.f32 $8.000000000e+00, v28;
	v32 =	vld.idx.msk [tilespmem:v53+s14+$0x0], $0xffff;
	[tilespmem:s31+$0xFFFFFC10] =	vst v15;
	v15 =	vor.u32 v3, v21  }
0x1f8: {  	v49 =	vor.u32 v4, v23;
	v39 =	vld.idx.msk [tilespmem:v48+s14+$0x0], $0xffff;
	v33 =	vmul.f32 $8.000000000e+00, v33;
	[tilespmem:s31+$0x20] =	vst v29  }
0x1f9: {  	[tilespmem:s31+$0xA0] =	vst v28;
	v51 =	vmul.f32 $8.000000000e+00, v59;
	v29 =	vor.u32 v3, v14;
	v40 =	vld.idx.msk [tilespmem:v57+s14+$0x0], $0xffff  }
0x1fa: {  	v28 =	vor.u32 v3, v10;
	v25 =	vmul.f32 $8.000000000e+00, v38;
	[tilespmem:s31+$0x3C0] =	vst v33;
	v33 =	vld.idx.msk [tilespmem:v58+s14+$0x0], $0xffff  }
0x1fb: {  	v63 =	vor.u32 v3, v12;
	[tilespmem:s31+$0xFFFFFEB0] =	vst v51;
	v26 =	vmul.f32 $8.000000000e+00, v26;
	v31 =	vld.idx.msk [tilespmem:v31+s14+$0x0], $0xffff  }
0x1fc: {  	v46 =	vor.u32 v3, v13;
	v53 =	vmul.f32 $8.000000000e+00, v61;
	v15 =	vld.idx.msk [tilespmem:v15+s14+$0x0], $0xffff;
	[tilespmem:s31+$0xFFFFFD30] =	vst v25  }
0x1fd: {  	v32 =	vmul.f32 $8.000000000e+00, v32;
	v25 =	vor.u32 v4, v16;
	[tilespmem:s31+$0x220] =	vst v26;
	v26 =	vmul.f32 $8.000000000e+00, v39;
	v39 =	vld.idx.msk [tilespmem:v49+s14+$0x0], $0xffff  }
0x1fe: {  	v55 =	vor.u32 v4, v19;
	[tilespmem:s31+$0xFFFFFF30] =	vst v53;
	v29 =	vld.idx.msk [tilespmem:v29+s14+$0x0], $0xffff  }
0x1ff: {  	v62 =	vor.u32 v6, v8;
	[tilespmem:s31+$0xFFFFFE30] =	vst v32;
	v28 =	vld.idx.msk [tilespmem:v28+s14+$0x0], $0xffff;
	v40 =	vmul.f32 $8.000000000e+00, v40  }
0x200: {  	v57 =	vor.u32 v4, v20;
	[tilespmem:s31+$0xFFFFFC20] =	vst v26;
	v26 =	vld.idx.msk [tilespmem:v63+s14+$0x0], $0xffff;
	v33 =	vmul.f32 $8.000000000e+00, v33  }
0x201: {  	v50 =	vor.u32 v4, v21;
	v35 =	vld.idx.msk [tilespmem:v46+s14+$0x0], $0xffff;
	v31 =	vmul.f32 $8.000000000e+00, v31;
	[tilespmem:s31+$0x30] =	vst v40  }
0x202: {  	v27 =	vor.u32 v3, v11;
	v15 =	vmul.f32 $8.000000000e+00, v15;
	v25 =	vld.idx.msk [tilespmem:v25+s14+$0x0], $0xffff;
	[tilespmem:s31+$0xB0] =	vst v33  }
0x203: {  	v61 =	vor.u32 v4, v10;
	v32 =	vld.idx.msk [tilespmem:v55+s14+$0x0], $0xffff;
	[tilespmem:s31+$0x3D0] =	vst v31;
	v31 =	vmul.f32 $8.000000000e+00, v52  }
0x204: {  	v48 =	vor.u32 v4, v24;
	[tilespmem:s31+$0xFFFFFDB0] =	vst v15;
	v29 =	vmul.f32 $8.000000000e+00, v29;
	v47 =	vld.idx.msk [tilespmem:v62+s14+$0x0], $0xffff  }
0x205: {  	v15 =	vor.u32 v4, v9;
	v28 =	vmul.f32 $8.000000000e+00, v28;
	v62 =	vld.idx.msk [tilespmem:v57+s14+$0x0], $0xffff;
	[tilespmem:s31+$0x2A0] =	vst v31  }
0x206: {  	v52 =	vor.u32 v4, v22;
	v31 =	vmul.f32 $8.000000000e+00, v34;
	v34 =	vld.idx.msk [tilespmem:v50+s14+$0x0], $0xffff;
	[tilespmem:s31+$0x1B0] =	vst v29  }
0x207: {  	v51 =	vor.u32 v5, v23;
	v26 =	vmul.f32 $8.000000000e+00, v26;
	[tilespmem:s31+$0x230] =	vst v28;
	v27 =	vld.idx.msk [tilespmem:v27+s14+$0x0], $0xffff  }
0x208: {  	v30 =	vmul.f32 $8.000000000e+00, v30;
	v29 =	vor.u32 v4, v12;
	v33 =	vld.idx.msk [tilespmem:v61+s14+$0x0], $0xffff;
	[tilespmem:s31+$0xFFFFFCB0] =	vst v31  }
0x209: {  	v58 =	vor.u32 v4, v17;
	[tilespmem:s31+$0x330] =	vst v26;
	v26 =	vmul.f32 $8.000000000e+00, v39;
	v38 =	vld.idx.msk [tilespmem:v48+s14+$0x0], $0xffff  }
0x20a: {  	v8 =	vor.u32 v7, v8;
	[tilespmem:s31+$0xFFFFFFB0] =	vst v30;
	v59 =	vld.idx.msk [tilespmem:v15+s14+$0x0], $0xffff  }
0x20b: {  	v30 =	vmul.f32 $8.000000000e+00, v37;
	v31 =	vor.u32 v4, v18;
	v42 =	vld.idx.msk [tilespmem:v52+s14+$0x0], $0xffff;
	[tilespmem:s31+$0xFFFFFD40] =	vst v26  }
0x20c: {  	v28 =	vmul.f32 $8.000000000e+00, v35;
	v15 =	vor.u32 v4, v14;
	v36 =	vmul.f32 $8.000000000e+00, v47;
	v35 =	vld.idx.msk [tilespmem:v51+s14+$0x0], $0xffff  }
0x20d: {  	[tilespmem:s31+$0x130] =	vst v30;
	v25 =	vmul.f32 $8.000000000e+00, v25;
	v48 =	vor.u32 v4, v13;
	v29 =	vld.idx.msk [tilespmem:v29+s14+$0x0], $0xffff  }
0x20e: {  	v52 =	vor.u32 v5, v21;
	[tilespmem:s31+$0x3E0] =	vst v36;
	v36 =	vld.idx.msk [tilespmem:v58+s14+$0x0], $0xffff  }
0x20f: {  	[tilespmem:s31+$0xFFFFFEC0] =	vst v25;
	v25 =	vor.u32 v5, v20;
	v40 =	vmul.f32 $8.000000000e+00, v62;
	v56 =	vld.idx.msk [tilespmem:v8+s14+$0x0], $0xffff  }
0x210: {  	v30 =	vor.u32 v4, v11;
	[tilespmem:s31+$0xFFFFFC30] =	vst v28;
	v34 =	vmul.f32 $8.000000000e+00, v34;
	v31 =	vld.idx.msk [tilespmem:v31+s14+$0x0], $0xffff  }
0x211: {  	s1 =	simm.s32 $0x10;
	v50 =	vor.u32 v5, v24;
	v27 =	vmul.f32 $8.000000000e+00, v27;
	[tilespmem:s31+$0xC0] =	vst v40;
	v49 =	vld.idx.msk [tilespmem:v15+s14+$0x0], $0xffff  }
0x212: {  	v54 =	vmov s1;
	v32 =	vmul.f32 $8.000000000e+00, v32;
	v26 =	vor.u32 v5, v9;
	[tilespmem:s31+$0xFFFFFDC0] =	vst v34;
	v53 =	vld.idx.msk [tilespmem:v48+s14+$0x0], $0xffff  }
0x213: {  	v8 =	vand.u32 $0x70, v54;
	v54 =	vor.u32 v5, v22;
	[tilespmem:s31+$0x2B0] =	vst v27;
	v27 =	vmul.f32 $8.000000000e+00, v38;
	v38 =	vld.idx.msk [tilespmem:v52+s14+$0x0], $0xffff  }
0x214: {  	[tilespmem:s31+$0x40] =	vst v32;
	v47 =	vor.u32 v6, v23;
	v55 =	vmul.f32 $8.000000000e+00, v59;
	v25 =	vld.idx.msk [tilespmem:v25+s14+$0x0], $0xffff  }
0x215: {  	v8 =	vbroadcast v8, $0x0;
	v42 =	vmul.f32 $8.000000000e+00, v42;
	v59 =	vor.u32 v5, v10;
	v30 =	vld.idx.msk [tilespmem:v30+s14+$0x0], $0xffff;
	[tilespmem:s31+$0xFFFFFCC0] =	vst v27  }
0x216: {  	v61 =	vor.u32 v5, v12;
	v35 =	vmul.f32 $8.000000000e+00, v35;
	[tilespmem:s31+$0xFFFFFF40] =	vst v55;
	v37 =	vld.idx.msk [tilespmem:v50+s14+$0x0], $0xffff  }
0x217: {  	v33 =	vmul.f32 $8.000000000e+00, v33;
	v60 =	vor.u32 v0, v8;
	[tilespmem:s31+$0xFFFFFFC0] =	vst v42;
	v26 =	vld.idx.msk [tilespmem:v26+s14+$0x0], $0xffff  }
0x218: {  	s1 =	simm.s32 $0x11;
	v28 =	vor.u32 v5, v18;
	v29 =	vmul.f32 $8.000000000e+00, v29;
	[tilespmem:s31+$0xFFFFFD50] =	vst v35;
	v34 =	vld.idx.msk [tilespmem:v54+s14+$0x0], $0xffff  }
0x219: {  	v44 =	vmov s1;
	s1 =	simm.s32 $0x12;
	[tilespmem:s31+$0x240] =	vst v33;
	v27 =	vor.u32 v5, v16;
	v36 =	vmul.f32 $8.000000000e+00, v36;
	v47 =	vld.idx.msk [tilespmem:v47+s14+$0x0], $0xffff  }
0x21a: {  	v43 =	vmov s1;
	v58 =	vor.u32 v5, v14;
	v31 =	vmul.f32 $8.000000000e+00, v31;
	[tilespmem:s31+$0x340] =	vst v29;
	v32 =	vld.idx.msk [tilespmem:v59+s14+$0x0], $0xffff  }
0x21b: {  	v44 =	vand.u32 $0x71, v44;
	v62 =	vor.u32 v5, v13;
	v63 =	vmul.f32 $8.000000000e+00, v56;
	[tilespmem:s31+$0x140] =	vst v36;
	v36 =	vld.idx.msk [tilespmem:v61+s14+$0x0], $0xffff  }
0x21c: {  	v43 =	vand.u32 $0x72, v43;
	v48 =	vor.u32 v6, v21;
	v57 =	vmul.f32 $8.000000000e+00, v49;
	[tilespmem:s31+$0xFFFFFE40] =	vst v31;
	v15 =	vld.idx.msk [tilespmem:v60+s14+$0x0], $0xffff  }
0x21d: {  	v46 =	vor.u32 v6, v24;
	v56 =	vor.u32 v5, v17;
	v39 =	vmul.f32 $8.000000000e+00, v53;
	[tilespmem:s31+$0x3F0] =	vst v63;
	v28 =	vld.idx.msk [tilespmem:v28+s14+$0x0], $0xffff  }
0x21e: {  	v24 =	vor.u32 v7, v24;
	v38 =	vmul.f32 $8.000000000e+00, v38;
	v31 =	vor.u32 v5, v19;
	v27 =	vld.idx.msk [tilespmem:v27+s14+$0x0], $0xffff;
	[tilespmem:s31+$0x1C0] =	vst v57  }
0x21f: {  	v23 =	vor.u32 v7, v23;
	v21 =	vor.u32 v7, v21;
	v50 =	vmul.f32 $8.000000000e+00, v25;
	[tilespmem:s31+$0xFFFFFC40] =	vst v39;
	v42 =	vld.idx.msk [tilespmem:v58+s14+$0x0], $0xffff  }
0x220: {  	v59 =	vor.u32 v6, v16;
	v30 =	vmul.f32 $8.000000000e+00, v30;
	v60 =	vor.u32 v5, v11;
	[tilespmem:s31+$0xFFFFFDD0] =	vst v38;
	v45 =	vld.idx.msk [tilespmem:v62+s14+$0x0], $0xffff  }
0x221: {  	s1 =	simm.s32 $0x13;
	v61 =	vor.u32 v6, v22;
	v16 =	vor.u32 v7, v16;
	[tilespmem:s31+$0xD0] =	vst v50;
	v37 =	vmul.f32 $8.000000000e+00, v37;
	v48 =	vld.idx.msk [tilespmem:v48+s14+$0x0], $0xffff  }
0x222: {  	v63 =	vmov s1;
	v50 =	vor.u32 v6, v11;
	v26 =	vmul.f32 $8.000000000e+00, v26;
	[tilespmem:s31+$0x2C0] =	vst v30;
	v41 =	vld.idx.msk [tilespmem:v56+s14+$0x0], $0xffff  }
0x223: {  	s1 =	simm.s32 $0x14;
	v33 =	vand.u32 $0x73, v63;
	v58 =	vor.u32 v6, v18;
	v34 =	vmul.f32 $8.000000000e+00, v34;
	[tilespmem:s31+$0xFFFFFCD0] =	vst v37;
	v31 =	vld.idx.msk [tilespmem:v31+s14+$0x0], $0xffff  }
0x224: {  	v30 =	vmov s1;
	v62 =	vor.u32 v6, v14;
	v47 =	vmul.f32 $8.000000000e+00, v47;
	[tilespmem:s31+$0xFFFFFF50] =	vst v26;
	v25 =	vld.idx.msk [tilespmem:v46+s14+$0x0], $0xffff  }
0x225: {  	s1 =	simm.s32 $0x15;
	v18 =	vor.u32 v7, v18;
	v14 =	vor.u32 v7, v14;
	[tilespmem:s31+$0xFFFFFFD0] =	vst v34;
	v28 =	vmul.f32 $8.000000000e+00, v28;
	v40 =	vld.idx.msk [tilespmem:v60+s14+$0x0], $0xffff  }
0x226: {  	v29 =	vmov s1;
	[tilespmem:s31+$0xFFFFFD60] =	vst v47;
	v27 =	vmul.f32 $8.000000000e+00, v27;
	v60 =	vor.u32 v6, v9;
	v38 =	vld.idx.msk [tilespmem:v61+s14+$0x0], $0xffff  }
0x227: {  	s1 =	simm.s32 $0x16;
	v32 =	vmul.f32 $8.000000000e+00, v32;
	v26 =	vor.u32 v6, v17;
	v47 =	vld.idx.msk [tilespmem:v23+s14+$0x0], $0xffff;
	v42 =	vmul.f32 $8.000000000e+00, v42;
	[tilespmem:s31+$0xFFFFFE50] =	vst v28  }
0x228: {  	v49 =	vmov s1;
	s1 =	simm.s32 $0x17;
	v36 =	vmul.f32 $8.000000000e+00, v36;
	v48 =	vmul.f32 $8.000000000e+00, v48;
	[tilespmem:s31+$0xFFFFFED0] =	vst v27;
	v39 =	vld.idx.msk [tilespmem:v58+s14+$0x0], $0xffff  }
0x229: {  	v51 =	vmov s1;
	v41 =	vmul.f32 $8.000000000e+00, v41;
	v28 =	vor.u32 v6, v19;
	v37 =	vld.idx.msk [tilespmem:v59+s14+$0x0], $0xffff;
	[tilespmem:s31+$0x1D0] =	vst v42  }
0x22a: {  	s1 =	simm.s32 $0x18;
	v49 =	vand.u32 $0x76, v49;
	v27 =	vor.u32 v6, v20;
	[tilespmem:s31+$0xFFFFFDE0] =	vst v48;
	v31 =	vmul.f32 $8.000000000e+00, v31;
	v34 =	vld.idx.msk [tilespmem:v62+s14+$0x0], $0xffff  }
0x22b: {  	v46 =	vmov s1;
	s1 =	simm.s32 $0x19;
	v9 =	vor.u32 v7, v9;
	v57 =	vmul.f32 $8.000000000e+00, v25;
	[tilespmem:s31+$0x150] =	vst v41;
	v35 =	vld.idx.msk [tilespmem:v60+s14+$0x0], $0xffff  }
0x22c: {  	v23 =	vor.u32 v7, v22;
	v52 =	vmov s1;
	s1 =	simm.s32 $0x1A;
	v45 =	vmul.f32 $8.000000000e+00, v45;
	v59 =	vld.idx.msk [tilespmem:v26+s14+$0x0], $0xffff;
	[tilespmem:s31+$0x50] =	vst v31  }
0x22d: {  	v53 =	vmov s1;
	v19 =	vor.u32 v7, v19;
	v58 =	vor.u32 v6, v13;
	[tilespmem:s31+$0xFFFFFCE0] =	vst v57;
	v57 =	vld.idx.msk [tilespmem:v21+s14+$0x0], $0xffff  }
0x22e: {  	s1 =	simm.s32 $0x1B;
	v20 =	vor.u32 v7, v20;
	v41 =	vor.u32 v6, v12;
	v40 =	vmul.f32 $8.000000000e+00, v40;
	v28 =	vld.idx.msk [tilespmem:v28+s14+$0x0], $0xffff  }
0x22f: {  	[tilespmem:s31+$0x250] =	vst v32;
	v54 =	vmov s1;
	s1 =	simm.s32 $0x1C;
	v42 =	vand.u32 $0x74, v30;
	v31 =	vor.u32 v6, v10;
	v27 =	vld.idx.msk [tilespmem:v27+s14+$0x0], $0xffff  }
0x230: {  	v30 =	vand.u32 $0x7A, v53;
	v55 =	vmov s1;
	v32 =	vand.u32 $0x7B, v54;
	[tilespmem:s31+$0x2D0] =	vst v40;
	v24 =	vld.idx.msk [tilespmem:v24+s14+$0x0], $0xffff  }
0x231: {  	[tilespmem:s31+$0xFFFFFC50] =	vst v45;
	s1 =	simm.s32 $0x1D;
	v62 =	vor.u32 v7, v17;
	v60 =	vand.u32 $0x75, v29;
	v39 =	vmul.f32 $8.000000000e+00, v39;
	v29 =	vld.idx.msk [tilespmem:v50+s14+$0x0], $0xffff  }
0x232: {  	[tilespmem:s31+$0x350] =	vst v36;
	v56 =	vmov s1;
	v38 =	vmul.f32 $8.000000000e+00, v38;
	v37 =	vmul.f32 $8.000000000e+00, v37;
	v63 =	vld.idx.msk [tilespmem:v58+s14+$0x0], $0xffff  }
0x233: {  	v40 =	vld.idx.msk [tilespmem:v41+s14+$0x0], $0xffff;
	v48 =	vmul.f32 $8.000000000e+00, v34;
	v41 =	vor.u32 v7, v11;
	v11 =	vbroadcast v33, $0x0;
	[tilespmem:s31+$0xFFFFFE60] =	vst v39  }
0x234: {  	v35 =	vmul.f32 $8.000000000e+00, v35;
	[tilespmem:s31+$0xFFFFFEE0] =	vst v37;
	v39 =	vor.u32 v7, v13;
	v13 =	vbroadcast v60, $0x0;
	v31 =	vld.idx.msk [tilespmem:v31+s14+$0x0], $0xffff  }
0x235: {  	v26 =	vand.u32 $0x77, v51;
	[tilespmem:s31+$0xFFFFFFE0] =	vst v38;
	v37 =	vld.idx.msk [tilespmem:v16+s14+$0x0], $0xffff;
	v16 =	vmul.f32 $8.000000000e+00, v57;
	v36 =	vmul.f32 $8.000000000e+00, v28  }
0x236: {  	v23 =	vld.idx.msk [tilespmem:v23+s14+$0x0], $0xffff;
	v45 =	vmul.f32 $8.000000000e+00, v27;
	v27 =	vand.u32 $0x78, v46;
	v46 =	vmul.f32 $8.000000000e+00, v59  }
0x237: {  	s1 =	simm.s32 $0x1E;
	v59 =	vld.idx.msk [tilespmem:v18+s14+$0x0], $0xffff;
	[tilespmem:s31+$0xFFFFFF60] =	vst v35;
	v17 =	vmul.f32 $8.000000000e+00, v24;
	v24 =	vor.u32 v7, v10;
	v10 =	vbroadcast v43, $0x0  }
0x238: {  	v25 =	vmov s1;
	[tilespmem:s31+$0x1E0] =	vst v48;
	v18 =	vmul.f32 $8.000000000e+00, v47;
	v21 =	vmul.f32 $8.000000000e+00, v63;
	v63 =	vld.idx.msk [tilespmem:v9+s14+$0x0], $0xffff  }
0x239: {  	v28 =	vand.u32 $0x79, v52;
	v61 =	vmul.f32 $8.000000000e+00, v29;
	v9 =	vbroadcast v44, $0x0;
	[tilespmem:s31+$0x60] =	vst v36;
	v36 =	vld.idx.msk [tilespmem:v14+s14+$0x0], $0xffff  }
0x23a: {  	v22 =	vmul.f32 $8.000000000e+00, v40;
	[tilespmem:s31+$0xE0] =	vst v45;
	v40 =	vor.u32 v7, v12;
	v19 =	vld.idx.msk [tilespmem:v19+s14+$0x0], $0xffff;
	v58 =	vmul.f32 $8.000000000e+00, v31  }
0x23b: {  	v29 =	vand.u32 $0x7C, v55;
	[tilespmem:s31+$0x160] =	vst v46;
	v12 =	vbroadcast v42, $0x0;
	v43 =	vor.u32 v0, v10;
	v33 =	vld.idx.msk [tilespmem:v20+s14+$0x0], $0xffff  }
0x23c: {  	v14 =	vbroadcast v49, $0x0;
	v34 =	vld.idx.msk [tilespmem:v62+s14+$0x0], $0xffff;
	v42 =	vor.u32 v0, v9;
	v35 =	vmul.f32 $8.000000000e+00, v37;
	[tilespmem:s31+$0x260] =	vst v58  }
0x23d: {  	s0 =	simm.s32 $0x20;
	s1 =	simm.s32 $0x1F;
	[tilespmem:s31+$0x2E0] =	vst v61;
	v31 =	vand.u32 $0x7D, v56;
	v20 =	vmul.f32 $8.000000000e+00, v59;
	v37 =	vmul.f32 $8.000000000e+00, v63;
	v38 =	vld.idx.msk [tilespmem:v24+s14+$0x0], $0xffff  }
.LBB2_5:
0x23e: {  	p0 =	slt.u32 s0, $0x30;
	v44 =	vor.u32 v0, v11;
	v24 =	vmov s1;
	v45 =	vmul.f32 $8.000000000e+00, v23;
	v41 =	vld.idx.msk [tilespmem:v41+s14+$0x0], $0xffff;
	[tilespmem:s31+$0x360] =	vst v22  }
0x23f: {  	v23 =	vor.u32 v0, v12;
	v46 =	vmul.f32 $8.000000000e+00, v19;
	v22 =	vand.u32 $0x7F, v24;
	[tilespmem:s31+$0xFFFFFC60] =	vst v21;
	v19 =	vld.idx.msk [tilespmem:v40+s14+$0x0], $0xffff  }
0x240: {  	v40 =	vor.u32 v0, v13;
	v33 =	vmul.f32 $8.000000000e+00, v33;
	v24 =	vbroadcast v22, $0x0;
	v39 =	vld.idx.msk [tilespmem:v39+s14+$0x0], $0xffff;
	[tilespmem:s31+$0xFFFFFCF0] =	vst v17  }
0x241: {  	v47 =	vor.u32 v0, v14;
	v21 =	vbroadcast v26, $0x0;
	v26 =	vmul.f32 $8.000000000e+00, v34;
	v42 =	vld.idx.msk [tilespmem:v42+s14+$0x0], $0xffff;
	[tilespmem:s31+$0xFFFFFD70] =	vst v18  }
0x242: {  	v17 =	vbroadcast v27, $0x0;
	v36 =	vmul.f32 $8.000000000e+00, v36;
	v34 =	vld.idx.msk [tilespmem:v43+s14+$0x0], $0xffff;
	v27 =	vor.u32 v0, v24;
	[tilespmem:s31+$0xFFFFFDF0] =	vst v16  }
0x243: {  	v22 =	vbroadcast v28, $0x0;
	v28 =	vmul.f32 $8.000000000e+00, v38;
	v43 =	vld.idx.msk [tilespmem:v44+s14+$0x0], $0xffff;
	v44 =	vor.u32 v0, v21;
	[tilespmem:s31+$0xFFFFFE70] =	vst v20  }
0x244: {  	v48 =	vor.u32 v0, v17;
	v38 =	vld.idx.msk [tilespmem:v23+s14+$0x0], $0xffff;
	v23 =	vbroadcast v30, $0x0;
	[tilespmem:s31+$0xFFFFFEF0] =	vst v35;
	v30 =	vmul.f32 $8.000000000e+00, v41  }
0x245: {  	v18 =	vbroadcast v32, $0x0;
	v32 =	vmul.f32 $8.000000000e+00, v19;
	v35 =	vld.idx.msk [tilespmem:v40+s14+$0x0], $0xffff;
	v40 =	vor.u32 v0, v22;
	[tilespmem:s31+$0xFFFFFF70] =	vst v37  }
0x246: {  	v19 =	vbroadcast v29, $0x0;
	v29 =	vmul.f32 $8.000000000e+00, v39;
	v37 =	vld.idx.msk [tilespmem:v47+s14+$0x0], $0xffff;
	v41 =	vor.u32 v0, v23;
	[tilespmem:s31+$0xFFFFFFF0] =	vst v45  }
0x247: {  	v16 =	vbroadcast v31, $0x0;
	v20 =	vand.u32 $0x7E, v25;
	v39 =	vor.u32 v0, v18;
	v25 =	vld.idx.msk [tilespmem:v27+s14+$0x0], $0xffff;
	[tilespmem:s31+$0x70] =	vst v46  }
0x248: {  	v20 =	vbroadcast v20, $0x0;
	v31 =	vor.u32 v0, v19;
	v27 =	vld.idx.msk [tilespmem:v44+s14+$0x0], $0xffff;
	[tilespmem:s31+$0xF0] =	vst v33  }
0x249: {  	v44 =	vor.u32 v0, v16;
	v33 =	vld.idx.msk [tilespmem:v48+s14+$0x0], $0xffff;
	[tilespmem:s31+$0x170] =	vst v26  }
0x24a: {  	v26 =	vld.idx.msk [tilespmem:v40+s14+$0x0], $0xffff;
	v40 =	vor.u32 v0, v20;
	[tilespmem:s31+$0x1F0] =	vst v36  }
0x24b: {  	v36 =	vld.idx.msk [tilespmem:v41+s14+$0x0], $0xffff;
	v41 =	vor.u32 v1, v24;
	[tilespmem:s31+$0x270] =	vst v28  }
0x24c: {  	v28 =	vor.u32 v1, v9;
	v39 =	vld.idx.msk [tilespmem:v39+s14+$0x0], $0xffff;
	[tilespmem:s31+$0x2F0] =	vst v30  }
0x24d: {  	v30 =	vor.u32 v1, v10;
	v25 =	vmul.f32 $8.000000000e+00, v25;
	v31 =	vld.idx.msk [tilespmem:v31+s14+$0x0], $0xffff;
	[tilespmem:s31+$0x370] =	vst v32  }
0x24e: {  	v32 =	vmul.f32 $8.000000000e+00, v42;
	v42 =	vor.u32 v1, v11;
	v44 =	vld.idx.msk [tilespmem:v44+s14+$0x0], $0xffff;
	[tilespmem:s31+$0xFFFFFC70] =	vst v29;
	s31 =	sadd.s32 $0x800, s31  }
0x24f: {  	v29 =	vmul.f32 $8.000000000e+00, v34;
	v34 =	vor.u32 v1, v12;
	v40 =	vld.idx.msk [tilespmem:v40+s14+$0x0], $0xffff;
	[tilespmem:s31+$0x380] =	vst v25  }
0x250: {  	v25 =	vmul.f32 $8.000000000e+00, v43;
	[tilespmem:s31+$0xFFFFFC80] =	vst v32;
	v32 =	vor.u32 v1, v13;
	v41 =	vld.idx.msk [tilespmem:v41+s14+$0x0], $0xffff  }
0x251: {  	v28 =	vld.idx.msk [tilespmem:v28+s14+$0x0], $0xffff;
	[tilespmem:s31+$0xFFFFFD00] =	vst v29;
	v29 =	vmul.f32 $8.000000000e+00, v38;
	v38 =	vor.u32 v1, v14  }
0x252: {  	v30 =	vld.idx.msk [tilespmem:v30+s14+$0x0], $0xffff;
	[tilespmem:s31+$0xFFFFFD80] =	vst v25;
	v25 =	vmul.f32 $8.000000000e+00, v35;
	v35 =	vor.u32 v1, v21  }
0x253: {  	v42 =	vld.idx.msk [tilespmem:v42+s14+$0x0], $0xffff;
	[tilespmem:s31+$0xFFFFFE00] =	vst v29;
	v29 =	vmul.f32 $8.000000000e+00, v37;
	v37 =	vor.u32 v1, v17  }
0x254: {  	v34 =	vld.idx.msk [tilespmem:v34+s14+$0x0], $0xffff;
	[tilespmem:s31+$0xFFFFFE80] =	vst v25;
	v25 =	vmul.f32 $8.000000000e+00, v27;
	v27 =	vor.u32 v2, v24  }
0x255: {  	v32 =	vld.idx.msk [tilespmem:v32+s14+$0x0], $0xffff;
	[tilespmem:s31+$0xFFFFFF00] =	vst v29;
	v29 =	vmul.f32 $8.000000000e+00, v33;
	v33 =	vor.u32 v1, v22  }
0x256: {  	v41 =	vmul.f32 $8.000000000e+00, v41;
	v38 =	vld.idx.msk [tilespmem:v38+s14+$0x0], $0xffff;
	[tilespmem:s31+$0xFFFFFF80] =	vst v25;
	v25 =	vor.u32 v1, v23  }
0x257: {  	v26 =	vmul.f32 $8.000000000e+00, v26;
	v28 =	vmul.f32 $8.000000000e+00, v28;
	v35 =	vld.idx.msk [tilespmem:v35+s14+$0x0], $0xffff;
	[tilespmem:s31+$0x0] =	vst v29;
	v29 =	vor.u32 v1, v18  }
0x258: {  	v43 =	vor.u32 v1, v19;
	v36 =	vmul.f32 $8.000000000e+00, v36;
	v30 =	vmul.f32 $8.000000000e+00, v30;
	v37 =	vld.idx.msk [tilespmem:v37+s14+$0x0], $0xffff;
	[tilespmem:s31+$0x390] =	vst v41  }
0x259: {  	v41 =	vmul.f32 $8.000000000e+00, v42;
	[tilespmem:s31+$0x80] =	vst v26;
	v26 =	vmul.f32 $8.000000000e+00, v39;
	v39 =	vor.u32 v1, v16;
	v27 =	vld.idx.msk [tilespmem:v27+s14+$0x0], $0xffff  }
0x25a: {  	v31 =	vmul.f32 $8.000000000e+00, v31;
	v34 =	vmul.f32 $8.000000000e+00, v34;
	v33 =	vld.idx.msk [tilespmem:v33+s14+$0x0], $0xffff;
	[tilespmem:s31+$0x100] =	vst v36;
	v36 =	vor.u32 v1, v20  }
0x25b: {  	v42 =	vor.u32 v1, v8;
	v32 =	vmul.f32 $8.000000000e+00, v32;
	v25 =	vld.idx.msk [tilespmem:v25+s14+$0x0], $0xffff;
	[tilespmem:s31+$0x180] =	vst v26;
	v26 =	vmul.f32 $8.000000000e+00, v44  }
0x25c: {  	v44 =	vor.u32 v2, v9;
	v38 =	vmul.f32 $8.000000000e+00, v38;
	v29 =	vld.idx.msk [tilespmem:v29+s14+$0x0], $0xffff;
	[tilespmem:s31+$0x200] =	vst v31;
	v31 =	vmul.f32 $8.000000000e+00, v40  }
0x25d: {  	v15 =	vmul.f32 $8.000000000e+00, v15;
	v35 =	vmul.f32 $8.000000000e+00, v35;
	v40 =	vld.idx.msk [tilespmem:v43+s14+$0x0], $0xffff;
	[tilespmem:s31+$0x280] =	vst v26;
	v26 =	vor.u32 v3, v24  }
0x25e: {  	v43 =	vor.u32 v2, v10;
	v37 =	vmul.f32 $8.000000000e+00, v37;
	v39 =	vld.idx.msk [tilespmem:v39+s14+$0x0], $0xffff;
	[tilespmem:s31+$0x300] =	vst v31  }
0x25f: {  	v27 =	vmul.f32 $8.000000000e+00, v27;
	[tilespmem:s31+$0xFFFFFC00] =	vst v15;
	v15 =	vor.u32 v2, v11;
	v31 =	vld.idx.msk [tilespmem:v36+s14+$0x0], $0xffff  }
0x260: {  	v33 =	vmul.f32 $8.000000000e+00, v33;
	v36 =	vld.idx.msk [tilespmem:v42+s14+$0x0], $0xffff;
	[tilespmem:s31+$0xFFFFFC90] =	vst v28;
	v28 =	vor.u32 v2, v12  }
0x261: {  	v25 =	vmul.f32 $8.000000000e+00, v25;
	v42 =	vld.idx.msk [tilespmem:v44+s14+$0x0], $0xffff;
	v44 =	vor.u32 v2, v13;
	[tilespmem:s31+$0x3A0] =	vst v27  }
0x262: {  	v27 =	vor.u32 v2, v14;
	v29 =	vmul.f32 $8.000000000e+00, v29;
	[tilespmem:s31+$0xFFFFFD10] =	vst v30;
	v26 =	vld.idx.msk [tilespmem:v26+s14+$0x0], $0xffff  }
0x263: {  	v40 =	vmul.f32 $8.000000000e+00, v40;
	v30 =	vld.idx.msk [tilespmem:v43+s14+$0x0], $0xffff;
	[tilespmem:s31+$0xFFFFFD90] =	vst v41;
	v41 =	vor.u32 v2, v21  }
0x264: {  	v39 =	vmul.f32 $8.000000000e+00, v39;
	v15 =	vld.idx.msk [tilespmem:v15+s14+$0x0], $0xffff;
	[tilespmem:s31+$0xFFFFFE10] =	vst v34;
	v34 =	vor.u32 v2, v17  }
0x265: {  	v31 =	vmul.f32 $8.000000000e+00, v31;
	v28 =	vld.idx.msk [tilespmem:v28+s14+$0x0], $0xffff;
	[tilespmem:s31+$0xFFFFFE90] =	vst v32;
	v32 =	vor.u32 v2, v22  }
0x266: {  	v36 =	vmul.f32 $8.000000000e+00, v36;
	v43 =	vld.idx.msk [tilespmem:v44+s14+$0x0], $0xffff;
	[tilespmem:s31+$0xFFFFFF10] =	vst v38;
	v38 =	vor.u32 v4, v24  }
0x267: {  	v42 =	vmul.f32 $8.000000000e+00, v42;
	v27 =	vld.idx.msk [tilespmem:v27+s14+$0x0], $0xffff;
	[tilespmem:s31+$0xFFFFFF90] =	vst v35;
	v35 =	vor.u32 v2, v23  }
0x268: {  	v26 =	vmul.f32 $8.000000000e+00, v26;
	v41 =	vld.idx.msk [tilespmem:v41+s14+$0x0], $0xffff;
	[tilespmem:s31+$0x10] =	vst v37;
	v37 =	vor.u32 v2, v18  }
0x269: {  	v30 =	vmul.f32 $8.000000000e+00, v30;
	v34 =	vld.idx.msk [tilespmem:v34+s14+$0x0], $0xffff;
	[tilespmem:s31+$0x90] =	vst v33;
	v33 =	vor.u32 v2, v19  }
0x26a: {  	v44 =	vor.u32 v2, v16;
	v15 =	vmul.f32 $8.000000000e+00, v15;
	v32 =	vld.idx.msk [tilespmem:v32+s14+$0x0], $0xffff;
	[tilespmem:s31+$0x3B0] =	vst v26  }
0x26b: {  	v26 =	vmul.f32 $8.000000000e+00, v28;
	[tilespmem:s31+$0x110] =	vst v25;
	v25 =	vor.u32 v2, v20;
	v28 =	vld.idx.msk [tilespmem:v38+s14+$0x0], $0xffff  }
0x26c: {  	v38 =	vor.u32 v2, v8;
	v43 =	vmul.f32 $8.000000000e+00, v43;
	v35 =	vld.idx.msk [tilespmem:v35+s14+$0x0], $0xffff;
	[tilespmem:s31+$0x190] =	vst v29  }
0x26d: {  	v29 =	vor.u32 v3, v9;
	v27 =	vmul.f32 $8.000000000e+00, v27;
	v37 =	vld.idx.msk [tilespmem:v37+s14+$0x0], $0xffff;
	[tilespmem:s31+$0x210] =	vst v40  }
0x26e: {  	v40 =	vor.u32 v3, v10;
	v41 =	vmul.f32 $8.000000000e+00, v41;
	v33 =	vld.idx.msk [tilespmem:v33+s14+$0x0], $0xffff;
	[tilespmem:s31+$0x290] =	vst v39  }
0x26f: {  	v34 =	vmul.f32 $8.000000000e+00, v34;
	v39 =	vld.idx.msk [tilespmem:v44+s14+$0x0], $0xffff;
	[tilespmem:s31+$0x310] =	vst v31;
	v31 =	vor.u32 v5, v24  }
0x270: {  	v32 =	vmul.f32 $8.000000000e+00, v32;
	[tilespmem:s31+$0xFFFFFC10] =	vst v36;
	v36 =	vor.u32 v3, v11;
	v25 =	vld.idx.msk [tilespmem:v25+s14+$0x0], $0xffff  }
0x271: {  	v28 =	vmul.f32 $8.000000000e+00, v28;
	v38 =	vld.idx.msk [tilespmem:v38+s14+$0x0], $0xffff;
	[tilespmem:s31+$0xFFFFFCA0] =	vst v42;
	v42 =	vor.u32 v3, v12  }
0x272: {  	v35 =	vmul.f32 $8.000000000e+00, v35;
	v29 =	vld.idx.msk [tilespmem:v29+s14+$0x0], $0xffff;
	[tilespmem:s31+$0xFFFFFD20] =	vst v30;
	v30 =	vor.u32 v3, v13  }
0x273: {  	v44 =	vor.u32 v3, v14;
	v37 =	vmul.f32 $8.000000000e+00, v37;
	v40 =	vld.idx.msk [tilespmem:v40+s14+$0x0], $0xffff;
	[tilespmem:s31+$0x3C0] =	vst v28  }
0x274: {  	v28 =	vmul.f32 $8.000000000e+00, v33;
	[tilespmem:s31+$0xFFFFFDA0] =	vst v15;
	v15 =	vor.u32 v3, v21;
	v31 =	vld.idx.msk [tilespmem:v31+s14+$0x0], $0xffff  }
0x275: {  	v33 =	vld.idx.msk [tilespmem:v36+s14+$0x0], $0xffff;
	[tilespmem:s31+$0xFFFFFE20] =	vst v26;
	v26 =	vor.u32 v3, v17;
	v36 =	vmul.f32 $8.000000000e+00, v39  }
0x276: {  	v25 =	vmul.f32 $8.000000000e+00, v25;
	v39 =	vld.idx.msk [tilespmem:v42+s14+$0x0], $0xffff;
	[tilespmem:s31+$0xFFFFFEA0] =	vst v43;
	v42 =	vor.u32 v3, v22  }
0x277: {  	v38 =	vmul.f32 $8.000000000e+00, v38;
	v30 =	vld.idx.msk [tilespmem:v30+s14+$0x0], $0xffff;
	[tilespmem:s31+$0xFFFFFF20] =	vst v27;
	v27 =	vor.u32 v3, v23  }
0x278: {  	v29 =	vmul.f32 $8.000000000e+00, v29;
	v43 =	vld.idx.msk [tilespmem:v44+s14+$0x0], $0xffff;
	[tilespmem:s31+$0xFFFFFFA0] =	vst v41;
	v41 =	vor.u32 v6, v24  }
0x279: {  	v40 =	vmul.f32 $8.000000000e+00, v40;
	v15 =	vld.idx.msk [tilespmem:v15+s14+$0x0], $0xffff;
	[tilespmem:s31+$0x20] =	vst v34;
	v34 =	vor.u32 v3, v18  }
0x27a: {  	v31 =	vmul.f32 $8.000000000e+00, v31;
	v26 =	vld.idx.msk [tilespmem:v26+s14+$0x0], $0xffff;
	[tilespmem:s31+$0xA0] =	vst v32;
	v32 =	vor.u32 v3, v19  }
0x27b: {  	v33 =	vmul.f32 $8.000000000e+00, v33;
	v42 =	vld.idx.msk [tilespmem:v42+s14+$0x0], $0xffff;
	[tilespmem:s31+$0x120] =	vst v35;
	v35 =	vor.u32 v3, v16  }
0x27c: {  	v44 =	vor.u32 v3, v20;
	v39 =	vmul.f32 $8.000000000e+00, v39;
	v27 =	vld.idx.msk [tilespmem:v27+s14+$0x0], $0xffff;
	[tilespmem:s31+$0x3D0] =	vst v31  }
0x27d: {  	v31 =	vor.u32 v3, v8;
	v30 =	vmul.f32 $8.000000000e+00, v30;
	[tilespmem:s31+$0x1A0] =	vst v37;
	v37 =	vld.idx.msk [tilespmem:v41+s14+$0x0], $0xffff  }
0x27e: {  	v41 =	vor.u32 v4, v9;
	v43 =	vmul.f32 $8.000000000e+00, v43;
	v34 =	vld.idx.msk [tilespmem:v34+s14+$0x0], $0xffff;
	[tilespmem:s31+$0x220] =	vst v28  }
0x27f: {  	v28 =	vor.u32 v4, v10;
	v15 =	vmul.f32 $8.000000000e+00, v15;
	v32 =	vld.idx.msk [tilespmem:v32+s14+$0x0], $0xffff;
	[tilespmem:s31+$0x2A0] =	vst v36  }
0x280: {  	v36 =	vor.u32 v4, v11;
	v26 =	vmul.f32 $8.000000000e+00, v26;
	v35 =	vld.idx.msk [tilespmem:v35+s14+$0x0], $0xffff;
	[tilespmem:s31+$0x320] =	vst v25  }
0x281: {  	v24 =	vor.u32 v7, v24;
	v25 =	vmul.f32 $8.000000000e+00, v42;
	[tilespmem:s31+$0xFFFFFC20] =	vst v38;
	v38 =	vld.idx.msk [tilespmem:v44+s14+$0x0], $0xffff  }
0x282: {  	v27 =	vmul.f32 $8.000000000e+00, v27;
	v31 =	vld.idx.msk [tilespmem:v31+s14+$0x0], $0xffff;
	[tilespmem:s31+$0xFFFFFCB0] =	vst v29;
	v29 =	vor.u32 v4, v12  }
0x283: {  	v37 =	vmul.f32 $8.000000000e+00, v37;
	v41 =	vld.idx.msk [tilespmem:v41+s14+$0x0], $0xffff;
	[tilespmem:s31+$0xFFFFFD30] =	vst v40;
	v40 =	vor.u32 v4, v13  }
0x284: {  	v34 =	vmul.f32 $8.000000000e+00, v34;
	v28 =	vld.idx.msk [tilespmem:v28+s14+$0x0], $0xffff;
	[tilespmem:s31+$0xFFFFFDB0] =	vst v33;
	v33 =	vor.u32 v4, v14  }
0x285: {  	v42 =	vor.u32 v4, v21;
	v32 =	vmul.f32 $8.000000000e+00, v32;
	v36 =	vld.idx.msk [tilespmem:v36+s14+$0x0], $0xffff;
	[tilespmem:s31+$0x3E0] =	vst v37  }
0x286: {  	v37 =	vmov s0;
	v35 =	vmul.f32 $8.000000000e+00, v35;
	[tilespmem:s31+$0xFFFFFE30] =	vst v39;
	v39 =	vor.u32 v4, v17;
	v44 =	vld.idx.msk [tilespmem:v24+s14+$0x0], $0xffff  }
0x287: {  	v24 =	vand.u32 $0x70, v37;
	v37 =	vmul.f32 $8.000000000e+00, v38;
	v29 =	vld.idx.msk [tilespmem:v29+s14+$0x0], $0xffff;
	[tilespmem:s31+$0xFFFFFEB0] =	vst v30;
	v30 =	vor.u32 v4, v22  }
0x288: {  	v24 =	vbroadcast v24, $0x0;
	v31 =	vmul.f32 $8.000000000e+00, v31;
	v38 =	vld.idx.msk [tilespmem:v40+s14+$0x0], $0xffff;
	[tilespmem:s31+$0xFFFFFF30] =	vst v43;
	v40 =	vor.u32 v4, v23  }
0x289: {  	v41 =	vmul.f32 $8.000000000e+00, v41;
	v33 =	vld.idx.msk [tilespmem:v33+s14+$0x0], $0xffff;
	[tilespmem:s31+$0xFFFFFFB0] =	vst v15;
	v15 =	vor.u32 v4, v18  }
0x28a: {  	v43 =	vor.u32 v0, v24;
	v28 =	vmul.f32 $8.000000000e+00, v28;
	v42 =	vld.idx.msk [tilespmem:v42+s14+$0x0], $0xffff;
	[tilespmem:s31+$0x30] =	vst v26  }
0x28b: {  	v26 =	vmul.f32 $8.000000000e+00, v36;
	v36 =	vld.idx.msk [tilespmem:v39+s14+$0x0], $0xffff;
	[tilespmem:s31+$0xB0] =	vst v25;
	v25 =	vor.u32 v4, v19  }
0x28c: {  	v39 =	vmul.f32 $8.000000000e+00, v44;
	v30 =	vld.idx.msk [tilespmem:v30+s14+$0x0], $0xffff;
	[tilespmem:s31+$0x130] =	vst v27;
	v27 =	vor.u32 v4, v16  }
0x28d: {  	v29 =	vmul.f32 $8.000000000e+00, v29;
	v40 =	vld.idx.msk [tilespmem:v40+s14+$0x0], $0xffff;
	[tilespmem:s31+$0x1B0] =	vst v34;
	v34 =	vor.u32 v4, v20  }
0x28e: {  	v44 =	vor.u32 v4, v8;
	v38 =	vmul.f32 $8.000000000e+00, v38;
	v45 =	vld.idx.msk [tilespmem:v15+s14+$0x0], $0xffff;
	[tilespmem:s31+$0x3F0] =	vst v39  }
0x28f: {  	v39 =	vor.u32 v5, v9;
	v33 =	vmul.f32 $8.000000000e+00, v33;
	v15 =	vld.idx.msk [tilespmem:v43+s14+$0x0], $0xffff;
	[tilespmem:s31+$0x230] =	vst v32  }
0x290: {  	v32 =	vor.u32 v5, v10;
	v42 =	vmul.f32 $8.000000000e+00, v42;
	v25 =	vld.idx.msk [tilespmem:v25+s14+$0x0], $0xffff;
	[tilespmem:s31+$0x2B0] =	vst v35  }
0x291: {  	v35 =	vor.u32 v5, v11;
	v36 =	vmul.f32 $8.000000000e+00, v36;
	v27 =	vld.idx.msk [tilespmem:v27+s14+$0x0], $0xffff;
	[tilespmem:s31+$0x330] =	vst v37  }
0x292: {  	v30 =	vmul.f32 $8.000000000e+00, v30;
	[tilespmem:s31+$0xFFFFFC30] =	vst v31;
	v31 =	vor.u32 v5, v12;
	v34 =	vld.idx.msk [tilespmem:v34+s14+$0x0], $0xffff  }
0x293: {  	v40 =	vmul.f32 $8.000000000e+00, v40;
	v37 =	vld.idx.msk [tilespmem:v44+s14+$0x0], $0xffff;
	[tilespmem:s31+$0xFFFFFCC0] =	vst v41;
	v41 =	vor.u32 v5, v13  }
0x294: {  	v43 =	vmul.f32 $8.000000000e+00, v45;
	v39 =	vld.idx.msk [tilespmem:v39+s14+$0x0], $0xffff;
	[tilespmem:s31+$0xFFFFFD40] =	vst v28;
	v28 =	vor.u32 v5, v14  }
0x295: {  	v32 =	vld.idx.msk [tilespmem:v32+s14+$0x0], $0xffff;
	[tilespmem:s31+$0xFFFFFDC0] =	vst v26;
	v26 =	vor.u32 v5, v21  }
0x296: {  	v25 =	vmul.f32 $8.000000000e+00, v25;
	v35 =	vld.idx.msk [tilespmem:v35+s14+$0x0], $0xffff;
	[tilespmem:s31+$0xFFFFFE40] =	vst v29;
	v29 =	vor.u32 v5, v17  }
0x297: {  	v27 =	vmul.f32 $8.000000000e+00, v27;
	v31 =	vld.idx.msk [tilespmem:v31+s14+$0x0], $0xffff;
	[tilespmem:s31+$0xFFFFFEC0] =	vst v38;
	v38 =	vor.u32 v5, v22  }
0x298: {  	v34 =	vmul.f32 $8.000000000e+00, v34;
	v41 =	vld.idx.msk [tilespmem:v41+s14+$0x0], $0xffff;
	[tilespmem:s31+$0xFFFFFF40] =	vst v33;
	v33 =	vor.u32 v5, v23  }
0x299: {  	v37 =	vmul.f32 $8.000000000e+00, v37;
	v28 =	vld.idx.msk [tilespmem:v28+s14+$0x0], $0xffff;
	[tilespmem:s31+$0xFFFFFFC0] =	vst v42;
	v42 =	vor.u32 v5, v18  }
0x29a: {  	v39 =	vmul.f32 $8.000000000e+00, v39;
	v26 =	vld.idx.msk [tilespmem:v26+s14+$0x0], $0xffff;
	[tilespmem:s31+$0x40] =	vst v36;
	v36 =	vor.u32 v5, v19  }
0x29b: {  	v32 =	vmul.f32 $8.000000000e+00, v32;
	v29 =	vld.idx.msk [tilespmem:v29+s14+$0x0], $0xffff;
	[tilespmem:s31+$0xC0] =	vst v30;
	v30 =	vor.u32 v5, v16  }
0x29c: {  	s1 =	sadd.s32 $0x1, s0;
	v35 =	vmul.f32 $8.000000000e+00, v35;
	v38 =	vld.idx.msk [tilespmem:v38+s14+$0x0], $0xffff;
	[tilespmem:s31+$0x140] =	vst v40;
	v40 =	vor.u32 v5, v20  }
0x29d: {  	v44 =	vmov s1;
	s1 =	sadd.s32 $0x2, s0;
	v45 =	vor.u32 v5, v8;
	v31 =	vmul.f32 $8.000000000e+00, v31;
	v33 =	vld.idx.msk [tilespmem:v33+s14+$0x0], $0xffff;
	[tilespmem:s31+$0x1C0] =	vst v43  }
0x29e: {  	v46 =	vor.u32 v6, v9;
	v43 =	vmov s1;
	s1 =	sadd.s32 $0x3, s0;
	v41 =	vmul.f32 $8.000000000e+00, v41;
	v42 =	vld.idx.msk [tilespmem:v42+s14+$0x0], $0xffff;
	[tilespmem:s31+$0x240] =	vst v25  }
0x29f: {  	v47 =	vmov s1;
	s1 =	sadd.s32 $0x4, s0;
	v25 =	vor.u32 v6, v10;
	v28 =	vmul.f32 $8.000000000e+00, v28;
	v36 =	vld.idx.msk [tilespmem:v36+s14+$0x0], $0xffff;
	[tilespmem:s31+$0x2C0] =	vst v27  }
0x2a0: {  	v48 =	vor.u32 v6, v11;
	v27 =	vmov s1;
	s1 =	sadd.s32 $0x5, s0;
	v26 =	vmul.f32 $8.000000000e+00, v26;
	v30 =	vld.idx.msk [tilespmem:v30+s14+$0x0], $0xffff;
	[tilespmem:s31+$0x340] =	vst v34  }
0x2a1: {  	v34 =	vmov s1;
	s1 =	sadd.s32 $0x6, s0;
	v29 =	vmul.f32 $8.000000000e+00, v29;
	[tilespmem:s31+$0xFFFFFC40] =	vst v37;
	v37 =	vor.u32 v6, v12;
	v40 =	vld.idx.msk [tilespmem:v40+s14+$0x0], $0xffff  }
0x2a2: {  	v49 =	vmov s1;
	s1 =	sadd.s32 $0x7, s0;
	v38 =	vmul.f32 $8.000000000e+00, v38;
	v45 =	vld.idx.msk [tilespmem:v45+s14+$0x0], $0xffff;
	[tilespmem:s31+$0xFFFFFCD0] =	vst v39;
	v39 =	vor.u32 v6, v13  }
0x2a3: {  	v50 =	vmov s1;
	s1 =	sadd.s32 $0x8, s0;
	v33 =	vmul.f32 $8.000000000e+00, v33;
	v46 =	vld.idx.msk [tilespmem:v46+s14+$0x0], $0xffff;
	[tilespmem:s31+$0xFFFFFD50] =	vst v32;
	v32 =	vor.u32 v6, v14  }
0x2a4: {  	v51 =	vmov s1;
	s1 =	sadd.s32 $0x9, s0;
	v52 =	vld.idx.msk [tilespmem:v25+s14+$0x0], $0xffff;
	[tilespmem:s31+$0xFFFFFDD0] =	vst v35;
	v25 =	vor.u32 v6, v21;
	v35 =	vmul.f32 $8.000000000e+00, v42  }
0x2a5: {  	v42 =	vmov s1;
	s1 =	sadd.s32 $0xA, s0;
	v36 =	vmul.f32 $8.000000000e+00, v36;
	v48 =	vld.idx.msk [tilespmem:v48+s14+$0x0], $0xffff;
	[tilespmem:s31+$0xFFFFFE50] =	vst v31;
	v31 =	vor.u32 v6, v17  }
0x2a6: {  	v53 =	vmov s1;
	s1 =	sadd.s32 $0xB, s0;
	v30 =	vmul.f32 $8.000000000e+00, v30;
	v37 =	vld.idx.msk [tilespmem:v37+s14+$0x0], $0xffff;
	[tilespmem:s31+$0xFFFFFED0] =	vst v41;
	v41 =	vor.u32 v6, v22  }
0x2a7: {  	v54 =	vmov s1;
	s1 =	sadd.s32 $0xC, s0;
	v40 =	vmul.f32 $8.000000000e+00, v40;
	v39 =	vld.idx.msk [tilespmem:v39+s14+$0x0], $0xffff;
	[tilespmem:s31+$0xFFFFFF50] =	vst v28;
	v28 =	vor.u32 v6, v23  }
0x2a8: {  	v55 =	vmov s1;
	s1 =	sadd.s32 $0xD, s0;
	v45 =	vmul.f32 $8.000000000e+00, v45;
	v32 =	vld.idx.msk [tilespmem:v32+s14+$0x0], $0xffff;
	[tilespmem:s31+$0xFFFFFFD0] =	vst v26;
	v26 =	vor.u32 v6, v18  }
0x2a9: {  	v56 =	vmov s1;
	s1 =	sadd.s32 $0xE, s0;
	v46 =	vmul.f32 $8.000000000e+00, v46;
	v57 =	vld.idx.msk [tilespmem:v25+s14+$0x0], $0xffff;
	[tilespmem:s31+$0x50] =	vst v29;
	v29 =	vor.u32 v6, v19  }
0x2aa: {  	v25 =	vmov s1;
	v52 =	vmul.f32 $8.000000000e+00, v52;
	v31 =	vld.idx.msk [tilespmem:v31+s14+$0x0], $0xffff;
	[tilespmem:s31+$0xD0] =	vst v38;
	v38 =	vor.u32 v6, v16  }
0x2ab: {  	v44 =	vand.u32 $0x71, v44;
	v48 =	vmul.f32 $8.000000000e+00, v48;
	v41 =	vld.idx.msk [tilespmem:v41+s14+$0x0], $0xffff;
	[tilespmem:s31+$0x150] =	vst v33;
	v33 =	vor.u32 v6, v20  }
0x2ac: {  	v58 =	vor.u32 v6, v8;
	v43 =	vand.u32 $0x72, v43;
	v37 =	vmul.f32 $8.000000000e+00, v37;
	v28 =	vld.idx.msk [tilespmem:v28+s14+$0x0], $0xffff;
	[tilespmem:s31+$0x1D0] =	vst v35  }
0x2ad: {  	v9 =	vor.u32 v7, v9;
	v35 =	vand.u32 $0x73, v47;
	v39 =	vmul.f32 $8.000000000e+00, v39;
	v47 =	vld.idx.msk [tilespmem:v26+s14+$0x0], $0xffff;
	[tilespmem:s31+$0x250] =	vst v36  }
0x2ae: {  	v10 =	vor.u32 v7, v10;
	v36 =	vand.u32 $0x74, v27;
	v59 =	vmul.f32 $8.000000000e+00, v32;
	v29 =	vld.idx.msk [tilespmem:v29+s14+$0x0], $0xffff;
	[tilespmem:s31+$0x2D0] =	vst v30  }
0x2af: {  	v11 =	vor.u32 v7, v11;
	v60 =	vand.u32 $0x75, v34;
	v34 =	vmul.f32 $8.000000000e+00, v57;
	v38 =	vld.idx.msk [tilespmem:v38+s14+$0x0], $0xffff;
	[tilespmem:s31+$0x350] =	vst v40  }
0x2b0: {  	v12 =	vor.u32 v7, v12;
	v49 =	vand.u32 $0x76, v49;
	v40 =	vmul.f32 $8.000000000e+00, v31;
	[tilespmem:s31+$0xFFFFFC50] =	vst v45;
	v31 =	vld.idx.msk [tilespmem:v33+s14+$0x0], $0xffff  }
0x2b1: {  	v13 =	vor.u32 v7, v13;
	v26 =	vand.u32 $0x77, v50;
	v41 =	vmul.f32 $8.000000000e+00, v41;
	v33 =	vld.idx.msk [tilespmem:v58+s14+$0x0], $0xffff;
	[tilespmem:s31+$0xFFFFFCE0] =	vst v46  }
0x2b2: {  	v27 =	vand.u32 $0x78, v51;
	v45 =	vld.idx.msk [tilespmem:v9+s14+$0x0], $0xffff;
	[tilespmem:s31+$0xFFFFFD60] =	vst v52;
	v9 =	vor.u32 v7, v14;
	v14 =	vmul.f32 $8.000000000e+00, v28  }
0x2b3: {  	v28 =	vand.u32 $0x79, v42;
	v46 =	vmul.f32 $8.000000000e+00, v47;
	v42 =	vld.idx.msk [tilespmem:v10+s14+$0x0], $0xffff;
	[tilespmem:s31+$0xFFFFFDE0] =	vst v48;
	v10 =	vor.u32 v7, v21  }
0x2b4: {  	v30 =	vand.u32 $0x7A, v53;
	v47 =	vld.idx.msk [tilespmem:v11+s14+$0x0], $0xffff;
	[tilespmem:s31+$0xFFFFFE60] =	vst v37;
	v11 =	vor.u32 v7, v17;
	v37 =	vmul.f32 $8.000000000e+00, v29  }
0x2b5: {  	v32 =	vand.u32 $0x7B, v54;
	v50 =	vmul.f32 $8.000000000e+00, v38;
	v48 =	vld.idx.msk [tilespmem:v12+s14+$0x0], $0xffff;
	[tilespmem:s31+$0xFFFFFEE0] =	vst v39;
	v12 =	vor.u32 v7, v22  }
0x2b6: {  	v29 =	vand.u32 $0x7C, v55;
	v22 =	vmul.f32 $8.000000000e+00, v31;
	v38 =	vld.idx.msk [tilespmem:v13+s14+$0x0], $0xffff;
	[tilespmem:s31+$0xFFFFFF60] =	vst v59;
	v13 =	vor.u32 v7, v23  }
0x2b7: {  	v52 =	vor.u32 v7, v18;
	v31 =	vand.u32 $0x7D, v56;
	v21 =	vmul.f32 $8.000000000e+00, v33;
	v51 =	vld.idx.msk [tilespmem:v9+s14+$0x0], $0xffff;
	[tilespmem:s31+$0xFFFFFFE0] =	vst v34  }
0x2b8: {  	v9 =	vbroadcast v44, $0x0;
	v17 =	vmul.f32 $8.000000000e+00, v45;
	v44 =	vor.u32 v7, v19;
	v23 =	vld.idx.msk [tilespmem:v10+s14+$0x0], $0xffff;
	[tilespmem:s31+$0x60] =	vst v40  }
.Ltmp1:
0x2b9: {  	v10 =	vbroadcast v43, $0x0;
	v18 =	vmul.f32 $8.000000000e+00, v42;
	v19 =	vld.idx.msk [tilespmem:v11+s14+$0x0], $0xffff;
	[tilespmem:s31+$0xE0] =	vst v41;
	v41 =	vor.u32 v7, v16;
	(pc) =	sbr.rel @p0 .LBB2_5-.Ltmp1, $4  }
0x2ba: {  	v40 =	vor.u32 v7, v20;
	v11 =	vbroadcast v35, $0x0;
	v16 =	vmul.f32 $8.000000000e+00, v47;
	v33 =	vld.idx.msk [tilespmem:v12+s14+$0x0], $0xffff;
	[tilespmem:s31+$0x160] =	vst v14  }
0x2bb: {  	v39 =	vor.u32 v7, v8;
	v8 =	vmovc v24;
	v12 =	vbroadcast v36, $0x0;
	v20 =	vmul.f32 $8.000000000e+00, v48;
	v34 =	vld.idx.msk [tilespmem:v13+s14+$0x0], $0xffff;
	[tilespmem:s31+$0x1E0] =	vst v46  }
0x2bc: {  	v42 =	vor.u32 v0, v9;
	v13 =	vbroadcast v60, $0x0;
	v35 =	vmul.f32 $8.000000000e+00, v38;
	v36 =	vld.idx.msk [tilespmem:v52+s14+$0x0], $0xffff;
	[tilespmem:s31+$0x260] =	vst v37  }
0x2bd: {  	s1 =	sadd.s32 $0xF, s0;
	s0 =	sadd.s32 $0x10, s0;
	v43 =	vor.u32 v0, v10;
	v14 =	vbroadcast v49, $0x0;
	v37 =	vmul.f32 $8.000000000e+00, v51;
	v38 =	vld.idx.msk [tilespmem:v44+s14+$0x0], $0xffff;
	[tilespmem:s31+$0x2E0] =	vst v50  }
0x2be: {  	_ =	sdelay $0x3  }
0x2bf: {  	v44 =	vor.u32 v0, v11;
	v24 =	vmov s1;
	v41 =	vld.idx.msk [tilespmem:v41+s14+$0x0], $0xffff;
	[tilespmem:s31+$0x360] =	vst v22  }
0x2c0: {  	v22 =	vor.u32 v0, v12;
	[tilespmem:s31+$0xFFFFFC60] =	vst v21;
	v42 =	vld.idx.msk [tilespmem:v42+s14+$0x0], $0xffff;
	v24 =	vand.u32 $0x7F, v24  }
0x2c1: {  	v53 =	vor.u32 v0, v13;
	[tilespmem:s31+$0xFFFFFCF0] =	vst v17;
	v43 =	vld.idx.msk [tilespmem:v43+s14+$0x0], $0xffff;
	v24 =	vbroadcast v24, $0x0  }
0x2c2: {  	[tilespmem:s31+$0xFFFFFD70] =	vst v18;
	v21 =	vld.idx.msk [tilespmem:v40+s14+$0x0], $0xffff;
	v17 =	vor.u32 v0, v14  }
0x2c3: {  	[tilespmem:s31+$0xFFFFFDF0] =	vst v16;
	v39 =	vld.idx.msk [tilespmem:v39+s14+$0x0], $0xffff;
	v18 =	vor.u32 v0, v24  }
0x2c4: {  	[tilespmem:s31+$0xFFFFFE70] =	vst v20;
	v44 =	vld.idx.msk [tilespmem:v44+s14+$0x0], $0xffff  }
0x2c5: {  	v16 =	vmul.f32 $8.000000000e+00, v23;
	[tilespmem:s31+$0xFFFFFEF0] =	vst v35;
	v45 =	vld.idx.msk [tilespmem:v22+s14+$0x0], $0xffff  }
0x2c6: {  	v19 =	vmul.f32 $8.000000000e+00, v19;
	[tilespmem:s31+$0xFFFFFF70] =	vst v37;
	v54 =	vld.idx.msk [tilespmem:v53+s14+$0x0], $0xffff  }
0x2c7: {  	[tilespmem:s31+$0xFFFFFFF0] =	vst v16;
	v16 =	vmul.f32 $8.000000000e+00, v33;
	v55 =	vld.idx.msk [tilespmem:v17+s14+$0x0], $0xffff  }
0x2c8: {  	v20 =	vbroadcast v26, $0x0;
	v26 =	vmul.f32 $8.000000000e+00, v41;
	v22 =	vld.idx.msk [tilespmem:v18+s14+$0x0], $0xffff;
	[tilespmem:s31+$0x70] =	vst v19  }
0x2c9: {  	v21 =	vmul.f32 $8.000000000e+00, v21;
	[tilespmem:s31+$0xF0] =	vst v16  }
0x2ca: {  	v17 =	vbroadcast v27, $0x0;
	v18 =	vmul.f32 $8.000000000e+00, v34;
	[tilespmem:s31+$0x2F0] =	vst v26  }
0x2cb: {  	v25 =	vand.u32 $0x7E, v25;
	v23 =	vor.u32 v0, v20;
	v19 =	vmul.f32 $8.000000000e+00, v36;
	[tilespmem:s31+$0x370] =	vst v21  }
0x2cc: {  	v58 =	vmul.f32 $8.000000000e+00, v42;
	v27 =	vor.u32 v0, v17;
	v16 =	vmul.f32 $8.000000000e+00, v38;
	[tilespmem:s31+$0x170] =	vst v18  }
0x2cd: {  	s0 =	sadd.s32 $0x800, s31;
	v18 =	vbroadcast v28, $0x0;
	[tilespmem:s31+$0x1F0] =	vst v19;
	v19 =	vbroadcast v30, $0x0;
	v30 =	vor.u32 v1, v24  }
0x2ce: {  	v62 =	vor.u32 v1, v9;
	v21 =	vbroadcast v29, $0x0;
	[tilespmem:s0+$0xFFFFFC80] =	vst v58;
	v28 =	vmul.f32 $8.000000000e+00, v39  }
0x2cf: {  	[tilespmem:s31+$0x270] =	vst v16;
	v16 =	vbroadcast v32, $0x0;
	v26 =	vor.u32 v0, v18;
	v57 =	vmul.f32 $8.000000000e+00, v22  }
0x2d0: {  	v56 =	vor.u32 v0, v19;
	[tilespmem:s31+$0xFFFFFC70] =	vst v28;
	v28 =	vld.idx.msk [tilespmem:v23+s14+$0x0], $0xffff;
	v22 =	vbroadcast v31, $0x0;
	v31 =	vmul.f32 $8.000000000e+00, v43  }
0x2d1: {  	v29 =	vor.u32 v0, v16;
	v23 =	vbroadcast v25, $0x0;
	v25 =	vld.idx.msk [tilespmem:v27+s14+$0x0], $0xffff;
	v27 =	vmul.f32 $8.000000000e+00, v44;
	[tilespmem:s0+$0x380] =	vst v57  }
0x2d2: {  	v59 =	vor.u32 v0, v21;
	[tilespmem:s0+$0xFFFFFD00] =	vst v31;
	v31 =	vmul.f32 $8.000000000e+00, v45;
	v30 =	vld.idx.msk [tilespmem:v30+s14+$0x0], $0xffff  }
0x2d3: {  	v35 =	vld.idx.msk [tilespmem:v62+s14+$0x0], $0xffff;
	[tilespmem:s0+$0xFFFFFD80] =	vst v27;
	v27 =	vmul.f32 $8.000000000e+00, v54;
	v60 =	vor.u32 v0, v22  }
0x2d4: {  	v61 =	vor.u32 v0, v23;
	v26 =	vld.idx.msk [tilespmem:v26+s14+$0x0], $0xffff;
	[tilespmem:s0+$0xFFFFFE00] =	vst v31;
	v31 =	vmul.f32 $8.000000000e+00, v55  }
0x2d5: {  	v63 =	vor.u32 v2, v24;
	[tilespmem:s0+$0xFFFFFE80] =	vst v27;
	v32 =	vld.idx.msk [tilespmem:v56+s14+$0x0], $0xffff;
	v27 =	vmul.f32 $8.000000000e+00, v28  }
0x2d6: {  	v29 =	vld.idx.msk [tilespmem:v29+s14+$0x0], $0xffff;
	v25 =	vmul.f32 $8.000000000e+00, v25;
	[tilespmem:s0+$0xFFFFFF00] =	vst v31;
	v31 =	vor.u32 v1, v10  }
0x2d7: {  	v40 =	vor.u32 v1, v20;
	v28 =	vld.idx.msk [tilespmem:v59+s14+$0x0], $0xffff;
	[tilespmem:s0+$0xFFFFFF80] =	vst v27;
	v27 =	vmul.f32 $8.000000000e+00, v30  }
0x2d8: {  	v15 =	vmul.f32 $8.000000000e+00, v15;
	[tilespmem:s0+$0x0] =	vst v25;
	v34 =	vld.idx.msk [tilespmem:v60+s14+$0x0], $0xffff;
	v30 =	vor.u32 v1, v11  }
0x2d9: {  	v36 =	vld.idx.msk [tilespmem:v61+s14+$0x0], $0xffff;
	v25 =	vmul.f32 $8.000000000e+00, v26;
	v26 =	vor.u32 v1, v12;
	[tilespmem:s0+$0x390] =	vst v27  }
0x2da: {  	[tilespmem:s0+$0xFFFFFC00] =	vst v15;
	v32 =	vmul.f32 $8.000000000e+00, v32;
	v27 =	vor.u32 v1, v13;
	v33 =	vld.idx.msk [tilespmem:v63+s14+$0x0], $0xffff  }
0x2db: {  	v42 =	vor.u32 v1, v18;
	[tilespmem:s0+$0x80] =	vst v25;
	v25 =	vmul.f32 $8.000000000e+00, v29;
	v31 =	vld.idx.msk [tilespmem:v31+s14+$0x0], $0xffff  }
0x2dc: {  	v28 =	vmul.f32 $8.000000000e+00, v28;
	v29 =	vor.u32 v1, v14;
	[tilespmem:s0+$0x100] =	vst v32;
	v32 =	vld.idx.msk [tilespmem:v40+s14+$0x0], $0xffff  }
0x2dd: {  	v44 =	vor.u32 v1, v16;
	[tilespmem:s0+$0x180] =	vst v25;
	v25 =	vmul.f32 $8.000000000e+00, v34;
	v30 =	vld.idx.msk [tilespmem:v30+s14+$0x0], $0xffff  }
0x2de: {  	v41 =	vor.u32 v1, v17;
	[tilespmem:s0+$0x200] =	vst v28;
	v28 =	vmul.f32 $8.000000000e+00, v36;
	v26 =	vld.idx.msk [tilespmem:v26+s14+$0x0], $0xffff  }
0x2df: {  	v43 =	vor.u32 v3, v24;
	[tilespmem:s0+$0x280] =	vst v25;
	v25 =	vld.idx.msk [tilespmem:v27+s14+$0x0], $0xffff;
	v27 =	vmul.f32 $8.000000000e+00, v35  }
0x2e0: {  	v46 =	vor.u32 v2, v10;
	v36 =	vld.idx.msk [tilespmem:v42+s14+$0x0], $0xffff;
	[tilespmem:s0+$0x300] =	vst v28;
	v15 =	vmul.f32 $8.000000000e+00, v33  }
0x2e1: {  	v28 =	vld.idx.msk [tilespmem:v29+s14+$0x0], $0xffff;
	v29 =	vor.u32 v1, v19;
	v31 =	vmul.f32 $8.000000000e+00, v31;
	[tilespmem:s0+$0xFFFFFC90] =	vst v27  }
0x2e2: {  	v48 =	vor.u32 v2, v11;
	v33 =	vld.idx.msk [tilespmem:v44+s14+$0x0], $0xffff;
	v32 =	vmul.f32 $8.000000000e+00, v32;
	[tilespmem:s0+$0x3A0] =	vst v15  }
0x2e3: {  	v45 =	vor.u32 v1, v21;
	v27 =	vld.idx.msk [tilespmem:v41+s14+$0x0], $0xffff;
	v30 =	vmul.f32 $8.000000000e+00, v30;
	[tilespmem:s0+$0xFFFFFD10] =	vst v31  }
0x2e4: {  	v15 =	vor.u32 v1, v22;
	[tilespmem:s0+$0xFFFFFF90] =	vst v32;
	v26 =	vmul.f32 $8.000000000e+00, v26;
	v35 =	vld.idx.msk [tilespmem:v43+s14+$0x0], $0xffff  }
0x2e5: {  	v31 =	vor.u32 v1, v23;
	v34 =	vld.idx.msk [tilespmem:v46+s14+$0x0], $0xffff;
	v25 =	vmul.f32 $8.000000000e+00, v25;
	[tilespmem:s0+$0xFFFFFD90] =	vst v30  }
0x2e6: {  	v30 =	vor.u32 v1, v8;
	v29 =	vld.idx.msk [tilespmem:v29+s14+$0x0], $0xffff;
	v28 =	vmul.f32 $8.000000000e+00, v28;
	[tilespmem:s0+$0xFFFFFE10] =	vst v26  }
0x2e7: {  	v50 =	vor.u32 v2, v17;
	v33 =	vmul.f32 $8.000000000e+00, v33;
	v32 =	vld.idx.msk [tilespmem:v48+s14+$0x0], $0xffff;
	[tilespmem:s0+$0xFFFFFE90] =	vst v25  }
0x2e8: {  	v26 =	vor.u32 v2, v9;
	v25 =	vld.idx.msk [tilespmem:v45+s14+$0x0], $0xffff;
	v27 =	vmul.f32 $8.000000000e+00, v27;
	[tilespmem:s0+$0xFFFFFF10] =	vst v28  }
0x2e9: {  	v47 =	vor.u32 v4, v24;
	v15 =	vld.idx.msk [tilespmem:v15+s14+$0x0], $0xffff;
	v28 =	vmul.f32 $8.000000000e+00, v36;
	[tilespmem:s0+$0x190] =	vst v33  }
0x2ea: {  	v49 =	vor.u32 v2, v12;
	v31 =	vld.idx.msk [tilespmem:v31+s14+$0x0], $0xffff;
	[tilespmem:s0+$0x10] =	vst v27;
	v27 =	vmul.f32 $8.000000000e+00, v35  }
0x2eb: {  	v56 =	vor.u32 v3, v11;
	v30 =	vld.idx.msk [tilespmem:v30+s14+$0x0], $0xffff;
	[tilespmem:s0+$0x90] =	vst v28;
	v29 =	vmul.f32 $8.000000000e+00, v29  }
0x2ec: {  	v28 =	vor.u32 v2, v13;
	v33 =	vld.idx.msk [tilespmem:v50+s14+$0x0], $0xffff;
	[tilespmem:s0+$0x3B0] =	vst v27;
	v32 =	vmul.f32 $8.000000000e+00, v32  }
0x2ed: {  	v26 =	vld.idx.msk [tilespmem:v26+s14+$0x0], $0xffff;
	v27 =	vor.u32 v2, v14;
	v25 =	vmul.f32 $8.000000000e+00, v25;
	[tilespmem:s0+$0x110] =	vst v29  }
0x2ee: {  	v51 =	vor.u32 v2, v18;
	v36 =	vld.idx.msk [tilespmem:v47+s14+$0x0], $0xffff;
	v15 =	vmul.f32 $8.000000000e+00, v15;
	[tilespmem:s0+$0xFFFFFDA0] =	vst v32  }
0x2ef: {  	v29 =	vor.u32 v2, v20;
	v31 =	vmul.f32 $8.000000000e+00, v31;
	[tilespmem:s0+$0x210] =	vst v25;
	v25 =	vld.idx.msk [tilespmem:v49+s14+$0x0], $0xffff  }
0x2f0: {  	v53 =	vor.u32 v2, v21;
	v35 =	vld.idx.msk [tilespmem:v56+s14+$0x0], $0xffff;
	v30 =	vmul.f32 $8.000000000e+00, v30;
	[tilespmem:s0+$0x290] =	vst v15  }
0x2f1: {  	v15 =	vld.idx.msk [tilespmem:v28+s14+$0x0], $0xffff;
	v28 =	vor.u32 v2, v19;
	[tilespmem:s0+$0x310] =	vst v31;
	v31 =	vmul.f32 $8.000000000e+00, v34  }
0x2f2: {  	v52 =	vor.u32 v5, v24;
	v26 =	vmul.f32 $8.000000000e+00, v26;
	v27 =	vld.idx.msk [tilespmem:v27+s14+$0x0], $0xffff;
	[tilespmem:s0+$0xFFFFFC10] =	vst v30  }
0x2f3: {  	v33 =	vmul.f32 $8.000000000e+00, v33;
	v30 =	vor.u32 v2, v16;
	[tilespmem:s0+$0xFFFFFD20] =	vst v31;
	v31 =	vld.idx.msk [tilespmem:v51+s14+$0x0], $0xffff  }
0x2f4: {  	v55 =	vor.u32 v2, v8;
	v29 =	vld.idx.msk [tilespmem:v29+s14+$0x0], $0xffff;
	[tilespmem:s0+$0xFFFFFCA0] =	vst v26;
	v26 =	vmul.f32 $8.000000000e+00, v36  }
0x2f5: {  	v54 =	vor.u32 v2, v22;
	[tilespmem:s0+$0x20] =	vst v33;
	v36 =	vld.idx.msk [tilespmem:v53+s14+$0x0], $0xffff;
	v25 =	vmul.f32 $8.000000000e+00, v25  }
0x2f6: {  	v61 =	vmul.f32 $8.000000000e+00, v35;
	[tilespmem:s0+$0x3C0] =	vst v26;
	v26 =	vor.u32 v2, v23;
	v28 =	vld.idx.msk [tilespmem:v28+s14+$0x0], $0xffff  }
0x2f7: {  	v57 =	vor.u32 v3, v12;
	v15 =	vmul.f32 $8.000000000e+00, v15;
	v34 =	vld.idx.msk [tilespmem:v52+s14+$0x0], $0xffff;
	[tilespmem:s0+$0xFFFFFE20] =	vst v25  }
0x2f8: {  	v27 =	vmul.f32 $8.000000000e+00, v27;
	v25 =	vor.u32 v3, v9;
	[tilespmem:s0+$0xFFFFFDB0] =	vst v61;
	v30 =	vld.idx.msk [tilespmem:v30+s14+$0x0], $0xffff  }
0x2f9: {  	v32 =	vld.idx.msk [tilespmem:v55+s14+$0x0], $0xffff;
	[tilespmem:s0+$0xFFFFFEA0] =	vst v15;
	v15 =	vor.u32 v3, v10;
	v29 =	vmul.f32 $8.000000000e+00, v29  }
0x2fa: {  	v60 =	vor.u32 v3, v19;
	v31 =	vmul.f32 $8.000000000e+00, v31;
	[tilespmem:s0+$0xFFFFFF20] =	vst v27;
	v27 =	vld.idx.msk [tilespmem:v54+s14+$0x0], $0xffff  }
0x2fb: {  	[tilespmem:s0+$0xFFFFFFA0] =	vst v29;
	v26 =	vld.idx.msk [tilespmem:v26+s14+$0x0], $0xffff;
	v28 =	vmul.f32 $8.000000000e+00, v28;
	v29 =	vor.u32 v6, v24  }
0x2fc: {  	v58 =	vor.u32 v3, v13;
	v33 =	vld.idx.msk [tilespmem:v57+s14+$0x0], $0xffff;
	[tilespmem:s0+$0xA0] =	vst v31;
	v31 =	vmul.f32 $8.000000000e+00, v34  }
0x2fd: {  	v25 =	vld.idx.msk [tilespmem:v25+s14+$0x0], $0xffff;
	v30 =	vmul.f32 $8.000000000e+00, v30;
	[tilespmem:s0+$0x120] =	vst v28;
	v28 =	vor.u32 v3, v14  }
0x2fe: {  	v36 =	vmul.f32 $8.000000000e+00, v36;
	v15 =	vld.idx.msk [tilespmem:v15+s14+$0x0], $0xffff;
	[tilespmem:s0+$0x3D0] =	vst v31;
	v31 =	vor.u32 v3, v20  }
0x2ff: {  	v27 =	vmul.f32 $8.000000000e+00, v27;
	v63 =	vld.idx.msk [tilespmem:v60+s14+$0x0], $0xffff;
	[tilespmem:s0+$0x1A0] =	vst v30;
	v30 =	vor.u32 v3, v17  }
0x300: {  	v62 =	vor.u32 v3, v22;
	[tilespmem:s0+$0x220] =	vst v36;
	v26 =	vmul.f32 $8.000000000e+00, v26;
	v29 =	vld.idx.msk [tilespmem:v29+s14+$0x0], $0xffff  }
0x301: {  	v59 =	vor.u32 v3, v18;
	v32 =	vmul.f32 $8.000000000e+00, v32;
	[tilespmem:s0+$0x2A0] =	vst v27;
	v27 =	vld.idx.msk [tilespmem:v58+s14+$0x0], $0xffff  }
0x302: {  	v25 =	vmul.f32 $8.000000000e+00, v25;
	[tilespmem:s0+$0x320] =	vst v26;
	v26 =	vld.idx.msk [tilespmem:v28+s14+$0x0], $0xffff;
	v28 =	vor.u32 v3, v16  }
0x303: {  	[tilespmem:s0+$0xFFFFFC20] =	vst v32;
	v24 =	vor.u32 v7, v24;
	v15 =	vmul.f32 $8.000000000e+00, v15;
	v31 =	vld.idx.msk [tilespmem:v31+s14+$0x0], $0xffff  }
0x304: {  	v33 =	vmul.f32 $8.000000000e+00, v33;
	[tilespmem:s0+$0xFFFFFCB0] =	vst v25;
	v25 =	vld.idx.msk [tilespmem:v30+s14+$0x0], $0xffff;
	v30 =	vor.u32 v3, v21  }
0x305: {  	v36 =	vor.u32 v3, v23;
	v35 =	vld.idx.msk [tilespmem:v62+s14+$0x0], $0xffff;
	[tilespmem:s0+$0xFFFFFD30] =	vst v15;
	v15 =	vmul.f32 $8.000000000e+00, v29  }
0x306: {  	v39 =	vor.u32 v4, v14;
	[tilespmem:s0+$0xFFFFFE30] =	vst v33;
	v29 =	vld.idx.msk [tilespmem:v59+s14+$0x0], $0xffff;
	v27 =	vmul.f32 $8.000000000e+00, v27  }
0x307: {  	[tilespmem:s0+$0x3E0] =	vst v15;
	v15 =	vor.u32 v3, v8;
	v26 =	vmul.f32 $8.000000000e+00, v26;
	v28 =	vld.idx.msk [tilespmem:v28+s14+$0x0], $0xffff  }
0x308: {  	v37 =	vor.u32 v4, v9;
	[tilespmem:s0+$0xFFFFFEB0] =	vst v27;
	v31 =	vmul.f32 $8.000000000e+00, v31;
	v24 =	vld.idx.msk [tilespmem:v24+s14+$0x0], $0xffff  }
0x309: {  	v32 =	vmul.f32 $8.000000000e+00, v63;
	v27 =	vor.u32 v4, v10;
	v30 =	vld.idx.msk [tilespmem:v30+s14+$0x0], $0xffff;
	[tilespmem:s0+$0xFFFFFF30] =	vst v26  }
0x30a: {  	v25 =	vmul.f32 $8.000000000e+00, v25;
	v26 =	vor.u32 v4, v11;
	[tilespmem:s0+$0xFFFFFFB0] =	vst v31;
	v31 =	vld.idx.msk [tilespmem:v36+s14+$0x0], $0xffff  }
0x30b: {  	v38 =	vor.u32 v4, v12;
	[tilespmem:s0+$0x130] =	vst v32;
	v29 =	vmul.f32 $8.000000000e+00, v29;
	v33 =	vld.idx.msk [tilespmem:v39+s14+$0x0], $0xffff  }
0x30c: {  	v35 =	vmul.f32 $8.000000000e+00, v35;
	[tilespmem:s0+$0x30] =	vst v25;
	v25 =	vor.u32 v4, v13;
	v15 =	vld.idx.msk [tilespmem:v15+s14+$0x0], $0xffff  }
0x30d: {  	v40 =	vor.u32 v4, v20;
	v28 =	vmul.f32 $8.000000000e+00, v28;
	[tilespmem:s0+$0xB0] =	vst v29;
	v29 =	vld.idx.msk [tilespmem:v37+s14+$0x0], $0xffff  }
0x30e: {  	v43 =	vor.u32 v4, v21;
	[tilespmem:s0+$0x2B0] =	vst v35;
	v27 =	vld.idx.msk [tilespmem:v27+s14+$0x0], $0xffff;
	v24 =	vmul.f32 $8.000000000e+00, v24  }
0x30f: {  	v44 =	vor.u32 v4, v23;
	v30 =	vmul.f32 $8.000000000e+00, v30;
	[tilespmem:s0+$0x1B0] =	vst v28;
	v26 =	vld.idx.msk [tilespmem:v26+s14+$0x0], $0xffff  }
0x310: {  	v28 =	vor.u32 v4, v17;
	[tilespmem:s0+$0x3F0] =	vst v24;
	v24 =	vld.idx.msk [tilespmem:v38+s14+$0x0], $0xffff;
	v31 =	vmul.f32 $8.000000000e+00, v31  }
0x311: {  	v41 =	vor.u32 v4, v18;
	v33 =	vmul.f32 $8.000000000e+00, v33;
	[tilespmem:s0+$0x230] =	vst v30;
	v25 =	vld.idx.msk [tilespmem:v25+s14+$0x0], $0xffff  }
0x312: {  	v30 =	vor.u32 v4, v19;
	v15 =	vmul.f32 $8.000000000e+00, v15;
	[tilespmem:s0+$0x330] =	vst v31;
	v31 =	vld.idx.msk [tilespmem:v40+s14+$0x0], $0xffff  }
0x313: {  	v29 =	vmul.f32 $8.000000000e+00, v29;
	v32 =	vld.idx.msk [tilespmem:v43+s14+$0x0], $0xffff;
	[tilespmem:s0+$0xFFFFFF40] =	vst v33  }
0x314: {  	v42 =	vor.u32 v4, v16;
	v27 =	vmul.f32 $8.000000000e+00, v27;
	v34 =	vld.idx.msk [tilespmem:v44+s14+$0x0], $0xffff;
	[tilespmem:s0+$0xFFFFFC30] =	vst v15  }
0x315: {  	v15 =	vmul.f32 $8.000000000e+00, v26;
	v26 =	vld.idx.msk [tilespmem:v28+s14+$0x0], $0xffff;
	v28 =	vor.u32 v4, v22;
	[tilespmem:s0+$0xFFFFFCC0] =	vst v29  }
0x316: {  	v51 =	vor.u32 v5, v21;
	v29 =	vld.idx.msk [tilespmem:v41+s14+$0x0], $0xffff;
	[tilespmem:s0+$0xFFFFFD40] =	vst v27;
	v24 =	vmul.f32 $8.000000000e+00, v24  }
0x317: {  	v27 =	vld.idx.msk [tilespmem:v30+s14+$0x0], $0xffff;
	v30 =	vor.u32 v4, v8;
	v25 =	vmul.f32 $8.000000000e+00, v25;
	[tilespmem:s0+$0xFFFFFDC0] =	vst v15  }
0x318: {  	v45 =	vor.u32 v5, v9;
	[tilespmem:s0+$0xFFFFFE40] =	vst v24;
	v32 =	vmul.f32 $8.000000000e+00, v32  }
0x319: {  	v15 =	vld.idx.msk [tilespmem:v42+s14+$0x0], $0xffff;
	v24 =	vor.u32 v5, v10;
	[tilespmem:s0+$0xFFFFFEC0] =	vst v25;
	v34 =	vmul.f32 $8.000000000e+00, v34  }
0x31a: {  	v31 =	vmul.f32 $8.000000000e+00, v31;
	v25 =	vor.u32 v5, v11;
	v28 =	vld.idx.msk [tilespmem:v28+s14+$0x0], $0xffff;
	[tilespmem:s0+$0x240] =	vst v32  }
0x31b: {  	v46 =	vor.u32 v5, v12;
	v26 =	vmul.f32 $8.000000000e+00, v26;
	[tilespmem:s0+$0x340] =	vst v34;
	v34 =	vld.idx.msk [tilespmem:v51+s14+$0x0], $0xffff  }
0x31c: {  	v49 =	vor.u32 v5, v19;
	v29 =	vmul.f32 $8.000000000e+00, v29;
	[tilespmem:s0+$0xFFFFFFC0] =	vst v31;
	v30 =	vld.idx.msk [tilespmem:v30+s14+$0x0], $0xffff  }
0x31d: {  	v31 =	vor.u32 v5, v13;
	v27 =	vmul.f32 $8.000000000e+00, v27;
	[tilespmem:s0+$0x40] =	vst v26;
	v26 =	vld.idx.msk [tilespmem:v45+s14+$0x0], $0xffff  }
0x31e: {  	v47 =	vor.u32 v5, v14;
	v15 =	vmul.f32 $8.000000000e+00, v15;
	[tilespmem:s0+$0xC0] =	vst v29;
	v24 =	vld.idx.msk [tilespmem:v24+s14+$0x0], $0xffff  }
0x31f: {  	v29 =	vor.u32 v5, v20;
	[tilespmem:s0+$0x140] =	vst v27;
	v25 =	vld.idx.msk [tilespmem:v25+s14+$0x0], $0xffff;
	v28 =	vmul.f32 $8.000000000e+00, v28  }
0x320: {  	v27 =	vor.u32 v5, v17;
	[tilespmem:s0+$0x1C0] =	vst v15;
	v15 =	vld.idx.msk [tilespmem:v46+s14+$0x0], $0xffff;
	v34 =	vmul.f32 $8.000000000e+00, v34  }
0x321: {  	v48 =	vor.u32 v5, v18;
	v32 =	vld.idx.msk [tilespmem:v49+s14+$0x0], $0xffff;
	v30 =	vmul.f32 $8.000000000e+00, v30;
	[tilespmem:s0+$0x2C0] =	vst v28  }
0x322: {  	v52 =	vor.u32 v5, v23;
	v31 =	vld.idx.msk [tilespmem:v31+s14+$0x0], $0xffff;
	v26 =	vmul.f32 $8.000000000e+00, v26;
	[tilespmem:s0+$0x250] =	vst v34  }
0x323: {  	v50 =	vor.u32 v5, v16;
	v28 =	vld.idx.msk [tilespmem:v47+s14+$0x0], $0xffff;
	v24 =	vmul.f32 $8.000000000e+00, v24;
	[tilespmem:s0+$0xFFFFFC40] =	vst v30  }
0x324: {  	v55 =	vor.u32 v6, v19;
	v29 =	vld.idx.msk [tilespmem:v29+s14+$0x0], $0xffff;
	v25 =	vmul.f32 $8.000000000e+00, v25;
	[tilespmem:s0+$0xFFFFFCD0] =	vst v26  }
0x325: {  	v27 =	vld.idx.msk [tilespmem:v27+s14+$0x0], $0xffff;
	v30 =	vor.u32 v5, v22;
	v15 =	vmul.f32 $8.000000000e+00, v15;
	[tilespmem:s0+$0xFFFFFD50] =	vst v24  }
0x326: {  	v26 =	vld.idx.msk [tilespmem:v48+s14+$0x0], $0xffff;
	v24 =	vor.u32 v5, v8;
	v32 =	vmul.f32 $8.000000000e+00, v32;
	[tilespmem:s0+$0xFFFFFDD0] =	vst v25  }
0x327: {  	v33 =	vld.idx.msk [tilespmem:v52+s14+$0x0], $0xffff;
	v31 =	vmul.f32 $8.000000000e+00, v31;
	v25 =	vor.u32 v6, v9;
	[tilespmem:s0+$0xFFFFFE50] =	vst v15  }
0x328: {  	v35 =	vld.idx.msk [tilespmem:v50+s14+$0x0], $0xffff;
	v15 =	vor.u32 v6, v10;
	v28 =	vmul.f32 $8.000000000e+00, v28;
	[tilespmem:s0+$0x150] =	vst v32  }
0x329: {  	v29 =	vmul.f32 $8.000000000e+00, v29;
	[tilespmem:s0+$0xFFFFFED0] =	vst v31;
	v31 =	vor.u32 v6, v11;
	v34 =	vld.idx.msk [tilespmem:v55+s14+$0x0], $0xffff  }
0x32a: {  	v30 =	vld.idx.msk [tilespmem:v30+s14+$0x0], $0xffff;
	v27 =	vmul.f32 $8.000000000e+00, v27;
	[tilespmem:s0+$0xFFFFFF50] =	vst v28;
	v28 =	vor.u32 v6, v12  }
0x32b: {  	v26 =	vmul.f32 $8.000000000e+00, v26;
	[tilespmem:s0+$0xFFFFFFD0] =	vst v29;
	v29 =	vor.u32 v6, v13;
	v24 =	vld.idx.msk [tilespmem:v24+s14+$0x0], $0xffff  }
0x32c: {  	[tilespmem:s0+$0x50] =	vst v27;
	v25 =	vld.idx.msk [tilespmem:v25+s14+$0x0], $0xffff;
	v27 =	vor.u32 v6, v14  }
0x32d: {  	v33 =	vmul.f32 $8.000000000e+00, v33;
	[tilespmem:s0+$0xD0] =	vst v26;
	v15 =	vld.idx.msk [tilespmem:v15+s14+$0x0], $0xffff;
	v26 =	vor.u32 v6, v20  }
0x32e: {  	v53 =	vor.u32 v6, v17;
	v35 =	vmul.f32 $8.000000000e+00, v35;
	v31 =	vld.idx.msk [tilespmem:v31+s14+$0x0], $0xffff  }
0x32f: {  	v54 =	vor.u32 v6, v18;
	[tilespmem:s0+$0x350] =	vst v33;
	v30 =	vmul.f32 $8.000000000e+00, v30;
	v28 =	vld.idx.msk [tilespmem:v28+s14+$0x0], $0xffff  }
0x330: {  	v9 =	vor.u32 v7, v9;
	[tilespmem:s0+$0x1D0] =	vst v35;
	v29 =	vld.idx.msk [tilespmem:v29+s14+$0x0], $0xffff;
	v24 =	vmul.f32 $8.000000000e+00, v24  }
0x331: {  	v10 =	vor.u32 v7, v10;
	[tilespmem:s0+$0x2D0] =	vst v30;
	v27 =	vld.idx.msk [tilespmem:v27+s14+$0x0], $0xffff;
	v25 =	vmul.f32 $8.000000000e+00, v25  }
0x332: {  	v11 =	vor.u32 v7, v11;
	v26 =	vld.idx.msk [tilespmem:v26+s14+$0x0], $0xffff;
	v15 =	vmul.f32 $8.000000000e+00, v15;
	[tilespmem:s0+$0xFFFFFC50] =	vst v24  }
0x333: {  	v30 =	vor.u32 v6, v16;
	v24 =	vld.idx.msk [tilespmem:v53+s14+$0x0], $0xffff;
	v31 =	vmul.f32 $8.000000000e+00, v31;
	[tilespmem:s0+$0xFFFFFCE0] =	vst v25  }
0x334: {  	v56 =	vor.u32 v6, v21;
	v25 =	vld.idx.msk [tilespmem:v54+s14+$0x0], $0xffff;
	[tilespmem:s0+$0xFFFFFD60] =	vst v15;
	v28 =	vmul.f32 $8.000000000e+00, v28  }
0x335: {  	v57 =	vor.u32 v6, v22;
	v29 =	vmul.f32 $8.000000000e+00, v29;
	[tilespmem:s0+$0xFFFFFDE0] =	vst v31;
	v9 =	vld.idx.msk [tilespmem:v9+s14+$0x0], $0xffff  }
0x336: {  	v12 =	vor.u32 v7, v12;
	v10 =	vld.idx.msk [tilespmem:v10+s14+$0x0], $0xffff;
	v27 =	vmul.f32 $8.000000000e+00, v27;
	[tilespmem:s0+$0xFFFFFE60] =	vst v28  }
0x337: {  	v13 =	vor.u32 v7, v13;
	v11 =	vld.idx.msk [tilespmem:v11+s14+$0x0], $0xffff;
	v26 =	vmul.f32 $8.000000000e+00, v26;
	[tilespmem:s0+$0xFFFFFEE0] =	vst v29  }
0x338: {  	v15 =	vor.u32 v6, v8;
	v30 =	vld.idx.msk [tilespmem:v30+s14+$0x0], $0xffff;
	v24 =	vmul.f32 $8.000000000e+00, v24;
	[tilespmem:s0+$0xFFFFFF60] =	vst v27  }
0x339: {  	v58 =	vor.u32 v6, v23;
	v28 =	vld.idx.msk [tilespmem:v56+s14+$0x0], $0xffff;
	v25 =	vmul.f32 $8.000000000e+00, v25;
	[tilespmem:s0+$0xFFFFFFE0] =	vst v26  }
0x33a: {  	v14 =	vor.u32 v7, v14;
	v29 =	vld.idx.msk [tilespmem:v57+s14+$0x0], $0xffff;
	v26 =	vmul.f32 $8.000000000e+00, v34;
	[tilespmem:s0+$0x60] =	vst v24  }
0x33b: {  	v20 =	vor.u32 v7, v20;
	v12 =	vld.idx.msk [tilespmem:v12+s14+$0x0], $0xffff;
	v9 =	vmul.f32 $8.000000000e+00, v9;
	[tilespmem:s0+$0xE0] =	vst v25  }
0x33c: {  	v18 =	vor.u32 v7, v18;
	v13 =	vld.idx.msk [tilespmem:v13+s14+$0x0], $0xffff;
	v10 =	vmul.f32 $8.000000000e+00, v10;
	[tilespmem:s0+$0x160] =	vst v26  }
0x33d: {  	v19 =	vor.u32 v7, v19;
	v15 =	vld.idx.msk [tilespmem:v15+s14+$0x0], $0xffff;
	v11 =	vmul.f32 $8.000000000e+00, v11;
	[tilespmem:s0+$0xFFFFFCF0] =	vst v9  }
0x33e: {  	v16 =	vor.u32 v7, v16;
	v27 =	vld.idx.msk [tilespmem:v58+s14+$0x0], $0xffff;
	v24 =	vmul.f32 $8.000000000e+00, v30;
	[tilespmem:s0+$0xFFFFFD70] =	vst v10  }
0x33f: {  	v17 =	vor.u32 v7, v17;
	v14 =	vld.idx.msk [tilespmem:v14+s14+$0x0], $0xffff;
	v25 =	vmul.f32 $8.000000000e+00, v28;
	[tilespmem:s0+$0xFFFFFDF0] =	vst v11  }
0x340: {  	v21 =	vor.u32 v7, v21;
	v20 =	vld.idx.msk [tilespmem:v20+s14+$0x0], $0xffff;
	v26 =	vmul.f32 $8.000000000e+00, v29;
	[tilespmem:s0+$0x1E0] =	vst v24  }
0x341: {  	v9 =	vld.idx.msk [tilespmem:v18+s14+$0x0], $0xffff;
	v12 =	vmul.f32 $8.000000000e+00, v12;
	[tilespmem:s0+$0x260] =	vst v25  }
0x342: {  	v18 =	vor.u32 v7, v23;
	v10 =	vld.idx.msk [tilespmem:v19+s14+$0x0], $0xffff;
	v15 =	vmul.f32 $8.000000000e+00, v15;
	[tilespmem:s0+$0x2E0] =	vst v26  }
0x343: {  	v8 =	vor.u32 v7, v8;
	v13 =	vmul.f32 $8.000000000e+00, v13;
	v11 =	vld.idx.msk [tilespmem:v16+s14+$0x0], $0xffff;
	[tilespmem:s0+$0xFFFFFE70] =	vst v12  }
0x344: {  	v24 =	vmul.f32 $8.000000000e+00, v27;
	[tilespmem:s0+$0xFFFFFC60] =	vst v15;
	v15 =	vld.idx.msk [tilespmem:v17+s14+$0x0], $0xffff;
	v17 =	vor.u32 v7, v22  }
0x345: {  	v14 =	vmul.f32 $8.000000000e+00, v14;
	v12 =	vld.idx.msk [tilespmem:v21+s14+$0x0], $0xffff;
	[tilespmem:s0+$0xFFFFFEF0] =	vst v13  }
0x346: {  	v16 =	vmul.f32 $8.000000000e+00, v20;
	[tilespmem:s0+$0x360] =	vst v24  }
0x347: {  	[tilespmem:s0+$0xFFFFFF70] =	vst v14;
	v14 =	vld.idx.msk [tilespmem:v18+s14+$0x0], $0xffff;
	v9 =	vmul.f32 $8.000000000e+00, v9  }
0x348: {  	[tilespmem:s0+$0xFFFFFFF0] =	vst v16;
	v8 =	vld.idx.msk [tilespmem:v8+s14+$0x0], $0xffff;
	v10 =	vmul.f32 $8.000000000e+00, v10  }
0x349: {  	[tilespmem:s0+$0xF0] =	vst v9;
	v11 =	vmul.f32 $8.000000000e+00, v11;
	v13 =	vld.idx.msk [tilespmem:v17+s14+$0x0], $0xffff  }
0x34a: {  	[tilespmem:s0+$0x170] =	vst v10;
	v9 =	vmul.f32 $8.000000000e+00, v12  }
0x34b: {  	v15 =	vmul.f32 $8.000000000e+00, v15;
	[tilespmem:s0+$0x1F0] =	vst v11  }
0x34c: {  	v11 =	vmul.f32 $8.000000000e+00, v14;
	[tilespmem:s0+$0x270] =	vst v9  }
0x34d: {  	s1 =	simm.s32 $0x0;
	v8 =	vmul.f32 $8.000000000e+00, v8;
	[tilespmem:s0+$0x70] =	vst v15  }
0x34e: {  	v9 =	vmov s1;
	s1 =	sadd.s32 s30, s7;
	s30 =	simm.s32 $0x5;
	[tilespmem:s0+$0x370] =	vst v11;
	v10 =	vmul.f32 $8.000000000e+00, v13  }
0x34f: {  	v14 =	vmov s30;
	s30 =	simm.s32 $0x8;
	[tilespmem:s0+$0xFFFFFC70] =	vst v8;
	v8 =	vand.u32 $0x70, v9  }
0x350: {  	v19 =	vmov s30;
	s30 =	simm.s32 $0xB;
	v13 =	vbroadcast v8, $0x0;
	[tilespmem:s0+$0x2F0] =	vst v10;
	s0 =	simm.s32 $0x1  }
0x351: {  	[hbm4b:s1+s9] =	stream.strided.scatter [tilespmem:s20], [sflag:$0x6], $0x2000, s10, s9, $0x38;
	[tilespmem:$0x1A400] =	vst v63  }
0x352: {  	v26 =	vmov s30;
	v8 =	vor.u32 v0, v13;
	s1 =	simm.s32 $0x2;
	v9 =	vmov s0;
	s0 =	simm.s32 $0x3  }
0x353: {  	p0 =	seq.s32 s26, $0x31;
	v10 =	vmov s1;
	s1 =	simm.s32 $0x4;
	v11 =	vmov s0;
	s0 =	simm.s32 $0x6;
	v9 =	vand.u32 $0x71, v9  }
0x354: {  	s31 =	simm.s32 @!p0 $0x6400;
	v12 =	vmov s1;
	s1 =	simm.s32 $0x7;
	v15 =	vmov s0;
	v10 =	vand.u32 $0x72, v10  }
0x355: {  	s30 =	sshll.u32 @!p0 s26, $0x9;
	s0 =	simm.s32 $0x9;
	v23 =	vbroadcast v9, $0x0;
	v9 =	vand.u32 $0x73, v11;
	v17 =	vmov s1;
	s1 =	simm.s32 $0xA  }
0x356: {  	s30 =	sand.u32 @!p0 $0x3FFFFE00, s30;
	_ =	swait.ge [sflag:s21], $0x4000;
	v20 =	vmov s0;
	v11 =	vand.u32 $0x74, v12;
	v25 =	vmov s1;
	s1 =	simm.s32 $0xD  }
0x357: {  	[sflag:s21] =	ssyncset.done $0x0;
	s0 =	simm.s32 $0xC;
	v24 =	vbroadcast v10, $0x0;
	v10 =	vand.u32 $0x75, v14;
	v28 =	vmov s1;
	s1 =	simm.s32 $0xE  }
0x358: {  	[sflag:s21] =	ssyncadd.s32 $0xFFFFC000;
	v21 =	vbroadcast v9, $0x0;
	v27 =	vmov s0;
	s0 =	sadd.s32 @!p0 $0x200, s30;
	v29 =	vmov s1;
	s1 =	simm.s32 @!p0 $0x80  }
0x359: {  	v9 =	vand.u32 $0x76, v15;
	v12 =	vor.u32 v0, v23;
	v16 =	vbroadcast v10, $0x0;
	[tilespmem:s31], [sflag:$0x1] =	stream.indirect.gather @!p0 [hbm4b:s5+s1], $0x80, s0, s1, $0xb8;
	[tilespmem:$0x1A400] =	vst v63  }
0x35a: {  	v18 =	vbroadcast v11, $0x0;
	v9 =	vbroadcast v9, $0x0;
	v11 =	vor.u32 v0, v24;
	_ =	swait.ge [sflag:s22], $0x2000  }
0x35b: {  	v17 =	vand.u32 $0x77, v17;
	v10 =	vor.u32 v0, v21;
	v31 =	vor.u32 v0, v16;
	s1 =	simm.s32 $0xF;
	[sflag:s22] =	ssyncset.done $0x0  }
0x35c: {  	v22 =	vbroadcast v17, $0x0;
	v17 =	vand.u32 $0x79, v20;
	v14 =	vmov s1;
	[sflag:s22] =	ssyncadd.s32 $0xFFFFE000  }
0x35d: {  	v15 =	vor.u32 v0, v18;
	v20 =	vbroadcast v17, $0x0;
	v14 =	vand.u32 $0x7F, v14;
	v30 =	vld.idx.msk [tilespmem:v8+s16+$0x0], $0xffff  }
0x35e: {  	v8 =	vbroadcast v14, $0x0;
	v14 =	vand.u32 $0x78, v19;
	v59 =	vld.idx.msk [tilespmem:v12+s16+$0x0], $0xffff;
	v12 =	vor.u32 v0, v9  }
0x35f: {  	v62 =	vor.u32 v0, v22;
	v60 =	vld.idx.msk [tilespmem:v11+s16+$0x0], $0xffff;
	v11 =	vand.u32 $0x7A, v25;
	v19 =	vbroadcast v14, $0x0  }
0x360: {  	v17 =	vbroadcast v11, $0x0;
	v11 =	vand.u32 $0x7C, v27;
	v27 =	vld.idx.msk [tilespmem:v31+s16+$0x0], $0xffff;
	v31 =	vor.u32 v0, v20  }
0x361: {  	v25 =	vld.idx.msk [tilespmem:v10+s16+$0x0], $0xffff;
	v10 =	vand.u32 $0x7B, v26;
	v61 =	vor.u32 v0, v8  }
0x362: {  	v15 =	vld.idx.msk [tilespmem:v15+s16+$0x0], $0xffff;
	v14 =	vbroadcast v10, $0x0;
	v26 =	vor.u32 v0, v19  }
0x363: {  	v45 =	vor.u32 v0, v17;
	v63 =	vld.idx.msk [tilespmem:v12+s16+$0x0], $0xffff  }
0x364: {  	v46 =	vor.u32 v0, v14;
	v12 =	vand.u32 $0x7E, v29;
	v29 =	vld.idx.msk [tilespmem:v62+s16+$0x0], $0xffff  }
0x365: {  	v51 =	vor.u32 v1, v23;
	v28 =	vand.u32 $0x7D, v28;
	v31 =	vld.idx.msk [tilespmem:v31+s16+$0x0], $0xffff  }
0x366: {  	v52 =	vor.u32 v1, v24;
	v10 =	vbroadcast v11, $0x0;
	v11 =	vbroadcast v28, $0x0;
	v28 =	vld.idx.msk [tilespmem:v61+s16+$0x0], $0xffff  }
0x367: {  	v53 =	vor.u32 v1, v21;
	v32 =	vmul.f32 $8.000000000e+00, v59;
	v26 =	vld.idx.msk [tilespmem:v26+s16+$0x0], $0xffff  }
0x368: {  	v54 =	vor.u32 v1, v18;
	s31 =	simm.s32 $0x16800;
	v33 =	vmul.f32 $8.000000000e+00, v60;
	v37 =	vld.idx.msk [tilespmem:v45+s16+$0x0], $0xffff  }
0x369: {  	v47 =	vor.u32 v0, v10;
	v25 =	vmul.f32 $8.000000000e+00, v25;
	v12 =	vbroadcast v12, $0x0;
	[tilespmem:s31+$0xFFFFFC80] =	vst v32;
	v38 =	vld.idx.msk [tilespmem:v46+s16+$0x0], $0xffff  }
0x36a: {  	v48 =	vor.u32 v0, v11;
	v15 =	vmul.f32 $8.000000000e+00, v15;
	[tilespmem:s31+$0xFFFFFD00] =	vst v33;
	v56 =	vld.idx.msk [tilespmem:v51+s16+$0x0], $0xffff  }
0x36b: {  	v30 =	vmul.f32 $8.000000000e+00, v30;
	[tilespmem:s31+$0xFFFFFD80] =	vst v25;
	v49 =	vor.u32 v0, v12;
	v58 =	vld.idx.msk [tilespmem:v52+s16+$0x0], $0xffff  }
0x36c: {  	v57 =	vor.u32 v1, v9;
	v25 =	vmul.f32 $8.000000000e+00, v27;
	[tilespmem:s31+$0xFFFFFE00] =	vst v15;
	v59 =	vld.idx.msk [tilespmem:v53+s16+$0x0], $0xffff  }
0x36d: {  	v27 =	vor.u32 v1, v22;
	[tilespmem:s31+$0xFFFFFC00] =	vst v30;
	v61 =	vld.idx.msk [tilespmem:v54+s16+$0x0], $0xffff;
	v15 =	vmul.f32 $8.000000000e+00, v63  }
0x36e: {  	v50 =	vor.u32 v1, v8;
	v34 =	vld.idx.msk [tilespmem:v47+s16+$0x0], $0xffff;
	[tilespmem:s31+$0xFFFFFE80] =	vst v25;
	v25 =	vmul.f32 $8.000000000e+00, v29  }
0x36f: {  	v60 =	vor.u32 v1, v19;
	v35 =	vld.idx.msk [tilespmem:v48+s16+$0x0], $0xffff;
	v28 =	vmul.f32 $8.000000000e+00, v28;
	[tilespmem:s31+$0xFFFFFF00] =	vst v15  }
0x370: {  	v53 =	vor.u32 v2, v24;
	[tilespmem:s31+$0xFFFFFF80] =	vst v25;
	v39 =	vld.idx.msk [tilespmem:v49+s16+$0x0], $0xffff;
	v15 =	vmul.f32 $8.000000000e+00, v26  }
0x371: {  	v30 =	vor.u32 v2, v21;
	v33 =	vld.idx.msk [tilespmem:v57+s16+$0x0], $0xffff;
	v37 =	vmul.f32 $8.000000000e+00, v37;
	[tilespmem:s31+$0x380] =	vst v28  }
0x372: {  	v25 =	vor.u32 v1, v17;
	v27 =	vld.idx.msk [tilespmem:v27+s16+$0x0], $0xffff;
	v54 =	vmul.f32 $8.000000000e+00, v58;
	[tilespmem:s31+$0x0] =	vst v15  }
0x373: {  	v62 =	vor.u32 v1, v10;
	v40 =	vmul.f32 $8.000000000e+00, v56;
	v56 =	vmul.f32 $8.000000000e+00, v59;
	v55 =	vld.idx.msk [tilespmem:v50+s16+$0x0], $0xffff;
	[tilespmem:s31+$0x100] =	vst v37  }
0x374: {  	v26 =	vor.u32 v1, v20;
	v34 =	vmul.f32 $8.000000000e+00, v34;
	[tilespmem:s31+$0xFFFFFD10] =	vst v54;
	v36 =	vld.idx.msk [tilespmem:v60+s16+$0x0], $0xffff  }
0x375: {  	v49 =	vor.u32 v1, v13;
	v15 =	vmul.f32 $8.000000000e+00, v31;
	[tilespmem:s31+$0xFFFFFD90] =	vst v56;
	v59 =	vld.idx.msk [tilespmem:v53+s16+$0x0], $0xffff  }
0x376: {  	v28 =	vor.u32 v1, v16;
	[tilespmem:s31+$0x200] =	vst v34;
	v30 =	vld.idx.msk [tilespmem:v30+s16+$0x0], $0xffff  }
0x377: {  	v31 =	vor.u32 v1, v14;
	[tilespmem:s31+$0x80] =	vst v15;
	v15 =	vmul.f32 $8.000000000e+00, v38;
	v25 =	vld.idx.msk [tilespmem:v25+s16+$0x0], $0xffff  }
0x378: {  	v50 =	vor.u32 v2, v23;
	[tilespmem:s31+$0xFFFFFC90] =	vst v40;
	v52 =	vld.idx.msk [tilespmem:v62+s16+$0x0], $0xffff;
	v51 =	vmul.f32 $8.000000000e+00, v39  }
0x379: {  	v60 =	vor.u32 v2, v22;
	v26 =	vld.idx.msk [tilespmem:v26+s16+$0x0], $0xffff;
	v33 =	vmul.f32 $8.000000000e+00, v33;
	[tilespmem:s31+$0x180] =	vst v15  }
0x37a: {  	v48 =	vor.u32 v1, v12;
	v38 =	vld.idx.msk [tilespmem:v49+s16+$0x0], $0xffff;
	v27 =	vmul.f32 $8.000000000e+00, v27;
	[tilespmem:s31+$0x300] =	vst v51  }
0x37b: {  	v29 =	vor.u32 v2, v8;
	v28 =	vld.idx.msk [tilespmem:v28+s16+$0x0], $0xffff;
	v15 =	vmul.f32 $8.000000000e+00, v35;
	[tilespmem:s31+$0xFFFFFF10] =	vst v33  }
0x37c: {  	v58 =	vor.u32 v2, v9;
	v32 =	vmul.f32 $8.000000000e+00, v55;
	v31 =	vld.idx.msk [tilespmem:v31+s16+$0x0], $0xffff;
	[tilespmem:s31+$0xFFFFFF90] =	vst v27  }
0x37d: {  	v63 =	vor.u32 v1, v11;
	v35 =	vld.idx.msk [tilespmem:v50+s16+$0x0], $0xffff;
	[tilespmem:s31+$0x280] =	vst v15;
	v36 =	vmul.f32 $8.000000000e+00, v36  }
0x37e: {  	v27 =	vor.u32 v2, v17;
	v41 =	vld.idx.msk [tilespmem:v60+s16+$0x0], $0xffff;
	v30 =	vmul.f32 $8.000000000e+00, v30;
	[tilespmem:s31+$0x390] =	vst v32  }
0x37f: {  	v57 =	vor.u32 v2, v16;
	v34 =	vld.idx.msk [tilespmem:v48+s16+$0x0], $0xffff;
	v25 =	vmul.f32 $8.000000000e+00, v25;
	[tilespmem:s31+$0x10] =	vst v36  }
0x380: {  	v62 =	vor.u32 v2, v14;
	v29 =	vld.idx.msk [tilespmem:v29+s16+$0x0], $0xffff;
	[tilespmem:s31+$0xFFFFFDA0] =	vst v30;
	v28 =	vmul.f32 $8.000000000e+00, v28  }
0x381: {  	v49 =	vor.u32 v3, v23;
	v37 =	vld.idx.msk [tilespmem:v58+s16+$0x0], $0xffff;
	[tilespmem:s31+$0x110] =	vst v25;
	v31 =	vmul.f32 $8.000000000e+00, v31  }
0x382: {  	v32 =	vld.idx.msk [tilespmem:v63+s16+$0x0], $0xffff;
	v30 =	vor.u32 v3, v22;
	v51 =	vmul.f32 $8.000000000e+00, v35;
	[tilespmem:s31+$0xFFFFFE90] =	vst v28  }
0x383: {  	v25 =	vor.u32 v2, v12;
	v27 =	vld.idx.msk [tilespmem:v27+s16+$0x0], $0xffff;
	v41 =	vmul.f32 $8.000000000e+00, v41;
	[tilespmem:s31+$0x190] =	vst v31  }
0x384: {  	v15 =	vor.u32 v3, v8;
	v42 =	vld.idx.msk [tilespmem:v57+s16+$0x0], $0xffff;
	v31 =	vmul.f32 $8.000000000e+00, v34;
	[tilespmem:s31+$0xFFFFFCA0] =	vst v51  }
0x385: {  	v28 =	vor.u32 v2, v20;
	v29 =	vmul.f32 $8.000000000e+00, v29;
	v36 =	vld.idx.msk [tilespmem:v62+s16+$0x0], $0xffff;
	[tilespmem:s31+$0xFFFFFFA0] =	vst v41  }
0x386: {  	v55 =	vor.u32 v2, v18;
	v26 =	vmul.f32 $8.000000000e+00, v26;
	v34 =	vld.idx.msk [tilespmem:v49+s16+$0x0], $0xffff;
	[tilespmem:s31+$0x310] =	vst v31  }
0x387: {  	v60 =	vor.u32 v3, v17;
	v30 =	vld.idx.msk [tilespmem:v30+s16+$0x0], $0xffff;
	[tilespmem:s31+$0x3A0] =	vst v29;
	v29 =	vmul.f32 $8.000000000e+00, v61  }
0x388: {  	v54 =	vor.u32 v3, v16;
	[tilespmem:s31+$0x90] =	vst v26;
	v37 =	vmul.f32 $8.000000000e+00, v37;
	v25 =	vld.idx.msk [tilespmem:v25+s16+$0x0], $0xffff  }
0x389: {  	v27 =	vmul.f32 $8.000000000e+00, v27;
	v15 =	vld.idx.msk [tilespmem:v15+s16+$0x0], $0xffff;
	[tilespmem:s31+$0xFFFFFE10] =	vst v29;
	v29 =	vor.u32 v2, v19  }
0x38a: {  	v51 =	vor.u32 v4, v22;
	[tilespmem:s31+$0xFFFFFF20] =	vst v37;
	v28 =	vld.idx.msk [tilespmem:v28+s16+$0x0], $0xffff;
	v56 =	vmul.f32 $8.000000000e+00, v42  }
0x38b: {  	v43 =	vmul.f32 $8.000000000e+00, v59;
	v63 =	vor.u32 v2, v11;
	[tilespmem:s31+$0x120] =	vst v27;
	v40 =	vld.idx.msk [tilespmem:v55+s16+$0x0], $0xffff  }
0x38c: {  	v61 =	vor.u32 v4, v8;
	v37 =	vld.idx.msk [tilespmem:v60+s16+$0x0], $0xffff;
	[tilespmem:s31+$0xFFFFFEA0] =	vst v56;
	v30 =	vmul.f32 $8.000000000e+00, v30  }
0x38d: {  	[tilespmem:s31+$0xFFFFFD20] =	vst v43;
	v32 =	vmul.f32 $8.000000000e+00, v32;
	v55 =	vor.u32 v3, v9;
	v59 =	vld.idx.msk [tilespmem:v54+s16+$0x0], $0xffff  }
0x38e: {  	v50 =	vor.u32 v3, v24;
	v15 =	vmul.f32 $8.000000000e+00, v15;
	[tilespmem:s31+$0xFFFFFFB0] =	vst v30;
	v29 =	vld.idx.msk [tilespmem:v29+s16+$0x0], $0xffff  }
0x38f: {  	v26 =	vor.u32 v2, v10;
	[tilespmem:s31+$0x290] =	vst v32;
	v36 =	vmul.f32 $8.000000000e+00, v36;
	v42 =	vld.idx.msk [tilespmem:v51+s16+$0x0], $0xffff  }
0x390: {  	v53 =	vor.u32 v3, v18;
	v25 =	vmul.f32 $8.000000000e+00, v25;
	[tilespmem:s31+$0x3B0] =	vst v15;
	v15 =	vmul.f32 $8.000000000e+00, v52;
	v52 =	vld.idx.msk [tilespmem:v63+s16+$0x0], $0xffff  }
0x391: {  	v48 =	vor.u32 v2, v13;
	[tilespmem:s31+$0x1A0] =	vst v36;
	v33 =	vld.idx.msk [tilespmem:v61+s16+$0x0], $0xffff  }
0x392: {  	v57 =	vor.u32 v3, v19;
	[tilespmem:s31+$0x320] =	vst v25;
	v40 =	vmul.f32 $8.000000000e+00, v40;
	v61 =	vld.idx.msk [tilespmem:v55+s16+$0x0], $0xffff  }
0x393: {  	v58 =	vor.u32 v3, v20;
	[tilespmem:s31+$0x210] =	vst v15;
	v15 =	vmul.f32 $8.000000000e+00, v38;
	v38 =	vld.idx.msk [tilespmem:v50+s16+$0x0], $0xffff  }
0x394: {  	v31 =	vor.u32 v5, v8;
	[tilespmem:s31+$0xFFFFFE20] =	vst v40;
	v26 =	vld.idx.msk [tilespmem:v26+s16+$0x0], $0xffff;
	v29 =	vmul.f32 $8.000000000e+00, v29  }
0x395: {  	v28 =	vmul.f32 $8.000000000e+00, v28;
	v32 =	vld.idx.msk [tilespmem:v53+s16+$0x0], $0xffff;
	[tilespmem:s31+$0xFFFFFC10] =	vst v15;
	v15 =	vor.u32 v3, v21  }
0x396: {  	v39 =	vld.idx.msk [tilespmem:v48+s16+$0x0], $0xffff;
	v48 =	vor.u32 v4, v24;
	v33 =	vmul.f32 $8.000000000e+00, v33;
	[tilespmem:s31+$0x20] =	vst v29  }
0x397: {  	[tilespmem:s31+$0xA0] =	vst v28;
	v50 =	vmul.f32 $8.000000000e+00, v59;
	v29 =	vor.u32 v3, v14;
	v40 =	vld.idx.msk [tilespmem:v57+s16+$0x0], $0xffff  }
0x398: {  	v28 =	vor.u32 v3, v10;
	v25 =	vmul.f32 $8.000000000e+00, v38;
	[tilespmem:s31+$0x3C0] =	vst v33;
	v33 =	vld.idx.msk [tilespmem:v58+s16+$0x0], $0xffff  }
0x399: {  	v63 =	vor.u32 v3, v12;
	[tilespmem:s31+$0xFFFFFEB0] =	vst v50;
	v26 =	vmul.f32 $8.000000000e+00, v26;
	v31 =	vld.idx.msk [tilespmem:v31+s16+$0x0], $0xffff  }
0x39a: {  	v45 =	vor.u32 v3, v13;
	v32 =	vmul.f32 $8.000000000e+00, v32;
	v15 =	vld.idx.msk [tilespmem:v15+s16+$0x0], $0xffff;
	[tilespmem:s31+$0xFFFFFD30] =	vst v25  }
0x39b: {  	v25 =	vor.u32 v4, v16;
	[tilespmem:s31+$0x220] =	vst v26;
	v26 =	vmul.f32 $8.000000000e+00, v39;
	v39 =	vld.idx.msk [tilespmem:v48+s16+$0x0], $0xffff  }
0x39c: {  	v54 =	vor.u32 v4, v19;
	[tilespmem:s31+$0xFFFFFE30] =	vst v32;
	v29 =	vld.idx.msk [tilespmem:v29+s16+$0x0], $0xffff;
	v40 =	vmul.f32 $8.000000000e+00, v40  }
0x39d: {  	v56 =	vor.u32 v4, v20;
	v28 =	vld.idx.msk [tilespmem:v28+s16+$0x0], $0xffff;
	[tilespmem:s31+$0xFFFFFC20] =	vst v26;
	v33 =	vmul.f32 $8.000000000e+00, v33  }
0x39e: {  	v62 =	vor.u32 v6, v8;
	v26 =	vld.idx.msk [tilespmem:v63+s16+$0x0], $0xffff;
	v31 =	vmul.f32 $8.000000000e+00, v31;
	[tilespmem:s31+$0x30] =	vst v40  }
0x39f: {  	v49 =	vor.u32 v4, v21;
	v35 =	vld.idx.msk [tilespmem:v45+s16+$0x0], $0xffff;
	v15 =	vmul.f32 $8.000000000e+00, v15;
	[tilespmem:s31+$0xB0] =	vst v33  }
0x3a0: {  	v27 =	vor.u32 v3, v11;
	v25 =	vld.idx.msk [tilespmem:v25+s16+$0x0], $0xffff;
	[tilespmem:s31+$0x3D0] =	vst v31;
	v31 =	vmul.f32 $8.000000000e+00, v52  }
0x3a1: {  	v60 =	vor.u32 v4, v10;
	v32 =	vld.idx.msk [tilespmem:v54+s16+$0x0], $0xffff;
	[tilespmem:s31+$0xFFFFFDB0] =	vst v15;
	v52 =	vmul.f32 $8.000000000e+00, v61  }
0x3a2: {  	v47 =	vor.u32 v4, v23;
	v29 =	vmul.f32 $8.000000000e+00, v29;
	v61 =	vld.idx.msk [tilespmem:v56+s16+$0x0], $0xffff;
	[tilespmem:s31+$0x2A0] =	vst v31  }
0x3a3: {  	v15 =	vor.u32 v4, v9;
	v28 =	vmul.f32 $8.000000000e+00, v28;
	v46 =	vld.idx.msk [tilespmem:v62+s16+$0x0], $0xffff;
	[tilespmem:s31+$0xFFFFFF30] =	vst v52  }
0x3a4: {  	v63 =	vor.u32 v4, v13;
	v31 =	vmul.f32 $8.000000000e+00, v34;
	v34 =	vld.idx.msk [tilespmem:v49+s16+$0x0], $0xffff;
	[tilespmem:s31+$0x1B0] =	vst v29  }
0x3a5: {  	v50 =	vor.u32 v5, v24;
	v26 =	vmul.f32 $8.000000000e+00, v26;
	[tilespmem:s31+$0x230] =	vst v28;
	v27 =	vld.idx.msk [tilespmem:v27+s16+$0x0], $0xffff  }
0x3a6: {  	v29 =	vor.u32 v4, v12;
	v28 =	vmul.f32 $8.000000000e+00, v35;
	v33 =	vld.idx.msk [tilespmem:v60+s16+$0x0], $0xffff;
	[tilespmem:s31+$0xFFFFFCB0] =	vst v31  }
0x3a7: {  	v57 =	vor.u32 v4, v17;
	[tilespmem:s31+$0x330] =	vst v26;
	v26 =	vmul.f32 $8.000000000e+00, v39;
	v38 =	vld.idx.msk [tilespmem:v47+s16+$0x0], $0xffff  }
0x3a8: {  	v8 =	vor.u32 v7, v8;
	v30 =	vmul.f32 $8.000000000e+00, v37;
	[tilespmem:s31+$0xFFFFFC30] =	vst v28;
	v58 =	vld.idx.msk [tilespmem:v15+s16+$0x0], $0xffff  }
0x3a9: {  	v25 =	vmul.f32 $8.000000000e+00, v25;
	v31 =	vor.u32 v4, v18;
	v52 =	vld.idx.msk [tilespmem:v63+s16+$0x0], $0xffff;
	[tilespmem:s31+$0xFFFFFD40] =	vst v26  }
0x3aa: {  	[tilespmem:s31+$0x130] =	vst v30;
	v15 =	vor.u32 v4, v14;
	v36 =	vmul.f32 $8.000000000e+00, v46;
	v35 =	vld.idx.msk [tilespmem:v50+s16+$0x0], $0xffff  }
0x3ab: {  	v51 =	vor.u32 v5, v21;
	[tilespmem:s31+$0xFFFFFEC0] =	vst v25;
	v29 =	vld.idx.msk [tilespmem:v29+s16+$0x0], $0xffff  }
0x3ac: {  	v25 =	vor.u32 v5, v20;
	v40 =	vmul.f32 $8.000000000e+00, v61;
	[tilespmem:s31+$0x3E0] =	vst v36;
	v36 =	vld.idx.msk [tilespmem:v57+s16+$0x0], $0xffff  }
0x3ad: {  	v30 =	vor.u32 v4, v11;
	v34 =	vmul.f32 $8.000000000e+00, v34;
	v55 =	vld.idx.msk [tilespmem:v8+s16+$0x0], $0xffff  }
0x3ae: {  	v49 =	vor.u32 v5, v23;
	[tilespmem:s31+$0xC0] =	vst v40;
	v27 =	vmul.f32 $8.000000000e+00, v27;
	v31 =	vld.idx.msk [tilespmem:v31+s16+$0x0], $0xffff  }
0x3af: {  	s1 =	simm.s32 $0x10;
	v42 =	vmul.f32 $8.000000000e+00, v42;
	v26 =	vor.u32 v5, v9;
	[tilespmem:s31+$0xFFFFFDC0] =	vst v34;
	v48 =	vld.idx.msk [tilespmem:v15+s16+$0x0], $0xffff  }
0x3b0: {  	v53 =	vmov s1;
	v61 =	vor.u32 v5, v13;
	[tilespmem:s31+$0x2B0] =	vst v27;
	v27 =	vmul.f32 $8.000000000e+00, v38;
	v38 =	vld.idx.msk [tilespmem:v51+s16+$0x0], $0xffff  }
0x3b1: {  	[tilespmem:s31+$0xFFFFFFC0] =	vst v42;
	v8 =	vand.u32 $0x70, v53;
	v53 =	vor.u32 v5, v22;
	v54 =	vmul.f32 $8.000000000e+00, v58;
	v25 =	vld.idx.msk [tilespmem:v25+s16+$0x0], $0xffff  }
0x3b2: {  	v47 =	vor.u32 v6, v24;
	v39 =	vmul.f32 $8.000000000e+00, v52;
	v30 =	vld.idx.msk [tilespmem:v30+s16+$0x0], $0xffff;
	[tilespmem:s31+$0xFFFFFCC0] =	vst v27  }
0x3b3: {  	v32 =	vmul.f32 $8.000000000e+00, v32;
	v8 =	vbroadcast v8, $0x0;
	v58 =	vor.u32 v5, v10;
	[tilespmem:s31+$0xFFFFFF40] =	vst v54;
	v37 =	vld.idx.msk [tilespmem:v49+s16+$0x0], $0xffff  }
0x3b4: {  	v60 =	vor.u32 v5, v12;
	v35 =	vmul.f32 $8.000000000e+00, v35;
	[tilespmem:s31+$0xFFFFFC40] =	vst v39;
	v26 =	vld.idx.msk [tilespmem:v26+s16+$0x0], $0xffff  }
0x3b5: {  	s1 =	simm.s32 $0x11;
	[tilespmem:s31+$0x40] =	vst v32;
	v33 =	vmul.f32 $8.000000000e+00, v33;
	v59 =	vor.u32 v0, v8;
	v45 =	vld.idx.msk [tilespmem:v61+s16+$0x0], $0xffff  }
0x3b6: {  	v44 =	vmov s1;
	v28 =	vor.u32 v5, v18;
	v29 =	vmul.f32 $8.000000000e+00, v29;
	[tilespmem:s31+$0xFFFFFD50] =	vst v35;
	v34 =	vld.idx.msk [tilespmem:v53+s16+$0x0], $0xffff  }
0x3b7: {  	v44 =	vand.u32 $0x71, v44;
	[tilespmem:s31+$0x240] =	vst v33;
	v27 =	vor.u32 v5, v16;
	v36 =	vmul.f32 $8.000000000e+00, v36;
	v47 =	vld.idx.msk [tilespmem:v47+s16+$0x0], $0xffff  }
0x3b8: {  	v24 =	vor.u32 v7, v24;
	v57 =	vor.u32 v5, v14;
	v31 =	vmul.f32 $8.000000000e+00, v31;
	[tilespmem:s31+$0x340] =	vst v29;
	v32 =	vld.idx.msk [tilespmem:v58+s16+$0x0], $0xffff  }
0x3b9: {  	v46 =	vor.u32 v6, v23;
	v62 =	vmul.f32 $8.000000000e+00, v55;
	v55 =	vor.u32 v5, v17;
	[tilespmem:s31+$0x140] =	vst v36;
	v36 =	vld.idx.msk [tilespmem:v60+s16+$0x0], $0xffff  }
0x3ba: {  	v23 =	vor.u32 v7, v23;
	v56 =	vmul.f32 $8.000000000e+00, v48;
	v48 =	vor.u32 v6, v21;
	[tilespmem:s31+$0xFFFFFE40] =	vst v31;
	v15 =	vld.idx.msk [tilespmem:v59+s16+$0x0], $0xffff  }
0x3bb: {  	v61 =	vor.u32 v6, v14;
	v38 =	vmul.f32 $8.000000000e+00, v38;
	[tilespmem:s31+$0x3F0] =	vst v62;
	v31 =	vor.u32 v5, v19;
	v28 =	vld.idx.msk [tilespmem:v28+s16+$0x0], $0xffff  }
0x3bc: {  	v14 =	vor.u32 v7, v14;
	v58 =	vor.u32 v6, v16;
	v50 =	vmul.f32 $8.000000000e+00, v25;
	v27 =	vld.idx.msk [tilespmem:v27+s16+$0x0], $0xffff;
	[tilespmem:s31+$0x1C0] =	vst v56  }
0x3bd: {  	s1 =	simm.s32 $0x12;
	v60 =	vor.u32 v6, v22;
	v30 =	vmul.f32 $8.000000000e+00, v30;
	v59 =	vor.u32 v5, v11;
	[tilespmem:s31+$0xFFFFFDD0] =	vst v38;
	v42 =	vld.idx.msk [tilespmem:v57+s16+$0x0], $0xffff  }
0x3be: {  	v21 =	vor.u32 v7, v21;
	v62 =	vmov s1;
	s1 =	simm.s32 $0x13;
	[tilespmem:s31+$0xD0] =	vst v50;
	v37 =	vmul.f32 $8.000000000e+00, v37;
	v41 =	vld.idx.msk [tilespmem:v55+s16+$0x0], $0xffff  }
0x3bf: {  	v16 =	vor.u32 v7, v16;
	v63 =	vmov s1;
	v26 =	vmul.f32 $8.000000000e+00, v26;
	[tilespmem:s31+$0x2C0] =	vst v30;
	v48 =	vld.idx.msk [tilespmem:v48+s16+$0x0], $0xffff  }
0x3c0: {  	s1 =	simm.s32 $0x14;
	v50 =	vor.u32 v6, v11;
	v57 =	vor.u32 v6, v18;
	v34 =	vmul.f32 $8.000000000e+00, v34;
	[tilespmem:s31+$0xFFFFFCD0] =	vst v37;
	v31 =	vld.idx.msk [tilespmem:v31+s16+$0x0], $0xffff  }
0x3c1: {  	v43 =	vand.u32 $0x72, v62;
	v30 =	vmov s1;
	v47 =	vmul.f32 $8.000000000e+00, v47;
	[tilespmem:s31+$0xFFFFFF50] =	vst v26;
	v25 =	vld.idx.msk [tilespmem:v46+s16+$0x0], $0xffff  }
0x3c2: {  	v45 =	vmul.f32 $8.000000000e+00, v45;
	v33 =	vand.u32 $0x73, v63;
	[tilespmem:s31+$0xFFFFFFD0] =	vst v34;
	v28 =	vmul.f32 $8.000000000e+00, v28;
	v40 =	vld.idx.msk [tilespmem:v59+s16+$0x0], $0xffff  }
0x3c3: {  	s1 =	simm.s32 $0x15;
	v18 =	vor.u32 v7, v18;
	[tilespmem:s31+$0xFFFFFD60] =	vst v47;
	v27 =	vmul.f32 $8.000000000e+00, v27;
	v59 =	vor.u32 v6, v9;
	v38 =	vld.idx.msk [tilespmem:v60+s16+$0x0], $0xffff  }
0x3c4: {  	v29 =	vmov s1;
	s1 =	simm.s32 $0x16;
	v26 =	vor.u32 v6, v17;
	v24 =	vld.idx.msk [tilespmem:v24+s16+$0x0], $0xffff;
	v42 =	vmul.f32 $8.000000000e+00, v42;
	[tilespmem:s31+$0xFFFFFE50] =	vst v28  }
0x3c5: {  	v63 =	vor.u32 v7, v22;
	v49 =	vmov s1;
	v28 =	vor.u32 v6, v19;
	[tilespmem:s31+$0xFFFFFED0] =	vst v27;
	v39 =	vld.idx.msk [tilespmem:v57+s16+$0x0], $0xffff  }
0x3c6: {  	s1 =	simm.s32 $0x17;
	v32 =	vmul.f32 $8.000000000e+00, v32;
	v41 =	vmul.f32 $8.000000000e+00, v41;
	v27 =	vor.u32 v6, v20;
	v37 =	vld.idx.msk [tilespmem:v58+s16+$0x0], $0xffff;
	[tilespmem:s31+$0x1D0] =	vst v42  }
0x3c7: {  	v36 =	vmul.f32 $8.000000000e+00, v36;
	v51 =	vmov s1;
	s1 =	simm.s32 $0x18;
	v31 =	vmul.f32 $8.000000000e+00, v31;
	v34 =	vld.idx.msk [tilespmem:v61+s16+$0x0], $0xffff  }
0x3c8: {  	v49 =	vand.u32 $0x76, v49;
	v46 =	vmov s1;
	v60 =	vand.u32 $0x75, v29;
	[tilespmem:s31+$0x150] =	vst v41;
	v35 =	vld.idx.msk [tilespmem:v59+s16+$0x0], $0xffff  }
0x3c9: {  	s1 =	simm.s32 $0x19;
	v9 =	vor.u32 v7, v9;
	v58 =	vor.u32 v6, v13;
	v57 =	vmul.f32 $8.000000000e+00, v25;
	v59 =	vld.idx.msk [tilespmem:v26+s16+$0x0], $0xffff;
	[tilespmem:s31+$0x50] =	vst v31  }
0x3ca: {  	[tilespmem:s31+$0xFFFFFC50] =	vst v45;
	v52 =	vmov s1;
	s1 =	simm.s32 $0x1A;
	v41 =	vor.u32 v6, v12;
	v40 =	vmul.f32 $8.000000000e+00, v40;
	v28 =	vld.idx.msk [tilespmem:v28+s16+$0x0], $0xffff  }
0x3cb: {  	v53 =	vmov s1;
	s1 =	simm.s32 $0x1B;
	v19 =	vor.u32 v7, v19;
	v20 =	vor.u32 v7, v20;
	[tilespmem:s31+$0xFFFFFCE0] =	vst v57;
	v27 =	vld.idx.msk [tilespmem:v27+s16+$0x0], $0xffff  }
0x3cc: {  	v54 =	vmov s1;
	s1 =	simm.s32 $0x1C;
	v48 =	vmul.f32 $8.000000000e+00, v48;
	v31 =	vor.u32 v6, v10;
	[tilespmem:s31+$0x2D0] =	vst v40;
	v23 =	vld.idx.msk [tilespmem:v23+s16+$0x0], $0xffff  }
0x3cd: {  	[tilespmem:s31+$0x250] =	vst v32;
	v42 =	vand.u32 $0x74, v30;
	v30 =	vand.u32 $0x7A, v53;
	v55 =	vmov s1;
	s1 =	simm.s32 $0x1D;
	v29 =	vld.idx.msk [tilespmem:v50+s16+$0x0], $0xffff  }
0x3ce: {  	[tilespmem:s31+$0x350] =	vst v36;
	v32 =	vand.u32 $0x7B, v54;
	v61 =	vor.u32 v7, v17;
	v56 =	vmov s1;
	v62 =	vld.idx.msk [tilespmem:v58+s16+$0x0], $0xffff  }
0x3cf: {  	s1 =	simm.s32 $0x1E;
	v38 =	vmul.f32 $8.000000000e+00, v38;
	v26 =	vand.u32 $0x77, v51;
	[tilespmem:s31+$0xFFFFFDE0] =	vst v48;
	v39 =	vmul.f32 $8.000000000e+00, v39;
	v40 =	vld.idx.msk [tilespmem:v41+s16+$0x0], $0xffff  }
0x3d0: {  	v25 =	vmov s1;
	v37 =	vmul.f32 $8.000000000e+00, v37;
	v48 =	vmul.f32 $8.000000000e+00, v34;
	v34 =	vld.idx.msk [tilespmem:v21+s16+$0x0], $0xffff  }
0x3d1: {  	v41 =	vor.u32 v7, v11;
	v11 =	vbroadcast v33, $0x0;
	v35 =	vmul.f32 $8.000000000e+00, v35;
	[tilespmem:s31+$0xFFFFFE60] =	vst v39;
	v31 =	vld.idx.msk [tilespmem:v31+s16+$0x0], $0xffff  }
0x3d2: {  	[tilespmem:s31+$0xFFFFFEE0] =	vst v37;
	v39 =	vor.u32 v7, v13;
	v13 =	vbroadcast v60, $0x0;
	v58 =	vld.idx.msk [tilespmem:v18+s16+$0x0], $0xffff;
	v18 =	vmul.f32 $8.000000000e+00, v24  }
0x3d3: {  	[tilespmem:s31+$0xFFFFFFE0] =	vst v38;
	v37 =	vld.idx.msk [tilespmem:v16+s16+$0x0], $0xffff;
	v36 =	vmul.f32 $8.000000000e+00, v28;
	v45 =	vmul.f32 $8.000000000e+00, v27;
	v27 =	vand.u32 $0x78, v46  }
0x3d4: {  	v46 =	vmul.f32 $8.000000000e+00, v59;
	v28 =	vand.u32 $0x79, v52;
	[tilespmem:s31+$0xFFFFFF60] =	vst v35;
	v17 =	vmul.f32 $8.000000000e+00, v23;
	v23 =	vld.idx.msk [tilespmem:v63+s16+$0x0], $0xffff  }
0x3d5: {  	[tilespmem:s31+$0x1E0] =	vst v48;
	v63 =	vor.u32 v7, v10;
	v10 =	vbroadcast v43, $0x0;
	v21 =	vmul.f32 $8.000000000e+00, v62;
	v62 =	vld.idx.msk [tilespmem:v9+s16+$0x0], $0xffff  }
0x3d6: {  	v59 =	vmul.f32 $8.000000000e+00, v29;
	v29 =	vand.u32 $0x7C, v55;
	v9 =	vbroadcast v44, $0x0;
	[tilespmem:s31+$0x60] =	vst v36;
	v36 =	vld.idx.msk [tilespmem:v14+s16+$0x0], $0xffff  }
0x3d7: {  	v22 =	vmul.f32 $8.000000000e+00, v40;
	[tilespmem:s31+$0xE0] =	vst v45;
	v40 =	vor.u32 v7, v12;
	v19 =	vld.idx.msk [tilespmem:v19+s16+$0x0], $0xffff;
	v57 =	vmul.f32 $8.000000000e+00, v31  }
0x3d8: {  	v16 =	vmul.f32 $8.000000000e+00, v34;
	[tilespmem:s31+$0x160] =	vst v46;
	v12 =	vbroadcast v42, $0x0;
	v43 =	vor.u32 v0, v10;
	v33 =	vld.idx.msk [tilespmem:v20+s16+$0x0], $0xffff  }
0x3d9: {  	v14 =	vbroadcast v49, $0x0;
	v34 =	vld.idx.msk [tilespmem:v61+s16+$0x0], $0xffff;
	v42 =	vor.u32 v0, v9;
	v20 =	vmul.f32 $8.000000000e+00, v58;
	[tilespmem:s31+$0x260] =	vst v57  }
0x3da: {  	s0 =	simm.s32 $0x20;
	s1 =	simm.s32 $0x1F;
	[tilespmem:s31+$0x2E0] =	vst v59;
	v31 =	vand.u32 $0x7D, v56;
	v35 =	vmul.f32 $8.000000000e+00, v37;
	v37 =	vmul.f32 $8.000000000e+00, v62;
	v38 =	vld.idx.msk [tilespmem:v63+s16+$0x0], $0xffff  }
.LBB2_7:
0x3db: {  	p1 =	slt.u32 s0, $0x30;
	v44 =	vor.u32 v0, v11;
	v24 =	vmov s1;
	v45 =	vmul.f32 $8.000000000e+00, v23;
	v41 =	vld.idx.msk [tilespmem:v41+s16+$0x0], $0xffff;
	[tilespmem:s31+$0x360] =	vst v22  }
0x3dc: {  	v23 =	vor.u32 v0, v12;
	v46 =	vmul.f32 $8.000000000e+00, v19;
	v22 =	vand.u32 $0x7F, v24;
	[tilespmem:s31+$0xFFFFFC60] =	vst v21;
	v19 =	vld.idx.msk [tilespmem:v40+s16+$0x0], $0xffff  }
0x3dd: {  	v40 =	vor.u32 v0, v13;
	v33 =	vmul.f32 $8.000000000e+00, v33;
	v24 =	vbroadcast v22, $0x0;
	v39 =	vld.idx.msk [tilespmem:v39+s16+$0x0], $0xffff;
	[tilespmem:s31+$0xFFFFFCF0] =	vst v17  }
0x3de: {  	v47 =	vor.u32 v0, v14;
	v21 =	vbroadcast v26, $0x0;
	v26 =	vmul.f32 $8.000000000e+00, v34;
	v42 =	vld.idx.msk [tilespmem:v42+s16+$0x0], $0xffff;
	[tilespmem:s31+$0xFFFFFD70] =	vst v18  }
0x3df: {  	v17 =	vbroadcast v27, $0x0;
	v36 =	vmul.f32 $8.000000000e+00, v36;
	v34 =	vld.idx.msk [tilespmem:v43+s16+$0x0], $0xffff;
	v27 =	vor.u32 v0, v24;
	[tilespmem:s31+$0xFFFFFDF0] =	vst v16  }
0x3e0: {  	v22 =	vbroadcast v28, $0x0;
	v28 =	vmul.f32 $8.000000000e+00, v38;
	v43 =	vld.idx.msk [tilespmem:v44+s16+$0x0], $0xffff;
	v44 =	vor.u32 v0, v21;
	[tilespmem:s31+$0xFFFFFE70] =	vst v20  }
0x3e1: {  	v48 =	vor.u32 v0, v17;
	v38 =	vld.idx.msk [tilespmem:v23+s16+$0x0], $0xffff;
	v23 =	vbroadcast v30, $0x0;
	[tilespmem:s31+$0xFFFFFEF0] =	vst v35;
	v30 =	vmul.f32 $8.000000000e+00, v41  }
0x3e2: {  	v18 =	vbroadcast v32, $0x0;
	v32 =	vmul.f32 $8.000000000e+00, v19;
	v35 =	vld.idx.msk [tilespmem:v40+s16+$0x0], $0xffff;
	v40 =	vor.u32 v0, v22;
	[tilespmem:s31+$0xFFFFFF70] =	vst v37  }
0x3e3: {  	v19 =	vbroadcast v29, $0x0;
	v29 =	vmul.f32 $8.000000000e+00, v39;
	v37 =	vld.idx.msk [tilespmem:v47+s16+$0x0], $0xffff;
	v41 =	vor.u32 v0, v23;
	[tilespmem:s31+$0xFFFFFFF0] =	vst v45  }
0x3e4: {  	v16 =	vbroadcast v31, $0x0;
	v20 =	vand.u32 $0x7E, v25;
	v39 =	vor.u32 v0, v18;
	v25 =	vld.idx.msk [tilespmem:v27+s16+$0x0], $0xffff;
	[tilespmem:s31+$0x70] =	vst v46  }
0x3e5: {  	v20 =	vbroadcast v20, $0x0;
	v31 =	vor.u32 v0, v19;
	v27 =	vld.idx.msk [tilespmem:v44+s16+$0x0], $0xffff;
	[tilespmem:s31+$0xF0] =	vst v33  }
0x3e6: {  	v44 =	vor.u32 v0, v16;
	v33 =	vld.idx.msk [tilespmem:v48+s16+$0x0], $0xffff;
	[tilespmem:s31+$0x170] =	vst v26  }
0x3e7: {  	v26 =	vld.idx.msk [tilespmem:v40+s16+$0x0], $0xffff;
	v40 =	vor.u32 v0, v20;
	[tilespmem:s31+$0x1F0] =	vst v36  }
0x3e8: {  	v36 =	vld.idx.msk [tilespmem:v41+s16+$0x0], $0xffff;
	v41 =	vor.u32 v1, v24;
	[tilespmem:s31+$0x270] =	vst v28  }
0x3e9: {  	v28 =	vor.u32 v1, v9;
	v39 =	vld.idx.msk [tilespmem:v39+s16+$0x0], $0xffff;
	[tilespmem:s31+$0x2F0] =	vst v30  }
0x3ea: {  	v30 =	vor.u32 v1, v10;
	v25 =	vmul.f32 $8.000000000e+00, v25;
	v31 =	vld.idx.msk [tilespmem:v31+s16+$0x0], $0xffff;
	[tilespmem:s31+$0x370] =	vst v32  }
0x3eb: {  	v32 =	vmul.f32 $8.000000000e+00, v42;
	v42 =	vor.u32 v1, v11;
	v44 =	vld.idx.msk [tilespmem:v44+s16+$0x0], $0xffff;
	[tilespmem:s31+$0xFFFFFC70] =	vst v29;
	s31 =	sadd.s32 $0x800, s31  }
0x3ec: {  	v29 =	vmul.f32 $8.000000000e+00, v34;
	v34 =	vor.u32 v1, v12;
	v40 =	vld.idx.msk [tilespmem:v40+s16+$0x0], $0xffff;
	[tilespmem:s31+$0x380] =	vst v25  }
0x3ed: {  	v25 =	vmul.f32 $8.000000000e+00, v43;
	[tilespmem:s31+$0xFFFFFC80] =	vst v32;
	v32 =	vor.u32 v1, v13;
	v41 =	vld.idx.msk [tilespmem:v41+s16+$0x0], $0xffff  }
0x3ee: {  	v28 =	vld.idx.msk [tilespmem:v28+s16+$0x0], $0xffff;
	[tilespmem:s31+$0xFFFFFD00] =	vst v29;
	v29 =	vmul.f32 $8.000000000e+00, v38;
	v38 =	vor.u32 v1, v14  }
0x3ef: {  	v30 =	vld.idx.msk [tilespmem:v30+s16+$0x0], $0xffff;
	[tilespmem:s31+$0xFFFFFD80] =	vst v25;
	v25 =	vmul.f32 $8.000000000e+00, v35;
	v35 =	vor.u32 v1, v21  }
0x3f0: {  	v42 =	vld.idx.msk [tilespmem:v42+s16+$0x0], $0xffff;
	[tilespmem:s31+$0xFFFFFE00] =	vst v29;
	v29 =	vmul.f32 $8.000000000e+00, v37;
	v37 =	vor.u32 v1, v17  }
0x3f1: {  	v34 =	vld.idx.msk [tilespmem:v34+s16+$0x0], $0xffff;
	[tilespmem:s31+$0xFFFFFE80] =	vst v25;
	v25 =	vmul.f32 $8.000000000e+00, v27;
	v27 =	vor.u32 v2, v24  }
0x3f2: {  	v32 =	vld.idx.msk [tilespmem:v32+s16+$0x0], $0xffff;
	[tilespmem:s31+$0xFFFFFF00] =	vst v29;
	v29 =	vmul.f32 $8.000000000e+00, v33;
	v33 =	vor.u32 v1, v22  }
0x3f3: {  	v41 =	vmul.f32 $8.000000000e+00, v41;
	v38 =	vld.idx.msk [tilespmem:v38+s16+$0x0], $0xffff;
	[tilespmem:s31+$0xFFFFFF80] =	vst v25;
	v25 =	vor.u32 v1, v23  }
0x3f4: {  	v26 =	vmul.f32 $8.000000000e+00, v26;
	v28 =	vmul.f32 $8.000000000e+00, v28;
	v35 =	vld.idx.msk [tilespmem:v35+s16+$0x0], $0xffff;
	[tilespmem:s31+$0x0] =	vst v29;
	v29 =	vor.u32 v1, v18  }
0x3f5: {  	v43 =	vor.u32 v1, v19;
	v36 =	vmul.f32 $8.000000000e+00, v36;
	v30 =	vmul.f32 $8.000000000e+00, v30;
	v37 =	vld.idx.msk [tilespmem:v37+s16+$0x0], $0xffff;
	[tilespmem:s31+$0x390] =	vst v41  }
0x3f6: {  	v41 =	vmul.f32 $8.000000000e+00, v42;
	[tilespmem:s31+$0x80] =	vst v26;
	v26 =	vmul.f32 $8.000000000e+00, v39;
	v39 =	vor.u32 v1, v16;
	v27 =	vld.idx.msk [tilespmem:v27+s16+$0x0], $0xffff  }
0x3f7: {  	v31 =	vmul.f32 $8.000000000e+00, v31;
	v34 =	vmul.f32 $8.000000000e+00, v34;
	v33 =	vld.idx.msk [tilespmem:v33+s16+$0x0], $0xffff;
	[tilespmem:s31+$0x100] =	vst v36;
	v36 =	vor.u32 v1, v20  }
0x3f8: {  	v42 =	vor.u32 v1, v8;
	v32 =	vmul.f32 $8.000000000e+00, v32;
	v25 =	vld.idx.msk [tilespmem:v25+s16+$0x0], $0xffff;
	[tilespmem:s31+$0x180] =	vst v26;
	v26 =	vmul.f32 $8.000000000e+00, v44  }
0x3f9: {  	v44 =	vor.u32 v2, v9;
	v38 =	vmul.f32 $8.000000000e+00, v38;
	v29 =	vld.idx.msk [tilespmem:v29+s16+$0x0], $0xffff;
	[tilespmem:s31+$0x200] =	vst v31;
	v31 =	vmul.f32 $8.000000000e+00, v40  }
0x3fa: {  	v15 =	vmul.f32 $8.000000000e+00, v15;
	v35 =	vmul.f32 $8.000000000e+00, v35;
	v40 =	vld.idx.msk [tilespmem:v43+s16+$0x0], $0xffff;
	[tilespmem:s31+$0x280] =	vst v26;
	v26 =	vor.u32 v3, v24  }
0x3fb: {  	v43 =	vor.u32 v2, v10;
	v37 =	vmul.f32 $8.000000000e+00, v37;
	v39 =	vld.idx.msk [tilespmem:v39+s16+$0x0], $0xffff;
	[tilespmem:s31+$0x300] =	vst v31  }
0x3fc: {  	v27 =	vmul.f32 $8.000000000e+00, v27;
	[tilespmem:s31+$0xFFFFFC00] =	vst v15;
	v15 =	vor.u32 v2, v11;
	v31 =	vld.idx.msk [tilespmem:v36+s16+$0x0], $0xffff  }
0x3fd: {  	v33 =	vmul.f32 $8.000000000e+00, v33;
	v36 =	vld.idx.msk [tilespmem:v42+s16+$0x0], $0xffff;
	[tilespmem:s31+$0xFFFFFC90] =	vst v28;
	v28 =	vor.u32 v2, v12  }
0x3fe: {  	v25 =	vmul.f32 $8.000000000e+00, v25;
	v42 =	vld.idx.msk [tilespmem:v44+s16+$0x0], $0xffff;
	v44 =	vor.u32 v2, v13;
	[tilespmem:s31+$0x3A0] =	vst v27  }
0x3ff: {  	v27 =	vor.u32 v2, v14;
	v29 =	vmul.f32 $8.000000000e+00, v29;
	[tilespmem:s31+$0xFFFFFD10] =	vst v30;
	v26 =	vld.idx.msk [tilespmem:v26+s16+$0x0], $0xffff  }
0x400: {  	v40 =	vmul.f32 $8.000000000e+00, v40;
	v30 =	vld.idx.msk [tilespmem:v43+s16+$0x0], $0xffff;
	[tilespmem:s31+$0xFFFFFD90] =	vst v41;
	v41 =	vor.u32 v2, v21  }
0x401: {  	v39 =	vmul.f32 $8.000000000e+00, v39;
	v15 =	vld.idx.msk [tilespmem:v15+s16+$0x0], $0xffff;
	[tilespmem:s31+$0xFFFFFE10] =	vst v34;
	v34 =	vor.u32 v2, v17  }
0x402: {  	v31 =	vmul.f32 $8.000000000e+00, v31;
	v28 =	vld.idx.msk [tilespmem:v28+s16+$0x0], $0xffff;
	[tilespmem:s31+$0xFFFFFE90] =	vst v32;
	v32 =	vor.u32 v2, v22  }
0x403: {  	v36 =	vmul.f32 $8.000000000e+00, v36;
	v43 =	vld.idx.msk [tilespmem:v44+s16+$0x0], $0xffff;
	[tilespmem:s31+$0xFFFFFF10] =	vst v38;
	v38 =	vor.u32 v4, v24  }
0x404: {  	v42 =	vmul.f32 $8.000000000e+00, v42;
	v27 =	vld.idx.msk [tilespmem:v27+s16+$0x0], $0xffff;
	[tilespmem:s31+$0xFFFFFF90] =	vst v35;
	v35 =	vor.u32 v2, v23  }
0x405: {  	v26 =	vmul.f32 $8.000000000e+00, v26;
	v41 =	vld.idx.msk [tilespmem:v41+s16+$0x0], $0xffff;
	[tilespmem:s31+$0x10] =	vst v37;
	v37 =	vor.u32 v2, v18  }
0x406: {  	v30 =	vmul.f32 $8.000000000e+00, v30;
	v34 =	vld.idx.msk [tilespmem:v34+s16+$0x0], $0xffff;
	[tilespmem:s31+$0x90] =	vst v33;
	v33 =	vor.u32 v2, v19  }
0x407: {  	v44 =	vor.u32 v2, v16;
	v15 =	vmul.f32 $8.000000000e+00, v15;
	v32 =	vld.idx.msk [tilespmem:v32+s16+$0x0], $0xffff;
	[tilespmem:s31+$0x3B0] =	vst v26  }
0x408: {  	v26 =	vmul.f32 $8.000000000e+00, v28;
	[tilespmem:s31+$0x110] =	vst v25;
	v25 =	vor.u32 v2, v20;
	v28 =	vld.idx.msk [tilespmem:v38+s16+$0x0], $0xffff  }
0x409: {  	v38 =	vor.u32 v2, v8;
	v43 =	vmul.f32 $8.000000000e+00, v43;
	v35 =	vld.idx.msk [tilespmem:v35+s16+$0x0], $0xffff;
	[tilespmem:s31+$0x190] =	vst v29  }
0x40a: {  	v29 =	vor.u32 v3, v9;
	v27 =	vmul.f32 $8.000000000e+00, v27;
	v37 =	vld.idx.msk [tilespmem:v37+s16+$0x0], $0xffff;
	[tilespmem:s31+$0x210] =	vst v40  }
0x40b: {  	v40 =	vor.u32 v3, v10;
	v41 =	vmul.f32 $8.000000000e+00, v41;
	v33 =	vld.idx.msk [tilespmem:v33+s16+$0x0], $0xffff;
	[tilespmem:s31+$0x290] =	vst v39  }
0x40c: {  	v34 =	vmul.f32 $8.000000000e+00, v34;
	v39 =	vld.idx.msk [tilespmem:v44+s16+$0x0], $0xffff;
	[tilespmem:s31+$0x310] =	vst v31;
	v31 =	vor.u32 v5, v24  }
0x40d: {  	v32 =	vmul.f32 $8.000000000e+00, v32;
	[tilespmem:s31+$0xFFFFFC10] =	vst v36;
	v36 =	vor.u32 v3, v11;
	v25 =	vld.idx.msk [tilespmem:v25+s16+$0x0], $0xffff  }
0x40e: {  	v28 =	vmul.f32 $8.000000000e+00, v28;
	v38 =	vld.idx.msk [tilespmem:v38+s16+$0x0], $0xffff;
	[tilespmem:s31+$0xFFFFFCA0] =	vst v42;
	v42 =	vor.u32 v3, v12  }
0x40f: {  	v35 =	vmul.f32 $8.000000000e+00, v35;
	v29 =	vld.idx.msk [tilespmem:v29+s16+$0x0], $0xffff;
	[tilespmem:s31+$0xFFFFFD20] =	vst v30;
	v30 =	vor.u32 v3, v13  }
0x410: {  	v44 =	vor.u32 v3, v14;
	v37 =	vmul.f32 $8.000000000e+00, v37;
	v40 =	vld.idx.msk [tilespmem:v40+s16+$0x0], $0xffff;
	[tilespmem:s31+$0x3C0] =	vst v28  }
0x411: {  	v28 =	vmul.f32 $8.000000000e+00, v33;
	[tilespmem:s31+$0xFFFFFDA0] =	vst v15;
	v15 =	vor.u32 v3, v21;
	v31 =	vld.idx.msk [tilespmem:v31+s16+$0x0], $0xffff  }
0x412: {  	v33 =	vld.idx.msk [tilespmem:v36+s16+$0x0], $0xffff;
	[tilespmem:s31+$0xFFFFFE20] =	vst v26;
	v26 =	vor.u32 v3, v17;
	v36 =	vmul.f32 $8.000000000e+00, v39  }
0x413: {  	v25 =	vmul.f32 $8.000000000e+00, v25;
	v39 =	vld.idx.msk [tilespmem:v42+s16+$0x0], $0xffff;
	[tilespmem:s31+$0xFFFFFEA0] =	vst v43;
	v42 =	vor.u32 v3, v22  }
0x414: {  	v38 =	vmul.f32 $8.000000000e+00, v38;
	v30 =	vld.idx.msk [tilespmem:v30+s16+$0x0], $0xffff;
	[tilespmem:s31+$0xFFFFFF20] =	vst v27;
	v27 =	vor.u32 v3, v23  }
0x415: {  	v29 =	vmul.f32 $8.000000000e+00, v29;
	v43 =	vld.idx.msk [tilespmem:v44+s16+$0x0], $0xffff;
	[tilespmem:s31+$0xFFFFFFA0] =	vst v41;
	v41 =	vor.u32 v6, v24  }
0x416: {  	v40 =	vmul.f32 $8.000000000e+00, v40;
	v15 =	vld.idx.msk [tilespmem:v15+s16+$0x0], $0xffff;
	[tilespmem:s31+$0x20] =	vst v34;
	v34 =	vor.u32 v3, v18  }
0x417: {  	v31 =	vmul.f32 $8.000000000e+00, v31;
	v26 =	vld.idx.msk [tilespmem:v26+s16+$0x0], $0xffff;
	[tilespmem:s31+$0xA0] =	vst v32;
	v32 =	vor.u32 v3, v19  }
0x418: {  	v33 =	vmul.f32 $8.000000000e+00, v33;
	v42 =	vld.idx.msk [tilespmem:v42+s16+$0x0], $0xffff;
	[tilespmem:s31+$0x120] =	vst v35;
	v35 =	vor.u32 v3, v16  }
0x419: {  	v44 =	vor.u32 v3, v20;
	v39 =	vmul.f32 $8.000000000e+00, v39;
	v27 =	vld.idx.msk [tilespmem:v27+s16+$0x0], $0xffff;
	[tilespmem:s31+$0x3D0] =	vst v31  }
0x41a: {  	v31 =	vor.u32 v3, v8;
	v30 =	vmul.f32 $8.000000000e+00, v30;
	[tilespmem:s31+$0x1A0] =	vst v37;
	v37 =	vld.idx.msk [tilespmem:v41+s16+$0x0], $0xffff  }
0x41b: {  	v41 =	vor.u32 v4, v9;
	v43 =	vmul.f32 $8.000000000e+00, v43;
	v34 =	vld.idx.msk [tilespmem:v34+s16+$0x0], $0xffff;
	[tilespmem:s31+$0x220] =	vst v28  }
0x41c: {  	v28 =	vor.u32 v4, v10;
	v15 =	vmul.f32 $8.000000000e+00, v15;
	v32 =	vld.idx.msk [tilespmem:v32+s16+$0x0], $0xffff;
	[tilespmem:s31+$0x2A0] =	vst v36  }
0x41d: {  	v36 =	vor.u32 v4, v11;
	v26 =	vmul.f32 $8.000000000e+00, v26;
	v35 =	vld.idx.msk [tilespmem:v35+s16+$0x0], $0xffff;
	[tilespmem:s31+$0x320] =	vst v25  }
0x41e: {  	v24 =	vor.u32 v7, v24;
	v25 =	vmul.f32 $8.000000000e+00, v42;
	[tilespmem:s31+$0xFFFFFC20] =	vst v38;
	v38 =	vld.idx.msk [tilespmem:v44+s16+$0x0], $0xffff  }
0x41f: {  	v27 =	vmul.f32 $8.000000000e+00, v27;
	v31 =	vld.idx.msk [tilespmem:v31+s16+$0x0], $0xffff;
	[tilespmem:s31+$0xFFFFFCB0] =	vst v29;
	v29 =	vor.u32 v4, v12  }
0x420: {  	v37 =	vmul.f32 $8.000000000e+00, v37;
	v41 =	vld.idx.msk [tilespmem:v41+s16+$0x0], $0xffff;
	[tilespmem:s31+$0xFFFFFD30] =	vst v40;
	v40 =	vor.u32 v4, v13  }
0x421: {  	v34 =	vmul.f32 $8.000000000e+00, v34;
	v28 =	vld.idx.msk [tilespmem:v28+s16+$0x0], $0xffff;
	[tilespmem:s31+$0xFFFFFDB0] =	vst v33;
	v33 =	vor.u32 v4, v14  }
0x422: {  	v42 =	vor.u32 v4, v21;
	v32 =	vmul.f32 $8.000000000e+00, v32;
	v36 =	vld.idx.msk [tilespmem:v36+s16+$0x0], $0xffff;
	[tilespmem:s31+$0x3E0] =	vst v37  }
0x423: {  	v37 =	vmov s0;
	v35 =	vmul.f32 $8.000000000e+00, v35;
	[tilespmem:s31+$0xFFFFFE30] =	vst v39;
	v39 =	vor.u32 v4, v17;
	v44 =	vld.idx.msk [tilespmem:v24+s16+$0x0], $0xffff  }
0x424: {  	v24 =	vand.u32 $0x70, v37;
	v37 =	vmul.f32 $8.000000000e+00, v38;
	v29 =	vld.idx.msk [tilespmem:v29+s16+$0x0], $0xffff;
	[tilespmem:s31+$0xFFFFFEB0] =	vst v30;
	v30 =	vor.u32 v4, v22  }
0x425: {  	v24 =	vbroadcast v24, $0x0;
	v31 =	vmul.f32 $8.000000000e+00, v31;
	v38 =	vld.idx.msk [tilespmem:v40+s16+$0x0], $0xffff;
	[tilespmem:s31+$0xFFFFFF30] =	vst v43;
	v40 =	vor.u32 v4, v23  }
0x426: {  	v41 =	vmul.f32 $8.000000000e+00, v41;
	v33 =	vld.idx.msk [tilespmem:v33+s16+$0x0], $0xffff;
	[tilespmem:s31+$0xFFFFFFB0] =	vst v15;
	v15 =	vor.u32 v4, v18  }
0x427: {  	v43 =	vor.u32 v0, v24;
	v28 =	vmul.f32 $8.000000000e+00, v28;
	v42 =	vld.idx.msk [tilespmem:v42+s16+$0x0], $0xffff;
	[tilespmem:s31+$0x30] =	vst v26  }
0x428: {  	v26 =	vmul.f32 $8.000000000e+00, v36;
	v36 =	vld.idx.msk [tilespmem:v39+s16+$0x0], $0xffff;
	[tilespmem:s31+$0xB0] =	vst v25;
	v25 =	vor.u32 v4, v19  }
0x429: {  	v39 =	vmul.f32 $8.000000000e+00, v44;
	v30 =	vld.idx.msk [tilespmem:v30+s16+$0x0], $0xffff;
	[tilespmem:s31+$0x130] =	vst v27;
	v27 =	vor.u32 v4, v16  }
0x42a: {  	v29 =	vmul.f32 $8.000000000e+00, v29;
	v40 =	vld.idx.msk [tilespmem:v40+s16+$0x0], $0xffff;
	[tilespmem:s31+$0x1B0] =	vst v34;
	v34 =	vor.u32 v4, v20  }
0x42b: {  	v44 =	vor.u32 v4, v8;
	v38 =	vmul.f32 $8.000000000e+00, v38;
	v45 =	vld.idx.msk [tilespmem:v15+s16+$0x0], $0xffff;
	[tilespmem:s31+$0x3F0] =	vst v39  }
0x42c: {  	v39 =	vor.u32 v5, v9;
	v33 =	vmul.f32 $8.000000000e+00, v33;
	v15 =	vld.idx.msk [tilespmem:v43+s16+$0x0], $0xffff;
	[tilespmem:s31+$0x230] =	vst v32  }
0x42d: {  	v32 =	vor.u32 v5, v10;
	v42 =	vmul.f32 $8.000000000e+00, v42;
	v25 =	vld.idx.msk [tilespmem:v25+s16+$0x0], $0xffff;
	[tilespmem:s31+$0x2B0] =	vst v35  }
0x42e: {  	v35 =	vor.u32 v5, v11;
	v36 =	vmul.f32 $8.000000000e+00, v36;
	v27 =	vld.idx.msk [tilespmem:v27+s16+$0x0], $0xffff;
	[tilespmem:s31+$0x330] =	vst v37  }
0x42f: {  	v30 =	vmul.f32 $8.000000000e+00, v30;
	[tilespmem:s31+$0xFFFFFC30] =	vst v31;
	v31 =	vor.u32 v5, v12;
	v34 =	vld.idx.msk [tilespmem:v34+s16+$0x0], $0xffff  }
0x430: {  	v40 =	vmul.f32 $8.000000000e+00, v40;
	v37 =	vld.idx.msk [tilespmem:v44+s16+$0x0], $0xffff;
	[tilespmem:s31+$0xFFFFFCC0] =	vst v41;
	v41 =	vor.u32 v5, v13  }
0x431: {  	v43 =	vmul.f32 $8.000000000e+00, v45;
	v39 =	vld.idx.msk [tilespmem:v39+s16+$0x0], $0xffff;
	[tilespmem:s31+$0xFFFFFD40] =	vst v28;
	v28 =	vor.u32 v5, v14  }
0x432: {  	v32 =	vld.idx.msk [tilespmem:v32+s16+$0x0], $0xffff;
	[tilespmem:s31+$0xFFFFFDC0] =	vst v26;
	v26 =	vor.u32 v5, v21  }
0x433: {  	v25 =	vmul.f32 $8.000000000e+00, v25;
	v35 =	vld.idx.msk [tilespmem:v35+s16+$0x0], $0xffff;
	[tilespmem:s31+$0xFFFFFE40] =	vst v29;
	v29 =	vor.u32 v5, v17  }
0x434: {  	v27 =	vmul.f32 $8.000000000e+00, v27;
	v31 =	vld.idx.msk [tilespmem:v31+s16+$0x0], $0xffff;
	[tilespmem:s31+$0xFFFFFEC0] =	vst v38;
	v38 =	vor.u32 v5, v22  }
0x435: {  	v34 =	vmul.f32 $8.000000000e+00, v34;
	v41 =	vld.idx.msk [tilespmem:v41+s16+$0x0], $0xffff;
	[tilespmem:s31+$0xFFFFFF40] =	vst v33;
	v33 =	vor.u32 v5, v23  }
0x436: {  	v37 =	vmul.f32 $8.000000000e+00, v37;
	v28 =	vld.idx.msk [tilespmem:v28+s16+$0x0], $0xffff;
	[tilespmem:s31+$0xFFFFFFC0] =	vst v42;
	v42 =	vor.u32 v5, v18  }
0x437: {  	v39 =	vmul.f32 $8.000000000e+00, v39;
	v26 =	vld.idx.msk [tilespmem:v26+s16+$0x0], $0xffff;
	[tilespmem:s31+$0x40] =	vst v36;
	v36 =	vor.u32 v5, v19  }
0x438: {  	v32 =	vmul.f32 $8.000000000e+00, v32;
	v29 =	vld.idx.msk [tilespmem:v29+s16+$0x0], $0xffff;
	[tilespmem:s31+$0xC0] =	vst v30;
	v30 =	vor.u32 v5, v16  }
0x439: {  	s1 =	sadd.s32 $0x1, s0;
	v35 =	vmul.f32 $8.000000000e+00, v35;
	v38 =	vld.idx.msk [tilespmem:v38+s16+$0x0], $0xffff;
	[tilespmem:s31+$0x140] =	vst v40;
	v40 =	vor.u32 v5, v20  }
0x43a: {  	v44 =	vmov s1;
	s1 =	sadd.s32 $0x2, s0;
	v45 =	vor.u32 v5, v8;
	v31 =	vmul.f32 $8.000000000e+00, v31;
	v33 =	vld.idx.msk [tilespmem:v33+s16+$0x0], $0xffff;
	[tilespmem:s31+$0x1C0] =	vst v43  }
0x43b: {  	v46 =	vor.u32 v6, v9;
	v43 =	vmov s1;
	s1 =	sadd.s32 $0x3, s0;
	v41 =	vmul.f32 $8.000000000e+00, v41;
	v42 =	vld.idx.msk [tilespmem:v42+s16+$0x0], $0xffff;
	[tilespmem:s31+$0x240] =	vst v25  }
0x43c: {  	v47 =	vmov s1;
	s1 =	sadd.s32 $0x4, s0;
	v25 =	vor.u32 v6, v10;
	v28 =	vmul.f32 $8.000000000e+00, v28;
	v36 =	vld.idx.msk [tilespmem:v36+s16+$0x0], $0xffff;
	[tilespmem:s31+$0x2C0] =	vst v27  }
0x43d: {  	v48 =	vor.u32 v6, v11;
	v27 =	vmov s1;
	s1 =	sadd.s32 $0x5, s0;
	v26 =	vmul.f32 $8.000000000e+00, v26;
	v30 =	vld.idx.msk [tilespmem:v30+s16+$0x0], $0xffff;
	[tilespmem:s31+$0x340] =	vst v34  }
0x43e: {  	v34 =	vmov s1;
	s1 =	sadd.s32 $0x6, s0;
	v29 =	vmul.f32 $8.000000000e+00, v29;
	[tilespmem:s31+$0xFFFFFC40] =	vst v37;
	v37 =	vor.u32 v6, v12;
	v40 =	vld.idx.msk [tilespmem:v40+s16+$0x0], $0xffff  }
0x43f: {  	v49 =	vmov s1;
	s1 =	sadd.s32 $0x7, s0;
	v38 =	vmul.f32 $8.000000000e+00, v38;
	v45 =	vld.idx.msk [tilespmem:v45+s16+$0x0], $0xffff;
	[tilespmem:s31+$0xFFFFFCD0] =	vst v39;
	v39 =	vor.u32 v6, v13  }
0x440: {  	v50 =	vmov s1;
	s1 =	sadd.s32 $0x8, s0;
	v33 =	vmul.f32 $8.000000000e+00, v33;
	v46 =	vld.idx.msk [tilespmem:v46+s16+$0x0], $0xffff;
	[tilespmem:s31+$0xFFFFFD50] =	vst v32;
	v32 =	vor.u32 v6, v14  }
0x441: {  	v51 =	vmov s1;
	s1 =	sadd.s32 $0x9, s0;
	v52 =	vld.idx.msk [tilespmem:v25+s16+$0x0], $0xffff;
	[tilespmem:s31+$0xFFFFFDD0] =	vst v35;
	v25 =	vor.u32 v6, v21;
	v35 =	vmul.f32 $8.000000000e+00, v42  }
0x442: {  	v42 =	vmov s1;
	s1 =	sadd.s32 $0xA, s0;
	v36 =	vmul.f32 $8.000000000e+00, v36;
	v48 =	vld.idx.msk [tilespmem:v48+s16+$0x0], $0xffff;
	[tilespmem:s31+$0xFFFFFE50] =	vst v31;
	v31 =	vor.u32 v6, v17  }
0x443: {  	v53 =	vmov s1;
	s1 =	sadd.s32 $0xB, s0;
	v30 =	vmul.f32 $8.000000000e+00, v30;
	v37 =	vld.idx.msk [tilespmem:v37+s16+$0x0], $0xffff;
	[tilespmem:s31+$0xFFFFFED0] =	vst v41;
	v41 =	vor.u32 v6, v22  }
0x444: {  	v54 =	vmov s1;
	s1 =	sadd.s32 $0xC, s0;
	v40 =	vmul.f32 $8.000000000e+00, v40;
	v39 =	vld.idx.msk [tilespmem:v39+s16+$0x0], $0xffff;
	[tilespmem:s31+$0xFFFFFF50] =	vst v28;
	v28 =	vor.u32 v6, v23  }
0x445: {  	v55 =	vmov s1;
	s1 =	sadd.s32 $0xD, s0;
	v45 =	vmul.f32 $8.000000000e+00, v45;
	v32 =	vld.idx.msk [tilespmem:v32+s16+$0x0], $0xffff;
	[tilespmem:s31+$0xFFFFFFD0] =	vst v26;
	v26 =	vor.u32 v6, v18  }
0x446: {  	v56 =	vmov s1;
	s1 =	sadd.s32 $0xE, s0;
	v46 =	vmul.f32 $8.000000000e+00, v46;
	v57 =	vld.idx.msk [tilespmem:v25+s16+$0x0], $0xffff;
	[tilespmem:s31+$0x50] =	vst v29;
	v29 =	vor.u32 v6, v19  }
0x447: {  	v25 =	vmov s1;
	v52 =	vmul.f32 $8.000000000e+00, v52;
	v31 =	vld.idx.msk [tilespmem:v31+s16+$0x0], $0xffff;
	[tilespmem:s31+$0xD0] =	vst v38;
	v38 =	vor.u32 v6, v16  }
0x448: {  	v44 =	vand.u32 $0x71, v44;
	v48 =	vmul.f32 $8.000000000e+00, v48;
	v41 =	vld.idx.msk [tilespmem:v41+s16+$0x0], $0xffff;
	[tilespmem:s31+$0x150] =	vst v33;
	v33 =	vor.u32 v6, v20  }
0x449: {  	v58 =	vor.u32 v6, v8;
	v43 =	vand.u32 $0x72, v43;
	v37 =	vmul.f32 $8.000000000e+00, v37;
	v28 =	vld.idx.msk [tilespmem:v28+s16+$0x0], $0xffff;
	[tilespmem:s31+$0x1D0] =	vst v35  }
0x44a: {  	v9 =	vor.u32 v7, v9;
	v35 =	vand.u32 $0x73, v47;
	v39 =	vmul.f32 $8.000000000e+00, v39;
	v47 =	vld.idx.msk [tilespmem:v26+s16+$0x0], $0xffff;
	[tilespmem:s31+$0x250] =	vst v36  }
0x44b: {  	v10 =	vor.u32 v7, v10;
	v36 =	vand.u32 $0x74, v27;
	v59 =	vmul.f32 $8.000000000e+00, v32;
	v29 =	vld.idx.msk [tilespmem:v29+s16+$0x0], $0xffff;
	[tilespmem:s31+$0x2D0] =	vst v30  }
0x44c: {  	v11 =	vor.u32 v7, v11;
	v60 =	vand.u32 $0x75, v34;
	v34 =	vmul.f32 $8.000000000e+00, v57;
	v38 =	vld.idx.msk [tilespmem:v38+s16+$0x0], $0xffff;
	[tilespmem:s31+$0x350] =	vst v40  }
0x44d: {  	v12 =	vor.u32 v7, v12;
	v49 =	vand.u32 $0x76, v49;
	v40 =	vmul.f32 $8.000000000e+00, v31;
	[tilespmem:s31+$0xFFFFFC50] =	vst v45;
	v31 =	vld.idx.msk [tilespmem:v33+s16+$0x0], $0xffff  }
0x44e: {  	v13 =	vor.u32 v7, v13;
	v26 =	vand.u32 $0x77, v50;
	v41 =	vmul.f32 $8.000000000e+00, v41;
	v33 =	vld.idx.msk [tilespmem:v58+s16+$0x0], $0xffff;
	[tilespmem:s31+$0xFFFFFCE0] =	vst v46  }
0x44f: {  	v27 =	vand.u32 $0x78, v51;
	v45 =	vld.idx.msk [tilespmem:v9+s16+$0x0], $0xffff;
	[tilespmem:s31+$0xFFFFFD60] =	vst v52;
	v9 =	vor.u32 v7, v14;
	v14 =	vmul.f32 $8.000000000e+00, v28  }
0x450: {  	v28 =	vand.u32 $0x79, v42;
	v46 =	vmul.f32 $8.000000000e+00, v47;
	v42 =	vld.idx.msk [tilespmem:v10+s16+$0x0], $0xffff;
	[tilespmem:s31+$0xFFFFFDE0] =	vst v48;
	v10 =	vor.u32 v7, v21  }
0x451: {  	v30 =	vand.u32 $0x7A, v53;
	v47 =	vld.idx.msk [tilespmem:v11+s16+$0x0], $0xffff;
	[tilespmem:s31+$0xFFFFFE60] =	vst v37;
	v11 =	vor.u32 v7, v17;
	v37 =	vmul.f32 $8.000000000e+00, v29  }
0x452: {  	v32 =	vand.u32 $0x7B, v54;
	v50 =	vmul.f32 $8.000000000e+00, v38;
	v48 =	vld.idx.msk [tilespmem:v12+s16+$0x0], $0xffff;
	[tilespmem:s31+$0xFFFFFEE0] =	vst v39;
	v12 =	vor.u32 v7, v22  }
0x453: {  	v29 =	vand.u32 $0x7C, v55;
	v22 =	vmul.f32 $8.000000000e+00, v31;
	v38 =	vld.idx.msk [tilespmem:v13+s16+$0x0], $0xffff;
	[tilespmem:s31+$0xFFFFFF60] =	vst v59;
	v13 =	vor.u32 v7, v23  }
0x454: {  	v52 =	vor.u32 v7, v18;
	v31 =	vand.u32 $0x7D, v56;
	v21 =	vmul.f32 $8.000000000e+00, v33;
	v51 =	vld.idx.msk [tilespmem:v9+s16+$0x0], $0xffff;
	[tilespmem:s31+$0xFFFFFFE0] =	vst v34  }
0x455: {  	v9 =	vbroadcast v44, $0x0;
	v17 =	vmul.f32 $8.000000000e+00, v45;
	v44 =	vor.u32 v7, v19;
	v23 =	vld.idx.msk [tilespmem:v10+s16+$0x0], $0xffff;
	[tilespmem:s31+$0x60] =	vst v40  }
.Ltmp2:
0x456: {  	v10 =	vbroadcast v43, $0x0;
	v18 =	vmul.f32 $8.000000000e+00, v42;
	v19 =	vld.idx.msk [tilespmem:v11+s16+$0x0], $0xffff;
	[tilespmem:s31+$0xE0] =	vst v41;
	v41 =	vor.u32 v7, v16;
	(pc) =	sbr.rel @p1 .LBB2_7-.Ltmp2, $4  }
0x457: {  	v40 =	vor.u32 v7, v20;
	v11 =	vbroadcast v35, $0x0;
	v16 =	vmul.f32 $8.000000000e+00, v47;
	v33 =	vld.idx.msk [tilespmem:v12+s16+$0x0], $0xffff;
	[tilespmem:s31+$0x160] =	vst v14  }
0x458: {  	v39 =	vor.u32 v7, v8;
	v8 =	vmovc v24;
	v12 =	vbroadcast v36, $0x0;
	v20 =	vmul.f32 $8.000000000e+00, v48;
	v34 =	vld.idx.msk [tilespmem:v13+s16+$0x0], $0xffff;
	[tilespmem:s31+$0x1E0] =	vst v46  }
0x459: {  	v42 =	vor.u32 v0, v9;
	v13 =	vbroadcast v60, $0x0;
	v35 =	vmul.f32 $8.000000000e+00, v38;
	v36 =	vld.idx.msk [tilespmem:v52+s16+$0x0], $0xffff;
	[tilespmem:s31+$0x260] =	vst v37  }
0x45a: {  	s1 =	sadd.s32 $0xF, s0;
	s0 =	sadd.s32 $0x10, s0;
	v43 =	vor.u32 v0, v10;
	v14 =	vbroadcast v49, $0x0;
	v37 =	vmul.f32 $8.000000000e+00, v51;
	v38 =	vld.idx.msk [tilespmem:v44+s16+$0x0], $0xffff;
	[tilespmem:s31+$0x2E0] =	vst v50  }
0x45b: {  	_ =	sdelay $0x3  }
0x45c: {  	v44 =	vor.u32 v0, v11;
	v24 =	vmov s1;
	v41 =	vld.idx.msk [tilespmem:v41+s16+$0x0], $0xffff;
	[tilespmem:s31+$0x360] =	vst v22  }
0x45d: {  	v22 =	vor.u32 v0, v12;
	[tilespmem:s31+$0xFFFFFC60] =	vst v21;
	v42 =	vld.idx.msk [tilespmem:v42+s16+$0x0], $0xffff;
	v24 =	vand.u32 $0x7F, v24  }
0x45e: {  	v53 =	vor.u32 v0, v13;
	[tilespmem:s31+$0xFFFFFCF0] =	vst v17;
	v43 =	vld.idx.msk [tilespmem:v43+s16+$0x0], $0xffff;
	v24 =	vbroadcast v24, $0x0  }
0x45f: {  	[tilespmem:s31+$0xFFFFFD70] =	vst v18;
	v21 =	vld.idx.msk [tilespmem:v40+s16+$0x0], $0xffff;
	v17 =	vor.u32 v0, v14  }
0x460: {  	[tilespmem:s31+$0xFFFFFDF0] =	vst v16;
	v39 =	vld.idx.msk [tilespmem:v39+s16+$0x0], $0xffff;
	v18 =	vor.u32 v0, v24  }
0x461: {  	[tilespmem:s31+$0xFFFFFE70] =	vst v20;
	v44 =	vld.idx.msk [tilespmem:v44+s16+$0x0], $0xffff  }
0x462: {  	v16 =	vmul.f32 $8.000000000e+00, v23;
	[tilespmem:s31+$0xFFFFFEF0] =	vst v35;
	v45 =	vld.idx.msk [tilespmem:v22+s16+$0x0], $0xffff  }
0x463: {  	v19 =	vmul.f32 $8.000000000e+00, v19;
	[tilespmem:s31+$0xFFFFFF70] =	vst v37;
	v54 =	vld.idx.msk [tilespmem:v53+s16+$0x0], $0xffff  }
0x464: {  	[tilespmem:s31+$0xFFFFFFF0] =	vst v16;
	v16 =	vmul.f32 $8.000000000e+00, v33;
	v55 =	vld.idx.msk [tilespmem:v17+s16+$0x0], $0xffff  }
0x465: {  	v20 =	vbroadcast v26, $0x0;
	v26 =	vmul.f32 $8.000000000e+00, v41;
	v22 =	vld.idx.msk [tilespmem:v18+s16+$0x0], $0xffff;
	[tilespmem:s31+$0x70] =	vst v19  }
0x466: {  	v21 =	vmul.f32 $8.000000000e+00, v21;
	[tilespmem:s31+$0xF0] =	vst v16  }
0x467: {  	v17 =	vbroadcast v27, $0x0;
	v18 =	vmul.f32 $8.000000000e+00, v34;
	[tilespmem:s31+$0x2F0] =	vst v26  }
0x468: {  	v25 =	vand.u32 $0x7E, v25;
	v23 =	vor.u32 v0, v20;
	v19 =	vmul.f32 $8.000000000e+00, v36;
	[tilespmem:s31+$0x370] =	vst v21  }
0x469: {  	v58 =	vmul.f32 $8.000000000e+00, v42;
	v27 =	vor.u32 v0, v17;
	v16 =	vmul.f32 $8.000000000e+00, v38;
	[tilespmem:s31+$0x170] =	vst v18  }
0x46a: {  	s0 =	sadd.s32 $0x800, s31;
	v18 =	vbroadcast v28, $0x0;
	[tilespmem:s31+$0x1F0] =	vst v19;
	v19 =	vbroadcast v30, $0x0;
	v30 =	vor.u32 v1, v24  }
0x46b: {  	v62 =	vor.u32 v1, v9;
	v21 =	vbroadcast v29, $0x0;
	[tilespmem:s0+$0xFFFFFC80] =	vst v58;
	v28 =	vmul.f32 $8.000000000e+00, v39  }
0x46c: {  	[tilespmem:s31+$0x270] =	vst v16;
	v16 =	vbroadcast v32, $0x0;
	v26 =	vor.u32 v0, v18;
	v57 =	vmul.f32 $8.000000000e+00, v22  }
0x46d: {  	v56 =	vor.u32 v0, v19;
	[tilespmem:s31+$0xFFFFFC70] =	vst v28;
	v28 =	vld.idx.msk [tilespmem:v23+s16+$0x0], $0xffff;
	v22 =	vbroadcast v31, $0x0;
	v31 =	vmul.f32 $8.000000000e+00, v43  }
0x46e: {  	v29 =	vor.u32 v0, v16;
	v23 =	vbroadcast v25, $0x0;
	v25 =	vld.idx.msk [tilespmem:v27+s16+$0x0], $0xffff;
	v27 =	vmul.f32 $8.000000000e+00, v44;
	[tilespmem:s0+$0x380] =	vst v57  }
0x46f: {  	v59 =	vor.u32 v0, v21;
	[tilespmem:s0+$0xFFFFFD00] =	vst v31;
	v31 =	vmul.f32 $8.000000000e+00, v45;
	v30 =	vld.idx.msk [tilespmem:v30+s16+$0x0], $0xffff  }
0x470: {  	v35 =	vld.idx.msk [tilespmem:v62+s16+$0x0], $0xffff;
	[tilespmem:s0+$0xFFFFFD80] =	vst v27;
	v27 =	vmul.f32 $8.000000000e+00, v54;
	v60 =	vor.u32 v0, v22  }
0x471: {  	v61 =	vor.u32 v0, v23;
	v26 =	vld.idx.msk [tilespmem:v26+s16+$0x0], $0xffff;
	[tilespmem:s0+$0xFFFFFE00] =	vst v31;
	v31 =	vmul.f32 $8.000000000e+00, v55  }
0x472: {  	v63 =	vor.u32 v2, v24;
	[tilespmem:s0+$0xFFFFFE80] =	vst v27;
	v32 =	vld.idx.msk [tilespmem:v56+s16+$0x0], $0xffff;
	v27 =	vmul.f32 $8.000000000e+00, v28  }
0x473: {  	v29 =	vld.idx.msk [tilespmem:v29+s16+$0x0], $0xffff;
	v25 =	vmul.f32 $8.000000000e+00, v25;
	[tilespmem:s0+$0xFFFFFF00] =	vst v31;
	v31 =	vor.u32 v1, v10  }
0x474: {  	v40 =	vor.u32 v1, v20;
	v28 =	vld.idx.msk [tilespmem:v59+s16+$0x0], $0xffff;
	[tilespmem:s0+$0xFFFFFF80] =	vst v27;
	v27 =	vmul.f32 $8.000000000e+00, v30  }
0x475: {  	v15 =	vmul.f32 $8.000000000e+00, v15;
	[tilespmem:s0+$0x0] =	vst v25;
	v34 =	vld.idx.msk [tilespmem:v60+s16+$0x0], $0xffff;
	v30 =	vor.u32 v1, v11  }
0x476: {  	v36 =	vld.idx.msk [tilespmem:v61+s16+$0x0], $0xffff;
	v25 =	vmul.f32 $8.000000000e+00, v26;
	v26 =	vor.u32 v1, v12;
	[tilespmem:s0+$0x390] =	vst v27  }
0x477: {  	[tilespmem:s0+$0xFFFFFC00] =	vst v15;
	v32 =	vmul.f32 $8.000000000e+00, v32;
	v27 =	vor.u32 v1, v13;
	v33 =	vld.idx.msk [tilespmem:v63+s16+$0x0], $0xffff  }
0x478: {  	v42 =	vor.u32 v1, v18;
	[tilespmem:s0+$0x80] =	vst v25;
	v25 =	vmul.f32 $8.000000000e+00, v29;
	v31 =	vld.idx.msk [tilespmem:v31+s16+$0x0], $0xffff  }
0x479: {  	v28 =	vmul.f32 $8.000000000e+00, v28;
	v29 =	vor.u32 v1, v14;
	[tilespmem:s0+$0x100] =	vst v32;
	v32 =	vld.idx.msk [tilespmem:v40+s16+$0x0], $0xffff  }
0x47a: {  	v44 =	vor.u32 v1, v16;
	[tilespmem:s0+$0x180] =	vst v25;
	v25 =	vmul.f32 $8.000000000e+00, v34;
	v30 =	vld.idx.msk [tilespmem:v30+s16+$0x0], $0xffff  }
0x47b: {  	v41 =	vor.u32 v1, v17;
	[tilespmem:s0+$0x200] =	vst v28;
	v28 =	vmul.f32 $8.000000000e+00, v36;
	v26 =	vld.idx.msk [tilespmem:v26+s16+$0x0], $0xffff  }
0x47c: {  	v43 =	vor.u32 v3, v24;
	[tilespmem:s0+$0x280] =	vst v25;
	v25 =	vld.idx.msk [tilespmem:v27+s16+$0x0], $0xffff;
	v27 =	vmul.f32 $8.000000000e+00, v35  }
0x47d: {  	v46 =	vor.u32 v2, v10;
	v36 =	vld.idx.msk [tilespmem:v42+s16+$0x0], $0xffff;
	[tilespmem:s0+$0x300] =	vst v28;
	v15 =	vmul.f32 $8.000000000e+00, v33  }
0x47e: {  	v28 =	vld.idx.msk [tilespmem:v29+s16+$0x0], $0xffff;
	v29 =	vor.u32 v1, v19;
	v31 =	vmul.f32 $8.000000000e+00, v31;
	[tilespmem:s0+$0xFFFFFC90] =	vst v27  }
0x47f: {  	v48 =	vor.u32 v2, v11;
	v33 =	vld.idx.msk [tilespmem:v44+s16+$0x0], $0xffff;
	v32 =	vmul.f32 $8.000000000e+00, v32;
	[tilespmem:s0+$0x3A0] =	vst v15  }
0x480: {  	v45 =	vor.u32 v1, v21;
	v27 =	vld.idx.msk [tilespmem:v41+s16+$0x0], $0xffff;
	v30 =	vmul.f32 $8.000000000e+00, v30;
	[tilespmem:s0+$0xFFFFFD10] =	vst v31  }
0x481: {  	v15 =	vor.u32 v1, v22;
	[tilespmem:s0+$0xFFFFFF90] =	vst v32;
	v26 =	vmul.f32 $8.000000000e+00, v26;
	v35 =	vld.idx.msk [tilespmem:v43+s16+$0x0], $0xffff  }
0x482: {  	v31 =	vor.u32 v1, v23;
	v34 =	vld.idx.msk [tilespmem:v46+s16+$0x0], $0xffff;
	v25 =	vmul.f32 $8.000000000e+00, v25;
	[tilespmem:s0+$0xFFFFFD90] =	vst v30  }
0x483: {  	v30 =	vor.u32 v1, v8;
	v29 =	vld.idx.msk [tilespmem:v29+s16+$0x0], $0xffff;
	v28 =	vmul.f32 $8.000000000e+00, v28;
	[tilespmem:s0+$0xFFFFFE10] =	vst v26  }
0x484: {  	v50 =	vor.u32 v2, v17;
	v33 =	vmul.f32 $8.000000000e+00, v33;
	v32 =	vld.idx.msk [tilespmem:v48+s16+$0x0], $0xffff;
	[tilespmem:s0+$0xFFFFFE90] =	vst v25  }
0x485: {  	v26 =	vor.u32 v2, v9;
	v25 =	vld.idx.msk [tilespmem:v45+s16+$0x0], $0xffff;
	v27 =	vmul.f32 $8.000000000e+00, v27;
	[tilespmem:s0+$0xFFFFFF10] =	vst v28  }
0x486: {  	v47 =	vor.u32 v4, v24;
	v15 =	vld.idx.msk [tilespmem:v15+s16+$0x0], $0xffff;
	v28 =	vmul.f32 $8.000000000e+00, v36;
	[tilespmem:s0+$0x190] =	vst v33  }
0x487: {  	v49 =	vor.u32 v2, v12;
	v31 =	vld.idx.msk [tilespmem:v31+s16+$0x0], $0xffff;
	[tilespmem:s0+$0x10] =	vst v27;
	v27 =	vmul.f32 $8.000000000e+00, v35  }
0x488: {  	v56 =	vor.u32 v3, v11;
	v30 =	vld.idx.msk [tilespmem:v30+s16+$0x0], $0xffff;
	[tilespmem:s0+$0x90] =	vst v28;
	v29 =	vmul.f32 $8.000000000e+00, v29  }
0x489: {  	v28 =	vor.u32 v2, v13;
	v33 =	vld.idx.msk [tilespmem:v50+s16+$0x0], $0xffff;
	[tilespmem:s0+$0x3B0] =	vst v27;
	v32 =	vmul.f32 $8.000000000e+00, v32  }
0x48a: {  	v26 =	vld.idx.msk [tilespmem:v26+s16+$0x0], $0xffff;
	v27 =	vor.u32 v2, v14;
	v25 =	vmul.f32 $8.000000000e+00, v25;
	[tilespmem:s0+$0x110] =	vst v29  }
0x48b: {  	v51 =	vor.u32 v2, v18;
	v36 =	vld.idx.msk [tilespmem:v47+s16+$0x0], $0xffff;
	v15 =	vmul.f32 $8.000000000e+00, v15;
	[tilespmem:s0+$0xFFFFFDA0] =	vst v32  }
0x48c: {  	v29 =	vor.u32 v2, v20;
	v31 =	vmul.f32 $8.000000000e+00, v31;
	[tilespmem:s0+$0x210] =	vst v25;
	v25 =	vld.idx.msk [tilespmem:v49+s16+$0x0], $0xffff  }
0x48d: {  	v53 =	vor.u32 v2, v21;
	v35 =	vld.idx.msk [tilespmem:v56+s16+$0x0], $0xffff;
	v30 =	vmul.f32 $8.000000000e+00, v30;
	[tilespmem:s0+$0x290] =	vst v15  }
0x48e: {  	v15 =	vld.idx.msk [tilespmem:v28+s16+$0x0], $0xffff;
	v28 =	vor.u32 v2, v19;
	[tilespmem:s0+$0x310] =	vst v31;
	v31 =	vmul.f32 $8.000000000e+00, v34  }
0x48f: {  	v52 =	vor.u32 v5, v24;
	v26 =	vmul.f32 $8.000000000e+00, v26;
	v27 =	vld.idx.msk [tilespmem:v27+s16+$0x0], $0xffff;
	[tilespmem:s0+$0xFFFFFC10] =	vst v30  }
0x490: {  	v33 =	vmul.f32 $8.000000000e+00, v33;
	v30 =	vor.u32 v2, v16;
	[tilespmem:s0+$0xFFFFFD20] =	vst v31;
	v31 =	vld.idx.msk [tilespmem:v51+s16+$0x0], $0xffff  }
0x491: {  	v55 =	vor.u32 v2, v8;
	v29 =	vld.idx.msk [tilespmem:v29+s16+$0x0], $0xffff;
	[tilespmem:s0+$0xFFFFFCA0] =	vst v26;
	v26 =	vmul.f32 $8.000000000e+00, v36  }
0x492: {  	v54 =	vor.u32 v2, v22;
	[tilespmem:s0+$0x20] =	vst v33;
	v36 =	vld.idx.msk [tilespmem:v53+s16+$0x0], $0xffff;
	v25 =	vmul.f32 $8.000000000e+00, v25  }
0x493: {  	v61 =	vmul.f32 $8.000000000e+00, v35;
	[tilespmem:s0+$0x3C0] =	vst v26;
	v26 =	vor.u32 v2, v23;
	v28 =	vld.idx.msk [tilespmem:v28+s16+$0x0], $0xffff  }
0x494: {  	v57 =	vor.u32 v3, v12;
	v15 =	vmul.f32 $8.000000000e+00, v15;
	v34 =	vld.idx.msk [tilespmem:v52+s16+$0x0], $0xffff;
	[tilespmem:s0+$0xFFFFFE20] =	vst v25  }
0x495: {  	v27 =	vmul.f32 $8.000000000e+00, v27;
	v25 =	vor.u32 v3, v9;
	[tilespmem:s0+$0xFFFFFDB0] =	vst v61;
	v30 =	vld.idx.msk [tilespmem:v30+s16+$0x0], $0xffff  }
0x496: {  	v32 =	vld.idx.msk [tilespmem:v55+s16+$0x0], $0xffff;
	[tilespmem:s0+$0xFFFFFEA0] =	vst v15;
	v15 =	vor.u32 v3, v10;
	v29 =	vmul.f32 $8.000000000e+00, v29  }
0x497: {  	v60 =	vor.u32 v3, v19;
	v31 =	vmul.f32 $8.000000000e+00, v31;
	[tilespmem:s0+$0xFFFFFF20] =	vst v27;
	v27 =	vld.idx.msk [tilespmem:v54+s16+$0x0], $0xffff  }
0x498: {  	[tilespmem:s0+$0xFFFFFFA0] =	vst v29;
	v26 =	vld.idx.msk [tilespmem:v26+s16+$0x0], $0xffff;
	v28 =	vmul.f32 $8.000000000e+00, v28;
	v29 =	vor.u32 v6, v24  }
0x499: {  	v58 =	vor.u32 v3, v13;
	v33 =	vld.idx.msk [tilespmem:v57+s16+$0x0], $0xffff;
	[tilespmem:s0+$0xA0] =	vst v31;
	v31 =	vmul.f32 $8.000000000e+00, v34  }
0x49a: {  	v25 =	vld.idx.msk [tilespmem:v25+s16+$0x0], $0xffff;
	v30 =	vmul.f32 $8.000000000e+00, v30;
	[tilespmem:s0+$0x120] =	vst v28;
	v28 =	vor.u32 v3, v14  }
0x49b: {  	v36 =	vmul.f32 $8.000000000e+00, v36;
	v15 =	vld.idx.msk [tilespmem:v15+s16+$0x0], $0xffff;
	[tilespmem:s0+$0x3D0] =	vst v31;
	v31 =	vor.u32 v3, v20  }
0x49c: {  	v27 =	vmul.f32 $8.000000000e+00, v27;
	v63 =	vld.idx.msk [tilespmem:v60+s16+$0x0], $0xffff;
	[tilespmem:s0+$0x1A0] =	vst v30;
	v30 =	vor.u32 v3, v17  }
0x49d: {  	v62 =	vor.u32 v3, v22;
	[tilespmem:s0+$0x220] =	vst v36;
	v26 =	vmul.f32 $8.000000000e+00, v26;
	v29 =	vld.idx.msk [tilespmem:v29+s16+$0x0], $0xffff  }
0x49e: {  	v59 =	vor.u32 v3, v18;
	v32 =	vmul.f32 $8.000000000e+00, v32;
	[tilespmem:s0+$0x2A0] =	vst v27;
	v27 =	vld.idx.msk [tilespmem:v58+s16+$0x0], $0xffff  }
0x49f: {  	v25 =	vmul.f32 $8.000000000e+00, v25;
	[tilespmem:s0+$0x320] =	vst v26;
	v26 =	vld.idx.msk [tilespmem:v28+s16+$0x0], $0xffff;
	v28 =	vor.u32 v3, v16  }
0x4a0: {  	[tilespmem:s0+$0xFFFFFC20] =	vst v32;
	v24 =	vor.u32 v7, v24;
	v15 =	vmul.f32 $8.000000000e+00, v15;
	v31 =	vld.idx.msk [tilespmem:v31+s16+$0x0], $0xffff  }
0x4a1: {  	v33 =	vmul.f32 $8.000000000e+00, v33;
	[tilespmem:s0+$0xFFFFFCB0] =	vst v25;
	v25 =	vld.idx.msk [tilespmem:v30+s16+$0x0], $0xffff;
	v30 =	vor.u32 v3, v21  }
0x4a2: {  	v36 =	vor.u32 v3, v23;
	v35 =	vld.idx.msk [tilespmem:v62+s16+$0x0], $0xffff;
	[tilespmem:s0+$0xFFFFFD30] =	vst v15;
	v15 =	vmul.f32 $8.000000000e+00, v29  }
0x4a3: {  	v39 =	vor.u32 v4, v14;
	[tilespmem:s0+$0xFFFFFE30] =	vst v33;
	v29 =	vld.idx.msk [tilespmem:v59+s16+$0x0], $0xffff;
	v27 =	vmul.f32 $8.000000000e+00, v27  }
0x4a4: {  	[tilespmem:s0+$0x3E0] =	vst v15;
	v15 =	vor.u32 v3, v8;
	v26 =	vmul.f32 $8.000000000e+00, v26;
	v28 =	vld.idx.msk [tilespmem:v28+s16+$0x0], $0xffff  }
0x4a5: {  	v37 =	vor.u32 v4, v9;
	[tilespmem:s0+$0xFFFFFEB0] =	vst v27;
	v31 =	vmul.f32 $8.000000000e+00, v31;
	v24 =	vld.idx.msk [tilespmem:v24+s16+$0x0], $0xffff  }
0x4a6: {  	v32 =	vmul.f32 $8.000000000e+00, v63;
	v27 =	vor.u32 v4, v10;
	v30 =	vld.idx.msk [tilespmem:v30+s16+$0x0], $0xffff;
	[tilespmem:s0+$0xFFFFFF30] =	vst v26  }
0x4a7: {  	v25 =	vmul.f32 $8.000000000e+00, v25;
	v26 =	vor.u32 v4, v11;
	[tilespmem:s0+$0xFFFFFFB0] =	vst v31;
	v31 =	vld.idx.msk [tilespmem:v36+s16+$0x0], $0xffff  }
0x4a8: {  	v38 =	vor.u32 v4, v12;
	[tilespmem:s0+$0x130] =	vst v32;
	v29 =	vmul.f32 $8.000000000e+00, v29;
	v33 =	vld.idx.msk [tilespmem:v39+s16+$0x0], $0xffff  }
0x4a9: {  	v35 =	vmul.f32 $8.000000000e+00, v35;
	[tilespmem:s0+$0x30] =	vst v25;
	v25 =	vor.u32 v4, v13;
	v15 =	vld.idx.msk [tilespmem:v15+s16+$0x0], $0xffff  }
0x4aa: {  	v40 =	vor.u32 v4, v20;
	v28 =	vmul.f32 $8.000000000e+00, v28;
	[tilespmem:s0+$0xB0] =	vst v29;
	v29 =	vld.idx.msk [tilespmem:v37+s16+$0x0], $0xffff  }
0x4ab: {  	v43 =	vor.u32 v4, v21;
	[tilespmem:s0+$0x2B0] =	vst v35;
	v27 =	vld.idx.msk [tilespmem:v27+s16+$0x0], $0xffff;
	v24 =	vmul.f32 $8.000000000e+00, v24  }
0x4ac: {  	v44 =	vor.u32 v4, v23;
	v30 =	vmul.f32 $8.000000000e+00, v30;
	[tilespmem:s0+$0x1B0] =	vst v28;
	v26 =	vld.idx.msk [tilespmem:v26+s16+$0x0], $0xffff  }
0x4ad: {  	v28 =	vor.u32 v4, v17;
	[tilespmem:s0+$0x3F0] =	vst v24;
	v24 =	vld.idx.msk [tilespmem:v38+s16+$0x0], $0xffff;
	v31 =	vmul.f32 $8.000000000e+00, v31  }
0x4ae: {  	v41 =	vor.u32 v4, v18;
	v33 =	vmul.f32 $8.000000000e+00, v33;
	[tilespmem:s0+$0x230] =	vst v30;
	v25 =	vld.idx.msk [tilespmem:v25+s16+$0x0], $0xffff  }
0x4af: {  	v30 =	vor.u32 v4, v19;
	v15 =	vmul.f32 $8.000000000e+00, v15;
	[tilespmem:s0+$0x330] =	vst v31;
	v31 =	vld.idx.msk [tilespmem:v40+s16+$0x0], $0xffff  }
0x4b0: {  	v29 =	vmul.f32 $8.000000000e+00, v29;
	v32 =	vld.idx.msk [tilespmem:v43+s16+$0x0], $0xffff;
	[tilespmem:s0+$0xFFFFFF40] =	vst v33  }
0x4b1: {  	v42 =	vor.u32 v4, v16;
	v27 =	vmul.f32 $8.000000000e+00, v27;
	v34 =	vld.idx.msk [tilespmem:v44+s16+$0x0], $0xffff;
	[tilespmem:s0+$0xFFFFFC30] =	vst v15  }
0x4b2: {  	v15 =	vmul.f32 $8.000000000e+00, v26;
	v26 =	vld.idx.msk [tilespmem:v28+s16+$0x0], $0xffff;
	v28 =	vor.u32 v4, v22;
	[tilespmem:s0+$0xFFFFFCC0] =	vst v29  }
0x4b3: {  	v51 =	vor.u32 v5, v21;
	v29 =	vld.idx.msk [tilespmem:v41+s16+$0x0], $0xffff;
	[tilespmem:s0+$0xFFFFFD40] =	vst v27;
	v24 =	vmul.f32 $8.000000000e+00, v24  }
0x4b4: {  	v27 =	vld.idx.msk [tilespmem:v30+s16+$0x0], $0xffff;
	v30 =	vor.u32 v4, v8;
	v25 =	vmul.f32 $8.000000000e+00, v25;
	[tilespmem:s0+$0xFFFFFDC0] =	vst v15  }
0x4b5: {  	v45 =	vor.u32 v5, v9;
	[tilespmem:s0+$0xFFFFFE40] =	vst v24;
	v32 =	vmul.f32 $8.000000000e+00, v32  }
0x4b6: {  	v15 =	vld.idx.msk [tilespmem:v42+s16+$0x0], $0xffff;
	v24 =	vor.u32 v5, v10;
	[tilespmem:s0+$0xFFFFFEC0] =	vst v25;
	v34 =	vmul.f32 $8.000000000e+00, v34  }
0x4b7: {  	v31 =	vmul.f32 $8.000000000e+00, v31;
	v25 =	vor.u32 v5, v11;
	v28 =	vld.idx.msk [tilespmem:v28+s16+$0x0], $0xffff;
	[tilespmem:s0+$0x240] =	vst v32  }
0x4b8: {  	v46 =	vor.u32 v5, v12;
	v26 =	vmul.f32 $8.000000000e+00, v26;
	[tilespmem:s0+$0x340] =	vst v34;
	v34 =	vld.idx.msk [tilespmem:v51+s16+$0x0], $0xffff  }
0x4b9: {  	v49 =	vor.u32 v5, v19;
	v29 =	vmul.f32 $8.000000000e+00, v29;
	[tilespmem:s0+$0xFFFFFFC0] =	vst v31;
	v30 =	vld.idx.msk [tilespmem:v30+s16+$0x0], $0xffff  }
0x4ba: {  	v31 =	vor.u32 v5, v13;
	v27 =	vmul.f32 $8.000000000e+00, v27;
	[tilespmem:s0+$0x40] =	vst v26;
	v26 =	vld.idx.msk [tilespmem:v45+s16+$0x0], $0xffff  }
0x4bb: {  	v47 =	vor.u32 v5, v14;
	v15 =	vmul.f32 $8.000000000e+00, v15;
	[tilespmem:s0+$0xC0] =	vst v29;
	v24 =	vld.idx.msk [tilespmem:v24+s16+$0x0], $0xffff  }
0x4bc: {  	v29 =	vor.u32 v5, v20;
	[tilespmem:s0+$0x140] =	vst v27;
	v25 =	vld.idx.msk [tilespmem:v25+s16+$0x0], $0xffff;
	v28 =	vmul.f32 $8.000000000e+00, v28  }
0x4bd: {  	v27 =	vor.u32 v5, v17;
	[tilespmem:s0+$0x1C0] =	vst v15;
	v15 =	vld.idx.msk [tilespmem:v46+s16+$0x0], $0xffff;
	v34 =	vmul.f32 $8.000000000e+00, v34  }
0x4be: {  	v48 =	vor.u32 v5, v18;
	v32 =	vld.idx.msk [tilespmem:v49+s16+$0x0], $0xffff;
	v30 =	vmul.f32 $8.000000000e+00, v30;
	[tilespmem:s0+$0x2C0] =	vst v28  }
0x4bf: {  	v52 =	vor.u32 v5, v23;
	v31 =	vld.idx.msk [tilespmem:v31+s16+$0x0], $0xffff;
	v26 =	vmul.f32 $8.000000000e+00, v26;
	[tilespmem:s0+$0x250] =	vst v34  }
0x4c0: {  	v50 =	vor.u32 v5, v16;
	v28 =	vld.idx.msk [tilespmem:v47+s16+$0x0], $0xffff;
	v24 =	vmul.f32 $8.000000000e+00, v24;
	[tilespmem:s0+$0xFFFFFC40] =	vst v30  }
0x4c1: {  	v55 =	vor.u32 v6, v19;
	v29 =	vld.idx.msk [tilespmem:v29+s16+$0x0], $0xffff;
	v25 =	vmul.f32 $8.000000000e+00, v25;
	[tilespmem:s0+$0xFFFFFCD0] =	vst v26  }
0x4c2: {  	v27 =	vld.idx.msk [tilespmem:v27+s16+$0x0], $0xffff;
	v30 =	vor.u32 v5, v22;
	v15 =	vmul.f32 $8.000000000e+00, v15;
	[tilespmem:s0+$0xFFFFFD50] =	vst v24  }
0x4c3: {  	v26 =	vld.idx.msk [tilespmem:v48+s16+$0x0], $0xffff;
	v24 =	vor.u32 v5, v8;
	v32 =	vmul.f32 $8.000000000e+00, v32;
	[tilespmem:s0+$0xFFFFFDD0] =	vst v25  }
0x4c4: {  	v33 =	vld.idx.msk [tilespmem:v52+s16+$0x0], $0xffff;
	v31 =	vmul.f32 $8.000000000e+00, v31;
	v25 =	vor.u32 v6, v9;
	[tilespmem:s0+$0xFFFFFE50] =	vst v15  }
0x4c5: {  	v35 =	vld.idx.msk [tilespmem:v50+s16+$0x0], $0xffff;
	v15 =	vor.u32 v6, v10;
	v28 =	vmul.f32 $8.000000000e+00, v28;
	[tilespmem:s0+$0x150] =	vst v32  }
0x4c6: {  	v29 =	vmul.f32 $8.000000000e+00, v29;
	[tilespmem:s0+$0xFFFFFED0] =	vst v31;
	v31 =	vor.u32 v6, v11;
	v34 =	vld.idx.msk [tilespmem:v55+s16+$0x0], $0xffff  }
0x4c7: {  	v30 =	vld.idx.msk [tilespmem:v30+s16+$0x0], $0xffff;
	v27 =	vmul.f32 $8.000000000e+00, v27;
	[tilespmem:s0+$0xFFFFFF50] =	vst v28;
	v28 =	vor.u32 v6, v12  }
0x4c8: {  	v26 =	vmul.f32 $8.000000000e+00, v26;
	[tilespmem:s0+$0xFFFFFFD0] =	vst v29;
	v29 =	vor.u32 v6, v13;
	v24 =	vld.idx.msk [tilespmem:v24+s16+$0x0], $0xffff  }
0x4c9: {  	[tilespmem:s0+$0x50] =	vst v27;
	v25 =	vld.idx.msk [tilespmem:v25+s16+$0x0], $0xffff;
	v27 =	vor.u32 v6, v14  }
0x4ca: {  	v33 =	vmul.f32 $8.000000000e+00, v33;
	[tilespmem:s0+$0xD0] =	vst v26;
	v15 =	vld.idx.msk [tilespmem:v15+s16+$0x0], $0xffff;
	v26 =	vor.u32 v6, v20  }
0x4cb: {  	v53 =	vor.u32 v6, v17;
	v35 =	vmul.f32 $8.000000000e+00, v35;
	v31 =	vld.idx.msk [tilespmem:v31+s16+$0x0], $0xffff  }
0x4cc: {  	v54 =	vor.u32 v6, v18;
	[tilespmem:s0+$0x350] =	vst v33;
	v30 =	vmul.f32 $8.000000000e+00, v30;
	v28 =	vld.idx.msk [tilespmem:v28+s16+$0x0], $0xffff  }
0x4cd: {  	v9 =	vor.u32 v7, v9;
	[tilespmem:s0+$0x1D0] =	vst v35;
	v29 =	vld.idx.msk [tilespmem:v29+s16+$0x0], $0xffff;
	v24 =	vmul.f32 $8.000000000e+00, v24  }
0x4ce: {  	v10 =	vor.u32 v7, v10;
	[tilespmem:s0+$0x2D0] =	vst v30;
	v27 =	vld.idx.msk [tilespmem:v27+s16+$0x0], $0xffff;
	v25 =	vmul.f32 $8.000000000e+00, v25  }
0x4cf: {  	v11 =	vor.u32 v7, v11;
	v26 =	vld.idx.msk [tilespmem:v26+s16+$0x0], $0xffff;
	v15 =	vmul.f32 $8.000000000e+00, v15;
	[tilespmem:s0+$0xFFFFFC50] =	vst v24  }
0x4d0: {  	v30 =	vor.u32 v6, v16;
	v24 =	vld.idx.msk [tilespmem:v53+s16+$0x0], $0xffff;
	v31 =	vmul.f32 $8.000000000e+00, v31;
	[tilespmem:s0+$0xFFFFFCE0] =	vst v25  }
0x4d1: {  	v56 =	vor.u32 v6, v21;
	v25 =	vld.idx.msk [tilespmem:v54+s16+$0x0], $0xffff;
	[tilespmem:s0+$0xFFFFFD60] =	vst v15;
	v28 =	vmul.f32 $8.000000000e+00, v28  }
0x4d2: {  	v57 =	vor.u32 v6, v22;
	v29 =	vmul.f32 $8.000000000e+00, v29;
	[tilespmem:s0+$0xFFFFFDE0] =	vst v31;
	v9 =	vld.idx.msk [tilespmem:v9+s16+$0x0], $0xffff  }
0x4d3: {  	v12 =	vor.u32 v7, v12;
	v10 =	vld.idx.msk [tilespmem:v10+s16+$0x0], $0xffff;
	v27 =	vmul.f32 $8.000000000e+00, v27;
	[tilespmem:s0+$0xFFFFFE60] =	vst v28  }
0x4d4: {  	v13 =	vor.u32 v7, v13;
	v11 =	vld.idx.msk [tilespmem:v11+s16+$0x0], $0xffff;
	v26 =	vmul.f32 $8.000000000e+00, v26;
	[tilespmem:s0+$0xFFFFFEE0] =	vst v29  }
0x4d5: {  	v15 =	vor.u32 v6, v8;
	v30 =	vld.idx.msk [tilespmem:v30+s16+$0x0], $0xffff;
	v24 =	vmul.f32 $8.000000000e+00, v24;
	[tilespmem:s0+$0xFFFFFF60] =	vst v27  }
0x4d6: {  	v58 =	vor.u32 v6, v23;
	v28 =	vld.idx.msk [tilespmem:v56+s16+$0x0], $0xffff;
	v25 =	vmul.f32 $8.000000000e+00, v25;
	[tilespmem:s0+$0xFFFFFFE0] =	vst v26  }
0x4d7: {  	v14 =	vor.u32 v7, v14;
	v29 =	vld.idx.msk [tilespmem:v57+s16+$0x0], $0xffff;
	v26 =	vmul.f32 $8.000000000e+00, v34;
	[tilespmem:s0+$0x60] =	vst v24  }
0x4d8: {  	v20 =	vor.u32 v7, v20;
	v12 =	vld.idx.msk [tilespmem:v12+s16+$0x0], $0xffff;
	v9 =	vmul.f32 $8.000000000e+00, v9;
	[tilespmem:s0+$0xE0] =	vst v25  }
0x4d9: {  	v18 =	vor.u32 v7, v18;
	v13 =	vld.idx.msk [tilespmem:v13+s16+$0x0], $0xffff;
	v10 =	vmul.f32 $8.000000000e+00, v10;
	[tilespmem:s0+$0x160] =	vst v26  }
0x4da: {  	v19 =	vor.u32 v7, v19;
	v15 =	vld.idx.msk [tilespmem:v15+s16+$0x0], $0xffff;
	v11 =	vmul.f32 $8.000000000e+00, v11;
	[tilespmem:s0+$0xFFFFFCF0] =	vst v9  }
0x4db: {  	v16 =	vor.u32 v7, v16;
	v27 =	vld.idx.msk [tilespmem:v58+s16+$0x0], $0xffff;
	v24 =	vmul.f32 $8.000000000e+00, v30;
	[tilespmem:s0+$0xFFFFFD70] =	vst v10  }
0x4dc: {  	v17 =	vor.u32 v7, v17;
	v14 =	vld.idx.msk [tilespmem:v14+s16+$0x0], $0xffff;
	v25 =	vmul.f32 $8.000000000e+00, v28;
	[tilespmem:s0+$0xFFFFFDF0] =	vst v11  }
0x4dd: {  	v21 =	vor.u32 v7, v21;
	v20 =	vld.idx.msk [tilespmem:v20+s16+$0x0], $0xffff;
	v26 =	vmul.f32 $8.000000000e+00, v29;
	[tilespmem:s0+$0x1E0] =	vst v24  }
0x4de: {  	v9 =	vld.idx.msk [tilespmem:v18+s16+$0x0], $0xffff;
	v12 =	vmul.f32 $8.000000000e+00, v12;
	[tilespmem:s0+$0x260] =	vst v25  }
0x4df: {  	v8 =	vor.u32 v7, v8;
	v10 =	vld.idx.msk [tilespmem:v19+s16+$0x0], $0xffff;
	v15 =	vmul.f32 $8.000000000e+00, v15;
	[tilespmem:s0+$0x2E0] =	vst v26  }
0x4e0: {  	v18 =	vor.u32 v7, v23;
	v13 =	vmul.f32 $8.000000000e+00, v13;
	v11 =	vld.idx.msk [tilespmem:v16+s16+$0x0], $0xffff;
	[tilespmem:s0+$0xFFFFFE70] =	vst v12  }
0x4e1: {  	v24 =	vmul.f32 $8.000000000e+00, v27;
	[tilespmem:s0+$0xFFFFFC60] =	vst v15;
	v15 =	vld.idx.msk [tilespmem:v17+s16+$0x0], $0xffff;
	v17 =	vor.u32 v7, v22  }
0x4e2: {  	v14 =	vmul.f32 $8.000000000e+00, v14;
	v12 =	vld.idx.msk [tilespmem:v21+s16+$0x0], $0xffff;
	[tilespmem:s0+$0xFFFFFEF0] =	vst v13  }
0x4e3: {  	v16 =	vmul.f32 $8.000000000e+00, v20;
	[tilespmem:s0+$0x360] =	vst v24  }
0x4e4: {  	[tilespmem:s0+$0xFFFFFF70] =	vst v14;
	v9 =	vmul.f32 $8.000000000e+00, v9;
	v8 =	vld.idx.msk [tilespmem:v8+s16+$0x0], $0xffff  }
0x4e5: {  	v14 =	vld.idx.msk [tilespmem:v18+s16+$0x0], $0xffff;
	[tilespmem:s0+$0xFFFFFFF0] =	vst v16;
	v10 =	vmul.f32 $8.000000000e+00, v10  }
0x4e6: {  	[tilespmem:s0+$0xF0] =	vst v9;
	v11 =	vmul.f32 $8.000000000e+00, v11;
	v13 =	vld.idx.msk [tilespmem:v17+s16+$0x0], $0xffff  }
0x4e7: {  	s31 =	sshll.u32 s28, $0x12;
	[tilespmem:s0+$0x170] =	vst v10;
	v9 =	vmul.f32 $8.000000000e+00, v12  }
0x4e8: {  	s28 =	simm.s32 $0x0;
	s1 =	sor.u32 s4, s31;
	v15 =	vmul.f32 $8.000000000e+00, v15;
	[tilespmem:s0+$0x1F0] =	vst v11  }
0x4e9: {  	s1 =	sshrl.u32 s1, $0x3;
	[tilespmem:s0+$0x270] =	vst v9;
	v8 =	vmul.f32 $8.000000000e+00, v8;
	v9 =	vmov s28;
	s28 =	simm.s32 $0x5  }
0x4ea: {  	s31 =	sadd.s32 s2, s1;
	s1 =	simm.s32 $0x1;
	v11 =	vmul.f32 $8.000000000e+00, v14;
	[tilespmem:s0+$0x70] =	vst v15;
	v14 =	vmov s28  }
0x4eb: {  	s28 =	simm.s32 $0x8;
	[tilespmem:s0+$0xFFFFFC70] =	vst v8;
	v8 =	vand.u32 $0x70, v9;
	v9 =	vmov s1;
	s1 =	simm.s32 $0x3;
	v10 =	vmul.f32 $8.000000000e+00, v13  }
0x4ec: {  	[tilespmem:s0+$0x370] =	vst v11;
	v19 =	vmov s28;
	s28 =	simm.s32 $0xB;
	v11 =	vmov s1;
	s1 =	simm.s32 $0x6  }
0x4ed: {  	v26 =	vmov s28;
	v9 =	vand.u32 $0x71, v9;
	v15 =	vmov s1;
	s1 =	simm.s32 $0x9;
	[tilespmem:s0+$0x2F0] =	vst v10  }
0x4ee: {  	v13 =	vbroadcast v8, $0x0;
	v23 =	vbroadcast v9, $0x0;
	v9 =	vand.u32 $0x73, v11;
	[hbm4b:s31+s9] =	stream.strided.scatter [tilespmem:s17], [sflag:$0x5], $0x2000, s10, s9, $0x38;
	[tilespmem:$0x1A400] =	vst v63  }
0x4ef: {  	s28 =	simm.s32 @!p0 $0xA400;
	v20 =	vmov s1;
	s1 =	simm.s32 $0xC;
	v21 =	vbroadcast v9, $0x0;
	v9 =	vand.u32 $0x76, v15;
	s31 =	simm.s32 $0x2  }
0x4f0: {  	v8 =	vor.u32 v0, v13;
	v27 =	vmov s1;
	s1 =	simm.s32 $0xE;
	v10 =	vmov s31;
	s31 =	simm.s32 $0x4;
	_ =	swait.ge [sflag:s23], $0x4000  }
0x4f1: {  	s0 =	sadd.s32 @!p0 $0x280, s30;
	v9 =	vbroadcast v9, $0x0;
	v12 =	vmov s31;
	s31 =	simm.s32 $0x7;
	[sflag:s23] =	ssyncset.done $0x0;
	v10 =	vand.u32 $0x72, v10  }
0x4f2: {  	v29 =	vmov s1;
	s1 =	simm.s32 @!p0 $0x80;
	v17 =	vmov s31;
	s31 =	simm.s32 $0xA;
	[sflag:s23] =	ssyncadd.s32 $0xFFFFC000;
	v24 =	vbroadcast v10, $0x0  }
0x4f3: {  	v11 =	vand.u32 $0x74, v12;
	v10 =	vand.u32 $0x75, v14;
	v12 =	vor.u32 v0, v23;
	[tilespmem:s28], [sflag:$0x2] =	stream.indirect.gather @!p0 [hbm4b:s5+s1], $0x80, s0, s1, $0xb8;
	[tilespmem:$0x1A400] =	vst v63  }
0x4f4: {  	v25 =	vmov s31;
	s31 =	simm.s32 $0xD;
	v18 =	vbroadcast v11, $0x0;
	_ =	swait.ge [sflag:s24], $0x2000;
	v11 =	vor.u32 v0, v24  }
0x4f5: {  	v16 =	vbroadcast v10, $0x0;
	v10 =	vor.u32 v0, v21;
	v28 =	vmov s31;
	s31 =	simm.s32 $0xF;
	[sflag:s24] =	ssyncset.done $0x0  }
0x4f6: {  	v17 =	vand.u32 $0x77, v17;
	v14 =	vmov s31;
	v15 =	vor.u32 v0, v18;
	[sflag:s24] =	ssyncadd.s32 $0xFFFFE000  }
0x4f7: {  	v22 =	vbroadcast v17, $0x0;
	v31 =	vor.u32 v0, v16;
	v14 =	vand.u32 $0x7F, v14;
	v30 =	vld.idx.msk [tilespmem:v8+s19+$0x0], $0xffff  }
0x4f8: {  	v8 =	vbroadcast v14, $0x0;
	v14 =	vand.u32 $0x78, v19;
	v59 =	vld.idx.msk [tilespmem:v12+s19+$0x0], $0xffff;
	v12 =	vor.u32 v0, v9  }
0x4f9: {  	v17 =	vand.u32 $0x79, v20;
	v62 =	vor.u32 v0, v22;
	v19 =	vbroadcast v14, $0x0;
	v60 =	vld.idx.msk [tilespmem:v11+s19+$0x0], $0xffff  }
0x4fa: {  	v20 =	vbroadcast v17, $0x0;
	v61 =	vor.u32 v0, v8;
	v11 =	vand.u32 $0x7A, v25;
	v25 =	vld.idx.msk [tilespmem:v10+s19+$0x0], $0xffff  }
0x4fb: {  	v10 =	vand.u32 $0x7B, v26;
	v15 =	vld.idx.msk [tilespmem:v15+s19+$0x0], $0xffff;
	v26 =	vor.u32 v0, v19  }
0x4fc: {  	v17 =	vbroadcast v11, $0x0;
	v11 =	vand.u32 $0x7C, v27;
	v27 =	vld.idx.msk [tilespmem:v31+s19+$0x0], $0xffff;
	v31 =	vor.u32 v0, v20  }
0x4fd: {  	v51 =	vor.u32 v1, v23;
	v28 =	vand.u32 $0x7D, v28;
	v14 =	vbroadcast v10, $0x0;
	v63 =	vld.idx.msk [tilespmem:v12+s19+$0x0], $0xffff  }
0x4fe: {  	v10 =	vbroadcast v11, $0x0;
	v45 =	vor.u32 v0, v17;
	v12 =	vand.u32 $0x7E, v29;
	v29 =	vld.idx.msk [tilespmem:v62+s19+$0x0], $0xffff  }
0x4ff: {  	v11 =	vbroadcast v28, $0x0;
	v46 =	vor.u32 v0, v14;
	v32 =	vmul.f32 $8.000000000e+00, v59;
	v28 =	vld.idx.msk [tilespmem:v61+s19+$0x0], $0xffff  }
0x500: {  	s28 =	simm.s32 $0x18800;
	v52 =	vor.u32 v1, v24;
	v26 =	vld.idx.msk [tilespmem:v26+s19+$0x0], $0xffff  }
0x501: {  	v53 =	vor.u32 v1, v21;
	[tilespmem:s28+$0xFFFFFC80] =	vst v32;
	v31 =	vld.idx.msk [tilespmem:v31+s19+$0x0], $0xffff  }
0x502: {  	v47 =	vor.u32 v0, v10;
	v33 =	vmul.f32 $8.000000000e+00, v60;
	v56 =	vld.idx.msk [tilespmem:v51+s19+$0x0], $0xffff  }
0x503: {  	v12 =	vbroadcast v12, $0x0;
	v48 =	vor.u32 v0, v11;
	v25 =	vmul.f32 $8.000000000e+00, v25;
	v37 =	vld.idx.msk [tilespmem:v45+s19+$0x0], $0xffff  }
0x504: {  	v54 =	vor.u32 v1, v18;
	v30 =	vmul.f32 $8.000000000e+00, v30;
	[tilespmem:s28+$0xFFFFFD00] =	vst v33;
	v38 =	vld.idx.msk [tilespmem:v46+s19+$0x0], $0xffff  }
0x505: {  	v49 =	vor.u32 v0, v12;
	v15 =	vmul.f32 $8.000000000e+00, v15;
	[tilespmem:s28+$0xFFFFFD80] =	vst v25;
	v58 =	vld.idx.msk [tilespmem:v52+s19+$0x0], $0xffff  }
0x506: {  	v57 =	vor.u32 v1, v9;
	[tilespmem:s28+$0xFFFFFC00] =	vst v30;
	v25 =	vmul.f32 $8.000000000e+00, v27;
	v59 =	vld.idx.msk [tilespmem:v53+s19+$0x0], $0xffff  }
0x507: {  	v27 =	vor.u32 v1, v22;
	[tilespmem:s28+$0xFFFFFE00] =	vst v15;
	v15 =	vmul.f32 $8.000000000e+00, v63;
	v34 =	vld.idx.msk [tilespmem:v47+s19+$0x0], $0xffff  }
0x508: {  	v50 =	vor.u32 v1, v8;
	v35 =	vld.idx.msk [tilespmem:v48+s19+$0x0], $0xffff;
	[tilespmem:s28+$0xFFFFFE80] =	vst v25;
	v25 =	vmul.f32 $8.000000000e+00, v29  }
0x509: {  	v60 =	vor.u32 v1, v19;
	v61 =	vld.idx.msk [tilespmem:v54+s19+$0x0], $0xffff;
	v28 =	vmul.f32 $8.000000000e+00, v28;
	[tilespmem:s28+$0xFFFFFF00] =	vst v15  }
0x50a: {  	v39 =	vld.idx.msk [tilespmem:v49+s19+$0x0], $0xffff;
	v15 =	vmul.f32 $8.000000000e+00, v26;
	v26 =	vor.u32 v1, v20;
	[tilespmem:s28+$0xFFFFFF80] =	vst v25  }
0x50b: {  	v33 =	vld.idx.msk [tilespmem:v57+s19+$0x0], $0xffff;
	v25 =	vor.u32 v1, v17;
	v40 =	vmul.f32 $8.000000000e+00, v56;
	[tilespmem:s28+$0x380] =	vst v28  }
0x50c: {  	v49 =	vor.u32 v1, v13;
	v27 =	vld.idx.msk [tilespmem:v27+s19+$0x0], $0xffff;
	[tilespmem:s28+$0x0] =	vst v15;
	v15 =	vmul.f32 $8.000000000e+00, v31  }
0x50d: {  	v53 =	vor.u32 v2, v24;
	v55 =	vld.idx.msk [tilespmem:v50+s19+$0x0], $0xffff;
	v37 =	vmul.f32 $8.000000000e+00, v37;
	[tilespmem:s28+$0xFFFFFC90] =	vst v40  }
0x50e: {  	v30 =	vor.u32 v2, v21;
	v54 =	vmul.f32 $8.000000000e+00, v58;
	v36 =	vld.idx.msk [tilespmem:v60+s19+$0x0], $0xffff;
	[tilespmem:s28+$0x80] =	vst v15  }
0x50f: {  	v28 =	vor.u32 v1, v16;
	v56 =	vmul.f32 $8.000000000e+00, v59;
	[tilespmem:s28+$0x100] =	vst v37;
	v26 =	vld.idx.msk [tilespmem:v26+s19+$0x0], $0xffff  }
0x510: {  	v62 =	vor.u32 v1, v10;
	v34 =	vmul.f32 $8.000000000e+00, v34;
	[tilespmem:s28+$0xFFFFFD10] =	vst v54;
	v25 =	vld.idx.msk [tilespmem:v25+s19+$0x0], $0xffff  }
0x511: {  	v31 =	vor.u32 v1, v14;
	v15 =	vmul.f32 $8.000000000e+00, v38;
	[tilespmem:s28+$0xFFFFFD90] =	vst v56;
	v38 =	vld.idx.msk [tilespmem:v49+s19+$0x0], $0xffff  }
0x512: {  	v50 =	vor.u32 v2, v23;
	[tilespmem:s28+$0x200] =	vst v34;
	v51 =	vmul.f32 $8.000000000e+00, v39;
	v59 =	vld.idx.msk [tilespmem:v53+s19+$0x0], $0xffff  }
0x513: {  	v58 =	vor.u32 v2, v9;
	v33 =	vmul.f32 $8.000000000e+00, v33;
	v30 =	vld.idx.msk [tilespmem:v30+s19+$0x0], $0xffff;
	[tilespmem:s28+$0x180] =	vst v15  }
0x514: {  	v63 =	vor.u32 v1, v11;
	v28 =	vld.idx.msk [tilespmem:v28+s19+$0x0], $0xffff;
	v15 =	vmul.f32 $8.000000000e+00, v35;
	[tilespmem:s28+$0x300] =	vst v51  }
0x515: {  	v29 =	vor.u32 v2, v8;
	v52 =	vld.idx.msk [tilespmem:v62+s19+$0x0], $0xffff;
	v27 =	vmul.f32 $8.000000000e+00, v27;
	[tilespmem:s28+$0xFFFFFF10] =	vst v33  }
0x516: {  	v48 =	vor.u32 v1, v12;
	v32 =	vmul.f32 $8.000000000e+00, v55;
	v31 =	vld.idx.msk [tilespmem:v31+s19+$0x0], $0xffff;
	[tilespmem:s28+$0x280] =	vst v15  }
0x517: {  	v60 =	vor.u32 v2, v22;
	v35 =	vld.idx.msk [tilespmem:v50+s19+$0x0], $0xffff;
	v36 =	vmul.f32 $8.000000000e+00, v36;
	[tilespmem:s28+$0xFFFFFF90] =	vst v27  }
0x518: {  	v37 =	vld.idx.msk [tilespmem:v58+s19+$0x0], $0xffff;
	v27 =	vor.u32 v2, v17;
	[tilespmem:s28+$0x390] =	vst v32;
	v25 =	vmul.f32 $8.000000000e+00, v25  }
0x519: {  	v57 =	vor.u32 v2, v16;
	v32 =	vld.idx.msk [tilespmem:v63+s19+$0x0], $0xffff;
	[tilespmem:s28+$0x10] =	vst v36;
	v30 =	vmul.f32 $8.000000000e+00, v30  }
0x51a: {  	v62 =	vor.u32 v2, v14;
	v29 =	vld.idx.msk [tilespmem:v29+s19+$0x0], $0xffff;
	v28 =	vmul.f32 $8.000000000e+00, v28;
	[tilespmem:s28+$0x110] =	vst v25  }
0x51b: {  	v47 =	vor.u32 v3, v23;
	v34 =	vld.idx.msk [tilespmem:v48+s19+$0x0], $0xffff;
	v31 =	vmul.f32 $8.000000000e+00, v31;
	[tilespmem:s28+$0xFFFFFDA0] =	vst v30  }
0x51c: {  	v53 =	vor.u32 v3, v9;
	v41 =	vld.idx.msk [tilespmem:v60+s19+$0x0], $0xffff;
	v49 =	vmul.f32 $8.000000000e+00, v35;
	[tilespmem:s28+$0xFFFFFE90] =	vst v28  }
0x51d: {  	v15 =	vor.u32 v3, v8;
	v27 =	vld.idx.msk [tilespmem:v27+s19+$0x0], $0xffff;
	v37 =	vmul.f32 $8.000000000e+00, v37;
	[tilespmem:s28+$0x190] =	vst v31  }
0x51e: {  	v63 =	vor.u32 v2, v11;
	v42 =	vld.idx.msk [tilespmem:v57+s19+$0x0], $0xffff;
	v32 =	vmul.f32 $8.000000000e+00, v32;
	[tilespmem:s28+$0xFFFFFCA0] =	vst v49  }
0x51f: {  	v25 =	vor.u32 v2, v12;
	v29 =	vmul.f32 $8.000000000e+00, v29;
	v36 =	vld.idx.msk [tilespmem:v62+s19+$0x0], $0xffff;
	[tilespmem:s28+$0xFFFFFF20] =	vst v37  }
0x520: {  	v55 =	vor.u32 v2, v18;
	v31 =	vmul.f32 $8.000000000e+00, v34;
	v34 =	vld.idx.msk [tilespmem:v47+s19+$0x0], $0xffff;
	[tilespmem:s28+$0x290] =	vst v32  }
0x521: {  	v43 =	vmul.f32 $8.000000000e+00, v59;
	v30 =	vor.u32 v3, v22;
	v59 =	vld.idx.msk [tilespmem:v53+s19+$0x0], $0xffff;
	[tilespmem:s28+$0x3A0] =	vst v29;
	v29 =	vmul.f32 $8.000000000e+00, v61  }
0x522: {  	v26 =	vmul.f32 $8.000000000e+00, v26;
	v28 =	vor.u32 v2, v20;
	[tilespmem:s28+$0x310] =	vst v31;
	v15 =	vld.idx.msk [tilespmem:v15+s19+$0x0], $0xffff  }
0x523: {  	v41 =	vmul.f32 $8.000000000e+00, v41;
	v50 =	vld.idx.msk [tilespmem:v63+s19+$0x0], $0xffff;
	[tilespmem:s28+$0xFFFFFE10] =	vst v29;
	v29 =	vor.u32 v2, v19  }
0x524: {  	v58 =	vor.u32 v3, v17;
	[tilespmem:s28+$0x90] =	vst v26;
	v25 =	vld.idx.msk [tilespmem:v25+s19+$0x0], $0xffff  }
0x525: {  	[tilespmem:s28+$0xFFFFFFA0] =	vst v41;
	v61 =	vor.u32 v4, v8;
	v27 =	vmul.f32 $8.000000000e+00, v27;
	v40 =	vld.idx.msk [tilespmem:v55+s19+$0x0], $0xffff  }
0x526: {  	v48 =	vor.u32 v3, v24;
	[tilespmem:s28+$0xFFFFFD20] =	vst v43;
	v30 =	vld.idx.msk [tilespmem:v30+s19+$0x0], $0xffff;
	v54 =	vmul.f32 $8.000000000e+00, v42  }
0x527: {  	v26 =	vor.u32 v2, v10;
	v28 =	vld.idx.msk [tilespmem:v28+s19+$0x0], $0xffff;
	[tilespmem:s28+$0x120] =	vst v27;
	v15 =	vmul.f32 $8.000000000e+00, v15  }
0x528: {  	v51 =	vor.u32 v3, v18;
	v36 =	vmul.f32 $8.000000000e+00, v36;
	[tilespmem:s28+$0xFFFFFEA0] =	vst v54;
	v29 =	vld.idx.msk [tilespmem:v29+s19+$0x0], $0xffff  }
0x529: {  	v46 =	vor.u32 v2, v13;
	v37 =	vld.idx.msk [tilespmem:v58+s19+$0x0], $0xffff;
	[tilespmem:s28+$0x3B0] =	vst v15;
	v15 =	vmul.f32 $8.000000000e+00, v52  }
0x52a: {  	[tilespmem:s28+$0x1A0] =	vst v36;
	v52 =	vor.u32 v3, v16;
	v40 =	vmul.f32 $8.000000000e+00, v40;
	v33 =	vld.idx.msk [tilespmem:v61+s19+$0x0], $0xffff  }
0x52b: {  	v55 =	vor.u32 v3, v19;
	[tilespmem:s28+$0x210] =	vst v15;
	v15 =	vmul.f32 $8.000000000e+00, v38;
	v38 =	vld.idx.msk [tilespmem:v48+s19+$0x0], $0xffff  }
0x52c: {  	v56 =	vor.u32 v3, v20;
	v25 =	vmul.f32 $8.000000000e+00, v25;
	[tilespmem:s28+$0xFFFFFE20] =	vst v40;
	v26 =	vld.idx.msk [tilespmem:v26+s19+$0x0], $0xffff  }
0x52d: {  	v31 =	vor.u32 v5, v8;
	v32 =	vld.idx.msk [tilespmem:v51+s19+$0x0], $0xffff;
	[tilespmem:s28+$0xFFFFFC10] =	vst v15;
	v29 =	vmul.f32 $8.000000000e+00, v29  }
0x52e: {  	v28 =	vmul.f32 $8.000000000e+00, v28;
	[tilespmem:s28+$0x320] =	vst v25;
	v15 =	vor.u32 v3, v21;
	v39 =	vld.idx.msk [tilespmem:v46+s19+$0x0], $0xffff  }
0x52f: {  	v57 =	vld.idx.msk [tilespmem:v52+s19+$0x0], $0xffff;
	v46 =	vor.u32 v4, v24;
	v33 =	vmul.f32 $8.000000000e+00, v33;
	[tilespmem:s28+$0x20] =	vst v29  }
0x530: {  	v30 =	vmul.f32 $8.000000000e+00, v30;
	[tilespmem:s28+$0xA0] =	vst v28;
	v29 =	vor.u32 v3, v14;
	v40 =	vld.idx.msk [tilespmem:v55+s19+$0x0], $0xffff  }
0x531: {  	v28 =	vor.u32 v3, v10;
	v25 =	vmul.f32 $8.000000000e+00, v38;
	[tilespmem:s28+$0x3C0] =	vst v33;
	v33 =	vld.idx.msk [tilespmem:v56+s19+$0x0], $0xffff  }
0x532: {  	[tilespmem:s28+$0xFFFFFFB0] =	vst v30;
	v61 =	vor.u32 v3, v12;
	v26 =	vmul.f32 $8.000000000e+00, v26;
	v31 =	vld.idx.msk [tilespmem:v31+s19+$0x0], $0xffff  }
0x533: {  	v62 =	vor.u32 v3, v13;
	v32 =	vmul.f32 $8.000000000e+00, v32;
	v15 =	vld.idx.msk [tilespmem:v15+s19+$0x0], $0xffff;
	[tilespmem:s28+$0xFFFFFD30] =	vst v25  }
0x534: {  	v25 =	vor.u32 v4, v16;
	[tilespmem:s28+$0x220] =	vst v26;
	v26 =	vmul.f32 $8.000000000e+00, v39;
	v39 =	vld.idx.msk [tilespmem:v46+s19+$0x0], $0xffff  }
0x535: {  	v53 =	vor.u32 v4, v19;
	v49 =	vmul.f32 $8.000000000e+00, v57;
	[tilespmem:s28+$0xFFFFFE30] =	vst v32;
	v29 =	vld.idx.msk [tilespmem:v29+s19+$0x0], $0xffff  }
0x536: {  	v60 =	vor.u32 v6, v8;
	v28 =	vld.idx.msk [tilespmem:v28+s19+$0x0], $0xffff;
	[tilespmem:s28+$0xFFFFFC20] =	vst v26;
	v40 =	vmul.f32 $8.000000000e+00, v40  }
0x537: {  	v55 =	vor.u32 v4, v20;
	v26 =	vld.idx.msk [tilespmem:v61+s19+$0x0], $0xffff;
	[tilespmem:s28+$0xFFFFFEB0] =	vst v49;
	v33 =	vmul.f32 $8.000000000e+00, v33  }
0x538: {  	v47 =	vor.u32 v4, v21;
	v35 =	vld.idx.msk [tilespmem:v62+s19+$0x0], $0xffff;
	v31 =	vmul.f32 $8.000000000e+00, v31;
	[tilespmem:s28+$0x30] =	vst v40  }
0x539: {  	v27 =	vor.u32 v3, v11;
	v15 =	vmul.f32 $8.000000000e+00, v15;
	v25 =	vld.idx.msk [tilespmem:v25+s19+$0x0], $0xffff;
	[tilespmem:s28+$0xB0] =	vst v33  }
0x53a: {  	v51 =	vmul.f32 $8.000000000e+00, v59;
	v59 =	vor.u32 v4, v10;
	v32 =	vld.idx.msk [tilespmem:v53+s19+$0x0], $0xffff;
	[tilespmem:s28+$0x3D0] =	vst v31;
	v31 =	vmul.f32 $8.000000000e+00, v50  }
0x53b: {  	v45 =	vor.u32 v4, v23;
	[tilespmem:s28+$0xFFFFFDB0] =	vst v15;
	v29 =	vmul.f32 $8.000000000e+00, v29;
	v63 =	vld.idx.msk [tilespmem:v60+s19+$0x0], $0xffff  }
0x53c: {  	v15 =	vor.u32 v4, v9;
	v28 =	vmul.f32 $8.000000000e+00, v28;
	v60 =	vld.idx.msk [tilespmem:v55+s19+$0x0], $0xffff;
	[tilespmem:s28+$0x2A0] =	vst v31  }
0x53d: {  	v50 =	vor.u32 v4, v22;
	v31 =	vmul.f32 $8.000000000e+00, v34;
	v34 =	vld.idx.msk [tilespmem:v47+s19+$0x0], $0xffff;
	[tilespmem:s28+$0x1B0] =	vst v29  }
0x53e: {  	v62 =	vor.u32 v4, v13;
	[tilespmem:s28+$0x230] =	vst v28;
	v27 =	vld.idx.msk [tilespmem:v27+s19+$0x0], $0xffff  }
0x53f: {  	v26 =	vmul.f32 $8.000000000e+00, v26;
	v29 =	vor.u32 v4, v12;
	v33 =	vld.idx.msk [tilespmem:v59+s19+$0x0], $0xffff;
	[tilespmem:s28+$0xFFFFFCB0] =	vst v31  }
0x540: {  	[tilespmem:s28+$0xFFFFFF30] =	vst v51;
	v28 =	vmul.f32 $8.000000000e+00, v35;
	v47 =	vor.u32 v5, v24;
	v48 =	vld.idx.msk [tilespmem:v45+s19+$0x0], $0xffff  }
0x541: {  	v30 =	vmul.f32 $8.000000000e+00, v37;
	v56 =	vor.u32 v4, v17;
	[tilespmem:s28+$0x330] =	vst v26;
	v57 =	vld.idx.msk [tilespmem:v15+s19+$0x0], $0xffff  }
0x542: {  	v8 =	vor.u32 v7, v8;
	v26 =	vmul.f32 $8.000000000e+00, v39;
	[tilespmem:s28+$0xFFFFFC30] =	vst v28;
	v42 =	vld.idx.msk [tilespmem:v50+s19+$0x0], $0xffff  }
0x543: {  	[tilespmem:s28+$0x130] =	vst v30;
	v25 =	vmul.f32 $8.000000000e+00, v25;
	v31 =	vor.u32 v4, v18;
	v49 =	vld.idx.msk [tilespmem:v62+s19+$0x0], $0xffff  }
0x544: {  	v15 =	vor.u32 v4, v14;
	[tilespmem:s28+$0xFFFFFD40] =	vst v26;
	v36 =	vmul.f32 $8.000000000e+00, v63;
	v29 =	vld.idx.msk [tilespmem:v29+s19+$0x0], $0xffff  }
0x545: {  	v32 =	vmul.f32 $8.000000000e+00, v32;
	[tilespmem:s28+$0xFFFFFEC0] =	vst v25;
	v25 =	vor.u32 v5, v20;
	v35 =	vld.idx.msk [tilespmem:v47+s19+$0x0], $0xffff  }
0x546: {  	v30 =	vor.u32 v4, v11;
	v40 =	vmul.f32 $8.000000000e+00, v60;
	[tilespmem:s28+$0x3E0] =	vst v36;
	v36 =	vld.idx.msk [tilespmem:v56+s19+$0x0], $0xffff  }
0x547: {  	v55 =	vor.u32 v5, v10;
	[tilespmem:s28+$0x40] =	vst v32;
	v34 =	vmul.f32 $8.000000000e+00, v34;
	v54 =	vld.idx.msk [tilespmem:v8+s19+$0x0], $0xffff  }
0x548: {  	v46 =	vor.u32 v5, v23;
	v27 =	vmul.f32 $8.000000000e+00, v27;
	[tilespmem:s28+$0xC0] =	vst v40;
	v31 =	vld.idx.msk [tilespmem:v31+s19+$0x0], $0xffff  }
0x549: {  	v26 =	vor.u32 v5, v9;
	v33 =	vmul.f32 $8.000000000e+00, v33;
	[tilespmem:s28+$0xFFFFFDC0] =	vst v34;
	v63 =	vld.idx.msk [tilespmem:v15+s19+$0x0], $0xffff  }
0x54a: {  	s1 =	simm.s32 $0x10;
	v50 =	vor.u32 v5, v22;
	[tilespmem:s28+$0x2B0] =	vst v27;
	v27 =	vmul.f32 $8.000000000e+00, v48;
	v25 =	vld.idx.msk [tilespmem:v25+s19+$0x0], $0xffff  }
0x54b: {  	v52 =	vmov s1;
	v48 =	vor.u32 v5, v21;
	v51 =	vmul.f32 $8.000000000e+00, v57;
	[tilespmem:s28+$0x240] =	vst v33;
	v30 =	vld.idx.msk [tilespmem:v30+s19+$0x0], $0xffff  }
0x54c: {  	v8 =	vand.u32 $0x70, v52;
	v42 =	vmul.f32 $8.000000000e+00, v42;
	v57 =	vor.u32 v5, v12;
	v32 =	vld.idx.msk [tilespmem:v55+s19+$0x0], $0xffff;
	[tilespmem:s28+$0xFFFFFCC0] =	vst v27  }
0x54d: {  	v47 =	vor.u32 v6, v24;
	v8 =	vbroadcast v8, $0x0;
	[tilespmem:s28+$0xFFFFFF40] =	vst v51;
	v29 =	vmul.f32 $8.000000000e+00, v29;
	v37 =	vld.idx.msk [tilespmem:v46+s19+$0x0], $0xffff  }
0x54e: {  	v52 =	vor.u32 v5, v17;
	[tilespmem:s28+$0xFFFFFFC0] =	vst v42;
	v35 =	vmul.f32 $8.000000000e+00, v35;
	v26 =	vld.idx.msk [tilespmem:v26+s19+$0x0], $0xffff  }
0x54f: {  	s30 =	simm.s32 $0x11;
	v58 =	vor.u32 v0, v8;
	v36 =	vmul.f32 $8.000000000e+00, v36;
	v34 =	vld.idx.msk [tilespmem:v50+s19+$0x0], $0xffff;
	[tilespmem:s28+$0x340] =	vst v29  }
0x550: {  	v44 =	vmov s30;
	s31 =	simm.s32 $0x12;
	v28 =	vor.u32 v5, v18;
	[tilespmem:s28+$0xFFFFFD50] =	vst v35;
	v38 =	vld.idx.msk [tilespmem:v48+s19+$0x0], $0xffff  }
0x551: {  	v44 =	vand.u32 $0x71, v44;
	v43 =	vmov s31;
	v27 =	vor.u32 v5, v16;
	[tilespmem:s28+$0x140] =	vst v36;
	v36 =	vld.idx.msk [tilespmem:v57+s19+$0x0], $0xffff  }
0x552: {  	v61 =	vmul.f32 $8.000000000e+00, v54;
	v31 =	vmul.f32 $8.000000000e+00, v31;
	v54 =	vor.u32 v5, v14;
	v47 =	vld.idx.msk [tilespmem:v47+s19+$0x0], $0xffff  }
0x553: {  	v43 =	vand.u32 $0x72, v43;
	v59 =	vor.u32 v6, v18;
	v56 =	vor.u32 v5, v11;
	v41 =	vld.idx.msk [tilespmem:v52+s19+$0x0], $0xffff  }
0x554: {  	v18 =	vor.u32 v7, v18;
	v53 =	vmul.f32 $8.000000000e+00, v63;
	[tilespmem:s28+$0xFFFFFE40] =	vst v31;
	v31 =	vor.u32 v5, v19;
	v15 =	vld.idx.msk [tilespmem:v58+s19+$0x0], $0xffff  }
0x555: {  	v62 =	vor.u32 v6, v22;
	v46 =	vor.u32 v6, v23;
	[tilespmem:s28+$0x3F0] =	vst v61;
	v30 =	vmul.f32 $8.000000000e+00, v30;
	v28 =	vld.idx.msk [tilespmem:v28+s19+$0x0], $0xffff  }
0x556: {  	v22 =	vor.u32 v7, v22;
	v39 =	vmul.f32 $8.000000000e+00, v49;
	v61 =	vor.u32 v6, v9;
	v27 =	vld.idx.msk [tilespmem:v27+s19+$0x0], $0xffff;
	[tilespmem:s28+$0x1C0] =	vst v53  }
0x557: {  	s1 =	simm.s32 $0x13;
	v60 =	vor.u32 v6, v16;
	v58 =	vor.u32 v5, v13;
	v37 =	vmul.f32 $8.000000000e+00, v37;
	[tilespmem:s28+$0x2C0] =	vst v30;
	v42 =	vld.idx.msk [tilespmem:v54+s19+$0x0], $0xffff  }
0x558: {  	v24 =	vor.u32 v7, v24;
	v33 =	vmov s1;
	s1 =	simm.s32 $0x16;
	[tilespmem:s28+$0xFFFFFC40] =	vst v39;
	v26 =	vmul.f32 $8.000000000e+00, v26;
	v40 =	vld.idx.msk [tilespmem:v56+s19+$0x0], $0xffff  }
0x559: {  	v49 =	vmov s1;
	v48 =	vor.u32 v6, v21;
	v50 =	vmul.f32 $8.000000000e+00, v25;
	[tilespmem:s28+$0xFFFFFCD0] =	vst v37;
	v31 =	vld.idx.msk [tilespmem:v31+s19+$0x0], $0xffff  }
0x55a: {  	v33 =	vand.u32 $0x73, v33;
	v49 =	vand.u32 $0x76, v49;
	v34 =	vmul.f32 $8.000000000e+00, v34;
	[tilespmem:s28+$0xFFFFFF50] =	vst v26;
	v25 =	vld.idx.msk [tilespmem:v46+s19+$0x0], $0xffff  }
0x55b: {  	s31 =	simm.s32 $0x15;
	v16 =	vor.u32 v7, v16;
	v23 =	vor.u32 v7, v23;
	[tilespmem:s28+$0xD0] =	vst v50;
	v38 =	vmul.f32 $8.000000000e+00, v38;
	v35 =	vld.idx.msk [tilespmem:v61+s19+$0x0], $0xffff  }
0x55c: {  	v29 =	vmov s31;
	v63 =	vor.u32 v6, v14;
	[tilespmem:s28+$0xFFFFFFD0] =	vst v34;
	v47 =	vmul.f32 $8.000000000e+00, v47;
	v45 =	vld.idx.msk [tilespmem:v58+s19+$0x0], $0xffff  }
0x55d: {  	v21 =	vor.u32 v7, v21;
	v26 =	vor.u32 v6, v17;
	v28 =	vmul.f32 $8.000000000e+00, v28;
	[tilespmem:s28+$0xFFFFFDD0] =	vst v38;
	v38 =	vld.idx.msk [tilespmem:v62+s19+$0x0], $0xffff  }
0x55e: {  	s1 =	simm.s32 $0x19;
	v14 =	vor.u32 v7, v14;
	v61 =	vor.u32 v6, v12;
	v27 =	vmul.f32 $8.000000000e+00, v27;
	[tilespmem:s28+$0xFFFFFD60] =	vst v47;
	v48 =	vld.idx.msk [tilespmem:v48+s19+$0x0], $0xffff  }
0x55f: {  	v52 =	vmov s1;
	v32 =	vmul.f32 $8.000000000e+00, v32;
	v41 =	vmul.f32 $8.000000000e+00, v41;
	v24 =	vld.idx.msk [tilespmem:v24+s19+$0x0], $0xffff;
	[tilespmem:s28+$0xFFFFFE50] =	vst v28  }
0x560: {  	s30 =	simm.s32 $0x14;
	v9 =	vor.u32 v7, v9;
	v36 =	vmul.f32 $8.000000000e+00, v36;
	v28 =	vor.u32 v6, v19;
	[tilespmem:s28+$0xFFFFFED0] =	vst v27;
	v39 =	vld.idx.msk [tilespmem:v59+s19+$0x0], $0xffff  }
0x561: {  	s1 =	simm.s32 $0x1C;
	v30 =	vmov s30;
	s30 =	simm.s32 $0x17;
	[tilespmem:s28+$0x150] =	vst v41;
	v42 =	vmul.f32 $8.000000000e+00, v42;
	v27 =	vor.u32 v6, v20;
	v37 =	vld.idx.msk [tilespmem:v60+s19+$0x0], $0xffff  }
0x562: {  	s31 =	simm.s32 $0x18;
	v55 =	vmov s1;
	v51 =	vmov s30;
	s30 =	simm.s32 $0x1A;
	[tilespmem:s28+$0x350] =	vst v36;
	v26 =	vld.idx.msk [tilespmem:v26+s19+$0x0], $0xffff;
	v31 =	vmul.f32 $8.000000000e+00, v31  }
0x563: {  	v53 =	vmov s30;
	s30 =	simm.s32 $0x1D;
	v46 =	vmov s31;
	v60 =	vor.u32 v6, v11;
	[tilespmem:s28+$0x1D0] =	vst v42;
	v41 =	vld.idx.msk [tilespmem:v61+s19+$0x0], $0xffff  }
0x564: {  	s31 =	simm.s32 $0x1B;
	v56 =	vmov s30;
	v58 =	vor.u32 v6, v13;
	v57 =	vmul.f32 $8.000000000e+00, v25;
	v34 =	vld.idx.msk [tilespmem:v63+s19+$0x0], $0xffff;
	[tilespmem:s28+$0x50] =	vst v31  }
0x565: {  	[tilespmem:s28+$0x250] =	vst v32;
	v54 =	vmov s31;
	v40 =	vmul.f32 $8.000000000e+00, v40;
	v20 =	vor.u32 v7, v20;
	v28 =	vld.idx.msk [tilespmem:v28+s19+$0x0], $0xffff  }
0x566: {  	s31 =	simm.s32 $0x1E;
	v59 =	vand.u32 $0x74, v30;
	v30 =	vand.u32 $0x77, v51;
	v45 =	vmul.f32 $8.000000000e+00, v45;
	[tilespmem:s28+$0xFFFFFCE0] =	vst v57;
	v27 =	vld.idx.msk [tilespmem:v27+s19+$0x0], $0xffff  }
0x567: {  	v25 =	vmov s31;
	[tilespmem:s28+$0x2D0] =	vst v40;
	v38 =	vmul.f32 $8.000000000e+00, v38;
	v31 =	vor.u32 v6, v10;
	v23 =	vld.idx.msk [tilespmem:v23+s19+$0x0], $0xffff  }
0x568: {  	v35 =	vmul.f32 $8.000000000e+00, v35;
	v40 =	vand.u32 $0x75, v29;
	v48 =	vmul.f32 $8.000000000e+00, v48;
	[tilespmem:s28+$0xFFFFFC50] =	vst v45;
	v62 =	vld.idx.msk [tilespmem:v60+s19+$0x0], $0xffff  }
0x569: {  	v29 =	vand.u32 $0x7A, v53;
	v61 =	vor.u32 v7, v17;
	[tilespmem:s28+$0xFFFFFFE0] =	vst v38;
	v39 =	vmul.f32 $8.000000000e+00, v39;
	v45 =	vld.idx.msk [tilespmem:v58+s19+$0x0], $0xffff  }
0x56a: {  	v42 =	vor.u32 v7, v12;
	v12 =	vbroadcast v59, $0x0;
	v37 =	vmul.f32 $8.000000000e+00, v37;
	[tilespmem:s28+$0xFFFFFDE0] =	vst v48;
	v22 =	vld.idx.msk [tilespmem:v22+s19+$0x0], $0xffff  }
0x56b: {  	v47 =	vmul.f32 $8.000000000e+00, v34;
	v34 =	vld.idx.msk [tilespmem:v21+s19+$0x0], $0xffff;
	[tilespmem:s28+$0xFFFFFE60] =	vst v39;
	v39 =	vor.u32 v7, v19;
	v21 =	vmul.f32 $8.000000000e+00, v41  }
0x56c: {  	[tilespmem:s28+$0xFFFFFF60] =	vst v35;
	v19 =	vmul.f32 $8.000000000e+00, v24;
	v41 =	vor.u32 v7, v11;
	v11 =	vbroadcast v33, $0x0;
	v32 =	vld.idx.msk [tilespmem:v31+s19+$0x0], $0xffff  }
0x56d: {  	[tilespmem:s28+$0xFFFFFEE0] =	vst v37;
	v31 =	vand.u32 $0x78, v46;
	v46 =	vmul.f32 $8.000000000e+00, v26;
	v58 =	vld.idx.msk [tilespmem:v18+s19+$0x0], $0xffff;
	v63 =	vmul.f32 $8.000000000e+00, v28  }
0x56e: {  	v26 =	vand.u32 $0x7C, v55;
	v37 =	vld.idx.msk [tilespmem:v16+s19+$0x0], $0xffff;
	v50 =	vmul.f32 $8.000000000e+00, v27;
	v18 =	vmul.f32 $8.000000000e+00, v23;
	[tilespmem:s28+$0x1E0] =	vst v47  }
0x56f: {  	v60 =	vmul.f32 $8.000000000e+00, v62;
	v17 =	vmul.f32 $8.000000000e+00, v45;
	v62 =	vld.idx.msk [tilespmem:v9+s19+$0x0], $0xffff;
	[tilespmem:s28+$0x60] =	vst v63;
	v63 =	vor.u32 v7, v10  }
0x570: {  	v28 =	vand.u32 $0x79, v52;
	v9 =	vbroadcast v44, $0x0;
	v35 =	vld.idx.msk [tilespmem:v14+s19+$0x0], $0xffff;
	v14 =	vbroadcast v49, $0x0  }
0x571: {  	v27 =	vand.u32 $0x7D, v56;
	v10 =	vbroadcast v43, $0x0;
	[tilespmem:s28+$0xE0] =	vst v50;
	v23 =	vld.idx.msk [tilespmem:v39+s19+$0x0], $0xffff;
	v57 =	vmul.f32 $8.000000000e+00, v32  }
0x572: {  	[tilespmem:s28+$0x160] =	vst v46;
	v16 =	vmul.f32 $8.000000000e+00, v34;
	v33 =	vld.idx.msk [tilespmem:v20+s19+$0x0], $0xffff;
	v39 =	vor.u32 v7, v13;
	v36 =	vor.u32 v0, v9  }
0x573: {  	v34 =	vld.idx.msk [tilespmem:v61+s19+$0x0], $0xffff;
	v13 =	vbroadcast v40, $0x0;
	v32 =	vand.u32 $0x7B, v54;
	v20 =	vmul.f32 $8.000000000e+00, v58;
	[tilespmem:s28+$0x260] =	vst v57  }
0x574: {  	s0 =	simm.s32 $0x20;
	s1 =	simm.s32 $0x1F;
	[tilespmem:s28+$0x2E0] =	vst v60;
	v38 =	vmul.f32 $8.000000000e+00, v37;
	v37 =	vor.u32 v0, v10;
	v43 =	vmul.f32 $8.000000000e+00, v62;
	v40 =	vld.idx.msk [tilespmem:v63+s19+$0x0], $0xffff  }
.LBB2_9:
0x575: {  	p0 =	slt.u32 s0, $0x30;
	v44 =	vor.u32 v0, v11;
	v24 =	vmov s1;
	v45 =	vmul.f32 $8.000000000e+00, v22;
	v41 =	vld.idx.msk [tilespmem:v41+s19+$0x0], $0xffff;
	[tilespmem:s28+$0x360] =	vst v21  }
0x576: {  	v46 =	vor.u32 v0, v12;
	v47 =	vmul.f32 $8.000000000e+00, v23;
	v21 =	vand.u32 $0x7F, v24;
	[tilespmem:s28+$0xFFFFFC60] =	vst v17;
	v42 =	vld.idx.msk [tilespmem:v42+s19+$0x0], $0xffff  }
0x577: {  	v48 =	vor.u32 v0, v13;
	v33 =	vmul.f32 $8.000000000e+00, v33;
	v24 =	vbroadcast v21, $0x0;
	v39 =	vld.idx.msk [tilespmem:v39+s19+$0x0], $0xffff;
	[tilespmem:s28+$0xFFFFFCF0] =	vst v18  }
0x578: {  	v49 =	vor.u32 v0, v14;
	v21 =	vbroadcast v30, $0x0;
	v30 =	vmul.f32 $8.000000000e+00, v34;
	v36 =	vld.idx.msk [tilespmem:v36+s19+$0x0], $0xffff;
	[tilespmem:s28+$0xFFFFFD70] =	vst v19  }
0x579: {  	v17 =	vbroadcast v31, $0x0;
	v35 =	vmul.f32 $8.000000000e+00, v35;
	v34 =	vld.idx.msk [tilespmem:v37+s19+$0x0], $0xffff;
	v31 =	vor.u32 v0, v24;
	[tilespmem:s28+$0xFFFFFDF0] =	vst v16  }
0x57a: {  	v22 =	vbroadcast v28, $0x0;
	v28 =	vmul.f32 $8.000000000e+00, v40;
	v37 =	vld.idx.msk [tilespmem:v44+s19+$0x0], $0xffff;
	v44 =	vor.u32 v0, v21;
	[tilespmem:s28+$0xFFFFFE70] =	vst v20  }
0x57b: {  	v23 =	vbroadcast v29, $0x0;
	v29 =	vmul.f32 $8.000000000e+00, v41;
	v40 =	vld.idx.msk [tilespmem:v46+s19+$0x0], $0xffff;
	v46 =	vor.u32 v0, v17;
	[tilespmem:s28+$0xFFFFFEF0] =	vst v38  }
0x57c: {  	v18 =	vbroadcast v32, $0x0;
	v41 =	vor.u32 v0, v22;
	v32 =	vmul.f32 $8.000000000e+00, v42;
	v38 =	vld.idx.msk [tilespmem:v48+s19+$0x0], $0xffff;
	[tilespmem:s28+$0xFFFFFF70] =	vst v43  }
0x57d: {  	v19 =	vbroadcast v26, $0x0;
	v43 =	vor.u32 v0, v23;
	v26 =	vmul.f32 $8.000000000e+00, v39;
	v42 =	vld.idx.msk [tilespmem:v49+s19+$0x0], $0xffff;
	[tilespmem:s28+$0xFFFFFFF0] =	vst v45  }
0x57e: {  	v16 =	vbroadcast v27, $0x0;
	v20 =	vand.u32 $0x7E, v25;
	v39 =	vor.u32 v0, v18;
	v25 =	vld.idx.msk [tilespmem:v31+s19+$0x0], $0xffff;
	[tilespmem:s28+$0x70] =	vst v47  }
0x57f: {  	v20 =	vbroadcast v20, $0x0;
	v31 =	vor.u32 v0, v19;
	v27 =	vld.idx.msk [tilespmem:v44+s19+$0x0], $0xffff;
	[tilespmem:s28+$0xF0] =	vst v33  }
0x580: {  	v44 =	vor.u32 v0, v16;
	v33 =	vld.idx.msk [tilespmem:v46+s19+$0x0], $0xffff;
	[tilespmem:s28+$0x170] =	vst v30  }
0x581: {  	v30 =	vld.idx.msk [tilespmem:v41+s19+$0x0], $0xffff;
	v41 =	vor.u32 v0, v20;
	[tilespmem:s28+$0x1F0] =	vst v35  }
0x582: {  	v35 =	vld.idx.msk [tilespmem:v43+s19+$0x0], $0xffff;
	v43 =	vor.u32 v1, v24;
	[tilespmem:s28+$0x270] =	vst v28  }
0x583: {  	v28 =	vor.u32 v1, v9;
	v39 =	vld.idx.msk [tilespmem:v39+s19+$0x0], $0xffff;
	[tilespmem:s28+$0x2F0] =	vst v29  }
0x584: {  	v29 =	vor.u32 v1, v10;
	v25 =	vmul.f32 $8.000000000e+00, v25;
	v31 =	vld.idx.msk [tilespmem:v31+s19+$0x0], $0xffff;
	[tilespmem:s28+$0x370] =	vst v32  }
0x585: {  	v32 =	vmul.f32 $8.000000000e+00, v36;
	v36 =	vor.u32 v1, v11;
	v44 =	vld.idx.msk [tilespmem:v44+s19+$0x0], $0xffff;
	[tilespmem:s28+$0xFFFFFC70] =	vst v26;
	s28 =	sadd.s32 $0x800, s28  }
0x586: {  	v26 =	vmul.f32 $8.000000000e+00, v34;
	v34 =	vor.u32 v1, v12;
	v41 =	vld.idx.msk [tilespmem:v41+s19+$0x0], $0xffff;
	[tilespmem:s28+$0x380] =	vst v25  }
0x587: {  	v25 =	vmul.f32 $8.000000000e+00, v37;
	[tilespmem:s28+$0xFFFFFC80] =	vst v32;
	v32 =	vor.u32 v1, v13;
	v37 =	vld.idx.msk [tilespmem:v43+s19+$0x0], $0xffff  }
0x588: {  	v28 =	vld.idx.msk [tilespmem:v28+s19+$0x0], $0xffff;
	[tilespmem:s28+$0xFFFFFD00] =	vst v26;
	v26 =	vmul.f32 $8.000000000e+00, v40;
	v40 =	vor.u32 v1, v14  }
0x589: {  	v29 =	vld.idx.msk [tilespmem:v29+s19+$0x0], $0xffff;
	[tilespmem:s28+$0xFFFFFD80] =	vst v25;
	v25 =	vmul.f32 $8.000000000e+00, v38;
	v38 =	vor.u32 v1, v21  }
0x58a: {  	v36 =	vld.idx.msk [tilespmem:v36+s19+$0x0], $0xffff;
	[tilespmem:s28+$0xFFFFFE00] =	vst v26;
	v26 =	vmul.f32 $8.000000000e+00, v42;
	v42 =	vor.u32 v1, v17  }
0x58b: {  	v34 =	vld.idx.msk [tilespmem:v34+s19+$0x0], $0xffff;
	[tilespmem:s28+$0xFFFFFE80] =	vst v25;
	v25 =	vmul.f32 $8.000000000e+00, v27;
	v27 =	vor.u32 v2, v24  }
0x58c: {  	v32 =	vld.idx.msk [tilespmem:v32+s19+$0x0], $0xffff;
	[tilespmem:s28+$0xFFFFFF00] =	vst v26;
	v26 =	vmul.f32 $8.000000000e+00, v33;
	v33 =	vor.u32 v1, v22  }
0x58d: {  	v37 =	vmul.f32 $8.000000000e+00, v37;
	v40 =	vld.idx.msk [tilespmem:v40+s19+$0x0], $0xffff;
	[tilespmem:s28+$0xFFFFFF80] =	vst v25;
	v25 =	vor.u32 v1, v23  }
0x58e: {  	v28 =	vmul.f32 $8.000000000e+00, v28;
	v38 =	vld.idx.msk [tilespmem:v38+s19+$0x0], $0xffff;
	[tilespmem:s28+$0x0] =	vst v26;
	v26 =	vmul.f32 $8.000000000e+00, v30;
	v30 =	vor.u32 v1, v18  }
0x58f: {  	v35 =	vmul.f32 $8.000000000e+00, v35;
	v43 =	vor.u32 v1, v19;
	v29 =	vmul.f32 $8.000000000e+00, v29;
	v42 =	vld.idx.msk [tilespmem:v42+s19+$0x0], $0xffff;
	[tilespmem:s28+$0x390] =	vst v37  }
0x590: {  	v36 =	vmul.f32 $8.000000000e+00, v36;
	v37 =	vor.u32 v1, v16;
	[tilespmem:s28+$0x80] =	vst v26;
	v26 =	vmul.f32 $8.000000000e+00, v39;
	v27 =	vld.idx.msk [tilespmem:v27+s19+$0x0], $0xffff  }
0x591: {  	v31 =	vmul.f32 $8.000000000e+00, v31;
	v34 =	vmul.f32 $8.000000000e+00, v34;
	v33 =	vld.idx.msk [tilespmem:v33+s19+$0x0], $0xffff;
	[tilespmem:s28+$0x100] =	vst v35;
	v35 =	vor.u32 v1, v20  }
0x592: {  	v39 =	vor.u32 v1, v8;
	v32 =	vmul.f32 $8.000000000e+00, v32;
	v25 =	vld.idx.msk [tilespmem:v25+s19+$0x0], $0xffff;
	[tilespmem:s28+$0x180] =	vst v26;
	v26 =	vmul.f32 $8.000000000e+00, v44  }
0x593: {  	v44 =	vor.u32 v2, v9;
	v40 =	vmul.f32 $8.000000000e+00, v40;
	v30 =	vld.idx.msk [tilespmem:v30+s19+$0x0], $0xffff;
	[tilespmem:s28+$0x200] =	vst v31;
	v31 =	vmul.f32 $8.000000000e+00, v41  }
0x594: {  	v15 =	vmul.f32 $8.000000000e+00, v15;
	v38 =	vmul.f32 $8.000000000e+00, v38;
	v41 =	vld.idx.msk [tilespmem:v43+s19+$0x0], $0xffff;
	[tilespmem:s28+$0x280] =	vst v26;
	v26 =	vor.u32 v3, v24  }
0x595: {  	v43 =	vor.u32 v2, v10;
	v42 =	vmul.f32 $8.000000000e+00, v42;
	v37 =	vld.idx.msk [tilespmem:v37+s19+$0x0], $0xffff;
	[tilespmem:s28+$0x300] =	vst v31  }
0x596: {  	v27 =	vmul.f32 $8.000000000e+00, v27;
	[tilespmem:s28+$0xFFFFFC00] =	vst v15;
	v15 =	vor.u32 v2, v11;
	v31 =	vld.idx.msk [tilespmem:v35+s19+$0x0], $0xffff  }
0x597: {  	v33 =	vmul.f32 $8.000000000e+00, v33;
	v35 =	vld.idx.msk [tilespmem:v39+s19+$0x0], $0xffff;
	[tilespmem:s28+$0xFFFFFC90] =	vst v28;
	v28 =	vor.u32 v2, v12  }
0x598: {  	v25 =	vmul.f32 $8.000000000e+00, v25;
	v39 =	vld.idx.msk [tilespmem:v44+s19+$0x0], $0xffff;
	v44 =	vor.u32 v2, v13;
	[tilespmem:s28+$0x3A0] =	vst v27  }
0x599: {  	v27 =	vor.u32 v2, v14;
	[tilespmem:s28+$0xFFFFFD10] =	vst v29;
	v29 =	vmul.f32 $8.000000000e+00, v30;
	v26 =	vld.idx.msk [tilespmem:v26+s19+$0x0], $0xffff  }
0x59a: {  	v41 =	vmul.f32 $8.000000000e+00, v41;
	v30 =	vld.idx.msk [tilespmem:v43+s19+$0x0], $0xffff;
	[tilespmem:s28+$0xFFFFFD90] =	vst v36;
	v36 =	vor.u32 v2, v21  }
0x59b: {  	v37 =	vmul.f32 $8.000000000e+00, v37;
	v15 =	vld.idx.msk [tilespmem:v15+s19+$0x0], $0xffff;
	[tilespmem:s28+$0xFFFFFE10] =	vst v34;
	v34 =	vor.u32 v2, v17  }
0x59c: {  	v31 =	vmul.f32 $8.000000000e+00, v31;
	v28 =	vld.idx.msk [tilespmem:v28+s19+$0x0], $0xffff;
	[tilespmem:s28+$0xFFFFFE90] =	vst v32;
	v32 =	vor.u32 v2, v22  }
0x59d: {  	v35 =	vmul.f32 $8.000000000e+00, v35;
	v43 =	vld.idx.msk [tilespmem:v44+s19+$0x0], $0xffff;
	[tilespmem:s28+$0xFFFFFF10] =	vst v40;
	v40 =	vor.u32 v4, v24  }
0x59e: {  	v39 =	vmul.f32 $8.000000000e+00, v39;
	v27 =	vld.idx.msk [tilespmem:v27+s19+$0x0], $0xffff;
	[tilespmem:s28+$0xFFFFFF90] =	vst v38;
	v38 =	vor.u32 v2, v23  }
0x59f: {  	v26 =	vmul.f32 $8.000000000e+00, v26;
	v36 =	vld.idx.msk [tilespmem:v36+s19+$0x0], $0xffff;
	[tilespmem:s28+$0x10] =	vst v42;
	v42 =	vor.u32 v2, v18  }
0x5a0: {  	v30 =	vmul.f32 $8.000000000e+00, v30;
	v34 =	vld.idx.msk [tilespmem:v34+s19+$0x0], $0xffff;
	[tilespmem:s28+$0x90] =	vst v33;
	v33 =	vor.u32 v2, v19  }
0x5a1: {  	v44 =	vor.u32 v2, v16;
	v15 =	vmul.f32 $8.000000000e+00, v15;
	v32 =	vld.idx.msk [tilespmem:v32+s19+$0x0], $0xffff;
	[tilespmem:s28+$0x3B0] =	vst v26  }
0x5a2: {  	v26 =	vmul.f32 $8.000000000e+00, v28;
	[tilespmem:s28+$0x110] =	vst v25;
	v25 =	vor.u32 v2, v20;
	v28 =	vld.idx.msk [tilespmem:v40+s19+$0x0], $0xffff  }
0x5a3: {  	v40 =	vor.u32 v2, v8;
	v43 =	vmul.f32 $8.000000000e+00, v43;
	v38 =	vld.idx.msk [tilespmem:v38+s19+$0x0], $0xffff;
	[tilespmem:s28+$0x190] =	vst v29  }
0x5a4: {  	v29 =	vor.u32 v3, v9;
	v27 =	vmul.f32 $8.000000000e+00, v27;
	v42 =	vld.idx.msk [tilespmem:v42+s19+$0x0], $0xffff;
	[tilespmem:s28+$0x210] =	vst v41  }
0x5a5: {  	v41 =	vor.u32 v3, v10;
	v36 =	vmul.f32 $8.000000000e+00, v36;
	v33 =	vld.idx.msk [tilespmem:v33+s19+$0x0], $0xffff;
	[tilespmem:s28+$0x290] =	vst v37  }
0x5a6: {  	v34 =	vmul.f32 $8.000000000e+00, v34;
	v37 =	vld.idx.msk [tilespmem:v44+s19+$0x0], $0xffff;
	[tilespmem:s28+$0x310] =	vst v31;
	v31 =	vor.u32 v5, v24  }
0x5a7: {  	v32 =	vmul.f32 $8.000000000e+00, v32;
	[tilespmem:s28+$0xFFFFFC10] =	vst v35;
	v35 =	vor.u32 v3, v11;
	v25 =	vld.idx.msk [tilespmem:v25+s19+$0x0], $0xffff  }
0x5a8: {  	v28 =	vmul.f32 $8.000000000e+00, v28;
	v40 =	vld.idx.msk [tilespmem:v40+s19+$0x0], $0xffff;
	[tilespmem:s28+$0xFFFFFCA0] =	vst v39;
	v39 =	vor.u32 v3, v12  }
0x5a9: {  	v38 =	vmul.f32 $8.000000000e+00, v38;
	v29 =	vld.idx.msk [tilespmem:v29+s19+$0x0], $0xffff;
	[tilespmem:s28+$0xFFFFFD20] =	vst v30;
	v30 =	vor.u32 v3, v13  }
0x5aa: {  	v44 =	vor.u32 v3, v14;
	v42 =	vmul.f32 $8.000000000e+00, v42;
	v41 =	vld.idx.msk [tilespmem:v41+s19+$0x0], $0xffff;
	[tilespmem:s28+$0x3C0] =	vst v28  }
0x5ab: {  	v28 =	vmul.f32 $8.000000000e+00, v33;
	[tilespmem:s28+$0xFFFFFDA0] =	vst v15;
	v15 =	vor.u32 v3, v21;
	v31 =	vld.idx.msk [tilespmem:v31+s19+$0x0], $0xffff  }
0x5ac: {  	v33 =	vld.idx.msk [tilespmem:v35+s19+$0x0], $0xffff;
	[tilespmem:s28+$0xFFFFFE20] =	vst v26;
	v26 =	vor.u32 v3, v17;
	v35 =	vmul.f32 $8.000000000e+00, v37  }
0x5ad: {  	v25 =	vmul.f32 $8.000000000e+00, v25;
	v37 =	vld.idx.msk [tilespmem:v39+s19+$0x0], $0xffff;
	[tilespmem:s28+$0xFFFFFEA0] =	vst v43;
	v39 =	vor.u32 v3, v22  }
0x5ae: {  	v40 =	vmul.f32 $8.000000000e+00, v40;
	v30 =	vld.idx.msk [tilespmem:v30+s19+$0x0], $0xffff;
	[tilespmem:s28+$0xFFFFFF20] =	vst v27;
	v27 =	vor.u32 v3, v23  }
0x5af: {  	v29 =	vmul.f32 $8.000000000e+00, v29;
	v43 =	vld.idx.msk [tilespmem:v44+s19+$0x0], $0xffff;
	[tilespmem:s28+$0xFFFFFFA0] =	vst v36;
	v36 =	vor.u32 v6, v24  }
0x5b0: {  	v41 =	vmul.f32 $8.000000000e+00, v41;
	v15 =	vld.idx.msk [tilespmem:v15+s19+$0x0], $0xffff;
	[tilespmem:s28+$0x20] =	vst v34;
	v34 =	vor.u32 v3, v18  }
0x5b1: {  	v31 =	vmul.f32 $8.000000000e+00, v31;
	v26 =	vld.idx.msk [tilespmem:v26+s19+$0x0], $0xffff;
	[tilespmem:s28+$0xA0] =	vst v32;
	v32 =	vor.u32 v3, v19  }
0x5b2: {  	v33 =	vmul.f32 $8.000000000e+00, v33;
	v39 =	vld.idx.msk [tilespmem:v39+s19+$0x0], $0xffff;
	[tilespmem:s28+$0x120] =	vst v38;
	v38 =	vor.u32 v3, v16  }
0x5b3: {  	v44 =	vor.u32 v3, v20;
	v37 =	vmul.f32 $8.000000000e+00, v37;
	v27 =	vld.idx.msk [tilespmem:v27+s19+$0x0], $0xffff;
	[tilespmem:s28+$0x3D0] =	vst v31  }
0x5b4: {  	v31 =	vor.u32 v3, v8;
	v30 =	vmul.f32 $8.000000000e+00, v30;
	[tilespmem:s28+$0x1A0] =	vst v42;
	v36 =	vld.idx.msk [tilespmem:v36+s19+$0x0], $0xffff  }
0x5b5: {  	v42 =	vor.u32 v4, v9;
	v43 =	vmul.f32 $8.000000000e+00, v43;
	v34 =	vld.idx.msk [tilespmem:v34+s19+$0x0], $0xffff;
	[tilespmem:s28+$0x220] =	vst v28  }
0x5b6: {  	v28 =	vor.u32 v4, v10;
	v15 =	vmul.f32 $8.000000000e+00, v15;
	v32 =	vld.idx.msk [tilespmem:v32+s19+$0x0], $0xffff;
	[tilespmem:s28+$0x2A0] =	vst v35  }
0x5b7: {  	v35 =	vor.u32 v4, v11;
	v26 =	vmul.f32 $8.000000000e+00, v26;
	v38 =	vld.idx.msk [tilespmem:v38+s19+$0x0], $0xffff;
	[tilespmem:s28+$0x320] =	vst v25  }
0x5b8: {  	v24 =	vor.u32 v7, v24;
	v25 =	vmul.f32 $8.000000000e+00, v39;
	[tilespmem:s28+$0xFFFFFC20] =	vst v40;
	v39 =	vld.idx.msk [tilespmem:v44+s19+$0x0], $0xffff  }
0x5b9: {  	v27 =	vmul.f32 $8.000000000e+00, v27;
	v31 =	vld.idx.msk [tilespmem:v31+s19+$0x0], $0xffff;
	[tilespmem:s28+$0xFFFFFCB0] =	vst v29;
	v29 =	vor.u32 v4, v12  }
0x5ba: {  	v36 =	vmul.f32 $8.000000000e+00, v36;
	v40 =	vld.idx.msk [tilespmem:v42+s19+$0x0], $0xffff;
	[tilespmem:s28+$0xFFFFFD30] =	vst v41;
	v41 =	vor.u32 v4, v13  }
0x5bb: {  	v34 =	vmul.f32 $8.000000000e+00, v34;
	v28 =	vld.idx.msk [tilespmem:v28+s19+$0x0], $0xffff;
	[tilespmem:s28+$0xFFFFFDB0] =	vst v33;
	v33 =	vor.u32 v4, v14  }
0x5bc: {  	v42 =	vor.u32 v4, v21;
	v32 =	vmul.f32 $8.000000000e+00, v32;
	v35 =	vld.idx.msk [tilespmem:v35+s19+$0x0], $0xffff;
	[tilespmem:s28+$0x3E0] =	vst v36  }
0x5bd: {  	v36 =	vmov s0;
	v38 =	vmul.f32 $8.000000000e+00, v38;
	[tilespmem:s28+$0xFFFFFE30] =	vst v37;
	v37 =	vor.u32 v4, v17;
	v44 =	vld.idx.msk [tilespmem:v24+s19+$0x0], $0xffff  }
0x5be: {  	v24 =	vand.u32 $0x70, v36;
	v36 =	vmul.f32 $8.000000000e+00, v39;
	v29 =	vld.idx.msk [tilespmem:v29+s19+$0x0], $0xffff;
	[tilespmem:s28+$0xFFFFFEB0] =	vst v30;
	v30 =	vor.u32 v4, v22  }
0x5bf: {  	v24 =	vbroadcast v24, $0x0;
	v31 =	vmul.f32 $8.000000000e+00, v31;
	v39 =	vld.idx.msk [tilespmem:v41+s19+$0x0], $0xffff;
	[tilespmem:s28+$0xFFFFFF30] =	vst v43;
	v41 =	vor.u32 v4, v23  }
0x5c0: {  	v40 =	vmul.f32 $8.000000000e+00, v40;
	v33 =	vld.idx.msk [tilespmem:v33+s19+$0x0], $0xffff;
	[tilespmem:s28+$0xFFFFFFB0] =	vst v15;
	v15 =	vor.u32 v4, v18  }
0x5c1: {  	v43 =	vor.u32 v0, v24;
	v28 =	vmul.f32 $8.000000000e+00, v28;
	v42 =	vld.idx.msk [tilespmem:v42+s19+$0x0], $0xffff;
	[tilespmem:s28+$0x30] =	vst v26  }
0x5c2: {  	v26 =	vmul.f32 $8.000000000e+00, v35;
	v35 =	vld.idx.msk [tilespmem:v37+s19+$0x0], $0xffff;
	[tilespmem:s28+$0xB0] =	vst v25;
	v25 =	vor.u32 v4, v19  }
0x5c3: {  	v37 =	vmul.f32 $8.000000000e+00, v44;
	v30 =	vld.idx.msk [tilespmem:v30+s19+$0x0], $0xffff;
	[tilespmem:s28+$0x130] =	vst v27;
	v27 =	vor.u32 v4, v16  }
0x5c4: {  	v29 =	vmul.f32 $8.000000000e+00, v29;
	v41 =	vld.idx.msk [tilespmem:v41+s19+$0x0], $0xffff;
	[tilespmem:s28+$0x1B0] =	vst v34;
	v34 =	vor.u32 v4, v20  }
0x5c5: {  	v44 =	vor.u32 v4, v8;
	v39 =	vmul.f32 $8.000000000e+00, v39;
	v45 =	vld.idx.msk [tilespmem:v15+s19+$0x0], $0xffff;
	[tilespmem:s28+$0x3F0] =	vst v37  }
0x5c6: {  	v37 =	vor.u32 v5, v9;
	v33 =	vmul.f32 $8.000000000e+00, v33;
	v15 =	vld.idx.msk [tilespmem:v43+s19+$0x0], $0xffff;
	[tilespmem:s28+$0x230] =	vst v32  }
0x5c7: {  	v32 =	vor.u32 v5, v10;
	v42 =	vmul.f32 $8.000000000e+00, v42;
	v25 =	vld.idx.msk [tilespmem:v25+s19+$0x0], $0xffff;
	[tilespmem:s28+$0x2B0] =	vst v38  }
0x5c8: {  	v38 =	vor.u32 v5, v11;
	v35 =	vmul.f32 $8.000000000e+00, v35;
	v27 =	vld.idx.msk [tilespmem:v27+s19+$0x0], $0xffff;
	[tilespmem:s28+$0x330] =	vst v36  }
0x5c9: {  	v30 =	vmul.f32 $8.000000000e+00, v30;
	[tilespmem:s28+$0xFFFFFC30] =	vst v31;
	v31 =	vor.u32 v5, v12;
	v34 =	vld.idx.msk [tilespmem:v34+s19+$0x0], $0xffff  }
0x5ca: {  	v41 =	vmul.f32 $8.000000000e+00, v41;
	v36 =	vld.idx.msk [tilespmem:v44+s19+$0x0], $0xffff;
	[tilespmem:s28+$0xFFFFFCC0] =	vst v40;
	v40 =	vor.u32 v5, v13  }
0x5cb: {  	v43 =	vmul.f32 $8.000000000e+00, v45;
	v37 =	vld.idx.msk [tilespmem:v37+s19+$0x0], $0xffff;
	[tilespmem:s28+$0xFFFFFD40] =	vst v28;
	v28 =	vor.u32 v5, v14  }
0x5cc: {  	v32 =	vld.idx.msk [tilespmem:v32+s19+$0x0], $0xffff;
	[tilespmem:s28+$0xFFFFFDC0] =	vst v26;
	v26 =	vor.u32 v5, v21  }
0x5cd: {  	v25 =	vmul.f32 $8.000000000e+00, v25;
	v38 =	vld.idx.msk [tilespmem:v38+s19+$0x0], $0xffff;
	[tilespmem:s28+$0xFFFFFE40] =	vst v29;
	v29 =	vor.u32 v5, v17  }
0x5ce: {  	v27 =	vmul.f32 $8.000000000e+00, v27;
	v31 =	vld.idx.msk [tilespmem:v31+s19+$0x0], $0xffff;
	[tilespmem:s28+$0xFFFFFEC0] =	vst v39;
	v39 =	vor.u32 v5, v22  }
0x5cf: {  	v34 =	vmul.f32 $8.000000000e+00, v34;
	v40 =	vld.idx.msk [tilespmem:v40+s19+$0x0], $0xffff;
	[tilespmem:s28+$0xFFFFFF40] =	vst v33;
	v33 =	vor.u32 v5, v23  }
0x5d0: {  	v36 =	vmul.f32 $8.000000000e+00, v36;
	v28 =	vld.idx.msk [tilespmem:v28+s19+$0x0], $0xffff;
	[tilespmem:s28+$0xFFFFFFC0] =	vst v42;
	v42 =	vor.u32 v5, v18  }
0x5d1: {  	v37 =	vmul.f32 $8.000000000e+00, v37;
	v26 =	vld.idx.msk [tilespmem:v26+s19+$0x0], $0xffff;
	[tilespmem:s28+$0x40] =	vst v35;
	v35 =	vor.u32 v5, v19  }
0x5d2: {  	v32 =	vmul.f32 $8.000000000e+00, v32;
	v29 =	vld.idx.msk [tilespmem:v29+s19+$0x0], $0xffff;
	[tilespmem:s28+$0xC0] =	vst v30;
	v30 =	vor.u32 v5, v16  }
0x5d3: {  	s1 =	sadd.s32 $0x1, s0;
	v38 =	vmul.f32 $8.000000000e+00, v38;
	v39 =	vld.idx.msk [tilespmem:v39+s19+$0x0], $0xffff;
	[tilespmem:s28+$0x140] =	vst v41;
	v41 =	vor.u32 v5, v20  }
0x5d4: {  	v44 =	vmov s1;
	s1 =	sadd.s32 $0x2, s0;
	v45 =	vor.u32 v5, v8;
	v31 =	vmul.f32 $8.000000000e+00, v31;
	v33 =	vld.idx.msk [tilespmem:v33+s19+$0x0], $0xffff;
	[tilespmem:s28+$0x1C0] =	vst v43  }
0x5d5: {  	v46 =	vor.u32 v6, v9;
	v43 =	vmov s1;
	s1 =	sadd.s32 $0x3, s0;
	v40 =	vmul.f32 $8.000000000e+00, v40;
	v42 =	vld.idx.msk [tilespmem:v42+s19+$0x0], $0xffff;
	[tilespmem:s28+$0x240] =	vst v25  }
0x5d6: {  	v47 =	vmov s1;
	s1 =	sadd.s32 $0x4, s0;
	v25 =	vor.u32 v6, v10;
	v28 =	vmul.f32 $8.000000000e+00, v28;
	v35 =	vld.idx.msk [tilespmem:v35+s19+$0x0], $0xffff;
	[tilespmem:s28+$0x2C0] =	vst v27  }
0x5d7: {  	v48 =	vor.u32 v6, v11;
	v27 =	vmov s1;
	s1 =	sadd.s32 $0x5, s0;
	v26 =	vmul.f32 $8.000000000e+00, v26;
	v30 =	vld.idx.msk [tilespmem:v30+s19+$0x0], $0xffff;
	[tilespmem:s28+$0x340] =	vst v34  }
0x5d8: {  	v34 =	vmov s1;
	s1 =	sadd.s32 $0x6, s0;
	v29 =	vmul.f32 $8.000000000e+00, v29;
	[tilespmem:s28+$0xFFFFFC40] =	vst v36;
	v36 =	vor.u32 v6, v12;
	v41 =	vld.idx.msk [tilespmem:v41+s19+$0x0], $0xffff  }
0x5d9: {  	v49 =	vmov s1;
	s1 =	sadd.s32 $0x7, s0;
	v39 =	vmul.f32 $8.000000000e+00, v39;
	v45 =	vld.idx.msk [tilespmem:v45+s19+$0x0], $0xffff;
	[tilespmem:s28+$0xFFFFFCD0] =	vst v37;
	v37 =	vor.u32 v6, v13  }
0x5da: {  	v50 =	vmov s1;
	s1 =	sadd.s32 $0x8, s0;
	v33 =	vmul.f32 $8.000000000e+00, v33;
	v46 =	vld.idx.msk [tilespmem:v46+s19+$0x0], $0xffff;
	[tilespmem:s28+$0xFFFFFD50] =	vst v32;
	v32 =	vor.u32 v6, v14  }
0x5db: {  	v51 =	vmov s1;
	s1 =	sadd.s32 $0x9, s0;
	v52 =	vld.idx.msk [tilespmem:v25+s19+$0x0], $0xffff;
	[tilespmem:s28+$0xFFFFFDD0] =	vst v38;
	v25 =	vor.u32 v6, v21;
	v38 =	vmul.f32 $8.000000000e+00, v42  }
0x5dc: {  	v42 =	vmov s1;
	s1 =	sadd.s32 $0xA, s0;
	v35 =	vmul.f32 $8.000000000e+00, v35;
	v48 =	vld.idx.msk [tilespmem:v48+s19+$0x0], $0xffff;
	[tilespmem:s28+$0xFFFFFE50] =	vst v31;
	v31 =	vor.u32 v6, v17  }
0x5dd: {  	v53 =	vmov s1;
	s1 =	sadd.s32 $0xB, s0;
	v30 =	vmul.f32 $8.000000000e+00, v30;
	v36 =	vld.idx.msk [tilespmem:v36+s19+$0x0], $0xffff;
	[tilespmem:s28+$0xFFFFFED0] =	vst v40;
	v40 =	vor.u32 v6, v22  }
0x5de: {  	v54 =	vmov s1;
	s1 =	sadd.s32 $0xC, s0;
	v41 =	vmul.f32 $8.000000000e+00, v41;
	v37 =	vld.idx.msk [tilespmem:v37+s19+$0x0], $0xffff;
	[tilespmem:s28+$0xFFFFFF50] =	vst v28;
	v28 =	vor.u32 v6, v23  }
0x5df: {  	v55 =	vmov s1;
	s1 =	sadd.s32 $0xD, s0;
	v45 =	vmul.f32 $8.000000000e+00, v45;
	v32 =	vld.idx.msk [tilespmem:v32+s19+$0x0], $0xffff;
	[tilespmem:s28+$0xFFFFFFD0] =	vst v26;
	v26 =	vor.u32 v6, v18  }
0x5e0: {  	v56 =	vmov s1;
	s1 =	sadd.s32 $0xE, s0;
	v46 =	vmul.f32 $8.000000000e+00, v46;
	v57 =	vld.idx.msk [tilespmem:v25+s19+$0x0], $0xffff;
	[tilespmem:s28+$0x50] =	vst v29;
	v29 =	vor.u32 v6, v19  }
0x5e1: {  	v25 =	vmov s1;
	v52 =	vmul.f32 $8.000000000e+00, v52;
	v31 =	vld.idx.msk [tilespmem:v31+s19+$0x0], $0xffff;
	[tilespmem:s28+$0xD0] =	vst v39;
	v39 =	vor.u32 v6, v16  }
0x5e2: {  	v44 =	vand.u32 $0x71, v44;
	v48 =	vmul.f32 $8.000000000e+00, v48;
	v40 =	vld.idx.msk [tilespmem:v40+s19+$0x0], $0xffff;
	[tilespmem:s28+$0x150] =	vst v33;
	v33 =	vor.u32 v6, v20  }
0x5e3: {  	v58 =	vor.u32 v6, v8;
	v43 =	vand.u32 $0x72, v43;
	v36 =	vmul.f32 $8.000000000e+00, v36;
	v28 =	vld.idx.msk [tilespmem:v28+s19+$0x0], $0xffff;
	[tilespmem:s28+$0x1D0] =	vst v38  }
0x5e4: {  	v9 =	vor.u32 v7, v9;
	v38 =	vand.u32 $0x73, v47;
	v37 =	vmul.f32 $8.000000000e+00, v37;
	v26 =	vld.idx.msk [tilespmem:v26+s19+$0x0], $0xffff;
	[tilespmem:s28+$0x250] =	vst v35  }
0x5e5: {  	v10 =	vor.u32 v7, v10;
	v35 =	vand.u32 $0x74, v27;
	v27 =	vmul.f32 $8.000000000e+00, v32;
	v32 =	vld.idx.msk [tilespmem:v29+s19+$0x0], $0xffff;
	[tilespmem:s28+$0x2D0] =	vst v30  }
0x5e6: {  	v11 =	vor.u32 v7, v11;
	v47 =	vand.u32 $0x75, v34;
	v34 =	vmul.f32 $8.000000000e+00, v57;
	v39 =	vld.idx.msk [tilespmem:v39+s19+$0x0], $0xffff;
	[tilespmem:s28+$0x350] =	vst v41  }
0x5e7: {  	v12 =	vor.u32 v7, v12;
	v49 =	vand.u32 $0x76, v49;
	v41 =	vmul.f32 $8.000000000e+00, v31;
	[tilespmem:s28+$0xFFFFFC50] =	vst v45;
	v33 =	vld.idx.msk [tilespmem:v33+s19+$0x0], $0xffff  }
0x5e8: {  	v13 =	vor.u32 v7, v13;
	v30 =	vand.u32 $0x77, v50;
	v40 =	vmul.f32 $8.000000000e+00, v40;
	v45 =	vld.idx.msk [tilespmem:v58+s19+$0x0], $0xffff;
	[tilespmem:s28+$0xFFFFFCE0] =	vst v46  }
0x5e9: {  	v31 =	vand.u32 $0x78, v51;
	v46 =	vld.idx.msk [tilespmem:v9+s19+$0x0], $0xffff;
	[tilespmem:s28+$0xFFFFFD60] =	vst v52;
	v9 =	vor.u32 v7, v14;
	v14 =	vmul.f32 $8.000000000e+00, v28  }
0x5ea: {  	v28 =	vand.u32 $0x79, v42;
	v42 =	vld.idx.msk [tilespmem:v10+s19+$0x0], $0xffff;
	[tilespmem:s28+$0xFFFFFDE0] =	vst v48;
	v10 =	vor.u32 v7, v21;
	v48 =	vmul.f32 $8.000000000e+00, v26  }
0x5eb: {  	v29 =	vand.u32 $0x7A, v53;
	v51 =	vmul.f32 $8.000000000e+00, v32;
	v50 =	vld.idx.msk [tilespmem:v11+s19+$0x0], $0xffff;
	[tilespmem:s28+$0xFFFFFE60] =	vst v36;
	v11 =	vor.u32 v7, v17  }
0x5ec: {  	v32 =	vand.u32 $0x7B, v54;
	v52 =	vmul.f32 $8.000000000e+00, v39;
	v36 =	vld.idx.msk [tilespmem:v12+s19+$0x0], $0xffff;
	[tilespmem:s28+$0xFFFFFEE0] =	vst v37;
	v12 =	vor.u32 v7, v22  }
0x5ed: {  	v26 =	vand.u32 $0x7C, v55;
	v21 =	vmul.f32 $8.000000000e+00, v33;
	v37 =	vld.idx.msk [tilespmem:v13+s19+$0x0], $0xffff;
	[tilespmem:s28+$0xFFFFFF60] =	vst v27;
	v13 =	vor.u32 v7, v23  }
0x5ee: {  	v53 =	vor.u32 v7, v18;
	v27 =	vand.u32 $0x7D, v56;
	v17 =	vmul.f32 $8.000000000e+00, v45;
	v45 =	vld.idx.msk [tilespmem:v9+s19+$0x0], $0xffff;
	[tilespmem:s28+$0xFFFFFFE0] =	vst v34  }
0x5ef: {  	v9 =	vbroadcast v44, $0x0;
	v18 =	vmul.f32 $8.000000000e+00, v46;
	v44 =	vor.u32 v7, v19;
	v22 =	vld.idx.msk [tilespmem:v10+s19+$0x0], $0xffff;
	[tilespmem:s28+$0x60] =	vst v41  }
.Ltmp3:
0x5f0: {  	v10 =	vbroadcast v43, $0x0;
	v19 =	vmul.f32 $8.000000000e+00, v42;
	v41 =	vor.u32 v7, v16;
	v23 =	vld.idx.msk [tilespmem:v11+s19+$0x0], $0xffff;
	[tilespmem:s28+$0xE0] =	vst v40;
	(pc) =	sbr.rel @p0 .LBB2_9-.Ltmp3, $4  }
0x5f1: {  	v42 =	vor.u32 v7, v20;
	v11 =	vbroadcast v38, $0x0;
	v16 =	vmul.f32 $8.000000000e+00, v50;
	v33 =	vld.idx.msk [tilespmem:v12+s19+$0x0], $0xffff;
	[tilespmem:s28+$0x160] =	vst v14  }
0x5f2: {  	v39 =	vor.u32 v7, v8;
	v8 =	vmovc v24;
	v12 =	vbroadcast v35, $0x0;
	v20 =	vmul.f32 $8.000000000e+00, v36;
	v34 =	vld.idx.msk [tilespmem:v13+s19+$0x0], $0xffff;
	[tilespmem:s28+$0x1E0] =	vst v48  }
0x5f3: {  	v36 =	vor.u32 v0, v9;
	v13 =	vbroadcast v47, $0x0;
	v38 =	vmul.f32 $8.000000000e+00, v37;
	v35 =	vld.idx.msk [tilespmem:v53+s19+$0x0], $0xffff;
	[tilespmem:s28+$0x260] =	vst v51  }
0x5f4: {  	s1 =	sadd.s32 $0xF, s0;
	s0 =	sadd.s32 $0x10, s0;
	v14 =	vbroadcast v49, $0x0;
	v37 =	vor.u32 v0, v10;
	v43 =	vmul.f32 $8.000000000e+00, v45;
	v40 =	vld.idx.msk [tilespmem:v44+s19+$0x0], $0xffff;
	[tilespmem:s28+$0x2E0] =	vst v52  }
0x5f5: {  	[tilespmem:s28+$0x360] =	vst v21  }
0x5f6: {  	[tilespmem:s28+$0xFFFFFC60] =	vst v17  }
0x5f7: {  	[tilespmem:s28+$0xFFFFFCF0] =	vst v18  }
0x5f8: {  	[tilespmem:s28+$0xFFFFFD70] =	vst v19  }
0x5f9: {  	[tilespmem:s28+$0xFFFFFDF0] =	vst v16  }
0x5fa: {  	[tilespmem:s28+$0xFFFFFE70] =	vst v20  }
0x5fb: {  	v57 =	vmul.f32 $8.000000000e+00, v22;
	[tilespmem:s28+$0xFFFFFEF0] =	vst v38  }
0x5fc: {  	v55 =	vmov s1;
	v58 =	vld.idx.msk [tilespmem:v41+s19+$0x0], $0xffff;
	v59 =	vmul.f32 $8.000000000e+00, v23;
	v60 =	vor.u32 v0, v11;
	[tilespmem:s28+$0xFFFFFF70] =	vst v43  }
0x5fd: {  	v63 =	vor.u32 v0, v12;
	v16 =	vbroadcast v30, $0x0;
	v46 =	vld.idx.msk [tilespmem:v36+s19+$0x0], $0xffff;
	v15 =	vmul.f32 $8.000000000e+00, v15;
	[tilespmem:s28+$0xFFFFFFF0] =	vst v57  }
0x5fe: {  	v49 =	vld.idx.msk [tilespmem:v37+s19+$0x0], $0xffff;
	v19 =	vbroadcast v29, $0x0;
	s0 =	sadd.s32 $0x800, s28;
	v62 =	vmul.f32 $8.000000000e+00, v33;
	v43 =	vor.u32 v0, v13;
	[tilespmem:s28+$0x70] =	vst v59  }
0x5ff: {  	v56 =	vand.u32 $0x7F, v55;
	v61 =	vld.idx.msk [tilespmem:v42+s19+$0x0], $0xffff;
	v47 =	vor.u32 v0, v14;
	v34 =	vmul.f32 $8.000000000e+00, v34;
	[tilespmem:s0+$0xFFFFFC00] =	vst v15  }
0x600: {  	v42 =	vld.idx.msk [tilespmem:v39+s19+$0x0], $0xffff;
	v24 =	vbroadcast v56, $0x0;
	v50 =	vor.u32 v0, v16;
	v44 =	vmul.f32 $8.000000000e+00, v35;
	[tilespmem:s28+$0xF0] =	vst v62  }
0x601: {  	v20 =	vbroadcast v32, $0x0;
	v59 =	vor.u32 v0, v19;
	v48 =	vmul.f32 $8.000000000e+00, v40;
	[tilespmem:s28+$0x170] =	vst v34;
	v52 =	vld.idx.msk [tilespmem:v60+s19+$0x0], $0xffff  }
0x602: {  	v22 =	vbroadcast v27, $0x0;
	v17 =	vor.u32 v0, v24;
	v51 =	vmul.f32 $8.000000000e+00, v58;
	[tilespmem:s28+$0x1F0] =	vst v44;
	v54 =	vld.idx.msk [tilespmem:v63+s19+$0x0], $0xffff  }
0x603: {  	v62 =	vand.u32 $0x7E, v25;
	v60 =	vor.u32 v0, v20;
	v40 =	vmul.f32 $8.000000000e+00, v49;
	[tilespmem:s28+$0x270] =	vst v48;
	v57 =	vld.idx.msk [tilespmem:v43+s19+$0x0], $0xffff  }
0x604: {  	v23 =	vbroadcast v62, $0x0;
	v49 =	vor.u32 v1, v9;
	v21 =	vmul.f32 $8.000000000e+00, v61;
	v36 =	vld.idx.msk [tilespmem:v47+s19+$0x0], $0xffff;
	[tilespmem:s28+$0x2F0] =	vst v51  }
0x605: {  	v18 =	vbroadcast v28, $0x0;
	v55 =	vmul.f32 $8.000000000e+00, v42;
	v43 =	vor.u32 v0, v22;
	v63 =	vld.idx.msk [tilespmem:v50+s19+$0x0], $0xffff;
	[tilespmem:s0+$0xFFFFFD00] =	vst v40  }
0x606: {  	v61 =	vmul.f32 $8.000000000e+00, v46;
	v46 =	vor.u32 v0, v23;
	v47 =	vld.idx.msk [tilespmem:v59+s19+$0x0], $0xffff;
	[tilespmem:s28+$0x370] =	vst v21  }
0x607: {  	v58 =	vor.u32 v0, v18;
	v21 =	vbroadcast v26, $0x0;
	[tilespmem:s28+$0xFFFFFC70] =	vst v55;
	v45 =	vld.idx.msk [tilespmem:v17+s19+$0x0], $0xffff;
	v30 =	vmul.f32 $8.000000000e+00, v52  }
0x608: {  	v59 =	vor.u32 v1, v13;
	[tilespmem:s0+$0xFFFFFC80] =	vst v61;
	v44 =	vmul.f32 $8.000000000e+00, v54;
	v26 =	vld.idx.msk [tilespmem:v60+s19+$0x0], $0xffff  }
0x609: {  	v17 =	vbroadcast v31, $0x0;
	v41 =	vor.u32 v0, v21;
	v33 =	vld.idx.msk [tilespmem:v49+s19+$0x0], $0xffff;
	v28 =	vmul.f32 $8.000000000e+00, v57;
	[tilespmem:s0+$0xFFFFFD80] =	vst v30  }
0x60a: {  	v60 =	vor.u32 v1, v14;
	v48 =	vmul.f32 $8.000000000e+00, v36;
	v54 =	vld.idx.msk [tilespmem:v43+s19+$0x0], $0xffff;
	[tilespmem:s0+$0xFFFFFE00] =	vst v44  }
0x60b: {  	v53 =	vor.u32 v0, v17;
	v32 =	vld.idx.msk [tilespmem:v46+s19+$0x0], $0xffff;
	v25 =	vmul.f32 $8.000000000e+00, v63;
	[tilespmem:s0+$0xFFFFFE80] =	vst v28  }
0x60c: {  	v62 =	vor.u32 v1, v16;
	v30 =	vmul.f32 $8.000000000e+00, v47;
	[tilespmem:s0+$0xFFFFFF00] =	vst v48;
	v35 =	vmul.f32 $8.000000000e+00, v45;
	v45 =	vld.idx.msk [tilespmem:v58+s19+$0x0], $0xffff  }
0x60d: {  	v56 =	vor.u32 v1, v24;
	[tilespmem:s0+$0xFFFFFF80] =	vst v25;
	v25 =	vld.idx.msk [tilespmem:v59+s19+$0x0], $0xffff  }
0x60e: {  	v48 =	vor.u32 v1, v20;
	[tilespmem:s0+$0x100] =	vst v30;
	v50 =	vld.idx.msk [tilespmem:v41+s19+$0x0], $0xffff;
	v26 =	vmul.f32 $8.000000000e+00, v26  }
0x60f: {  	v58 =	vor.u32 v1, v12;
	v43 =	vmul.f32 $8.000000000e+00, v33;
	v27 =	vld.idx.msk [tilespmem:v60+s19+$0x0], $0xffff;
	[tilespmem:s0+$0x380] =	vst v35  }
0x610: {  	v42 =	vld.idx.msk [tilespmem:v53+s19+$0x0], $0xffff;
	v53 =	vor.u32 v1, v10;
	v63 =	vmul.f32 $8.000000000e+00, v54;
	[tilespmem:s0+$0x180] =	vst v26  }
0x611: {  	v47 =	vld.idx.msk [tilespmem:v62+s19+$0x0], $0xffff;
	v41 =	vmul.f32 $8.000000000e+00, v32;
	v54 =	vor.u32 v2, v9;
	[tilespmem:s0+$0xFFFFFC90] =	vst v43  }
0x612: {  	v31 =	vld.idx.msk [tilespmem:v56+s19+$0x0], $0xffff;
	v56 =	vor.u32 v1, v11;
	[tilespmem:s0+$0x280] =	vst v63;
	v57 =	vmul.f32 $8.000000000e+00, v45  }
0x613: {  	v40 =	vor.u32 v1, v17;
	[tilespmem:s0+$0x300] =	vst v41;
	v35 =	vld.idx.msk [tilespmem:v48+s19+$0x0], $0xffff;
	v25 =	vmul.f32 $8.000000000e+00, v25  }
0x614: {  	v29 =	vld.idx.msk [tilespmem:v58+s19+$0x0], $0xffff;
	v45 =	vor.u32 v1, v19;
	v28 =	vmul.f32 $8.000000000e+00, v50;
	[tilespmem:s0+$0x80] =	vst v57  }
0x615: {  	v51 =	vor.u32 v2, v24;
	v52 =	vmul.f32 $8.000000000e+00, v42;
	v61 =	vld.idx.msk [tilespmem:v53+s19+$0x0], $0xffff;
	[tilespmem:s0+$0xFFFFFE90] =	vst v25  }
0x616: {  	v63 =	vor.u32 v2, v13;
	v27 =	vmul.f32 $8.000000000e+00, v27;
	v62 =	vld.idx.msk [tilespmem:v54+s19+$0x0], $0xffff;
	[tilespmem:s0+$0x200] =	vst v28  }
0x617: {  	v50 =	vor.u32 v1, v21;
	v55 =	vmul.f32 $8.000000000e+00, v31;
	v31 =	vld.idx.msk [tilespmem:v56+s19+$0x0], $0xffff;
	[tilespmem:s0+$0x0] =	vst v52  }
0x618: {  	v42 =	vor.u32 v1, v18;
	[tilespmem:s0+$0xFFFFFF10] =	vst v27;
	v35 =	vmul.f32 $8.000000000e+00, v35;
	v49 =	vld.idx.msk [tilespmem:v40+s19+$0x0], $0xffff  }
0x619: {  	v52 =	vor.u32 v1, v23;
	[tilespmem:s0+$0x390] =	vst v55;
	v29 =	vmul.f32 $8.000000000e+00, v29;
	v28 =	vld.idx.msk [tilespmem:v45+s19+$0x0], $0xffff  }
0x61a: {  	v53 =	vor.u32 v1, v8;
	v34 =	vld.idx.msk [tilespmem:v51+s19+$0x0], $0xffff;
	[tilespmem:s0+$0x190] =	vst v35;
	v30 =	vmul.f32 $8.000000000e+00, v61  }
0x61b: {  	v56 =	vor.u32 v2, v10;
	v45 =	vld.idx.msk [tilespmem:v63+s19+$0x0], $0xffff;
	[tilespmem:s0+$0xFFFFFE10] =	vst v29;
	v27 =	vmul.f32 $8.000000000e+00, v62  }
0x61c: {  	v51 =	vor.u32 v1, v22;
	v55 =	vld.idx.msk [tilespmem:v50+s19+$0x0], $0xffff;
	v31 =	vmul.f32 $8.000000000e+00, v31;
	[tilespmem:s0+$0xFFFFFD10] =	vst v30  }
0x61d: {  	v32 =	vld.idx.msk [tilespmem:v42+s19+$0x0], $0xffff;
	v61 =	vor.u32 v2, v12;
	[tilespmem:s0+$0xFFFFFCA0] =	vst v27;
	v26 =	vmul.f32 $8.000000000e+00, v49  }
0x61e: {  	v40 =	vor.u32 v2, v14;
	v30 =	vld.idx.msk [tilespmem:v52+s19+$0x0], $0xffff;
	[tilespmem:s0+$0xFFFFFD90] =	vst v31;
	v28 =	vmul.f32 $8.000000000e+00, v28  }
0x61f: {  	v59 =	vor.u32 v2, v11;
	v31 =	vld.idx.msk [tilespmem:v53+s19+$0x0], $0xffff;
	v46 =	vmul.f32 $8.000000000e+00, v34;
	[tilespmem:s0+$0x10] =	vst v26  }
0x620: {  	v42 =	vor.u32 v2, v17;
	v36 =	vld.idx.msk [tilespmem:v56+s19+$0x0], $0xffff;
	v34 =	vmul.f32 $8.000000000e+00, v47;
	[tilespmem:s0+$0x110] =	vst v28  }
0x621: {  	v44 =	vor.u32 v3, v24;
	v15 =	vld.idx.msk [tilespmem:v51+s19+$0x0], $0xffff;
	v25 =	vmul.f32 $8.000000000e+00, v55;
	[tilespmem:s0+$0x3A0] =	vst v46  }
0x622: {  	v41 =	vor.u32 v2, v16;
	v57 =	vmul.f32 $8.000000000e+00, v32;
	v43 =	vld.idx.msk [tilespmem:v61+s19+$0x0], $0xffff;
	[tilespmem:s0+$0xFFFFFF90] =	vst v34  }
0x623: {  	v52 =	vor.u32 v2, v21;
	v26 =	vld.idx.msk [tilespmem:v40+s19+$0x0], $0xffff;
	[tilespmem:s0+$0x210] =	vst v25;
	v30 =	vmul.f32 $8.000000000e+00, v30  }
0x624: {  	v49 =	vor.u32 v2, v20;
	v34 =	vld.idx.msk [tilespmem:v59+s19+$0x0], $0xffff;
	[tilespmem:s0+$0x90] =	vst v57;
	v31 =	vmul.f32 $8.000000000e+00, v31  }
0x625: {  	v55 =	vor.u32 v2, v23;
	v51 =	vld.idx.msk [tilespmem:v42+s19+$0x0], $0xffff;
	v47 =	vmul.f32 $8.000000000e+00, v36;
	[tilespmem:s0+$0x310] =	vst v30  }
0x626: {  	v46 =	vor.u32 v2, v19;
	v33 =	vld.idx.msk [tilespmem:v44+s19+$0x0], $0xffff;
	v15 =	vmul.f32 $8.000000000e+00, v15;
	[tilespmem:s0+$0xFFFFFC10] =	vst v31  }
0x627: {  	v44 =	vor.u32 v2, v18;
	v28 =	vld.idx.msk [tilespmem:v41+s19+$0x0], $0xffff;
	[tilespmem:s0+$0xFFFFFD20] =	vst v47;
	v25 =	vmul.f32 $8.000000000e+00, v43  }
0x628: {  	v54 =	vor.u32 v2, v22;
	v35 =	vld.idx.msk [tilespmem:v52+s19+$0x0], $0xffff;
	v26 =	vmul.f32 $8.000000000e+00, v26;
	[tilespmem:s0+$0x290] =	vst v15  }
0x629: {  	v57 =	vor.u32 v3, v9;
	v31 =	vld.idx.msk [tilespmem:v49+s19+$0x0], $0xffff;
	v34 =	vmul.f32 $8.000000000e+00, v34;
	[tilespmem:s0+$0xFFFFFE20] =	vst v25  }
0x62a: {  	v40 =	vor.u32 v3, v12;
	v27 =	vld.idx.msk [tilespmem:v55+s19+$0x0], $0xffff;
	v15 =	vmul.f32 $8.000000000e+00, v45;
	[tilespmem:s0+$0xFFFFFF20] =	vst v26  }
0x62b: {  	v42 =	vor.u32 v3, v13;
	v29 =	vld.idx.msk [tilespmem:v46+s19+$0x0], $0xffff;
	v60 =	vmul.f32 $8.000000000e+00, v33;
	[tilespmem:s0+$0xFFFFFDA0] =	vst v34  }
0x62c: {  	v58 =	vor.u32 v4, v24;
	v53 =	vld.idx.msk [tilespmem:v44+s19+$0x0], $0xffff;
	v28 =	vmul.f32 $8.000000000e+00, v28;
	[tilespmem:s0+$0xFFFFFEA0] =	vst v15  }
0x62d: {  	v56 =	vor.u32 v2, v8;
	v59 =	vld.idx.msk [tilespmem:v54+s19+$0x0], $0xffff;
	v35 =	vmul.f32 $8.000000000e+00, v35;
	[tilespmem:s0+$0x3B0] =	vst v60  }
0x62e: {  	v43 =	vor.u32 v3, v14;
	v25 =	vld.idx.msk [tilespmem:v57+s19+$0x0], $0xffff;
	[tilespmem:s0+$0xFFFFFFA0] =	vst v28;
	v31 =	vmul.f32 $8.000000000e+00, v31  }
0x62f: {  	v34 =	vld.idx.msk [tilespmem:v40+s19+$0x0], $0xffff;
	v60 =	vor.u32 v3, v11;
	[tilespmem:s0+$0x220] =	vst v35;
	v27 =	vmul.f32 $8.000000000e+00, v27  }
0x630: {  	v44 =	vor.u32 v3, v16;
	v47 =	vld.idx.msk [tilespmem:v42+s19+$0x0], $0xffff;
	v61 =	vmul.f32 $8.000000000e+00, v29;
	[tilespmem:s0+$0x1A0] =	vst v31  }
0x631: {  	v32 =	vld.idx.msk [tilespmem:v58+s19+$0x0], $0xffff;
	v58 =	vor.u32 v3, v10;
	v30 =	vmul.f32 $8.000000000e+00, v53;
	[tilespmem:s0+$0x320] =	vst v27  }
0x632: {  	v63 =	vld.idx.msk [tilespmem:v56+s19+$0x0], $0xffff;
	v46 =	vor.u32 v3, v18;
	v26 =	vmul.f32 $8.000000000e+00, v59;
	[tilespmem:s0+$0x120] =	vst v61  }
0x633: {  	v49 =	vld.idx.msk [tilespmem:v43+s19+$0x0], $0xffff;
	v25 =	vmul.f32 $8.000000000e+00, v25;
	v53 =	vor.u32 v3, v21;
	[tilespmem:s0+$0xA0] =	vst v30  }
0x634: {  	v48 =	vor.u32 v5, v24;
	v34 =	vmul.f32 $8.000000000e+00, v34;
	v33 =	vld.idx.msk [tilespmem:v60+s19+$0x0], $0xffff;
	[tilespmem:s0+$0x2A0] =	vst v26  }
0x635: {  	v45 =	vor.u32 v3, v17;
	v30 =	vld.idx.msk [tilespmem:v44+s19+$0x0], $0xffff;
	[tilespmem:s0+$0xFFFFFCB0] =	vst v25;
	v26 =	vmul.f32 $8.000000000e+00, v47  }
0x636: {  	v56 =	vor.u32 v3, v22;
	v50 =	vmul.f32 $8.000000000e+00, v32;
	v15 =	vld.idx.msk [tilespmem:v58+s19+$0x0], $0xffff;
	[tilespmem:s0+$0xFFFFFE30] =	vst v34  }
0x637: {  	v32 =	vmul.f32 $8.000000000e+00, v51;
	v55 =	vld.idx.msk [tilespmem:v46+s19+$0x0], $0xffff;
	v58 =	vor.u32 v3, v23;
	[tilespmem:s0+$0xFFFFFEB0] =	vst v26  }
0x638: {  	v39 =	vor.u32 v4, v14;
	v27 =	vmul.f32 $8.000000000e+00, v49;
	[tilespmem:s0+$0x3C0] =	vst v50;
	v31 =	vld.idx.msk [tilespmem:v53+s19+$0x0], $0xffff  }
0x639: {  	[tilespmem:s0+$0x20] =	vst v32;
	v32 =	vmul.f32 $8.000000000e+00, v63;
	v50 =	vor.u32 v3, v20;
	v36 =	vld.idx.msk [tilespmem:v48+s19+$0x0], $0xffff  }
0x63a: {  	v59 =	vor.u32 v3, v8;
	[tilespmem:s0+$0xFFFFFF30] =	vst v27;
	v52 =	vld.idx.msk [tilespmem:v45+s19+$0x0], $0xffff;
	v51 =	vmul.f32 $8.000000000e+00, v33  }
0x63b: {  	v40 =	vor.u32 v4, v16;
	[tilespmem:s0+$0xFFFFFC20] =	vst v32;
	v30 =	vmul.f32 $8.000000000e+00, v30;
	v33 =	vld.idx.msk [tilespmem:v56+s19+$0x0], $0xffff  }
0x63c: {  	v48 =	vor.u32 v3, v19;
	v15 =	vmul.f32 $8.000000000e+00, v15;
	v63 =	vld.idx.msk [tilespmem:v58+s19+$0x0], $0xffff;
	[tilespmem:s0+$0xFFFFFDB0] =	vst v51  }
0x63d: {  	v61 =	vor.u32 v4, v10;
	v45 =	vld.idx.msk [tilespmem:v39+s19+$0x0], $0xffff;
	[tilespmem:s0+$0xFFFFFFB0] =	vst v30;
	v31 =	vmul.f32 $8.000000000e+00, v31  }
0x63e: {  	v37 =	vor.u32 v4, v13;
	[tilespmem:s0+$0xFFFFFD30] =	vst v15;
	v28 =	vld.idx.msk [tilespmem:v50+s19+$0x0], $0xffff;
	v41 =	vmul.f32 $8.000000000e+00, v36  }
0x63f: {  	v62 =	vor.u32 v6, v24;
	v15 =	vld.idx.msk [tilespmem:v59+s19+$0x0], $0xffff;
	v25 =	vmul.f32 $8.000000000e+00, v52;
	[tilespmem:s0+$0x230] =	vst v31  }
0x640: {  	v47 =	vld.idx.msk [tilespmem:v40+s19+$0x0], $0xffff;
	v33 =	vmul.f32 $8.000000000e+00, v33;
	[tilespmem:s0+$0x3D0] =	vst v41  }
0x641: {  	v60 =	vor.u32 v4, v9;
	v57 =	vld.idx.msk [tilespmem:v48+s19+$0x0], $0xffff;
	[tilespmem:s0+$0x30] =	vst v25;
	v30 =	vmul.f32 $8.000000000e+00, v63  }
0x642: {  	v53 =	vor.u32 v4, v23;
	v26 =	vld.idx.msk [tilespmem:v61+s19+$0x0], $0xffff;
	[tilespmem:s0+$0x2B0] =	vst v33;
	v33 =	vmul.f32 $8.000000000e+00, v45  }
0x643: {  	v51 =	vor.u32 v4, v22;
	v25 =	vld.idx.msk [tilespmem:v37+s19+$0x0], $0xffff;
	v28 =	vmul.f32 $8.000000000e+00, v28;
	[tilespmem:s0+$0x330] =	vst v30  }
0x644: {  	v46 =	vor.u32 v4, v20;
	v29 =	vld.idx.msk [tilespmem:v62+s19+$0x0], $0xffff;
	v15 =	vmul.f32 $8.000000000e+00, v15;
	[tilespmem:s0+$0xFFFFFF40] =	vst v33  }
0x645: {  	v48 =	vor.u32 v4, v21;
	v30 =	vmul.f32 $8.000000000e+00, v47;
	[tilespmem:s0+$0x1B0] =	vst v28  }
0x646: {  	v38 =	vld.idx.msk [tilespmem:v60+s19+$0x0], $0xffff;
	v62 =	vor.u32 v4, v11;
	v32 =	vmul.f32 $8.000000000e+00, v57;
	[tilespmem:s0+$0xFFFFFC30] =	vst v15  }
0x647: {  	v41 =	vor.u32 v4, v17;
	v26 =	vmul.f32 $8.000000000e+00, v26;
	v35 =	vld.idx.msk [tilespmem:v53+s19+$0x0], $0xffff;
	[tilespmem:s0+$0xFFFFFFC0] =	vst v30  }
0x648: {  	v44 =	vor.u32 v4, v19;
	v28 =	vld.idx.msk [tilespmem:v51+s19+$0x0], $0xffff;
	[tilespmem:s0+$0x130] =	vst v32;
	v25 =	vmul.f32 $8.000000000e+00, v25  }
0x649: {  	v24 =	vor.u32 v7, v24;
	[tilespmem:s0+$0xFFFFFD40] =	vst v26;
	v56 =	vld.idx.msk [tilespmem:v46+s19+$0x0], $0xffff;
	v54 =	vmul.f32 $8.000000000e+00, v29;
	v29 =	vmul.f32 $8.000000000e+00, v55  }
0x64a: {  	v43 =	vor.u32 v4, v18;
	v32 =	vld.idx.msk [tilespmem:v48+s19+$0x0], $0xffff;
	[tilespmem:s0+$0xFFFFFEC0] =	vst v25  }
0x64b: {  	v36 =	vor.u32 v4, v12;
	v27 =	vld.idx.msk [tilespmem:v62+s19+$0x0], $0xffff;
	[tilespmem:s0+$0xB0] =	vst v29;
	v29 =	vmul.f32 $8.000000000e+00, v38  }
0x64c: {  	v50 =	vld.idx.msk [tilespmem:v41+s19+$0x0], $0xffff;
	v55 =	vor.u32 v4, v8;
	[tilespmem:s0+$0x3E0] =	vst v54;
	v35 =	vmul.f32 $8.000000000e+00, v35  }
0x64d: {  	v57 =	vor.u32 v5, v9;
	v54 =	vld.idx.msk [tilespmem:v44+s19+$0x0], $0xffff;
	v28 =	vmul.f32 $8.000000000e+00, v28;
	[tilespmem:s0+$0xFFFFFCC0] =	vst v29  }
0x64e: {  	v62 =	vor.u32 v5, v13;
	v24 =	vld.idx.msk [tilespmem:v24+s19+$0x0], $0xffff;
	v15 =	vmul.f32 $8.000000000e+00, v56;
	[tilespmem:s0+$0x340] =	vst v35  }
0x64f: {  	v47 =	vor.u32 v5, v23;
	v52 =	vld.idx.msk [tilespmem:v43+s19+$0x0], $0xffff;
	v32 =	vmul.f32 $8.000000000e+00, v32;
	[tilespmem:s0+$0x2C0] =	vst v28  }
0x650: {  	v42 =	vld.idx.msk [tilespmem:v36+s19+$0x0], $0xffff;
	v44 =	vor.u32 v5, v21;
	v49 =	vmul.f32 $8.000000000e+00, v27;
	[tilespmem:s0+$0x1C0] =	vst v15  }
0x651: {  	v59 =	vor.u32 v5, v11;
	v27 =	vmul.f32 $8.000000000e+00, v50;
	v61 =	vld.idx.msk [tilespmem:v55+s19+$0x0], $0xffff;
	[tilespmem:s0+$0x240] =	vst v32  }
0x652: {  	v43 =	vor.u32 v5, v20;
	v63 =	vld.idx.msk [tilespmem:v57+s19+$0x0], $0xffff;
	[tilespmem:s0+$0xFFFFFDC0] =	vst v49;
	v26 =	vmul.f32 $8.000000000e+00, v54  }
0x653: {  	v38 =	vor.u32 v5, v17;
	v31 =	vld.idx.msk [tilespmem:v62+s19+$0x0], $0xffff;
	[tilespmem:s0+$0x40] =	vst v27;
	v24 =	vmul.f32 $8.000000000e+00, v24  }
0x654: {  	v36 =	vor.u32 v5, v14;
	v33 =	vld.idx.msk [tilespmem:v47+s19+$0x0], $0xffff;
	v29 =	vmul.f32 $8.000000000e+00, v52;
	[tilespmem:s0+$0x140] =	vst v26  }
0x655: {  	v37 =	vor.u32 v5, v16;
	v35 =	vld.idx.msk [tilespmem:v44+s19+$0x0], $0xffff;
	[tilespmem:s0+$0x3F0] =	vst v24;
	v24 =	vmul.f32 $8.000000000e+00, v42  }
0x656: {  	v41 =	vor.u32 v5, v19;
	v25 =	vld.idx.msk [tilespmem:v59+s19+$0x0], $0xffff;
	[tilespmem:s0+$0xC0] =	vst v29;
	v30 =	vmul.f32 $8.000000000e+00, v61  }
0x657: {  	v40 =	vor.u32 v5, v18;
	v34 =	vld.idx.msk [tilespmem:v43+s19+$0x0], $0xffff;
	v27 =	vmul.f32 $8.000000000e+00, v63;
	[tilespmem:s0+$0xFFFFFE40] =	vst v24  }
0x658: {  	v58 =	vor.u32 v5, v10;
	v26 =	vld.idx.msk [tilespmem:v38+s19+$0x0], $0xffff;
	v31 =	vmul.f32 $8.000000000e+00, v31;
	[tilespmem:s0+$0xFFFFFC40] =	vst v30  }
0x659: {  	v45 =	vor.u32 v5, v22;
	v42 =	vld.idx.msk [tilespmem:v36+s19+$0x0], $0xffff;
	v33 =	vmul.f32 $8.000000000e+00, v33;
	[tilespmem:s0+$0xFFFFFCD0] =	vst v27  }
0x65a: {  	v60 =	vor.u32 v5, v12;
	v29 =	vld.idx.msk [tilespmem:v37+s19+$0x0], $0xffff;
	[tilespmem:s0+$0xFFFFFED0] =	vst v31;
	v35 =	vmul.f32 $8.000000000e+00, v35  }
0x65b: {  	v49 =	vor.u32 v6, v9;
	v32 =	vld.idx.msk [tilespmem:v41+s19+$0x0], $0xffff;
	[tilespmem:s0+$0x350] =	vst v33;
	v25 =	vmul.f32 $8.000000000e+00, v25  }
0x65c: {  	v36 =	vor.u32 v6, v23;
	v46 =	vld.idx.msk [tilespmem:v40+s19+$0x0], $0xffff;
	v34 =	vmul.f32 $8.000000000e+00, v34;
	[tilespmem:s0+$0x250] =	vst v35  }
0x65d: {  	v51 =	vor.u32 v6, v11;
	v24 =	vld.idx.msk [tilespmem:v58+s19+$0x0], $0xffff;
	v26 =	vmul.f32 $8.000000000e+00, v26;
	[tilespmem:s0+$0xFFFFFDD0] =	vst v25  }
0x65e: {  	v53 =	vor.u32 v6, v13;
	v30 =	vld.idx.msk [tilespmem:v45+s19+$0x0], $0xffff;
	v28 =	vmul.f32 $8.000000000e+00, v42;
	[tilespmem:s0+$0x1D0] =	vst v34  }
0x65f: {  	v54 =	vor.u32 v6, v14;
	v39 =	vld.idx.msk [tilespmem:v60+s19+$0x0], $0xffff;
	v29 =	vmul.f32 $8.000000000e+00, v29;
	[tilespmem:s0+$0x50] =	vst v26  }
0x660: {  	v55 =	vor.u32 v6, v16;
	v32 =	vmul.f32 $8.000000000e+00, v32;
	v25 =	vld.idx.msk [tilespmem:v49+s19+$0x0], $0xffff;
	[tilespmem:s0+$0xFFFFFF50] =	vst v28  }
0x661: {  	v58 =	vor.u32 v6, v19;
	v44 =	vld.idx.msk [tilespmem:v36+s19+$0x0], $0xffff;
	v27 =	vmul.f32 $8.000000000e+00, v46;
	[tilespmem:s0+$0xFFFFFFD0] =	vst v29  }
0x662: {  	v60 =	vor.u32 v6, v21;
	v31 =	vld.idx.msk [tilespmem:v51+s19+$0x0], $0xffff;
	v24 =	vmul.f32 $8.000000000e+00, v24;
	[tilespmem:s0+$0x150] =	vst v32  }
0x663: {  	v48 =	vor.u32 v5, v8;
	v30 =	vmul.f32 $8.000000000e+00, v30;
	v29 =	vld.idx.msk [tilespmem:v53+s19+$0x0], $0xffff;
	[tilespmem:s0+$0xD0] =	vst v27  }
0x664: {  	v57 =	vor.u32 v6, v18;
	v15 =	vmul.f32 $8.000000000e+00, v39;
	v26 =	vld.idx.msk [tilespmem:v54+s19+$0x0], $0xffff;
	[tilespmem:s0+$0xFFFFFD50] =	vst v24  }
0x665: {  	v59 =	vor.u32 v6, v20;
	v27 =	vld.idx.msk [tilespmem:v55+s19+$0x0], $0xffff;
	[tilespmem:s0+$0x2D0] =	vst v30;
	v25 =	vmul.f32 $8.000000000e+00, v25  }
0x666: {  	v50 =	vor.u32 v6, v10;
	v35 =	vld.idx.msk [tilespmem:v58+s19+$0x0], $0xffff;
	[tilespmem:s0+$0xFFFFFE50] =	vst v15;
	v51 =	vmul.f32 $8.000000000e+00, v44  }
0x667: {  	v62 =	vor.u32 v6, v22;
	v40 =	vld.idx.msk [tilespmem:v60+s19+$0x0], $0xffff;
	v31 =	vmul.f32 $8.000000000e+00, v31;
	[tilespmem:s0+$0xFFFFFCE0] =	vst v25  }
0x668: {  	v52 =	vor.u32 v6, v12;
	v24 =	vld.idx.msk [tilespmem:v48+s19+$0x0], $0xffff;
	v29 =	vmul.f32 $8.000000000e+00, v29;
	[tilespmem:s0+$0x360] =	vst v51  }
0x669: {  	v56 =	vor.u32 v6, v17;
	v63 =	vld.idx.msk [tilespmem:v57+s19+$0x0], $0xffff;
	[tilespmem:s0+$0xFFFFFDE0] =	vst v31;
	v26 =	vmul.f32 $8.000000000e+00, v26  }
0x66a: {  	v38 =	vor.u32 v7, v9;
	v30 =	vld.idx.msk [tilespmem:v59+s19+$0x0], $0xffff;
	v27 =	vmul.f32 $8.000000000e+00, v27;
	[tilespmem:s0+$0xFFFFFEE0] =	vst v29  }
0x66b: {  	v55 =	vor.u32 v7, v23;
	v15 =	vld.idx.msk [tilespmem:v50+s19+$0x0], $0xffff;
	v46 =	vmul.f32 $8.000000000e+00, v35;
	[tilespmem:s0+$0xFFFFFF60] =	vst v26  }
0x66c: {  	v41 =	vor.u32 v7, v11;
	v42 =	vld.idx.msk [tilespmem:v62+s19+$0x0], $0xffff;
	v49 =	vmul.f32 $8.000000000e+00, v40;
	[tilespmem:s0+$0xFFFFFFE0] =	vst v27  }
0x66d: {  	v45 =	vor.u32 v7, v13;
	v28 =	vld.idx.msk [tilespmem:v52+s19+$0x0], $0xffff;
	v24 =	vmul.f32 $8.000000000e+00, v24;
	[tilespmem:s0+$0x160] =	vst v46  }
0x66e: {  	v47 =	vor.u32 v7, v14;
	v61 =	vld.idx.msk [tilespmem:v56+s19+$0x0], $0xffff;
	v25 =	vmul.f32 $8.000000000e+00, v63;
	[tilespmem:s0+$0x260] =	vst v49  }
0x66f: {  	v16 =	vor.u32 v7, v16;
	v9 =	vld.idx.msk [tilespmem:v38+s19+$0x0], $0xffff;
	v48 =	vmul.f32 $8.000000000e+00, v30;
	[tilespmem:s0+$0xFFFFFC50] =	vst v24  }
0x670: {  	v21 =	vor.u32 v7, v21;
	v60 =	vld.idx.msk [tilespmem:v55+s19+$0x0], $0xffff;
	v15 =	vmul.f32 $8.000000000e+00, v15;
	[tilespmem:s0+$0xE0] =	vst v25  }
0x671: {  	v37 =	vor.u32 v6, v8;
	v11 =	vld.idx.msk [tilespmem:v41+s19+$0x0], $0xffff;
	v50 =	vmul.f32 $8.000000000e+00, v42;
	[tilespmem:s0+$0x1E0] =	vst v48  }
0x672: {  	v18 =	vor.u32 v7, v18;
	v13 =	vld.idx.msk [tilespmem:v45+s19+$0x0], $0xffff;
	v28 =	vmul.f32 $8.000000000e+00, v28;
	[tilespmem:s0+$0xFFFFFD60] =	vst v15  }
0x673: {  	v20 =	vor.u32 v7, v20;
	v24 =	vmul.f32 $8.000000000e+00, v61;
	v14 =	vld.idx.msk [tilespmem:v47+s19+$0x0], $0xffff;
	[tilespmem:s0+$0x2E0] =	vst v50  }
0x674: {  	v39 =	vor.u32 v7, v10;
	v16 =	vld.idx.msk [tilespmem:v16+s19+$0x0], $0xffff;
	[tilespmem:s0+$0xFFFFFE60] =	vst v28;
	v9 =	vmul.f32 $8.000000000e+00, v9  }
0x675: {  	v53 =	vor.u32 v7, v22;
	v58 =	vld.idx.msk [tilespmem:v21+s19+$0x0], $0xffff;
	[tilespmem:s0+$0x60] =	vst v24;
	v63 =	vmul.f32 $8.000000000e+00, v60  }
0x676: {  	v43 =	vor.u32 v7, v12;
	v15 =	vld.idx.msk [tilespmem:v37+s19+$0x0], $0xffff;
	v11 =	vmul.f32 $8.000000000e+00, v11;
	[tilespmem:s0+$0xFFFFFCF0] =	vst v9  }
0x677: {  	v17 =	vor.u32 v7, v17;
	v54 =	vld.idx.msk [tilespmem:v18+s19+$0x0], $0xffff;
	v13 =	vmul.f32 $8.000000000e+00, v13;
	[tilespmem:s0+$0x370] =	vst v63  }
0x678: {  	v19 =	vor.u32 v7, v19;
	v57 =	vld.idx.msk [tilespmem:v20+s19+$0x0], $0xffff;
	[tilespmem:s0+$0xFFFFFDF0] =	vst v11;
	v14 =	vmul.f32 $8.000000000e+00, v14  }
0x679: {  	v8 =	vor.u32 v7, v8;
	v10 =	vld.idx.msk [tilespmem:v39+s19+$0x0], $0xffff;
	v16 =	vmul.f32 $8.000000000e+00, v16;
	[tilespmem:s0+$0xFFFFFEF0] =	vst v13  }
0x67a: {  	v59 =	vld.idx.msk [tilespmem:v53+s19+$0x0], $0xffff;
	v61 =	vmul.f32 $8.000000000e+00, v58;
	[tilespmem:s0+$0xFFFFFF70] =	vst v14  }
0x67b: {  	v12 =	vld.idx.msk [tilespmem:v43+s19+$0x0], $0xffff;
	v15 =	vmul.f32 $8.000000000e+00, v15;
	[tilespmem:s0+$0xFFFFFFF0] =	vst v16  }
0x67c: {  	v52 =	vld.idx.msk [tilespmem:v17+s19+$0x0], $0xffff;
	v9 =	vmul.f32 $8.000000000e+00, v54;
	[tilespmem:s0+$0x270] =	vst v61  }
0x67d: {  	v56 =	vld.idx.msk [tilespmem:v19+s19+$0x0], $0xffff;
	v11 =	vmul.f32 $8.000000000e+00, v57;
	[tilespmem:s0+$0xFFFFFC60] =	vst v15  }
0x67e: {  	v10 =	vmul.f32 $8.000000000e+00, v10;
	[tilespmem:s0+$0xF0] =	vst v9;
	v8 =	vld.idx.msk [tilespmem:v8+s19+$0x0], $0xffff  }
0x67f: {  	v62 =	vmul.f32 $8.000000000e+00, v59;
	[tilespmem:s0+$0x1F0] =	vst v11  }
0x680: {  	s26 =	sadd.s32 $0x1, s26;
	v12 =	vmul.f32 $8.000000000e+00, v12;
	[tilespmem:s0+$0xFFFFFD70] =	vst v10  }
0x681: {  	p0 =	sne.s32 s26, $0x32;
	v15 =	vmul.f32 $8.000000000e+00, v52;
	[tilespmem:s0+$0x2F0] =	vst v62  }
.Ltmp4:
0x682: {  	s30 =	sshll.u32 s29, $0x12;
	v10 =	vmul.f32 $8.000000000e+00, v56;
	[tilespmem:s0+$0xFFFFFE70] =	vst v12;
	(pc) =	sbr.rel @p0 .LBB2_2-.Ltmp4, $4  }
0x683: {  	s1 =	sor.u32 s4, s30;
	[tilespmem:s0+$0x70] =	vst v15;
	v8 =	vmul.f32 $8.000000000e+00, v8  }
0x684: {  	s1 =	sshrl.u32 s1, $0x3;
	[tilespmem:s0+$0x170] =	vst v10  }
0x685: {  	s31 =	sadd.s32 s2, s1;
	[tilespmem:s0+$0xFFFFFC70] =	vst v8  }
0x686: {  	[hbm4b:s31+s9] =	stream.strided.scatter [tilespmem:s20], [sflag:$0x6], $0x2000, s10, s9, $0x38;
	[tilespmem:$0x1A400] =	vst v63  }
0x687: {  	s25 =	sadd.s32 $0x1, s25  }
0x688: {  	_ =	swait.ge [sflag:s22], $0x2000;
	p0 =	sne.s32 s25, s8  }
.Ltmp5:
0x689: {  	[sflag:s22] =	ssyncset.done $0x0;
	(pc) =	sbr.rel @p0 .LBB2_1-.Ltmp5, $4  }
0x68a: {  	[sflag:s22] =	ssyncadd.s32 $0xFFFFE000  }
0x68b: {  	_ =	swait.ge [sflag:s24], $0x2000  }
0x68c: {  	[sflag:s24] =	ssyncset.done $0x0  }
0x68d: {  	[sflag:s24] =	ssyncadd.s32 $0xFFFFE000  }
0x68e: {  	_ =	sfence.sel $0x180000  }
0x68f: {  	[bflag:$0x0] =	sbarrier.arrive $0xFFFF  }
0x690: {  	_ =	strace $0x90000047  }
0x691: {  	s0 =	stileid.u32;
	[bflag:$0x2] =	sbarrier.arrive $0xFFFF  }
0x692: {  	p0 =	sne.s32 s0, $0x0;
	s0 =	rddreg [dreg:$0x3]  }
0x693: {  	s0 =	sadd.s32 @!p0 $0x100000, s0  }
0x694: {  	[sflag:s0] =	ssyncadd.tile.s32 @!p0 $0x1;
	_ =	shalt  }
.Lfunc_end2:
_tile_overlayer_lowered:
.L_overlay_start_2:
0x695: {  	(tag) =	ssettag $0x2  }
0x696: {  	s0 =	rddreg [dreg:$0x0];
	s2 =	stileid.u32  }
0x697: {  	s1 =	rddreg [dreg:$0x1];
	p0 =	sne.s32 s2, $0x0  }
0x698: {  	s3 =	rddreg [dreg:$0x2];
	[bflag:$0x3] =	sbarrier.arrive $0xFFFF;
	s2 =	simm.s32 @!p0 $0x1C07  }
0x699: {  	[timem:s3], [sflag:s2] =	dma.local @!p0 [hbm:s0], s1  }
0x69a: {  	s0 =	simm.s32 @!p0 $0x7  }
0x69b: {  	_ =	swait.ge @!p0 [sflag:s0], s1  }
0x69c: {  	s1 =	ssub.s32 @!p0 $0x0, s1;
	[sflag:s0] =	ssyncset.done @!p0 $0x0  }
0x69d: {  	[sflag:s0] =	ssyncadd.s32 @!p0 s1  }
0x69e: {  	[bflag:$0x3] =	sbarrier.arrive $0xFFFF  }
0x69f: {  	_ =	shalt  }

</sc_bundles>
